<compile_context>
chip_gen: v7x
topology: tpu7x:2x2x1
jax: 0.10.2.dev20260603
libtpu: 0.0.44.dev20260713+nightly
codegen_flags: <defaults>
</compile_context>

<pallas_src>
import functools

import jax
import jax.numpy as jnp
from jax import lax
from jax.experimental import pallas as pl
from jax.experimental.pallas import tpu as pltpu
from jax.experimental.pallas import tpu_sc as plsc

N_NODES = 10000
N_EDGES = 320000
FEAT = 128

NUM_CORES = 2
NUM_SUBCORES = 16
HFEAT = FEAT // NUM_CORES
EDGES_PER_TILE = N_EDGES // NUM_SUBCORES
CHUNK = 400
N_CHUNKS = EDGES_PER_TILE // CHUNK
N_PAIRS = N_CHUNKS // 2
ROWS_PER_TILE = 624
TAIL_ROW0 = ROWS_PER_TILE * NUM_SUBCORES
TAIL_ROWS = N_NODES - TAIL_ROW0
DEG_W = 16


@functools.partial(
    pl.kernel,
    out_type=(
        jax.ShapeDtypeStruct((NUM_CORES, N_NODES, HFEAT), jnp.float32),
        jax.ShapeDtypeStruct((N_NODES, DEG_W), jnp.float32),
    ),
    mesh=plsc.VectorSubcoreMesh(core_axis_name="c", subcore_axis_name="s"),
    compiler_params=pltpu.CompilerParams(use_tc_tiling_on_sc=False),
    scratch_types=(
        pltpu.VMEM((3, CHUNK), jnp.int32),
        pltpu.VMEM((3, CHUNK), jnp.int32),
        pltpu.VMEM((CHUNK, HFEAT), jnp.float32),
        pltpu.VMEM((CHUNK, HFEAT), jnp.float32),
        pltpu.VMEM((CHUNK, DEG_W), jnp.float32),
        pltpu.VMEM_SHARED((N_NODES, HFEAT), jnp.float32),
        pltpu.VMEM_SHARED((N_NODES, DEG_W), jnp.float32),
        pltpu.SemaphoreType.DMA,
        pltpu.SemaphoreType.DMA,
        pltpu.SemaphoreType.DMA,
        pltpu.SemaphoreType.DMA,
        pltpu.SemaphoreType.DMA,
        pltpu.SemaphoreType.DMA,
    ),
)
def _edge_aggregate(xl_hbm, xr_hbm, edata_hbm, zeros_hbm, zdeg_hbm,
                    a_out, deg_out,
                    idx0, idx1, rows0, rows1, ones_v,
                    accum_sh, deg_sh, g0, g1, s0, s1, d0, d1):
    cid = lax.axis_index("c")
    sid = lax.axis_index("s")

    row0 = sid * ROWS_PER_TILE
    pltpu.sync_copy(zeros_hbm.at[pl.ds(row0, ROWS_PER_TILE)],
                    accum_sh.at[pl.ds(row0, ROWS_PER_TILE)])

    @pl.when(cid == 0)
    def _zero_deg():
        pltpu.sync_copy(zdeg_hbm.at[pl.ds(row0, ROWS_PER_TILE)],
                        deg_sh.at[pl.ds(row0, ROWS_PER_TILE)])

    @pl.when(sid == NUM_SUBCORES - 1)
    def _zero_tail():
        pltpu.sync_copy(zeros_hbm.at[pl.ds(TAIL_ROW0, TAIL_ROWS)],
                        accum_sh.at[pl.ds(TAIL_ROW0, TAIL_ROWS)])

        @pl.when(cid == 0)
        def _zero_deg_tail():
            pltpu.sync_copy(zdeg_hbm.at[pl.ds(TAIL_ROW0, TAIL_ROWS)],
                            deg_sh.at[pl.ds(TAIL_ROW0, TAIL_ROWS)])

    onehot = jnp.where(lax.iota(jnp.int32, 16) == 0,
                       jnp.float32(1.0), jnp.float32(0.0))

    def fill(r, carry):
        ones_v[r, :] = onehot
        return carry
    lax.fori_loop(0, CHUNK, fill, 0)

    plsc.subcore_barrier()

    def load_idx(c, idx_b):
        pltpu.sync_copy(edata_hbm.at[sid, c], idx_b)

    def issue_gather(idx_b, rows_b, sem):
        @pl.when(cid == 0)
        def _gl():
            pltpu.async_copy(xl_hbm.at[idx_b.at[0]], rows_b, sem)

        @pl.when(cid == 1)
        def _gr():
            pltpu.async_copy(xr_hbm.at[idx_b.at[0]], rows_b, sem)

    def wait_gather(idx_b, rows_b, sem):
        pltpu.make_async_copy(xl_hbm.at[idx_b.at[0]], rows_b, sem).wait()

    def issue_scatter(idx_b, rows_b, sem):
        pltpu.async_copy(rows_b, accum_sh.at[idx_b.at[1]], sem, add=True)

    def wait_scatter(idx_b, rows_b, sem):
        pltpu.make_async_copy(rows_b, accum_sh.at[idx_b.at[1]], sem).wait()

    def issue_deg(idx_b, sem):
        @pl.when(cid == 0)
        def _d():
            pltpu.async_copy(ones_v, deg_sh.at[idx_b.at[1]], sem, add=True)

    def wait_deg(idx_b, sem):
        @pl.when(cid == 0)
        def _w():
            pltpu.make_async_copy(ones_v, deg_sh.at[idx_b.at[1]], sem).wait()

    def scale(idx_b, rows_b):
        @plsc.parallel_loop(0, CHUNK // 16, unroll=2)
        def grp(g):
            ew16 = idx_b[2, pl.ds(g * 16, 16)]
            for e in range(16):
                w16 = jnp.full(
                    (16,), lax.bitcast_convert_type(ew16[e], jnp.float32),
                    jnp.float32)
                r = g * 16 + e
                for j in range(HFEAT // 16):
                    rows_b[r, pl.ds(j * 16, 16)] = (
                        rows_b[r, pl.ds(j * 16, 16)] * w16)

    load_idx(0, idx0)
    issue_gather(idx0, rows0, g0)

    def pair(t, carry):
        cA = 2 * t
        wait_gather(idx0, rows0, g0)

        @pl.when(t >= 1)
        def _free1():
            wait_scatter(idx1, rows1, s1)
            wait_deg(idx1, d1)

        load_idx(cA + 1, idx1)
        issue_gather(idx1, rows1, g1)
        scale(idx0, rows0)
        issue_scatter(idx0, rows0, s0)
        issue_deg(idx0, d0)

        wait_gather(idx1, rows1, g1)
        wait_scatter(idx0, rows0, s0)
        wait_deg(idx0, d0)

        @pl.when(t < N_PAIRS - 1)
        def _next0():
            load_idx(cA + 2, idx0)
            issue_gather(idx0, rows0, g0)

        scale(idx1, rows1)
        issue_scatter(idx1, rows1, s1)
        issue_deg(idx1, d1)
        return carry

    lax.fori_loop(0, N_PAIRS, pair, 0)

    wait_scatter(idx1, rows1, s1)
    wait_deg(idx1, d1)

    plsc.subcore_barrier()

    pltpu.sync_copy(accum_sh.at[pl.ds(row0, ROWS_PER_TILE)],
                    a_out.at[cid, pl.ds(row0, ROWS_PER_TILE)])

    @pl.when(cid == 0)
    def _write_deg():
        pltpu.sync_copy(deg_sh.at[pl.ds(row0, ROWS_PER_TILE)],
                        deg_out.at[pl.ds(row0, ROWS_PER_TILE)])

    @pl.when(sid == NUM_SUBCORES - 1)
    def _write_tail():
        pltpu.sync_copy(accum_sh.at[pl.ds(TAIL_ROW0, TAIL_ROWS)],
                        a_out.at[cid, pl.ds(TAIL_ROW0, TAIL_ROWS)])

        @pl.when(cid == 0)
        def _write_deg_tail():
            pltpu.sync_copy(deg_sh.at[pl.ds(TAIL_ROW0, TAIL_ROWS)],
                            deg_out.at[pl.ds(TAIL_ROW0, TAIL_ROWS)])


BLK = 2000


def _dense_body(a_ref, d_ref, x_ref, wn_ref, wl_ref, we_ref, norm_ref,
                out_ref):
    a = jnp.concatenate([a_ref[0], a_ref[1]], axis=-1)
    h = jnp.dot(a, wn_ref[...], preferred_element_type=jnp.float32)
    h = h * norm_ref[...]
    has_in = d_ref[...][:, 0:1] > 0.0
    ls = jnp.dot(x_ref[...], wl_ref[...], preferred_element_type=jnp.float32)
    le = jnp.dot(x_ref[...], we_ref[...], preferred_element_type=jnp.float32)
    z = h + jnp.where(has_in, ls, le)
    out_ref[...] = jnp.where(z >= 0.0, z, z * jnp.float32(0.01))


def kernel(x, edge_index, edge_weight, norm, weight_neighbor, loop_weight,
           evolve_loop_weight):
    src = edge_index[0].astype(jnp.int32)
    dst = edge_index[1].astype(jnp.int32)
    ew_bits = lax.bitcast_convert_type(edge_weight, jnp.int32)
    edata = (jnp.stack([src, dst, ew_bits])
             .reshape(3, NUM_SUBCORES, N_CHUNKS, CHUNK)
             .transpose(1, 2, 0, 3))
    xl = x[:, :HFEAT]
    xr = x[:, HFEAT:]
    zeros = jnp.zeros((N_NODES, HFEAT), jnp.float32)
    zdeg = jnp.zeros((N_NODES, DEG_W), jnp.float32)

    a_parts, deg = _edge_aggregate(xl, xr, edata, zeros, zdeg)

    a_spec = pl.BlockSpec((NUM_CORES, BLK, HFEAT), lambda i: (0, i, 0))
    row_spec = pl.BlockSpec((BLK, FEAT), lambda i: (i, 0))
    deg_spec = pl.BlockSpec((BLK, DEG_W), lambda i: (i, 0))
    w_spec = pl.BlockSpec((FEAT, FEAT), lambda i: (0, 0))
    norm_spec = pl.BlockSpec((BLK, 1), lambda i: (i, 0))

    out = pl.pallas_call(
        _dense_body,
        grid=(N_NODES // BLK,),
        in_specs=[a_spec, deg_spec, row_spec,
                  w_spec, w_spec, w_spec, norm_spec],
        out_specs=row_spec,
        out_shape=jax.ShapeDtypeStruct((N_NODES, FEAT), jnp.float32),
    )(a_parts, deg, x, weight_neighbor, loop_weight, evolve_loop_weight,
      norm)
    return out

# --- scband reference (transcript-rebuilt; emitter-appended) ---
"""Pipeline reference for scband-gcn-39573828665589 (READ-ONLY COPY).

The authoritative reference and input builder live on the scoring server;
editing this copy changes nothing except your own understanding.
"""

import jax, jax.numpy as jnp
import numpy as np

N_NODES = 10000
N_EDGES = 320000
IN_FEAT = 128
OUT_FEAT = 128


def setup_inputs(seed: int = 0) -> dict:
    key = jax.random.key(seed)
    ks = jax.random.split(key, 8)
    x = jax.random.normal(ks[0], (N_NODES, IN_FEAT), dtype=jnp.float32)
    edge_index = jax.random.randint(ks[1], (2, N_EDGES), 0, N_NODES, dtype=jnp.int64)
    edge_weight = jax.random.uniform(ks[2], (N_EDGES,), dtype=jnp.float32)
    norm = jax.random.uniform(ks[3], (N_NODES, 1), dtype=jnp.float32)
    # xavier_uniform with gain for leaky_relu-ish (relu gain = sqrt(2))
    gain = float(np.sqrt(2.0))
    limit = gain * float(np.sqrt(6.0 / (IN_FEAT + OUT_FEAT)))
    weight_neighbor = jax.random.uniform(ks[4], (IN_FEAT, OUT_FEAT), minval=-limit, maxval=limit, dtype=jnp.float32)
    loop_weight = jax.random.uniform(ks[5], (IN_FEAT, OUT_FEAT), minval=-limit, maxval=limit, dtype=jnp.float32)
    evolve_loop_weight = jax.random.uniform(ks[6], (IN_FEAT, OUT_FEAT), minval=-limit, maxval=limit, dtype=jnp.float32)
    return {
        "x": x,
        "edge_index": edge_index,
        "edge_weight": edge_weight,
        "norm": norm,
        "weight_neighbor": weight_neighbor,
        "loop_weight": loop_weight,
        "evolve_loop_weight": evolve_loop_weight,
    }


def reference(x, edge_index, edge_weight, norm, weight_neighbor, loop_weight, evolve_loop_weight):
    N = x.shape[0]
    src = edge_index[0]
    dst = edge_index[1]
    # in-degree mask: nodes with in_degree > 0 use loop_weight, else evolve_loop_weight
    in_deg = jnp.zeros((N,), dtype=jnp.float32).at[dst].add(1.0)
    has_in = in_deg > 0
    loop_evolve = x @ evolve_loop_weight
    loop_self = x @ loop_weight
    loop_message = jnp.where(has_in[:, None], loop_self, loop_evolve)
    # message passing: msg = (x[src] * edge_weight) @ weight_neighbor; sum over dst
    msg = x[src] * edge_weight[:, None]
    msg = msg @ weight_neighbor
    h = jax.ops.segment_sum(msg, dst, num_segments=N)
    h = h * norm
    out = jax.nn.leaky_relu(h + loop_message, negative_slope=0.01)
    # dropout in eval mode is identity
    return out

if __name__ == "__main__":
    import jax
    _d = setup_inputs()
    print(jax.jit(kernel)(*tuple(_d.values())))

</pallas_src>

<mosaic_0001>
#map = affine_map<(d0, d1) -> (0, 0)>
#map1 = affine_map<(d0, d1) -> (0, 0, 0, 0)>
#map2 = affine_map<(d0, d1) -> (0, 0, 0)>
module attributes {stable_mosaic.version = 14 : i64} {
  func.func @_edge_aggregate(%arg0: i32, %arg1: i32, %arg2: memref<10000x64xf32, #tpu.memory_space<hbm>>, %arg3: memref<10000x64xf32, #tpu.memory_space<hbm>>, %arg4: memref<16x50x3x400xi32, #tpu.memory_space<hbm>>, %arg5: memref<10000x64xf32, #tpu.memory_space<hbm>>, %arg6: memref<10000x16xf32, #tpu.memory_space<hbm>>, %arg7: memref<2x10000x64xf32, #tpu.memory_space<hbm>>, %arg8: memref<10000x16xf32, #tpu.memory_space<hbm>>, %arg9: memref<3x400xi32, #tpu.memory_space<vmem>>, %arg10: memref<3x400xi32, #tpu.memory_space<vmem>>, %arg11: memref<400x64xf32, #tpu.memory_space<vmem>>, %arg12: memref<400x64xf32, #tpu.memory_space<vmem>>, %arg13: memref<400x16xf32, #tpu.memory_space<vmem>>, %arg14: memref<10000x64xf32, #tpu.memory_space<vmem_shared>>, %arg15: memref<10000x16xf32, #tpu.memory_space<vmem_shared>>, %arg16: memref<!tpu.dma_semaphore, #tpu.memory_space<semaphore_mem>>, %arg17: memref<!tpu.dma_semaphore, #tpu.memory_space<semaphore_mem>>, %arg18: memref<!tpu.dma_semaphore, #tpu.memory_space<semaphore_mem>>, %arg19: memref<!tpu.dma_semaphore, #tpu.memory_space<semaphore_mem>>, %arg20: memref<!tpu.dma_semaphore, #tpu.memory_space<semaphore_mem>>, %arg21: memref<!tpu.dma_semaphore, #tpu.memory_space<semaphore_mem>>) attributes {dimension_semantics = [#tpu.dimension_semantics<core_parallel>, #tpu.dimension_semantics<subcore_parallel>], iteration_bounds = array<i64: 2, 16>, scalar_prefetch = 0 : i64, scratch_operands = 13 : i64, tpu.core_type = #tpu.core_type<sc_vector_subcore>, window_params = [{transform_indices = #map}, {transform_indices = #map}, {transform_indices = #map1}, {transform_indices = #map}, {transform_indices = #map}, {transform_indices = #map2}, {transform_indices = #map}]} {
    %mul3A = arith.constant 624 : i32
    %mul3A_0 = arith.muli %arg1, %mul3A : i32
    "tpu.region"() ({
      %run_scoped3A_56 = tpu.sem_alloc : memref<!tpu.dma_semaphore, #tpu.memory_space<semaphore_mem>>
      %dma_start3A = arith.constant 0 : i32
      %dma_start3A_57 = tpu.memref_slice %arg14[%mul3A_0, %dma_start3A] : memref<10000x64xf32, #tpu.memory_space<vmem_shared>> -> memref<624x64xf32, #tpu.memory_space<vmem_shared>>
      %dma_start3A_58 = arith.constant 0 : i32
      %dma_start3A_59 = tpu.memref_slice %arg5[%mul3A_0, %dma_start3A_58] : memref<10000x64xf32, #tpu.memory_space<hbm>> -> memref<624x64xf32, #tpu.memory_space<hbm>>
      tpu.enqueue_dma source(%dma_start3A_59 : memref<624x64xf32, #tpu.memory_space<hbm>>) target(%dma_start3A_57 : memref<624x64xf32, #tpu.memory_space<vmem_shared>>) target_semaphore(%run_scoped3A_56 : memref<!tpu.dma_semaphore, #tpu.memory_space<semaphore_mem>>)
      %dma_wait3A_60 = arith.constant 0 : i32
      %dma_wait3A_61 = tpu.memref_slice %arg14[%mul3A_0, %dma_wait3A_60] : memref<10000x64xf32, #tpu.memory_space<vmem_shared>> -> memref<624x64xf32, #tpu.memory_space<vmem_shared>>
      %dma_wait3A_62 = arith.constant 0 : i32
      %dma_wait3A_63 = tpu.memref_slice %arg5[%mul3A_0, %dma_wait3A_62] : memref<10000x64xf32, #tpu.memory_space<hbm>> -> memref<624x64xf32, #tpu.memory_space<hbm>>
      tpu.wait_dma2 semaphore(%run_scoped3A_56 : memref<!tpu.dma_semaphore, #tpu.memory_space<semaphore_mem>>) src(%dma_wait3A_63 : memref<624x64xf32, #tpu.memory_space<hbm>>) dst(%dma_wait3A_61 : memref<624x64xf32, #tpu.memory_space<vmem_shared>>)
      tpu.yield
    }) : () -> ()
    %eq3A = arith.constant 0 : i32
    %eq3A_1 = arith.cmpi eq, %arg0, %eq3A : i32
    %convert_element_type3A = arith.extui %eq3A_1 : i1 to i32
    %cond3A = arith.constant 0 : i32
    %cond3A_2 = arith.cmpi ne, %convert_element_type3A, %cond3A : i32
    scf.if %cond3A_2 {
      "tpu.region"() ({
        %run_scoped3A_56 = tpu.sem_alloc : memref<!tpu.dma_semaphore, #tpu.memory_space<semaphore_mem>>
        %dma_start3A = arith.constant 0 : i32
        %dma_start3A_57 = tpu.memref_slice %arg15[%mul3A_0, %dma_start3A] : memref<10000x16xf32, #tpu.memory_space<vmem_shared>> -> memref<624x16xf32, #tpu.memory_space<vmem_shared>>
        %dma_start3A_58 = arith.constant 0 : i32
        %dma_start3A_59 = tpu.memref_slice %arg6[%mul3A_0, %dma_start3A_58] : memref<10000x16xf32, #tpu.memory_space<hbm>> -> memref<624x16xf32, #tpu.memory_space<hbm>>
        tpu.enqueue_dma source(%dma_start3A_59 : memref<624x16xf32, #tpu.memory_space<hbm>>) target(%dma_start3A_57 : memref<624x16xf32, #tpu.memory_space<vmem_shared>>) target_semaphore(%run_scoped3A_56 : memref<!tpu.dma_semaphore, #tpu.memory_space<semaphore_mem>>)
        %dma_wait3A_60 = arith.constant 0 : i32
        %dma_wait3A_61 = tpu.memref_slice %arg15[%mul3A_0, %dma_wait3A_60] : memref<10000x16xf32, #tpu.memory_space<vmem_shared>> -> memref<624x16xf32, #tpu.memory_space<vmem_shared>>
        %dma_wait3A_62 = arith.constant 0 : i32
        %dma_wait3A_63 = tpu.memref_slice %arg6[%mul3A_0, %dma_wait3A_62] : memref<10000x16xf32, #tpu.memory_space<hbm>> -> memref<624x16xf32, #tpu.memory_space<hbm>>
        tpu.wait_dma2 semaphore(%run_scoped3A_56 : memref<!tpu.dma_semaphore, #tpu.memory_space<semaphore_mem>>) src(%dma_wait3A_63 : memref<624x16xf32, #tpu.memory_space<hbm>>) dst(%dma_wait3A_61 : memref<624x16xf32, #tpu.memory_space<vmem_shared>>)
        tpu.yield
      }) : () -> ()
    } else {
    }
    %eq3A_3 = arith.constant 15 : i32
    %eq3A_4 = arith.cmpi eq, %arg1, %eq3A_3 : i32
    %convert_element_type3A_5 = arith.extui %eq3A_4 : i1 to i32
    %cond3A_6 = arith.constant 0 : i32
    %cond3A_7 = arith.cmpi ne, %convert_element_type3A_5, %cond3A_6 : i32
    scf.if %cond3A_7 {
      "tpu.region"() ({
        %run_scoped3A_61 = tpu.sem_alloc : memref<!tpu.dma_semaphore, #tpu.memory_space<semaphore_mem>>
        %dma_start3A = arith.constant 9984 : i32
        %dma_start3A_62 = arith.constant 0 : i32
        %dma_start3A_63 = tpu.memref_slice %arg14[%dma_start3A, %dma_start3A_62] : memref<10000x64xf32, #tpu.memory_space<vmem_shared>> -> memref<16x64xf32, #tpu.memory_space<vmem_shared>>
        %dma_start3A_64 = arith.constant 9984 : i32
        %dma_start3A_65 = arith.constant 0 : i32
        %dma_start3A_66 = tpu.memref_slice %arg5[%dma_start3A_64, %dma_start3A_65] : memref<10000x64xf32, #tpu.memory_space<hbm>> -> memref<16x64xf32, #tpu.memory_space<hbm>>
        tpu.enqueue_dma source(%dma_start3A_66 : memref<16x64xf32, #tpu.memory_space<hbm>>) target(%dma_start3A_63 : memref<16x64xf32, #tpu.memory_space<vmem_shared>>) target_semaphore(%run_scoped3A_61 : memref<!tpu.dma_semaphore, #tpu.memory_space<semaphore_mem>>)
        %dma_wait3A_67 = arith.constant 9984 : i32
        %dma_wait3A_68 = arith.constant 0 : i32
        %dma_wait3A_69 = tpu.memref_slice %arg14[%dma_wait3A_67, %dma_wait3A_68] : memref<10000x64xf32, #tpu.memory_space<vmem_shared>> -> memref<16x64xf32, #tpu.memory_space<vmem_shared>>
        %dma_wait3A_70 = arith.constant 9984 : i32
        %dma_wait3A_71 = arith.constant 0 : i32
        %dma_wait3A_72 = tpu.memref_slice %arg5[%dma_wait3A_70, %dma_wait3A_71] : memref<10000x64xf32, #tpu.memory_space<hbm>> -> memref<16x64xf32, #tpu.memory_space<hbm>>
        tpu.wait_dma2 semaphore(%run_scoped3A_61 : memref<!tpu.dma_semaphore, #tpu.memory_space<semaphore_mem>>) src(%dma_wait3A_72 : memref<16x64xf32, #tpu.memory_space<hbm>>) dst(%dma_wait3A_69 : memref<16x64xf32, #tpu.memory_space<vmem_shared>>)
        tpu.yield
      }) : () -> ()
      %eq3A_56 = arith.constant 0 : i32
      %eq3A_57 = arith.cmpi eq, %arg0, %eq3A_56 : i32
      %convert_element_type3A_58 = arith.extui %eq3A_57 : i1 to i32
      %cond3A_59 = arith.constant 0 : i32
      %cond3A_60 = arith.cmpi ne, %convert_element_type3A_58, %cond3A_59 : i32
      scf.if %cond3A_60 {
        "tpu.region"() ({
          %run_scoped3A_61 = tpu.sem_alloc : memref<!tpu.dma_semaphore, #tpu.memory_space<semaphore_mem>>
          %dma_start3A = arith.constant 9984 : i32
          %dma_start3A_62 = arith.constant 0 : i32
          %dma_start3A_63 = tpu.memref_slice %arg15[%dma_start3A, %dma_start3A_62] : memref<10000x16xf32, #tpu.memory_space<vmem_shared>> -> memref<16x16xf32, #tpu.memory_space<vmem_shared>>
          %dma_start3A_64 = arith.constant 9984 : i32
          %dma_start3A_65 = arith.constant 0 : i32
          %dma_start3A_66 = tpu.memref_slice %arg6[%dma_start3A_64, %dma_start3A_65] : memref<10000x16xf32, #tpu.memory_space<hbm>> -> memref<16x16xf32, #tpu.memory_space<hbm>>
          tpu.enqueue_dma source(%dma_start3A_66 : memref<16x16xf32, #tpu.memory_space<hbm>>) target(%dma_start3A_63 : memref<16x16xf32, #tpu.memory_space<vmem_shared>>) target_semaphore(%run_scoped3A_61 : memref<!tpu.dma_semaphore, #tpu.memory_space<semaphore_mem>>)
          %dma_wait3A_67 = arith.constant 9984 : i32
          %dma_wait3A_68 = arith.constant 0 : i32
          %dma_wait3A_69 = tpu.memref_slice %arg15[%dma_wait3A_67, %dma_wait3A_68] : memref<10000x16xf32, #tpu.memory_space<vmem_shared>> -> memref<16x16xf32, #tpu.memory_space<vmem_shared>>
          %dma_wait3A_70 = arith.constant 9984 : i32
          %dma_wait3A_71 = arith.constant 0 : i32
          %dma_wait3A_72 = tpu.memref_slice %arg6[%dma_wait3A_70, %dma_wait3A_71] : memref<10000x16xf32, #tpu.memory_space<hbm>> -> memref<16x16xf32, #tpu.memory_space<hbm>>
          tpu.wait_dma2 semaphore(%run_scoped3A_61 : memref<!tpu.dma_semaphore, #tpu.memory_space<semaphore_mem>>) src(%dma_wait3A_72 : memref<16x16xf32, #tpu.memory_space<hbm>>) dst(%dma_wait3A_69 : memref<16x16xf32, #tpu.memory_space<vmem_shared>>)
          tpu.yield
        }) : () -> ()
      } else {
      }
    } else {
    }
    %iota3A = tpu.iota {dimensions = array<i32: 0>} : vector<16xi32>
    %eq3A_8 = arith.constant 0 : i32
    %eq3A_9 = vector.broadcast %eq3A_8 : i32 to vector<16xi32>
    %eq3A_10 = arith.cmpi eq, %iota3A, %eq3A_9 : vector<16xi32>
    %jit3A = arith.constant 1.000000e+00 : f32
    %jit3A_11 = arith.constant 0.000000e+00 : f32
    %broadcast_in_dim3A = vector.broadcast %jit3A : f32 to vector<16xf32>
    %broadcast_in_dim3A_12 = vector.broadcast %jit3A_11 : f32 to vector<16xf32>
    %select_n3A = arith.select %eq3A_10, %broadcast_in_dim3A, %broadcast_in_dim3A_12 : vector<16xi1>, vector<16xf32>
    %scan3A = arith.constant 0 : i32
    %scan3A_13 = arith.constant 0 : i32
    %scan3A_14 = arith.constant 400 : i32
    %scan3A_15 = arith.addi %scan3A_13, %scan3A_14 : i32
    %scan3A_16 = arith.constant 1 : i32
    scf.for %scan3A_56 = %scan3A_13 to %scan3A_15 step %scan3A_16  : i32 {
      %swap3A = arith.index_cast %scan3A_56 : i32 to index
      %swap3A_57 = arith.constant 0 : index
      %swap3A_58 = tpu.vector_load %arg13[%swap3A, %swap3A_57] {strides = array<i32>} : memref<400x16xf32, #tpu.memory_space<vmem>>, vector<1x16xf32>,
      %swap3A_59 = vector.shape_cast %swap3A_58 : vector<1x16xf32> to vector<16xf32>
      %swap3A_60 = vector.shape_cast %select_n3A : vector<16xf32> to vector<1x16xf32>
      tpu.vector_store %arg13[%swap3A, %swap3A_57], %swap3A_60 {strides = array<i32>} : memref<400x16xf32, #tpu.memory_space<vmem>>, vector<1x16xf32>,
    }
    %scan3A_17 = arith.constant 400 : i32
    %barrier3A = arith.constant 0 : index
    tpu.barrier barrier_id(%barrier3A)
    %run_scoped3A = arith.constant 0 : i32
    "tpu.region"() ({
      %run_scoped3A_56 = tpu.sem_alloc : memref<!tpu.dma_semaphore, #tpu.memory_space<semaphore_mem>>
      %dma_start3A = arith.constant 0 : i32
      %dma_start3A_57 = arith.constant 0 : i32
      %dma_start3A_58 = tpu.memref_slice %arg4[%arg1, %run_scoped3A, %dma_start3A, %dma_start3A_57] : memref<16x50x3x400xi32, #tpu.memory_space<hbm>> -> memref<1x1x3x400xi32, #tpu.memory_space<hbm>>
      %dma_start3A_59 = tpu.memref_squeeze %dma_start3A_58 : memref<1x1x3x400xi32, #tpu.memory_space<hbm>> -> memref<3x400xi32, #tpu.memory_space<hbm>>
      %dma_start3A_60 = arith.constant 0 : i32
      %dma_start3A_61 = arith.constant 0 : i32
      %dma_start3A_62 = tpu.memref_slice %arg4[%arg1, %run_scoped3A, %dma_start3A_60, %dma_start3A_61] : memref<16x50x3x400xi32, #tpu.memory_space<hbm>> -> memref<1x1x3x400xi32, #tpu.memory_space<hbm>>
      %dma_start3A_63 = tpu.memref_squeeze %dma_start3A_62 : memref<1x1x3x400xi32, #tpu.memory_space<hbm>> -> memref<3x400xi32, #tpu.memory_space<hbm>>
      tpu.enqueue_dma source(%dma_start3A_63 : memref<3x400xi32, #tpu.memory_space<hbm>>) target(%arg9 : memref<3x400xi32, #tpu.memory_space<vmem>>) target_semaphore(%run_scoped3A_56 : memref<!tpu.dma_semaphore, #tpu.memory_space<semaphore_mem>>)
      %dma_wait3A_64 = arith.constant 0 : i32
      %dma_wait3A_65 = arith.constant 0 : i32
      %dma_wait3A_66 = tpu.memref_slice %arg4[%arg1, %run_scoped3A, %dma_wait3A_64, %dma_wait3A_65] : memref<16x50x3x400xi32, #tpu.memory_space<hbm>> -> memref<1x1x3x400xi32, #tpu.memory_space<hbm>>
      %dma_wait3A_67 = tpu.memref_squeeze %dma_wait3A_66 : memref<1x1x3x400xi32, #tpu.memory_space<hbm>> -> memref<3x400xi32, #tpu.memory_space<hbm>>
      %dma_wait3A_68 = arith.constant 0 : i32
      %dma_wait3A_69 = arith.constant 0 : i32
      %dma_wait3A_70 = tpu.memref_slice %arg4[%arg1, %run_scoped3A, %dma_wait3A_68, %dma_wait3A_69] : memref<16x50x3x400xi32, #tpu.memory_space<hbm>> -> memref<1x1x3x400xi32, #tpu.memory_space<hbm>>
      %dma_wait3A_71 = tpu.memref_squeeze %dma_wait3A_70 : memref<1x1x3x400xi32, #tpu.memory_space<hbm>> -> memref<3x400xi32, #tpu.memory_space<hbm>>
      tpu.wait_dma2 semaphore(%run_scoped3A_56 : memref<!tpu.dma_semaphore, #tpu.memory_space<semaphore_mem>>) src(%dma_wait3A_71 : memref<3x400xi32, #tpu.memory_space<hbm>>) dst(%arg9 : memref<3x400xi32, #tpu.memory_space<vmem>>)
      tpu.yield
    }) : () -> ()
    %eq3A_18 = arith.constant 0 : i32
    %eq3A_19 = arith.cmpi eq, %arg0, %eq3A_18 : i32
    %convert_element_type3A_20 = arith.extui %eq3A_19 : i1 to i32
    %cond3A_21 = arith.constant 0 : i32
    %cond3A_22 = arith.cmpi ne, %convert_element_type3A_20, %cond3A_21 : i32
    scf.if %cond3A_22 {
      %dma_start3A = arith.constant 0 : i32
      %dma_start3A_56 = arith.constant 0 : i32
      %dma_start3A_57 = tpu.memref_slice %arg9[%dma_start3A, %dma_start3A_56] : memref<3x400xi32, #tpu.memory_space<vmem>> -> memref<1x400xi32, #tpu.memory_space<vmem>>
      %dma_start3A_58 = tpu.memref_squeeze %dma_start3A_57 : memref<1x400xi32, #tpu.memory_space<vmem>> -> memref<400xi32, #tpu.memory_space<vmem>>
      %dma_start3A_59 = arith.constant 0 : i32
      %dma_start3A_60 = arith.constant 0 : i32
      %dma_start3A_61 = tpu.memref_slice %arg2[%dma_start3A_59, %dma_start3A_60] : memref<10000x64xf32, #tpu.memory_space<hbm>> -> memref<10000x64xf32, #tpu.memory_space<hbm>>
      tpu.enqueue_indirect_dma source(%dma_start3A_61 : memref<10000x64xf32, #tpu.memory_space<hbm>>) target(%arg11 : memref<400x64xf32, #tpu.memory_space<vmem>>) offsets(%dma_start3A_58 : memref<400xi32, #tpu.memory_space<vmem>>) semaphore(%arg16 : memref<!tpu.dma_semaphore, #tpu.memory_space<semaphore_mem>>)
    } else {
    }
    %eq3A_23 = arith.constant 1 : i32
    %eq3A_24 = arith.cmpi eq, %arg0, %eq3A_23 : i32
    %convert_element_type3A_25 = arith.extui %eq3A_24 : i1 to i32
    %cond3A_26 = arith.constant 0 : i32
    %cond3A_27 = arith.cmpi ne, %convert_element_type3A_25, %cond3A_26 : i32
    scf.if %cond3A_27 {
      %dma_start3A = arith.constant 0 : i32
      %dma_start3A_56 = arith.constant 0 : i32
      %dma_start3A_57 = tpu.memref_slice %arg9[%dma_start3A, %dma_start3A_56] : memref<3x400xi32, #tpu.memory_space<vmem>> -> memref<1x400xi32, #tpu.memory_space<vmem>>
      %dma_start3A_58 = tpu.memref_squeeze %dma_start3A_57 : memref<1x400xi32, #tpu.memory_space<vmem>> -> memref<400xi32, #tpu.memory_space<vmem>>
      %dma_start3A_59 = arith.constant 0 : i32
      %dma_start3A_60 = arith.constant 0 : i32
      %dma_start3A_61 = tpu.memref_slice %arg3[%dma_start3A_59, %dma_start3A_60] : memref<10000x64xf32, #tpu.memory_space<hbm>> -> memref<10000x64xf32, #tpu.memory_space<hbm>>
      tpu.enqueue_indirect_dma source(%dma_start3A_61 : memref<10000x64xf32, #tpu.memory_space<hbm>>) target(%arg11 : memref<400x64xf32, #tpu.memory_space<vmem>>) offsets(%dma_start3A_58 : memref<400xi32, #tpu.memory_space<vmem>>) semaphore(%arg16 : memref<!tpu.dma_semaphore, #tpu.memory_space<semaphore_mem>>)
    } else {
    }
    %scan3A_28 = arith.constant 0 : i32
    %scan3A_29 = arith.constant 0 : i32
    %scan3A_30 = arith.constant 25 : i32
    %scan3A_31 = arith.addi %scan3A_29, %scan3A_30 : i32
    %scan3A_32 = arith.constant 1 : i32
    scf.for %scan3A_56 = %scan3A_29 to %scan3A_31 step %scan3A_32  : i32 {
      %mul3A_57 = arith.constant 2 : i32
      %mul3A_58 = arith.muli %mul3A_57, %scan3A_56 : i32
      %dma_wait3A_59 = arith.constant 0 : i32
      %dma_wait3A_60 = arith.constant 0 : i32
      %dma_wait3A_61 = tpu.memref_slice %arg9[%dma_wait3A_59, %dma_wait3A_60] : memref<3x400xi32, #tpu.memory_space<vmem>> -> memref<1x400xi32, #tpu.memory_space<vmem>>
      %dma_wait3A_62 = tpu.memref_squeeze %dma_wait3A_61 : memref<1x400xi32, #tpu.memory_space<vmem>> -> memref<400xi32, #tpu.memory_space<vmem>>
      %dma_wait3A_63 = arith.constant 0 : i32
      %dma_wait3A_64 = arith.constant 0 : i32
      %dma_wait3A_65 = tpu.memref_slice %arg2[%dma_wait3A_63, %dma_wait3A_64] : memref<10000x64xf32, #tpu.memory_space<hbm>> -> memref<10000x64xf32, #tpu.memory_space<hbm>>
      tpu.wait_indirect_dma semaphore(%arg16 : memref<!tpu.dma_semaphore, #tpu.memory_space<semaphore_mem>>) src(%dma_wait3A_65 : memref<10000x64xf32, #tpu.memory_space<hbm>>) dst(%arg11 : memref<400x64xf32, #tpu.memory_space<vmem>>)
      %ge3A = arith.constant 1 : i32
      %ge3A_66 = arith.cmpi sge, %scan3A_56, %ge3A : i32
      %convert_element_type3A_67 = arith.extui %ge3A_66 : i1 to i32
      %cond3A_68 = arith.constant 0 : i32
      %cond3A_69 = arith.cmpi ne, %convert_element_type3A_67, %cond3A_68 : i32
      scf.if %cond3A_69 {
        %dma_wait3A_132 = arith.constant 1 : i32
        %dma_wait3A_133 = arith.constant 0 : i32
        %dma_wait3A_134 = tpu.memref_slice %arg10[%dma_wait3A_132, %dma_wait3A_133] : memref<3x400xi32, #tpu.memory_space<vmem>> -> memref<1x400xi32, #tpu.memory_space<vmem>>
        %dma_wait3A_135 = tpu.memref_squeeze %dma_wait3A_134 : memref<1x400xi32, #tpu.memory_space<vmem>> -> memref<400xi32, #tpu.memory_space<vmem>>
        %dma_wait3A_136 = arith.constant 0 : i32
        %dma_wait3A_137 = arith.constant 0 : i32
        %dma_wait3A_138 = tpu.memref_slice %arg14[%dma_wait3A_136, %dma_wait3A_137] : memref<10000x64xf32, #tpu.memory_space<vmem_shared>> -> memref<10000x64xf32, #tpu.memory_space<vmem_shared>>
        tpu.wait_indirect_dma semaphore(%arg19 : memref<!tpu.dma_semaphore, #tpu.memory_space<semaphore_mem>>) src(%arg12 : memref<400x64xf32, #tpu.memory_space<vmem>>) dst(%dma_wait3A_138 : memref<10000x64xf32, #tpu.memory_space<vmem_shared>>)
        %eq3A_139 = arith.constant 0 : i32
        %eq3A_140 = arith.cmpi eq, %arg0, %eq3A_139 : i32
        %convert_element_type3A_141 = arith.extui %eq3A_140 : i1 to i32
        %cond3A_142 = arith.constant 0 : i32
        %cond3A_143 = arith.cmpi ne, %convert_element_type3A_141, %cond3A_142 : i32
        scf.if %cond3A_143 {
          %dma_wait3A_144 = arith.constant 1 : i32
          %dma_wait3A_145 = arith.constant 0 : i32
          %dma_wait3A_146 = tpu.memref_slice %arg10[%dma_wait3A_144, %dma_wait3A_145] : memref<3x400xi32, #tpu.memory_space<vmem>> -> memref<1x400xi32, #tpu.memory_space<vmem>>
          %dma_wait3A_147 = tpu.memref_squeeze %dma_wait3A_146 : memref<1x400xi32, #tpu.memory_space<vmem>> -> memref<400xi32, #tpu.memory_space<vmem>>
          %dma_wait3A_148 = arith.constant 0 : i32
          %dma_wait3A_149 = arith.constant 0 : i32
          %dma_wait3A_150 = tpu.memref_slice %arg15[%dma_wait3A_148, %dma_wait3A_149] : memref<10000x16xf32, #tpu.memory_space<vmem_shared>> -> memref<10000x16xf32, #tpu.memory_space<vmem_shared>>
          tpu.wait_indirect_dma semaphore(%arg21 : memref<!tpu.dma_semaphore, #tpu.memory_space<semaphore_mem>>) src(%arg13 : memref<400x16xf32, #tpu.memory_space<vmem>>) dst(%dma_wait3A_150 : memref<10000x16xf32, #tpu.memory_space<vmem_shared>>)
        } else {
        }
      } else {
      }
      %add3A = arith.constant 1 : i32
      %add3A_70 = arith.addi %mul3A_58, %add3A : i32
      "tpu.region"() ({
        %run_scoped3A_132 = tpu.sem_alloc : memref<!tpu.dma_semaphore, #tpu.memory_space<semaphore_mem>>
        %dma_start3A_133 = arith.constant 0 : i32
        %dma_start3A_134 = arith.constant 0 : i32
        %dma_start3A_135 = tpu.memref_slice %arg4[%arg1, %add3A_70, %dma_start3A_133, %dma_start3A_134] : memref<16x50x3x400xi32, #tpu.memory_space<hbm>> -> memref<1x1x3x400xi32, #tpu.memory_space<hbm>>
        %dma_start3A_136 = tpu.memref_squeeze %dma_start3A_135 : memref<1x1x3x400xi32, #tpu.memory_space<hbm>> -> memref<3x400xi32, #tpu.memory_space<hbm>>
        %dma_start3A_137 = arith.constant 0 : i32
        %dma_start3A_138 = arith.constant 0 : i32
        %dma_start3A_139 = tpu.memref_slice %arg4[%arg1, %add3A_70, %dma_start3A_137, %dma_start3A_138] : memref<16x50x3x400xi32, #tpu.memory_space<hbm>> -> memref<1x1x3x400xi32, #tpu.memory_space<hbm>>
        %dma_start3A_140 = tpu.memref_squeeze %dma_start3A_139 : memref<1x1x3x400xi32, #tpu.memory_space<hbm>> -> memref<3x400xi32, #tpu.memory_space<hbm>>
        tpu.enqueue_dma source(%dma_start3A_140 : memref<3x400xi32, #tpu.memory_space<hbm>>) target(%arg10 : memref<3x400xi32, #tpu.memory_space<vmem>>) target_semaphore(%run_scoped3A_132 : memref<!tpu.dma_semaphore, #tpu.memory_space<semaphore_mem>>)
        %dma_wait3A_141 = arith.constant 0 : i32
        %dma_wait3A_142 = arith.constant 0 : i32
        %dma_wait3A_143 = tpu.memref_slice %arg4[%arg1, %add3A_70, %dma_wait3A_141, %dma_wait3A_142] : memref<16x50x3x400xi32, #tpu.memory_space<hbm>> -> memref<1x1x3x400xi32, #tpu.memory_space<hbm>>
        %dma_wait3A_144 = tpu.memref_squeeze %dma_wait3A_143 : memref<1x1x3x400xi32, #tpu.memory_space<hbm>> -> memref<3x400xi32, #tpu.memory_space<hbm>>
        %dma_wait3A_145 = arith.constant 0 : i32
        %dma_wait3A_146 = arith.constant 0 : i32
        %dma_wait3A_147 = tpu.memref_slice %arg4[%arg1, %add3A_70, %dma_wait3A_145, %dma_wait3A_146] : memref<16x50x3x400xi32, #tpu.memory_space<hbm>> -> memref<1x1x3x400xi32, #tpu.memory_space<hbm>>
        %dma_wait3A_148 = tpu.memref_squeeze %dma_wait3A_147 : memref<1x1x3x400xi32, #tpu.memory_space<hbm>> -> memref<3x400xi32, #tpu.memory_space<hbm>>
        tpu.wait_dma2 semaphore(%run_scoped3A_132 : memref<!tpu.dma_semaphore, #tpu.memory_space<semaphore_mem>>) src(%dma_wait3A_148 : memref<3x400xi32, #tpu.memory_space<hbm>>) dst(%arg10 : memref<3x400xi32, #tpu.memory_space<vmem>>)
        tpu.yield
      }) : () -> ()
      %eq3A_71 = arith.constant 0 : i32
      %eq3A_72 = arith.cmpi eq, %arg0, %eq3A_71 : i32
      %convert_element_type3A_73 = arith.extui %eq3A_72 : i1 to i32
      %cond3A_74 = arith.constant 0 : i32
      %cond3A_75 = arith.cmpi ne, %convert_element_type3A_73, %cond3A_74 : i32
      scf.if %cond3A_75 {
        %dma_start3A_132 = arith.constant 0 : i32
        %dma_start3A_133 = arith.constant 0 : i32
        %dma_start3A_134 = tpu.memref_slice %arg10[%dma_start3A_132, %dma_start3A_133] : memref<3x400xi32, #tpu.memory_space<vmem>> -> memref<1x400xi32, #tpu.memory_space<vmem>>
        %dma_start3A_135 = tpu.memref_squeeze %dma_start3A_134 : memref<1x400xi32, #tpu.memory_space<vmem>> -> memref<400xi32, #tpu.memory_space<vmem>>
        %dma_start3A_136 = arith.constant 0 : i32
        %dma_start3A_137 = arith.constant 0 : i32
        %dma_start3A_138 = tpu.memref_slice %arg2[%dma_start3A_136, %dma_start3A_137] : memref<10000x64xf32, #tpu.memory_space<hbm>> -> memref<10000x64xf32, #tpu.memory_space<hbm>>
        tpu.enqueue_indirect_dma source(%dma_start3A_138 : memref<10000x64xf32, #tpu.memory_space<hbm>>) target(%arg12 : memref<400x64xf32, #tpu.memory_space<vmem>>) offsets(%dma_start3A_135 : memref<400xi32, #tpu.memory_space<vmem>>) semaphore(%arg17 : memref<!tpu.dma_semaphore, #tpu.memory_space<semaphore_mem>>)
      } else {
      }
      %eq3A_76 = arith.constant 1 : i32
      %eq3A_77 = arith.cmpi eq, %arg0, %eq3A_76 : i32
      %convert_element_type3A_78 = arith.extui %eq3A_77 : i1 to i32
      %cond3A_79 = arith.constant 0 : i32
      %cond3A_80 = arith.cmpi ne, %convert_element_type3A_78, %cond3A_79 : i32
      scf.if %cond3A_80 {
        %dma_start3A_132 = arith.constant 0 : i32
        %dma_start3A_133 = arith.constant 0 : i32
        %dma_start3A_134 = tpu.memref_slice %arg10[%dma_start3A_132, %dma_start3A_133] : memref<3x400xi32, #tpu.memory_space<vmem>> -> memref<1x400xi32, #tpu.memory_space<vmem>>
        %dma_start3A_135 = tpu.memref_squeeze %dma_start3A_134 : memref<1x400xi32, #tpu.memory_space<vmem>> -> memref<400xi32, #tpu.memory_space<vmem>>
        %dma_start3A_136 = arith.constant 0 : i32
        %dma_start3A_137 = arith.constant 0 : i32
        %dma_start3A_138 = tpu.memref_slice %arg3[%dma_start3A_136, %dma_start3A_137] : memref<10000x64xf32, #tpu.memory_space<hbm>> -> memref<10000x64xf32, #tpu.memory_space<hbm>>
        tpu.enqueue_indirect_dma source(%dma_start3A_138 : memref<10000x64xf32, #tpu.memory_space<hbm>>) target(%arg12 : memref<400x64xf32, #tpu.memory_space<vmem>>) offsets(%dma_start3A_135 : memref<400xi32, #tpu.memory_space<vmem>>) semaphore(%arg17 : memref<!tpu.dma_semaphore, #tpu.memory_space<semaphore_mem>>)
      } else {
      }
      %parallel_loop3A = arith.constant 0 : i32
      %parallel_loop3A_81 = arith.constant 25 : i32
      %parallel_loop3A_82 = arith.constant 1 : i32
      scf.for %parallel_loop3A_132 = %parallel_loop3A to %parallel_loop3A_81 step %parallel_loop3A_82  : i32 {
        %parallel_loop3A_133 = arith.constant 16 : i32
        %parallel_loop3A_134 = arith.muli %parallel_loop3A_132, %parallel_loop3A_133 : i32
        %parallel_loop3A_135 = arith.constant 2 : i32
        %parallel_loop3A_136 = arith.index_cast %parallel_loop3A_135 : i32 to index
        %parallel_loop3A_137 = arith.index_cast %parallel_loop3A_134 : i32 to index
        %parallel_loop3A_138 = tpu.vector_load %arg9[%parallel_loop3A_136, %parallel_loop3A_137] {strides = array<i32>} : memref<3x400xi32, #tpu.memory_space<vmem>>, vector<1x16xi32>,
        %parallel_loop3A_139 = vector.shape_cast %parallel_loop3A_138 : vector<1x16xi32> to vector<16xi32>
        %parallel_loop3A_140 = vector.extract_strided_slice %parallel_loop3A_139 {offsets = [0], sizes = [1], strides = [1]} : vector<16xi32> to vector<1xi32>
        %parallel_loop3A_141 = vector.extract %parallel_loop3A_140[0] : i32 from vector<1xi32>
        %parallel_loop3A_142 = arith.bitcast %parallel_loop3A_141 : i32 to f32
        %parallel_loop3A_143 = vector.broadcast %parallel_loop3A_142 : f32 to vector<16xf32>
        %parallel_loop3A_144 = arith.constant 16 : i32
        %parallel_loop3A_145 = arith.muli %parallel_loop3A_132, %parallel_loop3A_144 : i32
        %parallel_loop3A_146 = arith.constant 0 : i32
        %parallel_loop3A_147 = arith.addi %parallel_loop3A_145, %parallel_loop3A_146 : i32
        %parallel_loop3A_148 = arith.index_cast %parallel_loop3A_147 : i32 to index
        %parallel_loop3A_149 = arith.constant 0 : index
        %parallel_loop3A_150 = tpu.vector_load %arg11[%parallel_loop3A_148, %parallel_loop3A_149] {strides = array<i32>} : memref<400x64xf32, #tpu.memory_space<vmem>>, vector<1x16xf32>,
        %parallel_loop3A_151 = vector.shape_cast %parallel_loop3A_150 : vector<1x16xf32> to vector<16xf32>
        %parallel_loop3A_152 = arith.mulf %parallel_loop3A_151, %parallel_loop3A_143 : vector<16xf32>
        %parallel_loop3A_153 = arith.index_cast %parallel_loop3A_147 : i32 to index
        %parallel_loop3A_154 = arith.constant 0 : index
        %parallel_loop3A_155 = tpu.vector_load %arg11[%parallel_loop3A_153, %parallel_loop3A_154] {strides = array<i32>} : memref<400x64xf32, #tpu.memory_space<vmem>>, vector<1x16xf32>,
        %parallel_loop3A_156 = vector.shape_cast %parallel_loop3A_155 : vector<1x16xf32> to vector<16xf32>
        %parallel_loop3A_157 = vector.shape_cast %parallel_loop3A_152 : vector<16xf32> to vector<1x16xf32>
        tpu.vector_store %arg11[%parallel_loop3A_153, %parallel_loop3A_154], %parallel_loop3A_157 {strides = array<i32>} : memref<400x64xf32, #tpu.memory_space<vmem>>, vector<1x16xf32>,
        %parallel_loop3A_158 = arith.index_cast %parallel_loop3A_147 : i32 to index
        %parallel_loop3A_159 = arith.constant 16 : index
        %parallel_loop3A_160 = tpu.vector_load %arg11[%parallel_loop3A_158, %parallel_loop3A_159] {strides = array<i32>} : memref<400x64xf32, #tpu.memory_space<vmem>>, vector<1x16xf32>,
        %parallel_loop3A_161 = vector.shape_cast %parallel_loop3A_160 : vector<1x16xf32> to vector<16xf32>
        %parallel_loop3A_162 = arith.mulf %parallel_loop3A_161, %parallel_loop3A_143 : vector<16xf32>
        %parallel_loop3A_163 = arith.index_cast %parallel_loop3A_147 : i32 to index
        %parallel_loop3A_164 = arith.constant 16 : index
        %parallel_loop3A_165 = tpu.vector_load %arg11[%parallel_loop3A_163, %parallel_loop3A_164] {strides = array<i32>} : memref<400x64xf32, #tpu.memory_space<vmem>>, vector<1x16xf32>,
        %parallel_loop3A_166 = vector.shape_cast %parallel_loop3A_165 : vector<1x16xf32> to vector<16xf32>
        %parallel_loop3A_167 = vector.shape_cast %parallel_loop3A_162 : vector<16xf32> to vector<1x16xf32>
        tpu.vector_store %arg11[%parallel_loop3A_163, %parallel_loop3A_164], %parallel_loop3A_167 {strides = array<i32>} : memref<400x64xf32, #tpu.memory_space<vmem>>, vector<1x16xf32>,
        %parallel_loop3A_168 = arith.index_cast %parallel_loop3A_147 : i32 to index
        %parallel_loop3A_169 = arith.constant 32 : index
        %parallel_loop3A_170 = tpu.vector_load %arg11[%parallel_loop3A_168, %parallel_loop3A_169] {strides = array<i32>} : memref<400x64xf32, #tpu.memory_space<vmem>>, vector<1x16xf32>,
        %parallel_loop3A_171 = vector.shape_cast %parallel_loop3A_170 : vector<1x16xf32> to vector<16xf32>
        %parallel_loop3A_172 = arith.mulf %parallel_loop3A_171, %parallel_loop3A_143 : vector<16xf32>
        %parallel_loop3A_173 = arith.index_cast %parallel_loop3A_147 : i32 to index
        %parallel_loop3A_174 = arith.constant 32 : index
        %parallel_loop3A_175 = tpu.vector_load %arg11[%parallel_loop3A_173, %parallel_loop3A_174] {strides = array<i32>} : memref<400x64xf32, #tpu.memory_space<vmem>>, vector<1x16xf32>,
        %parallel_loop3A_176 = vector.shape_cast %parallel_loop3A_175 : vector<1x16xf32> to vector<16xf32>
        %parallel_loop3A_177 = vector.shape_cast %parallel_loop3A_172 : vector<16xf32> to vector<1x16xf32>
        tpu.vector_store %arg11[%parallel_loop3A_173, %parallel_loop3A_174], %parallel_loop3A_177 {strides = array<i32>} : memref<400x64xf32, #tpu.memory_space<vmem>>, vector<1x16xf32>,
        %parallel_loop3A_178 = arith.index_cast %parallel_loop3A_147 : i32 to index
        %parallel_loop3A_179 = arith.constant 48 : index
        %parallel_loop3A_180 = tpu.vector_load %arg11[%parallel_loop3A_178, %parallel_loop3A_179] {strides = array<i32>} : memref<400x64xf32, #tpu.memory_space<vmem>>, vector<1x16xf32>,
        %parallel_loop3A_181 = vector.shape_cast %parallel_loop3A_180 : vector<1x16xf32> to vector<16xf32>
        %parallel_loop3A_182 = arith.mulf %parallel_loop3A_181, %parallel_loop3A_143 : vector<16xf32>
        %parallel_loop3A_183 = arith.index_cast %parallel_loop3A_147 : i32 to index
        %parallel_loop3A_184 = arith.constant 48 : index
        %parallel_loop3A_185 = tpu.vector_load %arg11[%parallel_loop3A_183, %parallel_loop3A_184] {strides = array<i32>} : memref<400x64xf32, #tpu.memory_space<vmem>>, vector<1x16xf32>,
        %parallel_loop3A_186 = vector.shape_cast %parallel_loop3A_185 : vector<1x16xf32> to vector<16xf32>
        %parallel_loop3A_187 = vector.shape_cast %parallel_loop3A_182 : vector<16xf32> to vector<1x16xf32>
        tpu.vector_store %arg11[%parallel_loop3A_183, %parallel_loop3A_184], %parallel_loop3A_187 {strides = array<i32>} : memref<400x64xf32, #tpu.memory_space<vmem>>, vector<1x16xf32>,
        %parallel_loop3A_188 = vector.extract_strided_slice %parallel_loop3A_139 {offsets = [1], sizes = [1], strides = [1]} : vector<16xi32> to vector<1xi32>
        %parallel_loop3A_189 = vector.extract %parallel_loop3A_188[0] : i32 from vector<1xi32>
        %parallel_loop3A_190 = arith.bitcast %parallel_loop3A_189 : i32 to f32
        %parallel_loop3A_191 = vector.broadcast %parallel_loop3A_190 : f32 to vector<16xf32>
        %parallel_loop3A_192 = arith.constant 16 : i32
        %parallel_loop3A_193 = arith.muli %parallel_loop3A_132, %parallel_loop3A_192 : i32
        %parallel_loop3A_194 = arith.constant 1 : i32
        %parallel_loop3A_195 = arith.addi %parallel_loop3A_193, %parallel_loop3A_194 : i32
        %parallel_loop3A_196 = arith.index_cast %parallel_loop3A_195 : i32 to index
        %parallel_loop3A_197 = arith.constant 0 : index
        %parallel_loop3A_198 = tpu.vector_load %arg11[%parallel_loop3A_196, %parallel_loop3A_197] {strides = array<i32>} : memref<400x64xf32, #tpu.memory_space<vmem>>, vector<1x16xf32>,
        %parallel_loop3A_199 = vector.shape_cast %parallel_loop3A_198 : vector<1x16xf32> to vector<16xf32>
        %parallel_loop3A_200 = arith.mulf %parallel_loop3A_199, %parallel_loop3A_191 : vector<16xf32>
        %parallel_loop3A_201 = arith.index_cast %parallel_loop3A_195 : i32 to index
        %parallel_loop3A_202 = arith.constant 0 : index
        %parallel_loop3A_203 = tpu.vector_load %arg11[%parallel_loop3A_201, %parallel_loop3A_202] {strides = array<i32>} : memref<400x64xf32, #tpu.memory_space<vmem>>, vector<1x16xf32>,
        %parallel_loop3A_204 = vector.shape_cast %parallel_loop3A_203 : vector<1x16xf32> to vector<16xf32>
        %parallel_loop3A_205 = vector.shape_cast %parallel_loop3A_200 : vector<16xf32> to vector<1x16xf32>
        tpu.vector_store %arg11[%parallel_loop3A_201, %parallel_loop3A_202], %parallel_loop3A_205 {strides = array<i32>} : memref<400x64xf32, #tpu.memory_space<vmem>>, vector<1x16xf32>,
        %parallel_loop3A_206 = arith.index_cast %parallel_loop3A_195 : i32 to index
        %parallel_loop3A_207 = arith.constant 16 : index
        %parallel_loop3A_208 = tpu.vector_load %arg11[%parallel_loop3A_206, %parallel_loop3A_207] {strides = array<i32>} : memref<400x64xf32, #tpu.memory_space<vmem>>, vector<1x16xf32>,
        %parallel_loop3A_209 = vector.shape_cast %parallel_loop3A_208 : vector<1x16xf32> to vector<16xf32>
        %parallel_loop3A_210 = arith.mulf %parallel_loop3A_209, %parallel_loop3A_191 : vector<16xf32>
        %parallel_loop3A_211 = arith.index_cast %parallel_loop3A_195 : i32 to index
        %parallel_loop3A_212 = arith.constant 16 : index
        %parallel_loop3A_213 = tpu.vector_load %arg11[%parallel_loop3A_211, %parallel_loop3A_212] {strides = array<i32>} : memref<400x64xf32, #tpu.memory_space<vmem>>, vector<1x16xf32>,
        %parallel_loop3A_214 = vector.shape_cast %parallel_loop3A_213 : vector<1x16xf32> to vector<16xf32>
        %parallel_loop3A_215 = vector.shape_cast %parallel_loop3A_210 : vector<16xf32> to vector<1x16xf32>
        tpu.vector_store %arg11[%parallel_loop3A_211, %parallel_loop3A_212], %parallel_loop3A_215 {strides = array<i32>} : memref<400x64xf32, #tpu.memory_space<vmem>>, vector<1x16xf32>,
        %parallel_loop3A_216 = arith.index_cast %parallel_loop3A_195 : i32 to index
        %parallel_loop3A_217 = arith.constant 32 : index
        %parallel_loop3A_218 = tpu.vector_load %arg11[%parallel_loop3A_216, %parallel_loop3A_217] {strides = array<i32>} : memref<400x64xf32, #tpu.memory_space<vmem>>, vector<1x16xf32>,
        %parallel_loop3A_219 = vector.shape_cast %parallel_loop3A_218 : vector<1x16xf32> to vector<16xf32>
        %parallel_loop3A_220 = arith.mulf %parallel_loop3A_219, %parallel_loop3A_191 : vector<16xf32>
        %parallel_loop3A_221 = arith.index_cast %parallel_loop3A_195 : i32 to index
        %parallel_loop3A_222 = arith.constant 32 : index
        %parallel_loop3A_223 = tpu.vector_load %arg11[%parallel_loop3A_221, %parallel_loop3A_222] {strides = array<i32>} : memref<400x64xf32, #tpu.memory_space<vmem>>, vector<1x16xf32>,
        %parallel_loop3A_224 = vector.shape_cast %parallel_loop3A_223 : vector<1x16xf32> to vector<16xf32>
        %parallel_loop3A_225 = vector.shape_cast %parallel_loop3A_220 : vector<16xf32> to vector<1x16xf32>
        tpu.vector_store %arg11[%parallel_loop3A_221, %parallel_loop3A_222], %parallel_loop3A_225 {strides = array<i32>} : memref<400x64xf32, #tpu.memory_space<vmem>>, vector<1x16xf32>,
        %parallel_loop3A_226 = arith.index_cast %parallel_loop3A_195 : i32 to index
        %parallel_loop3A_227 = arith.constant 48 : index
        %parallel_loop3A_228 = tpu.vector_load %arg11[%parallel_loop3A_226, %parallel_loop3A_227] {strides = array<i32>} : memref<400x64xf32, #tpu.memory_space<vmem>>, vector<1x16xf32>,
        %parallel_loop3A_229 = vector.shape_cast %parallel_loop3A_228 : vector<1x16xf32> to vector<16xf32>
        %parallel_loop3A_230 = arith.mulf %parallel_loop3A_229, %parallel_loop3A_191 : vector<16xf32>
        %parallel_loop3A_231 = arith.index_cast %parallel_loop3A_195 : i32 to index
        %parallel_loop3A_232 = arith.constant 48 : index
        %parallel_loop3A_233 = tpu.vector_load %arg11[%parallel_loop3A_231, %parallel_loop3A_232] {strides = array<i32>} : memref<400x64xf32, #tpu.memory_space<vmem>>, vector<1x16xf32>,
        %parallel_loop3A_234 = vector.shape_cast %parallel_loop3A_233 : vector<1x16xf32> to vector<16xf32>
        %parallel_loop3A_235 = vector.shape_cast %parallel_loop3A_230 : vector<16xf32> to vector<1x16xf32>
        tpu.vector_store %arg11[%parallel_loop3A_231, %parallel_loop3A_232], %parallel_loop3A_235 {strides = array<i32>} : memref<400x64xf32, #tpu.memory_space<vmem>>, vector<1x16xf32>,
        %parallel_loop3A_236 = vector.extract_strided_slice %parallel_loop3A_139 {offsets = [2], sizes = [1], strides = [1]} : vector<16xi32> to vector<1xi32>
        %parallel_loop3A_237 = vector.extract %parallel_loop3A_236[0] : i32 from vector<1xi32>
        %parallel_loop3A_238 = arith.bitcast %parallel_loop3A_237 : i32 to f32
        %parallel_loop3A_239 = vector.broadcast %parallel_loop3A_238 : f32 to vector<16xf32>
        %parallel_loop3A_240 = arith.constant 16 : i32
        %parallel_loop3A_241 = arith.muli %parallel_loop3A_132, %parallel_loop3A_240 : i32
        %parallel_loop3A_242 = arith.constant 2 : i32
        %parallel_loop3A_243 = arith.addi %parallel_loop3A_241, %parallel_loop3A_242 : i32
        %parallel_loop3A_244 = arith.index_cast %parallel_loop3A_243 : i32 to index
        %parallel_loop3A_245 = arith.constant 0 : index
        %parallel_loop3A_246 = tpu.vector_load %arg11[%parallel_loop3A_244, %parallel_loop3A_245] {strides = array<i32>} : memref<400x64xf32, #tpu.memory_space<vmem>>, vector<1x16xf32>,
        %parallel_loop3A_247 = vector.shape_cast %parallel_loop3A_246 : vector<1x16xf32> to vector<16xf32>
        %parallel_loop3A_248 = arith.mulf %parallel_loop3A_247, %parallel_loop3A_239 : vector<16xf32>
        %parallel_loop3A_249 = arith.index_cast %parallel_loop3A_243 : i32 to index
        %parallel_loop3A_250 = arith.constant 0 : index
        %parallel_loop3A_251 = tpu.vector_load %arg11[%parallel_loop3A_249, %parallel_loop3A_250] {strides = array<i32>} : memref<400x64xf32, #tpu.memory_space<vmem>>, vector<1x16xf32>,
        %parallel_loop3A_252 = vector.shape_cast %parallel_loop3A_251 : vector<1x16xf32> to vector<16xf32>
        %parallel_loop3A_253 = vector.shape_cast %parallel_loop3A_248 : vector<16xf32> to vector<1x16xf32>
        tpu.vector_store %arg11[%parallel_loop3A_249, %parallel_loop3A_250], %parallel_loop3A_253 {strides = array<i32>} : memref<400x64xf32, #tpu.memory_space<vmem>>, vector<1x16xf32>,
        %parallel_loop3A_254 = arith.index_cast %parallel_loop3A_243 : i32 to index
        %parallel_loop3A_255 = arith.constant 16 : index
        %parallel_loop3A_256 = tpu.vector_load %arg11[%parallel_loop3A_254, %parallel_loop3A_255] {strides = array<i32>} : memref<400x64xf32, #tpu.memory_space<vmem>>, vector<1x16xf32>,
        %parallel_loop3A_257 = vector.shape_cast %parallel_loop3A_256 : vector<1x16xf32> to vector<16xf32>
        %parallel_loop3A_258 = arith.mulf %parallel_loop3A_257, %parallel_loop3A_239 : vector<16xf32>
        %parallel_loop3A_259 = arith.index_cast %parallel_loop3A_243 : i32 to index
        %parallel_loop3A_260 = arith.constant 16 : index
        %parallel_loop3A_261 = tpu.vector_load %arg11[%parallel_loop3A_259, %parallel_loop3A_260] {strides = array<i32>} : memref<400x64xf32, #tpu.memory_space<vmem>>, vector<1x16xf32>,
        %parallel_loop3A_262 = vector.shape_cast %parallel_loop3A_261 : vector<1x16xf32> to vector<16xf32>
        %parallel_loop3A_263 = vector.shape_cast %parallel_loop3A_258 : vector<16xf32> to vector<1x16xf32>
        tpu.vector_store %arg11[%parallel_loop3A_259, %parallel_loop3A_260], %parallel_loop3A_263 {strides = array<i32>} : memref<400x64xf32, #tpu.memory_space<vmem>>, vector<1x16xf32>,
        %parallel_loop3A_264 = arith.index_cast %parallel_loop3A_243 : i32 to index
        %parallel_loop3A_265 = arith.constant 32 : index
        %parallel_loop3A_266 = tpu.vector_load %arg11[%parallel_loop3A_264, %parallel_loop3A_265] {strides = array<i32>} : memref<400x64xf32, #tpu.memory_space<vmem>>, vector<1x16xf32>,
        %parallel_loop3A_267 = vector.shape_cast %parallel_loop3A_266 : vector<1x16xf32> to vector<16xf32>
        %parallel_loop3A_268 = arith.mulf %parallel_loop3A_267, %parallel_loop3A_239 : vector<16xf32>
        %parallel_loop3A_269 = arith.index_cast %parallel_loop3A_243 : i32 to index
        %parallel_loop3A_270 = arith.constant 32 : index
        %parallel_loop3A_271 = tpu.vector_load %arg11[%parallel_loop3A_269, %parallel_loop3A_270] {strides = array<i32>} : memref<400x64xf32, #tpu.memory_space<vmem>>, vector<1x16xf32>,
        %parallel_loop3A_272 = vector.shape_cast %parallel_loop3A_271 : vector<1x16xf32> to vector<16xf32>
        %parallel_loop3A_273 = vector.shape_cast %parallel_loop3A_268 : vector<16xf32> to vector<1x16xf32>
        tpu.vector_store %arg11[%parallel_loop3A_269, %parallel_loop3A_270], %parallel_loop3A_273 {strides = array<i32>} : memref<400x64xf32, #tpu.memory_space<vmem>>, vector<1x16xf32>,
        %parallel_loop3A_274 = arith.index_cast %parallel_loop3A_243 : i32 to index
        %parallel_loop3A_275 = arith.constant 48 : index
        %parallel_loop3A_276 = tpu.vector_load %arg11[%parallel_loop3A_274, %parallel_loop3A_275] {strides = array<i32>} : memref<400x64xf32, #tpu.memory_space<vmem>>, vector<1x16xf32>,
        %parallel_loop3A_277 = vector.shape_cast %parallel_loop3A_276 : vector<1x16xf32> to vector<16xf32>
        %parallel_loop3A_278 = arith.mulf %parallel_loop3A_277, %parallel_loop3A_239 : vector<16xf32>
        %parallel_loop3A_279 = arith.index_cast %parallel_loop3A_243 : i32 to index
        %parallel_loop3A_280 = arith.constant 48 : index
        %parallel_loop3A_281 = tpu.vector_load %arg11[%parallel_loop3A_279, %parallel_loop3A_280] {strides = array<i32>} : memref<400x64xf32, #tpu.memory_space<vmem>>, vector<1x16xf32>,
        %parallel_loop3A_282 = vector.shape_cast %parallel_loop3A_281 : vector<1x16xf32> to vector<16xf32>
        %parallel_loop3A_283 = vector.shape_cast %parallel_loop3A_278 : vector<16xf32> to vector<1x16xf32>
        tpu.vector_store %arg11[%parallel_loop3A_279, %parallel_loop3A_280], %parallel_loop3A_283 {strides = array<i32>} : memref<400x64xf32, #tpu.memory_space<vmem>>, vector<1x16xf32>,
        %parallel_loop3A_284 = vector.extract_strided_slice %parallel_loop3A_139 {offsets = [3], sizes = [1], strides = [1]} : vector<16xi32> to vector<1xi32>
        %parallel_loop3A_285 = vector.extract %parallel_loop3A_284[0] : i32 from vector<1xi32>
        %parallel_loop3A_286 = arith.bitcast %parallel_loop3A_285 : i32 to f32
        %parallel_loop3A_287 = vector.broadcast %parallel_loop3A_286 : f32 to vector<16xf32>
        %parallel_loop3A_288 = arith.constant 16 : i32
        %parallel_loop3A_289 = arith.muli %parallel_loop3A_132, %parallel_loop3A_288 : i32
        %parallel_loop3A_290 = arith.constant 3 : i32
        %parallel_loop3A_291 = arith.addi %parallel_loop3A_289, %parallel_loop3A_290 : i32
        %parallel_loop3A_292 = arith.index_cast %parallel_loop3A_291 : i32 to index
        %parallel_loop3A_293 = arith.constant 0 : index
        %parallel_loop3A_294 = tpu.vector_load %arg11[%parallel_loop3A_292, %parallel_loop3A_293] {strides = array<i32>} : memref<400x64xf32, #tpu.memory_space<vmem>>, vector<1x16xf32>,
        %parallel_loop3A_295 = vector.shape_cast %parallel_loop3A_294 : vector<1x16xf32> to vector<16xf32>
        %parallel_loop3A_296 = arith.mulf %parallel_loop3A_295, %parallel_loop3A_287 : vector<16xf32>
        %parallel_loop3A_297 = arith.index_cast %parallel_loop3A_291 : i32 to index
        %parallel_loop3A_298 = arith.constant 0 : index
        %parallel_loop3A_299 = tpu.vector_load %arg11[%parallel_loop3A_297, %parallel_loop3A_298] {strides = array<i32>} : memref<400x64xf32, #tpu.memory_space<vmem>>, vector<1x16xf32>,
        %parallel_loop3A_300 = vector.shape_cast %parallel_loop3A_299 : vector<1x16xf32> to vector<16xf32>
        %parallel_loop3A_301 = vector.shape_cast %parallel_loop3A_296 : vector<16xf32> to vector<1x16xf32>
        tpu.vector_store %arg11[%parallel_loop3A_297, %parallel_loop3A_298], %parallel_loop3A_301 {strides = array<i32>} : memref<400x64xf32, #tpu.memory_space<vmem>>, vector<1x16xf32>,
        %parallel_loop3A_302 = arith.index_cast %parallel_loop3A_291 : i32 to index
        %parallel_loop3A_303 = arith.constant 16 : index
        %parallel_loop3A_304 = tpu.vector_load %arg11[%parallel_loop3A_302, %parallel_loop3A_303] {strides = array<i32>} : memref<400x64xf32, #tpu.memory_space<vmem>>, vector<1x16xf32>,
        %parallel_loop3A_305 = vector.shape_cast %parallel_loop3A_304 : vector<1x16xf32> to vector<16xf32>
        %parallel_loop3A_306 = arith.mulf %parallel_loop3A_305, %parallel_loop3A_287 : vector<16xf32>
        %parallel_loop3A_307 = arith.index_cast %parallel_loop3A_291 : i32 to index
        %parallel_loop3A_308 = arith.constant 16 : index
        %parallel_loop3A_309 = tpu.vector_load %arg11[%parallel_loop3A_307, %parallel_loop3A_308] {strides = array<i32>} : memref<400x64xf32, #tpu.memory_space<vmem>>, vector<1x16xf32>,
        %parallel_loop3A_310 = vector.shape_cast %parallel_loop3A_309 : vector<1x16xf32> to vector<16xf32>
        %parallel_loop3A_311 = vector.shape_cast %parallel_loop3A_306 : vector<16xf32> to vector<1x16xf32>
        tpu.vector_store %arg11[%parallel_loop3A_307, %parallel_loop3A_308], %parallel_loop3A_311 {strides = array<i32>} : memref<400x64xf32, #tpu.memory_space<vmem>>, vector<1x16xf32>,
        %parallel_loop3A_312 = arith.index_cast %parallel_loop3A_291 : i32 to index
        %parallel_loop3A_313 = arith.constant 32 : index
        %parallel_loop3A_314 = tpu.vector_load %arg11[%parallel_loop3A_312, %parallel_loop3A_313] {strides = array<i32>} : memref<400x64xf32, #tpu.memory_space<vmem>>, vector<1x16xf32>,
        %parallel_loop3A_315 = vector.shape_cast %parallel_loop3A_314 : vector<1x16xf32> to vector<16xf32>
        %parallel_loop3A_316 = arith.mulf %parallel_loop3A_315, %parallel_loop3A_287 : vector<16xf32>
        %parallel_loop3A_317 = arith.index_cast %parallel_loop3A_291 : i32 to index
        %parallel_loop3A_318 = arith.constant 32 : index
        %parallel_loop3A_319 = tpu.vector_load %arg11[%parallel_loop3A_317, %parallel_loop3A_318] {strides = array<i32>} : memref<400x64xf32, #tpu.memory_space<vmem>>, vector<1x16xf32>,
        %parallel_loop3A_320 = vector.shape_cast %parallel_loop3A_319 : vector<1x16xf32> to vector<16xf32>
        %parallel_loop3A_321 = vector.shape_cast %parallel_loop3A_316 : vector<16xf32> to vector<1x16xf32>
        tpu.vector_store %arg11[%parallel_loop3A_317, %parallel_loop3A_318], %parallel_loop3A_321 {strides = array<i32>} : memref<400x64xf32, #tpu.memory_space<vmem>>, vector<1x16xf32>,
        %parallel_loop3A_322 = arith.index_cast %parallel_loop3A_291 : i32 to index
        %parallel_loop3A_323 = arith.constant 48 : index
        %parallel_loop3A_324 = tpu.vector_load %arg11[%parallel_loop3A_322, %parallel_loop3A_323] {strides = array<i32>} : memref<400x64xf32, #tpu.memory_space<vmem>>, vector<1x16xf32>,
        %parallel_loop3A_325 = vector.shape_cast %parallel_loop3A_324 : vector<1x16xf32> to vector<16xf32>
        %parallel_loop3A_326 = arith.mulf %parallel_loop3A_325, %parallel_loop3A_287 : vector<16xf32>
        %parallel_loop3A_327 = arith.index_cast %parallel_loop3A_291 : i32 to index
        %parallel_loop3A_328 = arith.constant 48 : index
        %parallel_loop3A_329 = tpu.vector_load %arg11[%parallel_loop3A_327, %parallel_loop3A_328] {strides = array<i32>} : memref<400x64xf32, #tpu.memory_space<vmem>>, vector<1x16xf32>,
        %parallel_loop3A_330 = vector.shape_cast %parallel_loop3A_329 : vector<1x16xf32> to vector<16xf32>
        %parallel_loop3A_331 = vector.shape_cast %parallel_loop3A_326 : vector<16xf32> to vector<1x16xf32>
        tpu.vector_store %arg11[%parallel_loop3A_327, %parallel_loop3A_328], %parallel_loop3A_331 {strides = array<i32>} : memref<400x64xf32, #tpu.memory_space<vmem>>, vector<1x16xf32>,
        %parallel_loop3A_332 = vector.extract_strided_slice %parallel_loop3A_139 {offsets = [4], sizes = [1], strides = [1]} : vector<16xi32> to vector<1xi32>
        %parallel_loop3A_333 = vector.extract %parallel_loop3A_332[0] : i32 from vector<1xi32>
        %parallel_loop3A_334 = arith.bitcast %parallel_loop3A_333 : i32 to f32
        %parallel_loop3A_335 = vector.broadcast %parallel_loop3A_334 : f32 to vector<16xf32>
        %parallel_loop3A_336 = arith.constant 16 : i32
        %parallel_loop3A_337 = arith.muli %parallel_loop3A_132, %parallel_loop3A_336 : i32
        %parallel_loop3A_338 = arith.constant 4 : i32
        %parallel_loop3A_339 = arith.addi %parallel_loop3A_337, %parallel_loop3A_338 : i32
        %parallel_loop3A_340 = arith.index_cast %parallel_loop3A_339 : i32 to index
        %parallel_loop3A_341 = arith.constant 0 : index
        %parallel_loop3A_342 = tpu.vector_load %arg11[%parallel_loop3A_340, %parallel_loop3A_341] {strides = array<i32>} : memref<400x64xf32, #tpu.memory_space<vmem>>, vector<1x16xf32>,
        %parallel_loop3A_343 = vector.shape_cast %parallel_loop3A_342 : vector<1x16xf32> to vector<16xf32>
        %parallel_loop3A_344 = arith.mulf %parallel_loop3A_343, %parallel_loop3A_335 : vector<16xf32>
        %parallel_loop3A_345 = arith.index_cast %parallel_loop3A_339 : i32 to index
        %parallel_loop3A_346 = arith.constant 0 : index
        %parallel_loop3A_347 = tpu.vector_load %arg11[%parallel_loop3A_345, %parallel_loop3A_346] {strides = array<i32>} : memref<400x64xf32, #tpu.memory_space<vmem>>, vector<1x16xf32>,
        %parallel_loop3A_348 = vector.shape_cast %parallel_loop3A_347 : vector<1x16xf32> to vector<16xf32>
        %parallel_loop3A_349 = vector.shape_cast %parallel_loop3A_344 : vector<16xf32> to vector<1x16xf32>
        tpu.vector_store %arg11[%parallel_loop3A_345, %parallel_loop3A_346], %parallel_loop3A_349 {strides = array<i32>} : memref<400x64xf32, #tpu.memory_space<vmem>>, vector<1x16xf32>,
        %parallel_loop3A_350 = arith.index_cast %parallel_loop3A_339 : i32 to index
        %parallel_loop3A_351 = arith.constant 16 : index
        %parallel_loop3A_352 = tpu.vector_load %arg11[%parallel_loop3A_350, %parallel_loop3A_351] {strides = array<i32>} : memref<400x64xf32, #tpu.memory_space<vmem>>, vector<1x16xf32>,
        %parallel_loop3A_353 = vector.shape_cast %parallel_loop3A_352 : vector<1x16xf32> to vector<16xf32>
        %parallel_loop3A_354 = arith.mulf %parallel_loop3A_353, %parallel_loop3A_335 : vector<16xf32>
        %parallel_loop3A_355 = arith.index_cast %parallel_loop3A_339 : i32 to index
        %parallel_loop3A_356 = arith.constant 16 : index
        %parallel_loop3A_357 = tpu.vector_load %arg11[%parallel_loop3A_355, %parallel_loop3A_356] {strides = array<i32>} : memref<400x64xf32, #tpu.memory_space<vmem>>, vector<1x16xf32>,
        %parallel_loop3A_358 = vector.shape_cast %parallel_loop3A_357 : vector<1x16xf32> to vector<16xf32>
        %parallel_loop3A_359 = vector.shape_cast %parallel_loop3A_354 : vector<16xf32> to vector<1x16xf32>
        tpu.vector_store %arg11[%parallel_loop3A_355, %parallel_loop3A_356], %parallel_loop3A_359 {strides = array<i32>} : memref<400x64xf32, #tpu.memory_space<vmem>>, vector<1x16xf32>,
        %parallel_loop3A_360 = arith.index_cast %parallel_loop3A_339 : i32 to index
        %parallel_loop3A_361 = arith.constant 32 : index
        %parallel_loop3A_362 = tpu.vector_load %arg11[%parallel_loop3A_360, %parallel_loop3A_361] {strides = array<i32>} : memref<400x64xf32, #tpu.memory_space<vmem>>, vector<1x16xf32>,
        %parallel_loop3A_363 = vector.shape_cast %parallel_loop3A_362 : vector<1x16xf32> to vector<16xf32>
        %parallel_loop3A_364 = arith.mulf %parallel_loop3A_363, %parallel_loop3A_335 : vector<16xf32>
        %parallel_loop3A_365 = arith.index_cast %parallel_loop3A_339 : i32 to index
        %parallel_loop3A_366 = arith.constant 32 : index
        %parallel_loop3A_367 = tpu.vector_load %arg11[%parallel_loop3A_365, %parallel_loop3A_366] {strides = array<i32>} : memref<400x64xf32, #tpu.memory_space<vmem>>, vector<1x16xf32>,
        %parallel_loop3A_368 = vector.shape_cast %parallel_loop3A_367 : vector<1x16xf32> to vector<16xf32>
        %parallel_loop3A_369 = vector.shape_cast %parallel_loop3A_364 : vector<16xf32> to vector<1x16xf32>
        tpu.vector_store %arg11[%parallel_loop3A_365, %parallel_loop3A_366], %parallel_loop3A_369 {strides = array<i32>} : memref<400x64xf32, #tpu.memory_space<vmem>>, vector<1x16xf32>,
        %parallel_loop3A_370 = arith.index_cast %parallel_loop3A_339 : i32 to index
        %parallel_loop3A_371 = arith.constant 48 : index
        %parallel_loop3A_372 = tpu.vector_load %arg11[%parallel_loop3A_370, %parallel_loop3A_371] {strides = array<i32>} : memref<400x64xf32, #tpu.memory_space<vmem>>, vector<1x16xf32>,
        %parallel_loop3A_373 = vector.shape_cast %parallel_loop3A_372 : vector<1x16xf32> to vector<16xf32>
        %parallel_loop3A_374 = arith.mulf %parallel_loop3A_373, %parallel_loop3A_335 : vector<16xf32>
        %parallel_loop3A_375 = arith.index_cast %parallel_loop3A_339 : i32 to index
        %parallel_loop3A_376 = arith.constant 48 : index
        %parallel_loop3A_377 = tpu.vector_load %arg11[%parallel_loop3A_375, %parallel_loop3A_376] {strides = array<i32>} : memref<400x64xf32, #tpu.memory_space<vmem>>, vector<1x16xf32>,
        %parallel_loop3A_378 = vector.shape_cast %parallel_loop3A_377 : vector<1x16xf32> to vector<16xf32>
        %parallel_loop3A_379 = vector.shape_cast %parallel_loop3A_374 : vector<16xf32> to vector<1x16xf32>
        tpu.vector_store %arg11[%parallel_loop3A_375, %parallel_loop3A_376], %parallel_loop3A_379 {strides = array<i32>} : memref<400x64xf32, #tpu.memory_space<vmem>>, vector<1x16xf32>,
        %parallel_loop3A_380 = vector.extract_strided_slice %parallel_loop3A_139 {offsets = [5], sizes = [1], strides = [1]} : vector<16xi32> to vector<1xi32>
        %parallel_loop3A_381 = vector.extract %parallel_loop3A_380[0] : i32 from vector<1xi32>
        %parallel_loop3A_382 = arith.bitcast %parallel_loop3A_381 : i32 to f32
        %parallel_loop3A_383 = vector.broadcast %parallel_loop3A_382 : f32 to vector<16xf32>
        %parallel_loop3A_384 = arith.constant 16 : i32
        %parallel_loop3A_385 = arith.muli %parallel_loop3A_132, %parallel_loop3A_384 : i32
        %parallel_loop3A_386 = arith.constant 5 : i32
        %parallel_loop3A_387 = arith.addi %parallel_loop3A_385, %parallel_loop3A_386 : i32
        %parallel_loop3A_388 = arith.index_cast %parallel_loop3A_387 : i32 to index
        %parallel_loop3A_389 = arith.constant 0 : index
        %parallel_loop3A_390 = tpu.vector_load %arg11[%parallel_loop3A_388, %parallel_loop3A_389] {strides = array<i32>} : memref<400x64xf32, #tpu.memory_space<vmem>>, vector<1x16xf32>,
        %parallel_loop3A_391 = vector.shape_cast %parallel_loop3A_390 : vector<1x16xf32> to vector<16xf32>
        %parallel_loop3A_392 = arith.mulf %parallel_loop3A_391, %parallel_loop3A_383 : vector<16xf32>
        %parallel_loop3A_393 = arith.index_cast %parallel_loop3A_387 : i32 to index
        %parallel_loop3A_394 = arith.constant 0 : index
        %parallel_loop3A_395 = tpu.vector_load %arg11[%parallel_loop3A_393, %parallel_loop3A_394] {strides = array<i32>} : memref<400x64xf32, #tpu.memory_space<vmem>>, vector<1x16xf32>,
        %parallel_loop3A_396 = vector.shape_cast %parallel_loop3A_395 : vector<1x16xf32> to vector<16xf32>
        %parallel_loop3A_397 = vector.shape_cast %parallel_loop3A_392 : vector<16xf32> to vector<1x16xf32>
        tpu.vector_store %arg11[%parallel_loop3A_393, %parallel_loop3A_394], %parallel_loop3A_397 {strides = array<i32>} : memref<400x64xf32, #tpu.memory_space<vmem>>, vector<1x16xf32>,
        %parallel_loop3A_398 = arith.index_cast %parallel_loop3A_387 : i32 to index
        %parallel_loop3A_399 = arith.constant 16 : index
        %parallel_loop3A_400 = tpu.vector_load %arg11[%parallel_loop3A_398, %parallel_loop3A_399] {strides = array<i32>} : memref<400x64xf32, #tpu.memory_space<vmem>>, vector<1x16xf32>,
        %parallel_loop3A_401 = vector.shape_cast %parallel_loop3A_400 : vector<1x16xf32> to vector<16xf32>
        %parallel_loop3A_402 = arith.mulf %parallel_loop3A_401, %parallel_loop3A_383 : vector<16xf32>
        %parallel_loop3A_403 = arith.index_cast %parallel_loop3A_387 : i32 to index
        %parallel_loop3A_404 = arith.constant 16 : index
        %parallel_loop3A_405 = tpu.vector_load %arg11[%parallel_loop3A_403, %parallel_loop3A_404] {strides = array<i32>} : memref<400x64xf32, #tpu.memory_space<vmem>>, vector<1x16xf32>,
        %parallel_loop3A_406 = vector.shape_cast %parallel_loop3A_405 : vector<1x16xf32> to vector<16xf32>
        %parallel_loop3A_407 = vector.shape_cast %parallel_loop3A_402 : vector<16xf32> to vector<1x16xf32>
        tpu.vector_store %arg11[%parallel_loop3A_403, %parallel_loop3A_404], %parallel_loop3A_407 {strides = array<i32>} : memref<400x64xf32, #tpu.memory_space<vmem>>, vector<1x16xf32>,
        %parallel_loop3A_408 = arith.index_cast %parallel_loop3A_387 : i32 to index
        %parallel_loop3A_409 = arith.constant 32 : index
        %parallel_loop3A_410 = tpu.vector_load %arg11[%parallel_loop3A_408, %parallel_loop3A_409] {strides = array<i32>} : memref<400x64xf32, #tpu.memory_space<vmem>>, vector<1x16xf32>,
        %parallel_loop3A_411 = vector.shape_cast %parallel_loop3A_410 : vector<1x16xf32> to vector<16xf32>
        %parallel_loop3A_412 = arith.mulf %parallel_loop3A_411, %parallel_loop3A_383 : vector<16xf32>
        %parallel_loop3A_413 = arith.index_cast %parallel_loop3A_387 : i32 to index
        %parallel_loop3A_414 = arith.constant 32 : index
        %parallel_loop3A_415 = tpu.vector_load %arg11[%parallel_loop3A_413, %parallel_loop3A_414] {strides = array<i32>} : memref<400x64xf32, #tpu.memory_space<vmem>>, vector<1x16xf32>,
        %parallel_loop3A_416 = vector.shape_cast %parallel_loop3A_415 : vector<1x16xf32> to vector<16xf32>
        %parallel_loop3A_417 = vector.shape_cast %parallel_loop3A_412 : vector<16xf32> to vector<1x16xf32>
        tpu.vector_store %arg11[%parallel_loop3A_413, %parallel_loop3A_414], %parallel_loop3A_417 {strides = array<i32>} : memref<400x64xf32, #tpu.memory_space<vmem>>, vector<1x16xf32>,
        %parallel_loop3A_418 = arith.index_cast %parallel_loop3A_387 : i32 to index
        %parallel_loop3A_419 = arith.constant 48 : index
        %parallel_loop3A_420 = tpu.vector_load %arg11[%parallel_loop3A_418, %parallel_loop3A_419] {strides = array<i32>} : memref<400x64xf32, #tpu.memory_space<vmem>>, vector<1x16xf32>,
        %parallel_loop3A_421 = vector.shape_cast %parallel_loop3A_420 : vector<1x16xf32> to vector<16xf32>
        %parallel_loop3A_422 = arith.mulf %parallel_loop3A_421, %parallel_loop3A_383 : vector<16xf32>
        %parallel_loop3A_423 = arith.index_cast %parallel_loop3A_387 : i32 to index
        %parallel_loop3A_424 = arith.constant 48 : index
        %parallel_loop3A_425 = tpu.vector_load %arg11[%parallel_loop3A_423, %parallel_loop3A_424] {strides = array<i32>} : memref<400x64xf32, #tpu.memory_space<vmem>>, vector<1x16xf32>,
        %parallel_loop3A_426 = vector.shape_cast %parallel_loop3A_425 : vector<1x16xf32> to vector<16xf32>
        %parallel_loop3A_427 = vector.shape_cast %parallel_loop3A_422 : vector<16xf32> to vector<1x16xf32>
        tpu.vector_store %arg11[%parallel_loop3A_423, %parallel_loop3A_424], %parallel_loop3A_427 {strides = array<i32>} : memref<400x64xf32, #tpu.memory_space<vmem>>, vector<1x16xf32>,
        %parallel_loop3A_428 = vector.extract_strided_slice %parallel_loop3A_139 {offsets = [6], sizes = [1], strides = [1]} : vector<16xi32> to vector<1xi32>
        %parallel_loop3A_429 = vector.extract %parallel_loop3A_428[0] : i32 from vector<1xi32>
        %parallel_loop3A_430 = arith.bitcast %parallel_loop3A_429 : i32 to f32
        %parallel_loop3A_431 = vector.broadcast %parallel_loop3A_430 : f32 to vector<16xf32>
        %parallel_loop3A_432 = arith.constant 16 : i32
        %parallel_loop3A_433 = arith.muli %parallel_loop3A_132, %parallel_loop3A_432 : i32
        %parallel_loop3A_434 = arith.constant 6 : i32
        %parallel_loop3A_435 = arith.addi %parallel_loop3A_433, %parallel_loop3A_434 : i32
        %parallel_loop3A_436 = arith.index_cast %parallel_loop3A_435 : i32 to index
        %parallel_loop3A_437 = arith.constant 0 : index
        %parallel_loop3A_438 = tpu.vector_load %arg11[%parallel_loop3A_436, %parallel_loop3A_437] {strides = array<i32>} : memref<400x64xf32, #tpu.memory_space<vmem>>, vector<1x16xf32>,
        %parallel_loop3A_439 = vector.shape_cast %parallel_loop3A_438 : vector<1x16xf32> to vector<16xf32>
        %parallel_loop3A_440 = arith.mulf %parallel_loop3A_439, %parallel_loop3A_431 : vector<16xf32>
        %parallel_loop3A_441 = arith.index_cast %parallel_loop3A_435 : i32 to index
        %parallel_loop3A_442 = arith.constant 0 : index
        %parallel_loop3A_443 = tpu.vector_load %arg11[%parallel_loop3A_441, %parallel_loop3A_442] {strides = array<i32>} : memref<400x64xf32, #tpu.memory_space<vmem>>, vector<1x16xf32>,
        %parallel_loop3A_444 = vector.shape_cast %parallel_loop3A_443 : vector<1x16xf32> to vector<16xf32>
        %parallel_loop3A_445 = vector.shape_cast %parallel_loop3A_440 : vector<16xf32> to vector<1x16xf32>
        tpu.vector_store %arg11[%parallel_loop3A_441, %parallel_loop3A_442], %parallel_loop3A_445 {strides = array<i32>} : memref<400x64xf32, #tpu.memory_space<vmem>>, vector<1x16xf32>,
        %parallel_loop3A_446 = arith.index_cast %parallel_loop3A_435 : i32 to index
        %parallel_loop3A_447 = arith.constant 16 : index
        %parallel_loop3A_448 = tpu.vector_load %arg11[%parallel_loop3A_446, %parallel_loop3A_447] {strides = array<i32>} : memref<400x64xf32, #tpu.memory_space<vmem>>, vector<1x16xf32>,
        %parallel_loop3A_449 = vector.shape_cast %parallel_loop3A_448 : vector<1x16xf32> to vector<16xf32>
        %parallel_loop3A_450 = arith.mulf %parallel_loop3A_449, %parallel_loop3A_431 : vector<16xf32>
        %parallel_loop3A_451 = arith.index_cast %parallel_loop3A_435 : i32 to index
        %parallel_loop3A_452 = arith.constant 16 : index
        %parallel_loop3A_453 = tpu.vector_load %arg11[%parallel_loop3A_451, %parallel_loop3A_452] {strides = array<i32>} : memref<400x64xf32, #tpu.memory_space<vmem>>, vector<1x16xf32>,
        %parallel_loop3A_454 = vector.shape_cast %parallel_loop3A_453 : vector<1x16xf32> to vector<16xf32>
        %parallel_loop3A_455 = vector.shape_cast %parallel_loop3A_450 : vector<16xf32> to vector<1x16xf32>
        tpu.vector_store %arg11[%parallel_loop3A_451, %parallel_loop3A_452], %parallel_loop3A_455 {strides = array<i32>} : memref<400x64xf32, #tpu.memory_space<vmem>>, vector<1x16xf32>,
        %parallel_loop3A_456 = arith.index_cast %parallel_loop3A_435 : i32 to index
        %parallel_loop3A_457 = arith.constant 32 : index
        %parallel_loop3A_458 = tpu.vector_load %arg11[%parallel_loop3A_456, %parallel_loop3A_457] {strides = array<i32>} : memref<400x64xf32, #tpu.memory_space<vmem>>, vector<1x16xf32>,
        %parallel_loop3A_459 = vector.shape_cast %parallel_loop3A_458 : vector<1x16xf32> to vector<16xf32>
        %parallel_loop3A_460 = arith.mulf %parallel_loop3A_459, %parallel_loop3A_431 : vector<16xf32>
        %parallel_loop3A_461 = arith.index_cast %parallel_loop3A_435 : i32 to index
        %parallel_loop3A_462 = arith.constant 32 : index
        %parallel_loop3A_463 = tpu.vector_load %arg11[%parallel_loop3A_461, %parallel_loop3A_462] {strides = array<i32>} : memref<400x64xf32, #tpu.memory_space<vmem>>, vector<1x16xf32>,
        %parallel_loop3A_464 = vector.shape_cast %parallel_loop3A_463 : vector<1x16xf32> to vector<16xf32>
        %parallel_loop3A_465 = vector.shape_cast %parallel_loop3A_460 : vector<16xf32> to vector<1x16xf32>
        tpu.vector_store %arg11[%parallel_loop3A_461, %parallel_loop3A_462], %parallel_loop3A_465 {strides = array<i32>} : memref<400x64xf32, #tpu.memory_space<vmem>>, vector<1x16xf32>,
        %parallel_loop3A_466 = arith.index_cast %parallel_loop3A_435 : i32 to index
        %parallel_loop3A_467 = arith.constant 48 : index
        %parallel_loop3A_468 = tpu.vector_load %arg11[%parallel_loop3A_466, %parallel_loop3A_467] {strides = array<i32>} : memref<400x64xf32, #tpu.memory_space<vmem>>, vector<1x16xf32>,
        %parallel_loop3A_469 = vector.shape_cast %parallel_loop3A_468 : vector<1x16xf32> to vector<16xf32>
        %parallel_loop3A_470 = arith.mulf %parallel_loop3A_469, %parallel_loop3A_431 : vector<16xf32>
        %parallel_loop3A_471 = arith.index_cast %parallel_loop3A_435 : i32 to index
        %parallel_loop3A_472 = arith.constant 48 : index
        %parallel_loop3A_473 = tpu.vector_load %arg11[%parallel_loop3A_471, %parallel_loop3A_472] {strides = array<i32>} : memref<400x64xf32, #tpu.memory_space<vmem>>, vector<1x16xf32>,
        %parallel_loop3A_474 = vector.shape_cast %parallel_loop3A_473 : vector<1x16xf32> to vector<16xf32>
        %parallel_loop3A_475 = vector.shape_cast %parallel_loop3A_470 : vector<16xf32> to vector<1x16xf32>
        tpu.vector_store %arg11[%parallel_loop3A_471, %parallel_loop3A_472], %parallel_loop3A_475 {strides = array<i32>} : memref<400x64xf32, #tpu.memory_space<vmem>>, vector<1x16xf32>,
        %parallel_loop3A_476 = vector.extract_strided_slice %parallel_loop3A_139 {offsets = [7], sizes = [1], strides = [1]} : vector<16xi32> to vector<1xi32>
        %parallel_loop3A_477 = vector.extract %parallel_loop3A_476[0] : i32 from vector<1xi32>
        %parallel_loop3A_478 = arith.bitcast %parallel_loop3A_477 : i32 to f32
        %parallel_loop3A_479 = vector.broadcast %parallel_loop3A_478 : f32 to vector<16xf32>
        %parallel_loop3A_480 = arith.constant 16 : i32
        %parallel_loop3A_481 = arith.muli %parallel_loop3A_132, %parallel_loop3A_480 : i32
        %parallel_loop3A_482 = arith.constant 7 : i32
        %parallel_loop3A_483 = arith.addi %parallel_loop3A_481, %parallel_loop3A_482 : i32
        %parallel_loop3A_484 = arith.index_cast %parallel_loop3A_483 : i32 to index
        %parallel_loop3A_485 = arith.constant 0 : index
        %parallel_loop3A_486 = tpu.vector_load %arg11[%parallel_loop3A_484, %parallel_loop3A_485] {strides = array<i32>} : memref<400x64xf32, #tpu.memory_space<vmem>>, vector<1x16xf32>,
        %parallel_loop3A_487 = vector.shape_cast %parallel_loop3A_486 : vector<1x16xf32> to vector<16xf32>
        %parallel_loop3A_488 = arith.mulf %parallel_loop3A_487, %parallel_loop3A_479 : vector<16xf32>
        %parallel_loop3A_489 = arith.index_cast %parallel_loop3A_483 : i32 to index
        %parallel_loop3A_490 = arith.constant 0 : index
        %parallel_loop3A_491 = tpu.vector_load %arg11[%parallel_loop3A_489, %parallel_loop3A_490] {strides = array<i32>} : memref<400x64xf32, #tpu.memory_space<vmem>>, vector<1x16xf32>,
        %parallel_loop3A_492 = vector.shape_cast %parallel_loop3A_491 : vector<1x16xf32> to vector<16xf32>
        %parallel_loop3A_493 = vector.shape_cast %parallel_loop3A_488 : vector<16xf32> to vector<1x16xf32>
        tpu.vector_store %arg11[%parallel_loop3A_489, %parallel_loop3A_490], %parallel_loop3A_493 {strides = array<i32>} : memref<400x64xf32, #tpu.memory_space<vmem>>, vector<1x16xf32>,
        %parallel_loop3A_494 = arith.index_cast %parallel_loop3A_483 : i32 to index
        %parallel_loop3A_495 = arith.constant 16 : index
        %parallel_loop3A_496 = tpu.vector_load %arg11[%parallel_loop3A_494, %parallel_loop3A_495] {strides = array<i32>} : memref<400x64xf32, #tpu.memory_space<vmem>>, vector<1x16xf32>,
        %parallel_loop3A_497 = vector.shape_cast %parallel_loop3A_496 : vector<1x16xf32> to vector<16xf32>
        %parallel_loop3A_498 = arith.mulf %parallel_loop3A_497, %parallel_loop3A_479 : vector<16xf32>
        %parallel_loop3A_499 = arith.index_cast %parallel_loop3A_483 : i32 to index
        %parallel_loop3A_500 = arith.constant 16 : index
        %parallel_loop3A_501 = tpu.vector_load %arg11[%parallel_loop3A_499, %parallel_loop3A_500] {strides = array<i32>} : memref<400x64xf32, #tpu.memory_space<vmem>>, vector<1x16xf32>,
        %parallel_loop3A_502 = vector.shape_cast %parallel_loop3A_501 : vector<1x16xf32> to vector<16xf32>
        %parallel_loop3A_503 = vector.shape_cast %parallel_loop3A_498 : vector<16xf32> to vector<1x16xf32>
        tpu.vector_store %arg11[%parallel_loop3A_499, %parallel_loop3A_500], %parallel_loop3A_503 {strides = array<i32>} : memref<400x64xf32, #tpu.memory_space<vmem>>, vector<1x16xf32>,
        %parallel_loop3A_504 = arith.index_cast %parallel_loop3A_483 : i32 to index
        %parallel_loop3A_505 = arith.constant 32 : index
        %parallel_loop3A_506 = tpu.vector_load %arg11[%parallel_loop3A_504, %parallel_loop3A_505] {strides = array<i32>} : memref<400x64xf32, #tpu.memory_space<vmem>>, vector<1x16xf32>,
        %parallel_loop3A_507 = vector.shape_cast %parallel_loop3A_506 : vector<1x16xf32> to vector<16xf32>
        %parallel_loop3A_508 = arith.mulf %parallel_loop3A_507, %parallel_loop3A_479 : vector<16xf32>
        %parallel_loop3A_509 = arith.index_cast %parallel_loop3A_483 : i32 to index
        %parallel_loop3A_510 = arith.constant 32 : index
        %parallel_loop3A_511 = tpu.vector_load %arg11[%parallel_loop3A_509, %parallel_loop3A_510] {strides = array<i32>} : memref<400x64xf32, #tpu.memory_space<vmem>>, vector<1x16xf32>,
        %parallel_loop3A_512 = vector.shape_cast %parallel_loop3A_511 : vector<1x16xf32> to vector<16xf32>
        %parallel_loop3A_513 = vector.shape_cast %parallel_loop3A_508 : vector<16xf32> to vector<1x16xf32>
        tpu.vector_store %arg11[%parallel_loop3A_509, %parallel_loop3A_510], %parallel_loop3A_513 {strides = array<i32>} : memref<400x64xf32, #tpu.memory_space<vmem>>, vector<1x16xf32>,
        %parallel_loop3A_514 = arith.index_cast %parallel_loop3A_483 : i32 to index
        %parallel_loop3A_515 = arith.constant 48 : index
        %parallel_loop3A_516 = tpu.vector_load %arg11[%parallel_loop3A_514, %parallel_loop3A_515] {strides = array<i32>} : memref<400x64xf32, #tpu.memory_space<vmem>>, vector<1x16xf32>,
        %parallel_loop3A_517 = vector.shape_cast %parallel_loop3A_516 : vector<1x16xf32> to vector<16xf32>
        %parallel_loop3A_518 = arith.mulf %parallel_loop3A_517, %parallel_loop3A_479 : vector<16xf32>
        %parallel_loop3A_519 = arith.index_cast %parallel_loop3A_483 : i32 to index
        %parallel_loop3A_520 = arith.constant 48 : index
        %parallel_loop3A_521 = tpu.vector_load %arg11[%parallel_loop3A_519, %parallel_loop3A_520] {strides = array<i32>} : memref<400x64xf32, #tpu.memory_space<vmem>>, vector<1x16xf32>,
        %parallel_loop3A_522 = vector.shape_cast %parallel_loop3A_521 : vector<1x16xf32> to vector<16xf32>
        %parallel_loop3A_523 = vector.shape_cast %parallel_loop3A_518 : vector<16xf32> to vector<1x16xf32>
        tpu.vector_store %arg11[%parallel_loop3A_519, %parallel_loop3A_520], %parallel_loop3A_523 {strides = array<i32>} : memref<400x64xf32, #tpu.memory_space<vmem>>, vector<1x16xf32>,
        %parallel_loop3A_524 = vector.extract_strided_slice %parallel_loop3A_139 {offsets = [8], sizes = [1], strides = [1]} : vector<16xi32> to vector<1xi32>
        %parallel_loop3A_525 = vector.extract %parallel_loop3A_524[0] : i32 from vector<1xi32>
        %parallel_loop3A_526 = arith.bitcast %parallel_loop3A_525 : i32 to f32
        %parallel_loop3A_527 = vector.broadcast %parallel_loop3A_526 : f32 to vector<16xf32>
        %parallel_loop3A_528 = arith.constant 16 : i32
        %parallel_loop3A_529 = arith.muli %parallel_loop3A_132, %parallel_loop3A_528 : i32
        %parallel_loop3A_530 = arith.constant 8 : i32
        %parallel_loop3A_531 = arith.addi %parallel_loop3A_529, %parallel_loop3A_530 : i32
        %parallel_loop3A_532 = arith.index_cast %parallel_loop3A_531 : i32 to index
        %parallel_loop3A_533 = arith.constant 0 : index
        %parallel_loop3A_534 = tpu.vector_load %arg11[%parallel_loop3A_532, %parallel_loop3A_533] {strides = array<i32>} : memref<400x64xf32, #tpu.memory_space<vmem>>, vector<1x16xf32>,
        %parallel_loop3A_535 = vector.shape_cast %parallel_loop3A_534 : vector<1x16xf32> to vector<16xf32>
        %parallel_loop3A_536 = arith.mulf %parallel_loop3A_535, %parallel_loop3A_527 : vector<16xf32>
        %parallel_loop3A_537 = arith.index_cast %parallel_loop3A_531 : i32 to index
        %parallel_loop3A_538 = arith.constant 0 : index
        %parallel_loop3A_539 = tpu.vector_load %arg11[%parallel_loop3A_537, %parallel_loop3A_538] {strides = array<i32>} : memref<400x64xf32, #tpu.memory_space<vmem>>, vector<1x16xf32>,
        %parallel_loop3A_540 = vector.shape_cast %parallel_loop3A_539 : vector<1x16xf32> to vector<16xf32>
        %parallel_loop3A_541 = vector.shape_cast %parallel_loop3A_536 : vector<16xf32> to vector<1x16xf32>
        tpu.vector_store %arg11[%parallel_loop3A_537, %parallel_loop3A_538], %parallel_loop3A_541 {strides = array<i32>} : memref<400x64xf32, #tpu.memory_space<vmem>>, vector<1x16xf32>,
        %parallel_loop3A_542 = arith.index_cast %parallel_loop3A_531 : i32 to index
        %parallel_loop3A_543 = arith.constant 16 : index
        %parallel_loop3A_544 = tpu.vector_load %arg11[%parallel_loop3A_542, %parallel_loop3A_543] {strides = array<i32>} : memref<400x64xf32, #tpu.memory_space<vmem>>, vector<1x16xf32>,
        %parallel_loop3A_545 = vector.shape_cast %parallel_loop3A_544 : vector<1x16xf32> to vector<16xf32>
        %parallel_loop3A_546 = arith.mulf %parallel_loop3A_545, %parallel_loop3A_527 : vector<16xf32>
        %parallel_loop3A_547 = arith.index_cast %parallel_loop3A_531 : i32 to index
        %parallel_loop3A_548 = arith.constant 16 : index
        %parallel_loop3A_549 = tpu.vector_load %arg11[%parallel_loop3A_547, %parallel_loop3A_548] {strides = array<i32>} : memref<400x64xf32, #tpu.memory_space<vmem>>, vector<1x16xf32>,
        %parallel_loop3A_550 = vector.shape_cast %parallel_loop3A_549 : vector<1x16xf32> to vector<16xf32>
        %parallel_loop3A_551 = vector.shape_cast %parallel_loop3A_546 : vector<16xf32> to vector<1x16xf32>
        tpu.vector_store %arg11[%parallel_loop3A_547, %parallel_loop3A_548], %parallel_loop3A_551 {strides = array<i32>} : memref<400x64xf32, #tpu.memory_space<vmem>>, vector<1x16xf32>,
        %parallel_loop3A_552 = arith.index_cast %parallel_loop3A_531 : i32 to index
        %parallel_loop3A_553 = arith.constant 32 : index
        %parallel_loop3A_554 = tpu.vector_load %arg11[%parallel_loop3A_552, %parallel_loop3A_553] {strides = array<i32>} : memref<400x64xf32, #tpu.memory_space<vmem>>, vector<1x16xf32>,
        %parallel_loop3A_555 = vector.shape_cast %parallel_loop3A_554 : vector<1x16xf32> to vector<16xf32>
        %parallel_loop3A_556 = arith.mulf %parallel_loop3A_555, %parallel_loop3A_527 : vector<16xf32>
        %parallel_loop3A_557 = arith.index_cast %parallel_loop3A_531 : i32 to index
        %parallel_loop3A_558 = arith.constant 32 : index
        %parallel_loop3A_559 = tpu.vector_load %arg11[%parallel_loop3A_557, %parallel_loop3A_558] {strides = array<i32>} : memref<400x64xf32, #tpu.memory_space<vmem>>, vector<1x16xf32>,
        %parallel_loop3A_560 = vector.shape_cast %parallel_loop3A_559 : vector<1x16xf32> to vector<16xf32>
        %parallel_loop3A_561 = vector.shape_cast %parallel_loop3A_556 : vector<16xf32> to vector<1x16xf32>
        tpu.vector_store %arg11[%parallel_loop3A_557, %parallel_loop3A_558], %parallel_loop3A_561 {strides = array<i32>} : memref<400x64xf32, #tpu.memory_space<vmem>>, vector<1x16xf32>,
        %parallel_loop3A_562 = arith.index_cast %parallel_loop3A_531 : i32 to index
        %parallel_loop3A_563 = arith.constant 48 : index
        %parallel_loop3A_564 = tpu.vector_load %arg11[%parallel_loop3A_562, %parallel_loop3A_563] {strides = array<i32>} : memref<400x64xf32, #tpu.memory_space<vmem>>, vector<1x16xf32>,
        %parallel_loop3A_565 = vector.shape_cast %parallel_loop3A_564 : vector<1x16xf32> to vector<16xf32>
        %parallel_loop3A_566 = arith.mulf %parallel_loop3A_565, %parallel_loop3A_527 : vector<16xf32>
        %parallel_loop3A_567 = arith.index_cast %parallel_loop3A_531 : i32 to index
        %parallel_loop3A_568 = arith.constant 48 : index
        %parallel_loop3A_569 = tpu.vector_load %arg11[%parallel_loop3A_567, %parallel_loop3A_568] {strides = array<i32>} : memref<400x64xf32, #tpu.memory_space<vmem>>, vector<1x16xf32>,
        %parallel_loop3A_570 = vector.shape_cast %parallel_loop3A_569 : vector<1x16xf32> to vector<16xf32>
        %parallel_loop3A_571 = vector.shape_cast %parallel_loop3A_566 : vector<16xf32> to vector<1x16xf32>
        tpu.vector_store %arg11[%parallel_loop3A_567, %parallel_loop3A_568], %parallel_loop3A_571 {strides = array<i32>} : memref<400x64xf32, #tpu.memory_space<vmem>>, vector<1x16xf32>,
        %parallel_loop3A_572 = vector.extract_strided_slice %parallel_loop3A_139 {offsets = [9], sizes = [1], strides = [1]} : vector<16xi32> to vector<1xi32>
        %parallel_loop3A_573 = vector.extract %parallel_loop3A_572[0] : i32 from vector<1xi32>
        %parallel_loop3A_574 = arith.bitcast %parallel_loop3A_573 : i32 to f32
        %parallel_loop3A_575 = vector.broadcast %parallel_loop3A_574 : f32 to vector<16xf32>
        %parallel_loop3A_576 = arith.constant 16 : i32
        %parallel_loop3A_577 = arith.muli %parallel_loop3A_132, %parallel_loop3A_576 : i32
        %parallel_loop3A_578 = arith.constant 9 : i32
        %parallel_loop3A_579 = arith.addi %parallel_loop3A_577, %parallel_loop3A_578 : i32
        %parallel_loop3A_580 = arith.index_cast %parallel_loop3A_579 : i32 to index
        %parallel_loop3A_581 = arith.constant 0 : index
        %parallel_loop3A_582 = tpu.vector_load %arg11[%parallel_loop3A_580, %parallel_loop3A_581] {strides = array<i32>} : memref<400x64xf32, #tpu.memory_space<vmem>>, vector<1x16xf32>,
        %parallel_loop3A_583 = vector.shape_cast %parallel_loop3A_582 : vector<1x16xf32> to vector<16xf32>
        %parallel_loop3A_584 = arith.mulf %parallel_loop3A_583, %parallel_loop3A_575 : vector<16xf32>
        %parallel_loop3A_585 = arith.index_cast %parallel_loop3A_579 : i32 to index
        %parallel_loop3A_586 = arith.constant 0 : index
        %parallel_loop3A_587 = tpu.vector_load %arg11[%parallel_loop3A_585, %parallel_loop3A_586] {strides = array<i32>} : memref<400x64xf32, #tpu.memory_space<vmem>>, vector<1x16xf32>,
        %parallel_loop3A_588 = vector.shape_cast %parallel_loop3A_587 : vector<1x16xf32> to vector<16xf32>
        %parallel_loop3A_589 = vector.shape_cast %parallel_loop3A_584 : vector<16xf32> to vector<1x16xf32>
        tpu.vector_store %arg11[%parallel_loop3A_585, %parallel_loop3A_586], %parallel_loop3A_589 {strides = array<i32>} : memref<400x64xf32, #tpu.memory_space<vmem>>, vector<1x16xf32>,
        %parallel_loop3A_590 = arith.index_cast %parallel_loop3A_579 : i32 to index
        %parallel_loop3A_591 = arith.constant 16 : index
        %parallel_loop3A_592 = tpu.vector_load %arg11[%parallel_loop3A_590, %parallel_loop3A_591] {strides = array<i32>} : memref<400x64xf32, #tpu.memory_space<vmem>>, vector<1x16xf32>,
        %parallel_loop3A_593 = vector.shape_cast %parallel_loop3A_592 : vector<1x16xf32> to vector<16xf32>
        %parallel_loop3A_594 = arith.mulf %parallel_loop3A_593, %parallel_loop3A_575 : vector<16xf32>
        %parallel_loop3A_595 = arith.index_cast %parallel_loop3A_579 : i32 to index
        %parallel_loop3A_596 = arith.constant 16 : index
        %parallel_loop3A_597 = tpu.vector_load %arg11[%parallel_loop3A_595, %parallel_loop3A_596] {strides = array<i32>} : memref<400x64xf32, #tpu.memory_space<vmem>>, vector<1x16xf32>,
        %parallel_loop3A_598 = vector.shape_cast %parallel_loop3A_597 : vector<1x16xf32> to vector<16xf32>
        %parallel_loop3A_599 = vector.shape_cast %parallel_loop3A_594 : vector<16xf32> to vector<1x16xf32>
        tpu.vector_store %arg11[%parallel_loop3A_595, %parallel_loop3A_596], %parallel_loop3A_599 {strides = array<i32>} : memref<400x64xf32, #tpu.memory_space<vmem>>, vector<1x16xf32>,
        %parallel_loop3A_600 = arith.index_cast %parallel_loop3A_579 : i32 to index
        %parallel_loop3A_601 = arith.constant 32 : index
        %parallel_loop3A_602 = tpu.vector_load %arg11[%parallel_loop3A_600, %parallel_loop3A_601] {strides = array<i32>} : memref<400x64xf32, #tpu.memory_space<vmem>>, vector<1x16xf32>,
        %parallel_loop3A_603 = vector.shape_cast %parallel_loop3A_602 : vector<1x16xf32> to vector<16xf32>
        %parallel_loop3A_604 = arith.mulf %parallel_loop3A_603, %parallel_loop3A_575 : vector<16xf32>
        %parallel_loop3A_605 = arith.index_cast %parallel_loop3A_579 : i32 to index
        %parallel_loop3A_606 = arith.constant 32 : index
        %parallel_loop3A_607 = tpu.vector_load %arg11[%parallel_loop3A_605, %parallel_loop3A_606] {strides = array<i32>} : memref<400x64xf32, #tpu.memory_space<vmem>>, vector<1x16xf32>,
        %parallel_loop3A_608 = vector.shape_cast %parallel_loop3A_607 : vector<1x16xf32> to vector<16xf32>
        %parallel_loop3A_609 = vector.shape_cast %parallel_loop3A_604 : vector<16xf32> to vector<1x16xf32>
        tpu.vector_store %arg11[%parallel_loop3A_605, %parallel_loop3A_606], %parallel_loop3A_609 {strides = array<i32>} : memref<400x64xf32, #tpu.memory_space<vmem>>, vector<1x16xf32>,
        %parallel_loop3A_610 = arith.index_cast %parallel_loop3A_579 : i32 to index
        %parallel_loop3A_611 = arith.constant 48 : index
        %parallel_loop3A_612 = tpu.vector_load %arg11[%parallel_loop3A_610, %parallel_loop3A_611] {strides = array<i32>} : memref<400x64xf32, #tpu.memory_space<vmem>>, vector<1x16xf32>,
        %parallel_loop3A_613 = vector.shape_cast %parallel_loop3A_612 : vector<1x16xf32> to vector<16xf32>
        %parallel_loop3A_614 = arith.mulf %parallel_loop3A_613, %parallel_loop3A_575 : vector<16xf32>
        %parallel_loop3A_615 = arith.index_cast %parallel_loop3A_579 : i32 to index
        %parallel_loop3A_616 = arith.constant 48 : index
        %parallel_loop3A_617 = tpu.vector_load %arg11[%parallel_loop3A_615, %parallel_loop3A_616] {strides = array<i32>} : memref<400x64xf32, #tpu.memory_space<vmem>>, vector<1x16xf32>,
        %parallel_loop3A_618 = vector.shape_cast %parallel_loop3A_617 : vector<1x16xf32> to vector<16xf32>
        %parallel_loop3A_619 = vector.shape_cast %parallel_loop3A_614 : vector<16xf32> to vector<1x16xf32>
        tpu.vector_store %arg11[%parallel_loop3A_615, %parallel_loop3A_616], %parallel_loop3A_619 {strides = array<i32>} : memref<400x64xf32, #tpu.memory_space<vmem>>, vector<1x16xf32>,
        %parallel_loop3A_620 = vector.extract_strided_slice %parallel_loop3A_139 {offsets = [10], sizes = [1], strides = [1]} : vector<16xi32> to vector<1xi32>
        %parallel_loop3A_621 = vector.extract %parallel_loop3A_620[0] : i32 from vector<1xi32>
        %parallel_loop3A_622 = arith.bitcast %parallel_loop3A_621 : i32 to f32
        %parallel_loop3A_623 = vector.broadcast %parallel_loop3A_622 : f32 to vector<16xf32>
        %parallel_loop3A_624 = arith.constant 16 : i32
        %parallel_loop3A_625 = arith.muli %parallel_loop3A_132, %parallel_loop3A_624 : i32
        %parallel_loop3A_626 = arith.constant 10 : i32
        %parallel_loop3A_627 = arith.addi %parallel_loop3A_625, %parallel_loop3A_626 : i32
        %parallel_loop3A_628 = arith.index_cast %parallel_loop3A_627 : i32 to index
        %parallel_loop3A_629 = arith.constant 0 : index
        %parallel_loop3A_630 = tpu.vector_load %arg11[%parallel_loop3A_628, %parallel_loop3A_629] {strides = array<i32>} : memref<400x64xf32, #tpu.memory_space<vmem>>, vector<1x16xf32>,
        %parallel_loop3A_631 = vector.shape_cast %parallel_loop3A_630 : vector<1x16xf32> to vector<16xf32>
        %parallel_loop3A_632 = arith.mulf %parallel_loop3A_631, %parallel_loop3A_623 : vector<16xf32>
        %parallel_loop3A_633 = arith.index_cast %parallel_loop3A_627 : i32 to index
        %parallel_loop3A_634 = arith.constant 0 : index
        %parallel_loop3A_635 = tpu.vector_load %arg11[%parallel_loop3A_633, %parallel_loop3A_634] {strides = array<i32>} : memref<400x64xf32, #tpu.memory_space<vmem>>, vector<1x16xf32>,
        %parallel_loop3A_636 = vector.shape_cast %parallel_loop3A_635 : vector<1x16xf32> to vector<16xf32>
        %parallel_loop3A_637 = vector.shape_cast %parallel_loop3A_632 : vector<16xf32> to vector<1x16xf32>
        tpu.vector_store %arg11[%parallel_loop3A_633, %parallel_loop3A_634], %parallel_loop3A_637 {strides = array<i32>} : memref<400x64xf32, #tpu.memory_space<vmem>>, vector<1x16xf32>,
        %parallel_loop3A_638 = arith.index_cast %parallel_loop3A_627 : i32 to index
        %parallel_loop3A_639 = arith.constant 16 : index
        %parallel_loop3A_640 = tpu.vector_load %arg11[%parallel_loop3A_638, %parallel_loop3A_639] {strides = array<i32>} : memref<400x64xf32, #tpu.memory_space<vmem>>, vector<1x16xf32>,
        %parallel_loop3A_641 = vector.shape_cast %parallel_loop3A_640 : vector<1x16xf32> to vector<16xf32>
        %parallel_loop3A_642 = arith.mulf %parallel_loop3A_641, %parallel_loop3A_623 : vector<16xf32>
        %parallel_loop3A_643 = arith.index_cast %parallel_loop3A_627 : i32 to index
        %parallel_loop3A_644 = arith.constant 16 : index
        %parallel_loop3A_645 = tpu.vector_load %arg11[%parallel_loop3A_643, %parallel_loop3A_644] {strides = array<i32>} : memref<400x64xf32, #tpu.memory_space<vmem>>, vector<1x16xf32>,
        %parallel_loop3A_646 = vector.shape_cast %parallel_loop3A_645 : vector<1x16xf32> to vector<16xf32>
        %parallel_loop3A_647 = vector.shape_cast %parallel_loop3A_642 : vector<16xf32> to vector<1x16xf32>
        tpu.vector_store %arg11[%parallel_loop3A_643, %parallel_loop3A_644], %parallel_loop3A_647 {strides = array<i32>} : memref<400x64xf32, #tpu.memory_space<vmem>>, vector<1x16xf32>,
        %parallel_loop3A_648 = arith.index_cast %parallel_loop3A_627 : i32 to index
        %parallel_loop3A_649 = arith.constant 32 : index
        %parallel_loop3A_650 = tpu.vector_load %arg11[%parallel_loop3A_648, %parallel_loop3A_649] {strides = array<i32>} : memref<400x64xf32, #tpu.memory_space<vmem>>, vector<1x16xf32>,
        %parallel_loop3A_651 = vector.shape_cast %parallel_loop3A_650 : vector<1x16xf32> to vector<16xf32>
        %parallel_loop3A_652 = arith.mulf %parallel_loop3A_651, %parallel_loop3A_623 : vector<16xf32>
        %parallel_loop3A_653 = arith.index_cast %parallel_loop3A_627 : i32 to index
        %parallel_loop3A_654 = arith.constant 32 : index
        %parallel_loop3A_655 = tpu.vector_load %arg11[%parallel_loop3A_653, %parallel_loop3A_654] {strides = array<i32>} : memref<400x64xf32, #tpu.memory_space<vmem>>, vector<1x16xf32>,
        %parallel_loop3A_656 = vector.shape_cast %parallel_loop3A_655 : vector<1x16xf32> to vector<16xf32>
        %parallel_loop3A_657 = vector.shape_cast %parallel_loop3A_652 : vector<16xf32> to vector<1x16xf32>
        tpu.vector_store %arg11[%parallel_loop3A_653, %parallel_loop3A_654], %parallel_loop3A_657 {strides = array<i32>} : memref<400x64xf32, #tpu.memory_space<vmem>>, vector<1x16xf32>,
        %parallel_loop3A_658 = arith.index_cast %parallel_loop3A_627 : i32 to index
        %parallel_loop3A_659 = arith.constant 48 : index
        %parallel_loop3A_660 = tpu.vector_load %arg11[%parallel_loop3A_658, %parallel_loop3A_659] {strides = array<i32>} : memref<400x64xf32, #tpu.memory_space<vmem>>, vector<1x16xf32>,
        %parallel_loop3A_661 = vector.shape_cast %parallel_loop3A_660 : vector<1x16xf32> to vector<16xf32>
        %parallel_loop3A_662 = arith.mulf %parallel_loop3A_661, %parallel_loop3A_623 : vector<16xf32>
        %parallel_loop3A_663 = arith.index_cast %parallel_loop3A_627 : i32 to index
        %parallel_loop3A_664 = arith.constant 48 : index
        %parallel_loop3A_665 = tpu.vector_load %arg11[%parallel_loop3A_663, %parallel_loop3A_664] {strides = array<i32>} : memref<400x64xf32, #tpu.memory_space<vmem>>, vector<1x16xf32>,
        %parallel_loop3A_666 = vector.shape_cast %parallel_loop3A_665 : vector<1x16xf32> to vector<16xf32>
        %parallel_loop3A_667 = vector.shape_cast %parallel_loop3A_662 : vector<16xf32> to vector<1x16xf32>
        tpu.vector_store %arg11[%parallel_loop3A_663, %parallel_loop3A_664], %parallel_loop3A_667 {strides = array<i32>} : memref<400x64xf32, #tpu.memory_space<vmem>>, vector<1x16xf32>,
        %parallel_loop3A_668 = vector.extract_strided_slice %parallel_loop3A_139 {offsets = [11], sizes = [1], strides = [1]} : vector<16xi32> to vector<1xi32>
        %parallel_loop3A_669 = vector.extract %parallel_loop3A_668[0] : i32 from vector<1xi32>
        %parallel_loop3A_670 = arith.bitcast %parallel_loop3A_669 : i32 to f32
        %parallel_loop3A_671 = vector.broadcast %parallel_loop3A_670 : f32 to vector<16xf32>
        %parallel_loop3A_672 = arith.constant 16 : i32
        %parallel_loop3A_673 = arith.muli %parallel_loop3A_132, %parallel_loop3A_672 : i32
        %parallel_loop3A_674 = arith.constant 11 : i32
        %parallel_loop3A_675 = arith.addi %parallel_loop3A_673, %parallel_loop3A_674 : i32
        %parallel_loop3A_676 = arith.index_cast %parallel_loop3A_675 : i32 to index
        %parallel_loop3A_677 = arith.constant 0 : index
        %parallel_loop3A_678 = tpu.vector_load %arg11[%parallel_loop3A_676, %parallel_loop3A_677] {strides = array<i32>} : memref<400x64xf32, #tpu.memory_space<vmem>>, vector<1x16xf32>,
        %parallel_loop3A_679 = vector.shape_cast %parallel_loop3A_678 : vector<1x16xf32> to vector<16xf32>
        %parallel_loop3A_680 = arith.mulf %parallel_loop3A_679, %parallel_loop3A_671 : vector<16xf32>
        %parallel_loop3A_681 = arith.index_cast %parallel_loop3A_675 : i32 to index
        %parallel_loop3A_682 = arith.constant 0 : index
        %parallel_loop3A_683 = tpu.vector_load %arg11[%parallel_loop3A_681, %parallel_loop3A_682] {strides = array<i32>} : memref<400x64xf32, #tpu.memory_space<vmem>>, vector<1x16xf32>,
        %parallel_loop3A_684 = vector.shape_cast %parallel_loop3A_683 : vector<1x16xf32> to vector<16xf32>
        %parallel_loop3A_685 = vector.shape_cast %parallel_loop3A_680 : vector<16xf32> to vector<1x16xf32>
        tpu.vector_store %arg11[%parallel_loop3A_681, %parallel_loop3A_682], %parallel_loop3A_685 {strides = array<i32>} : memref<400x64xf32, #tpu.memory_space<vmem>>, vector<1x16xf32>,
        %parallel_loop3A_686 = arith.index_cast %parallel_loop3A_675 : i32 to index
        %parallel_loop3A_687 = arith.constant 16 : index
        %parallel_loop3A_688 = tpu.vector_load %arg11[%parallel_loop3A_686, %parallel_loop3A_687] {strides = array<i32>} : memref<400x64xf32, #tpu.memory_space<vmem>>, vector<1x16xf32>,
        %parallel_loop3A_689 = vector.shape_cast %parallel_loop3A_688 : vector<1x16xf32> to vector<16xf32>
        %parallel_loop3A_690 = arith.mulf %parallel_loop3A_689, %parallel_loop3A_671 : vector<16xf32>
        %parallel_loop3A_691 = arith.index_cast %parallel_loop3A_675 : i32 to index
        %parallel_loop3A_692 = arith.constant 16 : index
        %parallel_loop3A_693 = tpu.vector_load %arg11[%parallel_loop3A_691, %parallel_loop3A_692] {strides = array<i32>} : memref<400x64xf32, #tpu.memory_space<vmem>>, vector<1x16xf32>,
        %parallel_loop3A_694 = vector.shape_cast %parallel_loop3A_693 : vector<1x16xf32> to vector<16xf32>
        %parallel_loop3A_695 = vector.shape_cast %parallel_loop3A_690 : vector<16xf32> to vector<1x16xf32>
        tpu.vector_store %arg11[%parallel_loop3A_691, %parallel_loop3A_692], %parallel_loop3A_695 {strides = array<i32>} : memref<400x64xf32, #tpu.memory_space<vmem>>, vector<1x16xf32>,
        %parallel_loop3A_696 = arith.index_cast %parallel_loop3A_675 : i32 to index
        %parallel_loop3A_697 = arith.constant 32 : index
        %parallel_loop3A_698 = tpu.vector_load %arg11[%parallel_loop3A_696, %parallel_loop3A_697] {strides = array<i32>} : memref<400x64xf32, #tpu.memory_space<vmem>>, vector<1x16xf32>,
        %parallel_loop3A_699 = vector.shape_cast %parallel_loop3A_698 : vector<1x16xf32> to vector<16xf32>
        %parallel_loop3A_700 = arith.mulf %parallel_loop3A_699, %parallel_loop3A_671 : vector<16xf32>
        %parallel_loop3A_701 = arith.index_cast %parallel_loop3A_675 : i32 to index
        %parallel_loop3A_702 = arith.constant 32 : index
        %parallel_loop3A_703 = tpu.vector_load %arg11[%parallel_loop3A_701, %parallel_loop3A_702] {strides = array<i32>} : memref<400x64xf32, #tpu.memory_space<vmem>>, vector<1x16xf32>,
        %parallel_loop3A_704 = vector.shape_cast %parallel_loop3A_703 : vector<1x16xf32> to vector<16xf32>
        %parallel_loop3A_705 = vector.shape_cast %parallel_loop3A_700 : vector<16xf32> to vector<1x16xf32>
        tpu.vector_store %arg11[%parallel_loop3A_701, %parallel_loop3A_702], %parallel_loop3A_705 {strides = array<i32>} : memref<400x64xf32, #tpu.memory_space<vmem>>, vector<1x16xf32>,
        %parallel_loop3A_706 = arith.index_cast %parallel_loop3A_675 : i32 to index
        %parallel_loop3A_707 = arith.constant 48 : index
        %parallel_loop3A_708 = tpu.vector_load %arg11[%parallel_loop3A_706, %parallel_loop3A_707] {strides = array<i32>} : memref<400x64xf32, #tpu.memory_space<vmem>>, vector<1x16xf32>,
        %parallel_loop3A_709 = vector.shape_cast %parallel_loop3A_708 : vector<1x16xf32> to vector<16xf32>
        %parallel_loop3A_710 = arith.mulf %parallel_loop3A_709, %parallel_loop3A_671 : vector<16xf32>
        %parallel_loop3A_711 = arith.index_cast %parallel_loop3A_675 : i32 to index
        %parallel_loop3A_712 = arith.constant 48 : index
        %parallel_loop3A_713 = tpu.vector_load %arg11[%parallel_loop3A_711, %parallel_loop3A_712] {strides = array<i32>} : memref<400x64xf32, #tpu.memory_space<vmem>>, vector<1x16xf32>,
        %parallel_loop3A_714 = vector.shape_cast %parallel_loop3A_713 : vector<1x16xf32> to vector<16xf32>
        %parallel_loop3A_715 = vector.shape_cast %parallel_loop3A_710 : vector<16xf32> to vector<1x16xf32>
        tpu.vector_store %arg11[%parallel_loop3A_711, %parallel_loop3A_712], %parallel_loop3A_715 {strides = array<i32>} : memref<400x64xf32, #tpu.memory_space<vmem>>, vector<1x16xf32>,
        %parallel_loop3A_716 = vector.extract_strided_slice %parallel_loop3A_139 {offsets = [12], sizes = [1], strides = [1]} : vector<16xi32> to vector<1xi32>
        %parallel_loop3A_717 = vector.extract %parallel_loop3A_716[0] : i32 from vector<1xi32>
        %parallel_loop3A_718 = arith.bitcast %parallel_loop3A_717 : i32 to f32
        %parallel_loop3A_719 = vector.broadcast %parallel_loop3A_718 : f32 to vector<16xf32>
        %parallel_loop3A_720 = arith.constant 16 : i32
        %parallel_loop3A_721 = arith.muli %parallel_loop3A_132, %parallel_loop3A_720 : i32
        %parallel_loop3A_722 = arith.constant 12 : i32
        %parallel_loop3A_723 = arith.addi %parallel_loop3A_721, %parallel_loop3A_722 : i32
        %parallel_loop3A_724 = arith.index_cast %parallel_loop3A_723 : i32 to index
        %parallel_loop3A_725 = arith.constant 0 : index
        %parallel_loop3A_726 = tpu.vector_load %arg11[%parallel_loop3A_724, %parallel_loop3A_725] {strides = array<i32>} : memref<400x64xf32, #tpu.memory_space<vmem>>, vector<1x16xf32>,
        %parallel_loop3A_727 = vector.shape_cast %parallel_loop3A_726 : vector<1x16xf32> to vector<16xf32>
        %parallel_loop3A_728 = arith.mulf %parallel_loop3A_727, %parallel_loop3A_719 : vector<16xf32>
        %parallel_loop3A_729 = arith.index_cast %parallel_loop3A_723 : i32 to index
        %parallel_loop3A_730 = arith.constant 0 : index
        %parallel_loop3A_731 = tpu.vector_load %arg11[%parallel_loop3A_729, %parallel_loop3A_730] {strides = array<i32>} : memref<400x64xf32, #tpu.memory_space<vmem>>, vector<1x16xf32>,
        %parallel_loop3A_732 = vector.shape_cast %parallel_loop3A_731 : vector<1x16xf32> to vector<16xf32>
        %parallel_loop3A_733 = vector.shape_cast %parallel_loop3A_728 : vector<16xf32> to vector<1x16xf32>
        tpu.vector_store %arg11[%parallel_loop3A_729, %parallel_loop3A_730], %parallel_loop3A_733 {strides = array<i32>} : memref<400x64xf32, #tpu.memory_space<vmem>>, vector<1x16xf32>,
        %parallel_loop3A_734 = arith.index_cast %parallel_loop3A_723 : i32 to index
        %parallel_loop3A_735 = arith.constant 16 : index
        %parallel_loop3A_736 = tpu.vector_load %arg11[%parallel_loop3A_734, %parallel_loop3A_735] {strides = array<i32>} : memref<400x64xf32, #tpu.memory_space<vmem>>, vector<1x16xf32>,
        %parallel_loop3A_737 = vector.shape_cast %parallel_loop3A_736 : vector<1x16xf32> to vector<16xf32>
        %parallel_loop3A_738 = arith.mulf %parallel_loop3A_737, %parallel_loop3A_719 : vector<16xf32>
        %parallel_loop3A_739 = arith.index_cast %parallel_loop3A_723 : i32 to index
        %parallel_loop3A_740 = arith.constant 16 : index
        %parallel_loop3A_741 = tpu.vector_load %arg11[%parallel_loop3A_739, %parallel_loop3A_740] {strides = array<i32>} : memref<400x64xf32, #tpu.memory_space<vmem>>, vector<1x16xf32>,
        %parallel_loop3A_742 = vector.shape_cast %parallel_loop3A_741 : vector<1x16xf32> to vector<16xf32>
        %parallel_loop3A_743 = vector.shape_cast %parallel_loop3A_738 : vector<16xf32> to vector<1x16xf32>
        tpu.vector_store %arg11[%parallel_loop3A_739, %parallel_loop3A_740], %parallel_loop3A_743 {strides = array<i32>} : memref<400x64xf32, #tpu.memory_space<vmem>>, vector<1x16xf32>,
        %parallel_loop3A_744 = arith.index_cast %parallel_loop3A_723 : i32 to index
        %parallel_loop3A_745 = arith.constant 32 : index
        %parallel_loop3A_746 = tpu.vector_load %arg11[%parallel_loop3A_744, %parallel_loop3A_745] {strides = array<i32>} : memref<400x64xf32, #tpu.memory_space<vmem>>, vector<1x16xf32>,
        %parallel_loop3A_747 = vector.shape_cast %parallel_loop3A_746 : vector<1x16xf32> to vector<16xf32>
        %parallel_loop3A_748 = arith.mulf %parallel_loop3A_747, %parallel_loop3A_719 : vector<16xf32>
        %parallel_loop3A_749 = arith.index_cast %parallel_loop3A_723 : i32 to index
        %parallel_loop3A_750 = arith.constant 32 : index
        %parallel_loop3A_751 = tpu.vector_load %arg11[%parallel_loop3A_749, %parallel_loop3A_750] {strides = array<i32>} : memref<400x64xf32, #tpu.memory_space<vmem>>, vector<1x16xf32>,
        %parallel_loop3A_752 = vector.shape_cast %parallel_loop3A_751 : vector<1x16xf32> to vector<16xf32>
        %parallel_loop3A_753 = vector.shape_cast %parallel_loop3A_748 : vector<16xf32> to vector<1x16xf32>
        tpu.vector_store %arg11[%parallel_loop3A_749, %parallel_loop3A_750], %parallel_loop3A_753 {strides = array<i32>} : memref<400x64xf32, #tpu.memory_space<vmem>>, vector<1x16xf32>,
        %parallel_loop3A_754 = arith.index_cast %parallel_loop3A_723 : i32 to index
        %parallel_loop3A_755 = arith.constant 48 : index
        %parallel_loop3A_756 = tpu.vector_load %arg11[%parallel_loop3A_754, %parallel_loop3A_755] {strides = array<i32>} : memref<400x64xf32, #tpu.memory_space<vmem>>, vector<1x16xf32>,
        %parallel_loop3A_757 = vector.shape_cast %parallel_loop3A_756 : vector<1x16xf32> to vector<16xf32>
        %parallel_loop3A_758 = arith.mulf %parallel_loop3A_757, %parallel_loop3A_719 : vector<16xf32>
        %parallel_loop3A_759 = arith.index_cast %parallel_loop3A_723 : i32 to index
        %parallel_loop3A_760 = arith.constant 48 : index
        %parallel_loop3A_761 = tpu.vector_load %arg11[%parallel_loop3A_759, %parallel_loop3A_760] {strides = array<i32>} : memref<400x64xf32, #tpu.memory_space<vmem>>, vector<1x16xf32>,
        %parallel_loop3A_762 = vector.shape_cast %parallel_loop3A_761 : vector<1x16xf32> to vector<16xf32>
        %parallel_loop3A_763 = vector.shape_cast %parallel_loop3A_758 : vector<16xf32> to vector<1x16xf32>
        tpu.vector_store %arg11[%parallel_loop3A_759, %parallel_loop3A_760], %parallel_loop3A_763 {strides = array<i32>} : memref<400x64xf32, #tpu.memory_space<vmem>>, vector<1x16xf32>,
        %parallel_loop3A_764 = vector.extract_strided_slice %parallel_loop3A_139 {offsets = [13], sizes = [1], strides = [1]} : vector<16xi32> to vector<1xi32>
        %parallel_loop3A_765 = vector.extract %parallel_loop3A_764[0] : i32 from vector<1xi32>
        %parallel_loop3A_766 = arith.bitcast %parallel_loop3A_765 : i32 to f32
        %parallel_loop3A_767 = vector.broadcast %parallel_loop3A_766 : f32 to vector<16xf32>
        %parallel_loop3A_768 = arith.constant 16 : i32
        %parallel_loop3A_769 = arith.muli %parallel_loop3A_132, %parallel_loop3A_768 : i32
        %parallel_loop3A_770 = arith.constant 13 : i32
        %parallel_loop3A_771 = arith.addi %parallel_loop3A_769, %parallel_loop3A_770 : i32
        %parallel_loop3A_772 = arith.index_cast %parallel_loop3A_771 : i32 to index
        %parallel_loop3A_773 = arith.constant 0 : index
        %parallel_loop3A_774 = tpu.vector_load %arg11[%parallel_loop3A_772, %parallel_loop3A_773] {strides = array<i32>} : memref<400x64xf32, #tpu.memory_space<vmem>>, vector<1x16xf32>,
        %parallel_loop3A_775 = vector.shape_cast %parallel_loop3A_774 : vector<1x16xf32> to vector<16xf32>
        %parallel_loop3A_776 = arith.mulf %parallel_loop3A_775, %parallel_loop3A_767 : vector<16xf32>
        %parallel_loop3A_777 = arith.index_cast %parallel_loop3A_771 : i32 to index
        %parallel_loop3A_778 = arith.constant 0 : index
        %parallel_loop3A_779 = tpu.vector_load %arg11[%parallel_loop3A_777, %parallel_loop3A_778] {strides = array<i32>} : memref<400x64xf32, #tpu.memory_space<vmem>>, vector<1x16xf32>,
        %parallel_loop3A_780 = vector.shape_cast %parallel_loop3A_779 : vector<1x16xf32> to vector<16xf32>
        %parallel_loop3A_781 = vector.shape_cast %parallel_loop3A_776 : vector<16xf32> to vector<1x16xf32>
        tpu.vector_store %arg11[%parallel_loop3A_777, %parallel_loop3A_778], %parallel_loop3A_781 {strides = array<i32>} : memref<400x64xf32, #tpu.memory_space<vmem>>, vector<1x16xf32>,
        %parallel_loop3A_782 = arith.index_cast %parallel_loop3A_771 : i32 to index
        %parallel_loop3A_783 = arith.constant 16 : index
        %parallel_loop3A_784 = tpu.vector_load %arg11[%parallel_loop3A_782, %parallel_loop3A_783] {strides = array<i32>} : memref<400x64xf32, #tpu.memory_space<vmem>>, vector<1x16xf32>,
        %parallel_loop3A_785 = vector.shape_cast %parallel_loop3A_784 : vector<1x16xf32> to vector<16xf32>
        %parallel_loop3A_786 = arith.mulf %parallel_loop3A_785, %parallel_loop3A_767 : vector<16xf32>
        %parallel_loop3A_787 = arith.index_cast %parallel_loop3A_771 : i32 to index
        %parallel_loop3A_788 = arith.constant 16 : index
        %parallel_loop3A_789 = tpu.vector_load %arg11[%parallel_loop3A_787, %parallel_loop3A_788] {strides = array<i32>} : memref<400x64xf32, #tpu.memory_space<vmem>>, vector<1x16xf32>,
        %parallel_loop3A_790 = vector.shape_cast %parallel_loop3A_789 : vector<1x16xf32> to vector<16xf32>
        %parallel_loop3A_791 = vector.shape_cast %parallel_loop3A_786 : vector<16xf32> to vector<1x16xf32>
        tpu.vector_store %arg11[%parallel_loop3A_787, %parallel_loop3A_788], %parallel_loop3A_791 {strides = array<i32>} : memref<400x64xf32, #tpu.memory_space<vmem>>, vector<1x16xf32>,
        %parallel_loop3A_792 = arith.index_cast %parallel_loop3A_771 : i32 to index
        %parallel_loop3A_793 = arith.constant 32 : index
        %parallel_loop3A_794 = tpu.vector_load %arg11[%parallel_loop3A_792, %parallel_loop3A_793] {strides = array<i32>} : memref<400x64xf32, #tpu.memory_space<vmem>>, vector<1x16xf32>,
        %parallel_loop3A_795 = vector.shape_cast %parallel_loop3A_794 : vector<1x16xf32> to vector<16xf32>
        %parallel_loop3A_796 = arith.mulf %parallel_loop3A_795, %parallel_loop3A_767 : vector<16xf32>
        %parallel_loop3A_797 = arith.index_cast %parallel_loop3A_771 : i32 to index
        %parallel_loop3A_798 = arith.constant 32 : index
        %parallel_loop3A_799 = tpu.vector_load %arg11[%parallel_loop3A_797, %parallel_loop3A_798] {strides = array<i32>} : memref<400x64xf32, #tpu.memory_space<vmem>>, vector<1x16xf32>,
        %parallel_loop3A_800 = vector.shape_cast %parallel_loop3A_799 : vector<1x16xf32> to vector<16xf32>
        %parallel_loop3A_801 = vector.shape_cast %parallel_loop3A_796 : vector<16xf32> to vector<1x16xf32>
        tpu.vector_store %arg11[%parallel_loop3A_797, %parallel_loop3A_798], %parallel_loop3A_801 {strides = array<i32>} : memref<400x64xf32, #tpu.memory_space<vmem>>, vector<1x16xf32>,
        %parallel_loop3A_802 = arith.index_cast %parallel_loop3A_771 : i32 to index
        %parallel_loop3A_803 = arith.constant 48 : index
        %parallel_loop3A_804 = tpu.vector_load %arg11[%parallel_loop3A_802, %parallel_loop3A_803] {strides = array<i32>} : memref<400x64xf32, #tpu.memory_space<vmem>>, vector<1x16xf32>,
        %parallel_loop3A_805 = vector.shape_cast %parallel_loop3A_804 : vector<1x16xf32> to vector<16xf32>
        %parallel_loop3A_806 = arith.mulf %parallel_loop3A_805, %parallel_loop3A_767 : vector<16xf32>
        %parallel_loop3A_807 = arith.index_cast %parallel_loop3A_771 : i32 to index
        %parallel_loop3A_808 = arith.constant 48 : index
        %parallel_loop3A_809 = tpu.vector_load %arg11[%parallel_loop3A_807, %parallel_loop3A_808] {strides = array<i32>} : memref<400x64xf32, #tpu.memory_space<vmem>>, vector<1x16xf32>,
        %parallel_loop3A_810 = vector.shape_cast %parallel_loop3A_809 : vector<1x16xf32> to vector<16xf32>
        %parallel_loop3A_811 = vector.shape_cast %parallel_loop3A_806 : vector<16xf32> to vector<1x16xf32>
        tpu.vector_store %arg11[%parallel_loop3A_807, %parallel_loop3A_808], %parallel_loop3A_811 {strides = array<i32>} : memref<400x64xf32, #tpu.memory_space<vmem>>, vector<1x16xf32>,
        %parallel_loop3A_812 = vector.extract_strided_slice %parallel_loop3A_139 {offsets = [14], sizes = [1], strides = [1]} : vector<16xi32> to vector<1xi32>
        %parallel_loop3A_813 = vector.extract %parallel_loop3A_812[0] : i32 from vector<1xi32>
        %parallel_loop3A_814 = arith.bitcast %parallel_loop3A_813 : i32 to f32
        %parallel_loop3A_815 = vector.broadcast %parallel_loop3A_814 : f32 to vector<16xf32>
        %parallel_loop3A_816 = arith.constant 16 : i32
        %parallel_loop3A_817 = arith.muli %parallel_loop3A_132, %parallel_loop3A_816 : i32
        %parallel_loop3A_818 = arith.constant 14 : i32
        %parallel_loop3A_819 = arith.addi %parallel_loop3A_817, %parallel_loop3A_818 : i32
        %parallel_loop3A_820 = arith.index_cast %parallel_loop3A_819 : i32 to index
        %parallel_loop3A_821 = arith.constant 0 : index
        %parallel_loop3A_822 = tpu.vector_load %arg11[%parallel_loop3A_820, %parallel_loop3A_821] {strides = array<i32>} : memref<400x64xf32, #tpu.memory_space<vmem>>, vector<1x16xf32>,
        %parallel_loop3A_823 = vector.shape_cast %parallel_loop3A_822 : vector<1x16xf32> to vector<16xf32>
        %parallel_loop3A_824 = arith.mulf %parallel_loop3A_823, %parallel_loop3A_815 : vector<16xf32>
        %parallel_loop3A_825 = arith.index_cast %parallel_loop3A_819 : i32 to index
        %parallel_loop3A_826 = arith.constant 0 : index
        %parallel_loop3A_827 = tpu.vector_load %arg11[%parallel_loop3A_825, %parallel_loop3A_826] {strides = array<i32>} : memref<400x64xf32, #tpu.memory_space<vmem>>, vector<1x16xf32>,
        %parallel_loop3A_828 = vector.shape_cast %parallel_loop3A_827 : vector<1x16xf32> to vector<16xf32>
        %parallel_loop3A_829 = vector.shape_cast %parallel_loop3A_824 : vector<16xf32> to vector<1x16xf32>
        tpu.vector_store %arg11[%parallel_loop3A_825, %parallel_loop3A_826], %parallel_loop3A_829 {strides = array<i32>} : memref<400x64xf32, #tpu.memory_space<vmem>>, vector<1x16xf32>,
        %parallel_loop3A_830 = arith.index_cast %parallel_loop3A_819 : i32 to index
        %parallel_loop3A_831 = arith.constant 16 : index
        %parallel_loop3A_832 = tpu.vector_load %arg11[%parallel_loop3A_830, %parallel_loop3A_831] {strides = array<i32>} : memref<400x64xf32, #tpu.memory_space<vmem>>, vector<1x16xf32>,
        %parallel_loop3A_833 = vector.shape_cast %parallel_loop3A_832 : vector<1x16xf32> to vector<16xf32>
        %parallel_loop3A_834 = arith.mulf %parallel_loop3A_833, %parallel_loop3A_815 : vector<16xf32>
        %parallel_loop3A_835 = arith.index_cast %parallel_loop3A_819 : i32 to index
        %parallel_loop3A_836 = arith.constant 16 : index
        %parallel_loop3A_837 = tpu.vector_load %arg11[%parallel_loop3A_835, %parallel_loop3A_836] {strides = array<i32>} : memref<400x64xf32, #tpu.memory_space<vmem>>, vector<1x16xf32>,
        %parallel_loop3A_838 = vector.shape_cast %parallel_loop3A_837 : vector<1x16xf32> to vector<16xf32>
        %parallel_loop3A_839 = vector.shape_cast %parallel_loop3A_834 : vector<16xf32> to vector<1x16xf32>
        tpu.vector_store %arg11[%parallel_loop3A_835, %parallel_loop3A_836], %parallel_loop3A_839 {strides = array<i32>} : memref<400x64xf32, #tpu.memory_space<vmem>>, vector<1x16xf32>,
        %parallel_loop3A_840 = arith.index_cast %parallel_loop3A_819 : i32 to index
        %parallel_loop3A_841 = arith.constant 32 : index
        %parallel_loop3A_842 = tpu.vector_load %arg11[%parallel_loop3A_840, %parallel_loop3A_841] {strides = array<i32>} : memref<400x64xf32, #tpu.memory_space<vmem>>, vector<1x16xf32>,
        %parallel_loop3A_843 = vector.shape_cast %parallel_loop3A_842 : vector<1x16xf32> to vector<16xf32>
        %parallel_loop3A_844 = arith.mulf %parallel_loop3A_843, %parallel_loop3A_815 : vector<16xf32>
        %parallel_loop3A_845 = arith.index_cast %parallel_loop3A_819 : i32 to index
        %parallel_loop3A_846 = arith.constant 32 : index
        %parallel_loop3A_847 = tpu.vector_load %arg11[%parallel_loop3A_845, %parallel_loop3A_846] {strides = array<i32>} : memref<400x64xf32, #tpu.memory_space<vmem>>, vector<1x16xf32>,
        %parallel_loop3A_848 = vector.shape_cast %parallel_loop3A_847 : vector<1x16xf32> to vector<16xf32>
        %parallel_loop3A_849 = vector.shape_cast %parallel_loop3A_844 : vector<16xf32> to vector<1x16xf32>
        tpu.vector_store %arg11[%parallel_loop3A_845, %parallel_loop3A_846], %parallel_loop3A_849 {strides = array<i32>} : memref<400x64xf32, #tpu.memory_space<vmem>>, vector<1x16xf32>,
        %parallel_loop3A_850 = arith.index_cast %parallel_loop3A_819 : i32 to index
        %parallel_loop3A_851 = arith.constant 48 : index
        %parallel_loop3A_852 = tpu.vector_load %arg11[%parallel_loop3A_850, %parallel_loop3A_851] {strides = array<i32>} : memref<400x64xf32, #tpu.memory_space<vmem>>, vector<1x16xf32>,
        %parallel_loop3A_853 = vector.shape_cast %parallel_loop3A_852 : vector<1x16xf32> to vector<16xf32>
        %parallel_loop3A_854 = arith.mulf %parallel_loop3A_853, %parallel_loop3A_815 : vector<16xf32>
        %parallel_loop3A_855 = arith.index_cast %parallel_loop3A_819 : i32 to index
        %parallel_loop3A_856 = arith.constant 48 : index
        %parallel_loop3A_857 = tpu.vector_load %arg11[%parallel_loop3A_855, %parallel_loop3A_856] {strides = array<i32>} : memref<400x64xf32, #tpu.memory_space<vmem>>, vector<1x16xf32>,
        %parallel_loop3A_858 = vector.shape_cast %parallel_loop3A_857 : vector<1x16xf32> to vector<16xf32>
        %parallel_loop3A_859 = vector.shape_cast %parallel_loop3A_854 : vector<16xf32> to vector<1x16xf32>
        tpu.vector_store %arg11[%parallel_loop3A_855, %parallel_loop3A_856], %parallel_loop3A_859 {strides = array<i32>} : memref<400x64xf32, #tpu.memory_space<vmem>>, vector<1x16xf32>,
        %parallel_loop3A_860 = vector.extract_strided_slice %parallel_loop3A_139 {offsets = [15], sizes = [1], strides = [1]} : vector<16xi32> to vector<1xi32>
        %parallel_loop3A_861 = vector.extract %parallel_loop3A_860[0] : i32 from vector<1xi32>
        %parallel_loop3A_862 = arith.bitcast %parallel_loop3A_861 : i32 to f32
        %parallel_loop3A_863 = vector.broadcast %parallel_loop3A_862 : f32 to vector<16xf32>
        %parallel_loop3A_864 = arith.constant 16 : i32
        %parallel_loop3A_865 = arith.muli %parallel_loop3A_132, %parallel_loop3A_864 : i32
        %parallel_loop3A_866 = arith.constant 15 : i32
        %parallel_loop3A_867 = arith.addi %parallel_loop3A_865, %parallel_loop3A_866 : i32
        %parallel_loop3A_868 = arith.index_cast %parallel_loop3A_867 : i32 to index
        %parallel_loop3A_869 = arith.constant 0 : index
        %parallel_loop3A_870 = tpu.vector_load %arg11[%parallel_loop3A_868, %parallel_loop3A_869] {strides = array<i32>} : memref<400x64xf32, #tpu.memory_space<vmem>>, vector<1x16xf32>,
        %parallel_loop3A_871 = vector.shape_cast %parallel_loop3A_870 : vector<1x16xf32> to vector<16xf32>
        %parallel_loop3A_872 = arith.mulf %parallel_loop3A_871, %parallel_loop3A_863 : vector<16xf32>
        %parallel_loop3A_873 = arith.index_cast %parallel_loop3A_867 : i32 to index
        %parallel_loop3A_874 = arith.constant 0 : index
        %parallel_loop3A_875 = tpu.vector_load %arg11[%parallel_loop3A_873, %parallel_loop3A_874] {strides = array<i32>} : memref<400x64xf32, #tpu.memory_space<vmem>>, vector<1x16xf32>,
        %parallel_loop3A_876 = vector.shape_cast %parallel_loop3A_875 : vector<1x16xf32> to vector<16xf32>
        %parallel_loop3A_877 = vector.shape_cast %parallel_loop3A_872 : vector<16xf32> to vector<1x16xf32>
        tpu.vector_store %arg11[%parallel_loop3A_873, %parallel_loop3A_874], %parallel_loop3A_877 {strides = array<i32>} : memref<400x64xf32, #tpu.memory_space<vmem>>, vector<1x16xf32>,
        %parallel_loop3A_878 = arith.index_cast %parallel_loop3A_867 : i32 to index
        %parallel_loop3A_879 = arith.constant 16 : index
        %parallel_loop3A_880 = tpu.vector_load %arg11[%parallel_loop3A_878, %parallel_loop3A_879] {strides = array<i32>} : memref<400x64xf32, #tpu.memory_space<vmem>>, vector<1x16xf32>,
        %parallel_loop3A_881 = vector.shape_cast %parallel_loop3A_880 : vector<1x16xf32> to vector<16xf32>
        %parallel_loop3A_882 = arith.mulf %parallel_loop3A_881, %parallel_loop3A_863 : vector<16xf32>
        %parallel_loop3A_883 = arith.index_cast %parallel_loop3A_867 : i32 to index
        %parallel_loop3A_884 = arith.constant 16 : index
        %parallel_loop3A_885 = tpu.vector_load %arg11[%parallel_loop3A_883, %parallel_loop3A_884] {strides = array<i32>} : memref<400x64xf32, #tpu.memory_space<vmem>>, vector<1x16xf32>,
        %parallel_loop3A_886 = vector.shape_cast %parallel_loop3A_885 : vector<1x16xf32> to vector<16xf32>
        %parallel_loop3A_887 = vector.shape_cast %parallel_loop3A_882 : vector<16xf32> to vector<1x16xf32>
        tpu.vector_store %arg11[%parallel_loop3A_883, %parallel_loop3A_884], %parallel_loop3A_887 {strides = array<i32>} : memref<400x64xf32, #tpu.memory_space<vmem>>, vector<1x16xf32>,
        %parallel_loop3A_888 = arith.index_cast %parallel_loop3A_867 : i32 to index
        %parallel_loop3A_889 = arith.constant 32 : index
        %parallel_loop3A_890 = tpu.vector_load %arg11[%parallel_loop3A_888, %parallel_loop3A_889] {strides = array<i32>} : memref<400x64xf32, #tpu.memory_space<vmem>>, vector<1x16xf32>,
        %parallel_loop3A_891 = vector.shape_cast %parallel_loop3A_890 : vector<1x16xf32> to vector<16xf32>
        %parallel_loop3A_892 = arith.mulf %parallel_loop3A_891, %parallel_loop3A_863 : vector<16xf32>
        %parallel_loop3A_893 = arith.index_cast %parallel_loop3A_867 : i32 to index
        %parallel_loop3A_894 = arith.constant 32 : index
        %parallel_loop3A_895 = tpu.vector_load %arg11[%parallel_loop3A_893, %parallel_loop3A_894] {strides = array<i32>} : memref<400x64xf32, #tpu.memory_space<vmem>>, vector<1x16xf32>,
        %parallel_loop3A_896 = vector.shape_cast %parallel_loop3A_895 : vector<1x16xf32> to vector<16xf32>
        %parallel_loop3A_897 = vector.shape_cast %parallel_loop3A_892 : vector<16xf32> to vector<1x16xf32>
        tpu.vector_store %arg11[%parallel_loop3A_893, %parallel_loop3A_894], %parallel_loop3A_897 {strides = array<i32>} : memref<400x64xf32, #tpu.memory_space<vmem>>, vector<1x16xf32>,
        %parallel_loop3A_898 = arith.index_cast %parallel_loop3A_867 : i32 to index
        %parallel_loop3A_899 = arith.constant 48 : index
        %parallel_loop3A_900 = tpu.vector_load %arg11[%parallel_loop3A_898, %parallel_loop3A_899] {strides = array<i32>} : memref<400x64xf32, #tpu.memory_space<vmem>>, vector<1x16xf32>,
        %parallel_loop3A_901 = vector.shape_cast %parallel_loop3A_900 : vector<1x16xf32> to vector<16xf32>
        %parallel_loop3A_902 = arith.mulf %parallel_loop3A_901, %parallel_loop3A_863 : vector<16xf32>
        %parallel_loop3A_903 = arith.index_cast %parallel_loop3A_867 : i32 to index
        %parallel_loop3A_904 = arith.constant 48 : index
        %parallel_loop3A_905 = tpu.vector_load %arg11[%parallel_loop3A_903, %parallel_loop3A_904] {strides = array<i32>} : memref<400x64xf32, #tpu.memory_space<vmem>>, vector<1x16xf32>,
        %parallel_loop3A_906 = vector.shape_cast %parallel_loop3A_905 : vector<1x16xf32> to vector<16xf32>
        %parallel_loop3A_907 = vector.shape_cast %parallel_loop3A_902 : vector<16xf32> to vector<1x16xf32>
        tpu.vector_store %arg11[%parallel_loop3A_903, %parallel_loop3A_904], %parallel_loop3A_907 {strides = array<i32>} : memref<400x64xf32, #tpu.memory_space<vmem>>, vector<1x16xf32>,
      } {sc.loop_unroll_factor = 2 : i64, sc.parallel_access}
      %dma_start3A = arith.constant 1 : i32
      %dma_start3A_83 = arith.constant 0 : i32
      %dma_start3A_84 = tpu.memref_slice %arg9[%dma_start3A, %dma_start3A_83] : memref<3x400xi32, #tpu.memory_space<vmem>> -> memref<1x400xi32, #tpu.memory_space<vmem>>
      %dma_start3A_85 = tpu.memref_squeeze %dma_start3A_84 : memref<1x400xi32, #tpu.memory_space<vmem>> -> memref<400xi32, #tpu.memory_space<vmem>>
      %dma_start3A_86 = arith.constant 0 : i32
      %dma_start3A_87 = arith.constant 0 : i32
      %dma_start3A_88 = tpu.memref_slice %arg14[%dma_start3A_86, %dma_start3A_87] : memref<10000x64xf32, #tpu.memory_space<vmem_shared>> -> memref<10000x64xf32, #tpu.memory_space<vmem_shared>>
      tpu.enqueue_indirect_dma source(%arg11 : memref<400x64xf32, #tpu.memory_space<vmem>>) target(%dma_start3A_88 : memref<10000x64xf32, #tpu.memory_space<vmem_shared>>) offsets(%dma_start3A_85 : memref<400xi32, #tpu.memory_space<vmem>>) semaphore(%arg18 : memref<!tpu.dma_semaphore, #tpu.memory_space<semaphore_mem>>) {add = true}
      %eq3A_89 = arith.constant 0 : i32
      %eq3A_90 = arith.cmpi eq, %arg0, %eq3A_89 : i32
      %convert_element_type3A_91 = arith.extui %eq3A_90 : i1 to i32
      %cond3A_92 = arith.constant 0 : i32
      %cond3A_93 = arith.cmpi ne, %convert_element_type3A_91, %cond3A_92 : i32
      scf.if %cond3A_93 {
        %dma_start3A_132 = arith.constant 1 : i32
        %dma_start3A_133 = arith.constant 0 : i32
        %dma_start3A_134 = tpu.memref_slice %arg9[%dma_start3A_132, %dma_start3A_133] : memref<3x400xi32, #tpu.memory_space<vmem>> -> memref<1x400xi32, #tpu.memory_space<vmem>>
        %dma_start3A_135 = tpu.memref_squeeze %dma_start3A_134 : memref<1x400xi32, #tpu.memory_space<vmem>> -> memref<400xi32, #tpu.memory_space<vmem>>
        %dma_start3A_136 = arith.constant 0 : i32
        %dma_start3A_137 = arith.constant 0 : i32
        %dma_start3A_138 = tpu.memref_slice %arg15[%dma_start3A_136, %dma_start3A_137] : memref<10000x16xf32, #tpu.memory_space<vmem_shared>> -> memref<10000x16xf32, #tpu.memory_space<vmem_shared>>
        tpu.enqueue_indirect_dma source(%arg13 : memref<400x16xf32, #tpu.memory_space<vmem>>) target(%dma_start3A_138 : memref<10000x16xf32, #tpu.memory_space<vmem_shared>>) offsets(%dma_start3A_135 : memref<400xi32, #tpu.memory_space<vmem>>) semaphore(%arg20 : memref<!tpu.dma_semaphore, #tpu.memory_space<semaphore_mem>>) {add = true}
      } else {
      }
      %dma_wait3A_94 = arith.constant 0 : i32
      %dma_wait3A_95 = arith.constant 0 : i32
      %dma_wait3A_96 = tpu.memref_slice %arg10[%dma_wait3A_94, %dma_wait3A_95] : memref<3x400xi32, #tpu.memory_space<vmem>> -> memref<1x400xi32, #tpu.memory_space<vmem>>
      %dma_wait3A_97 = tpu.memref_squeeze %dma_wait3A_96 : memref<1x400xi32, #tpu.memory_space<vmem>> -> memref<400xi32, #tpu.memory_space<vmem>>
      %dma_wait3A_98 = arith.constant 0 : i32
      %dma_wait3A_99 = arith.constant 0 : i32
      %dma_wait3A_100 = tpu.memref_slice %arg2[%dma_wait3A_98, %dma_wait3A_99] : memref<10000x64xf32, #tpu.memory_space<hbm>> -> memref<10000x64xf32, #tpu.memory_space<hbm>>
      tpu.wait_indirect_dma semaphore(%arg17 : memref<!tpu.dma_semaphore, #tpu.memory_space<semaphore_mem>>) src(%dma_wait3A_100 : memref<10000x64xf32, #tpu.memory_space<hbm>>) dst(%arg12 : memref<400x64xf32, #tpu.memory_space<vmem>>)
      %dma_wait3A_101 = arith.constant 1 : i32
      %dma_wait3A_102 = arith.constant 0 : i32
      %dma_wait3A_103 = tpu.memref_slice %arg9[%dma_wait3A_101, %dma_wait3A_102] : memref<3x400xi32, #tpu.memory_space<vmem>> -> memref<1x400xi32, #tpu.memory_space<vmem>>
      %dma_wait3A_104 = tpu.memref_squeeze %dma_wait3A_103 : memref<1x400xi32, #tpu.memory_space<vmem>> -> memref<400xi32, #tpu.memory_space<vmem>>
      %dma_wait3A_105 = arith.constant 0 : i32
      %dma_wait3A_106 = arith.constant 0 : i32
      %dma_wait3A_107 = tpu.memref_slice %arg14[%dma_wait3A_105, %dma_wait3A_106] : memref<10000x64xf32, #tpu.memory_space<vmem_shared>> -> memref<10000x64xf32, #tpu.memory_space<vmem_shared>>
      tpu.wait_indirect_dma semaphore(%arg18 : memref<!tpu.dma_semaphore, #tpu.memory_space<semaphore_mem>>) src(%arg11 : memref<400x64xf32, #tpu.memory_space<vmem>>) dst(%dma_wait3A_107 : memref<10000x64xf32, #tpu.memory_space<vmem_shared>>)
      %eq3A_108 = arith.constant 0 : i32
      %eq3A_109 = arith.cmpi eq, %arg0, %eq3A_108 : i32
      %convert_element_type3A_110 = arith.extui %eq3A_109 : i1 to i32
      %cond3A_111 = arith.constant 0 : i32
      %cond3A_112 = arith.cmpi ne, %convert_element_type3A_110, %cond3A_111 : i32
      scf.if %cond3A_112 {
        %dma_wait3A_132 = arith.constant 1 : i32
        %dma_wait3A_133 = arith.constant 0 : i32
        %dma_wait3A_134 = tpu.memref_slice %arg9[%dma_wait3A_132, %dma_wait3A_133] : memref<3x400xi32, #tpu.memory_space<vmem>> -> memref<1x400xi32, #tpu.memory_space<vmem>>
        %dma_wait3A_135 = tpu.memref_squeeze %dma_wait3A_134 : memref<1x400xi32, #tpu.memory_space<vmem>> -> memref<400xi32, #tpu.memory_space<vmem>>
        %dma_wait3A_136 = arith.constant 0 : i32
        %dma_wait3A_137 = arith.constant 0 : i32
        %dma_wait3A_138 = tpu.memref_slice %arg15[%dma_wait3A_136, %dma_wait3A_137] : memref<10000x16xf32, #tpu.memory_space<vmem_shared>> -> memref<10000x16xf32, #tpu.memory_space<vmem_shared>>
        tpu.wait_indirect_dma semaphore(%arg20 : memref<!tpu.dma_semaphore, #tpu.memory_space<semaphore_mem>>) src(%arg13 : memref<400x16xf32, #tpu.memory_space<vmem>>) dst(%dma_wait3A_138 : memref<10000x16xf32, #tpu.memory_space<vmem_shared>>)
      } else {
      }
      %lt3A = arith.constant 24 : i32
      %lt3A_113 = arith.cmpi slt, %scan3A_56, %lt3A : i32
      %convert_element_type3A_114 = arith.extui %lt3A_113 : i1 to i32
      %cond3A_115 = arith.constant 0 : i32
      %cond3A_116 = arith.cmpi ne, %convert_element_type3A_114, %cond3A_115 : i32
      scf.if %cond3A_116 {
        %add3A_132 = arith.constant 2 : i32
        %add3A_133 = arith.addi %mul3A_58, %add3A_132 : i32
        "tpu.region"() ({
          %run_scoped3A_144 = tpu.sem_alloc : memref<!tpu.dma_semaphore, #tpu.memory_space<semaphore_mem>>
          %dma_start3A_145 = arith.constant 0 : i32
          %dma_start3A_146 = arith.constant 0 : i32
          %dma_start3A_147 = tpu.memref_slice %arg4[%arg1, %add3A_133, %dma_start3A_145, %dma_start3A_146] : memref<16x50x3x400xi32, #tpu.memory_space<hbm>> -> memref<1x1x3x400xi32, #tpu.memory_space<hbm>>
          %dma_start3A_148 = tpu.memref_squeeze %dma_start3A_147 : memref<1x1x3x400xi32, #tpu.memory_space<hbm>> -> memref<3x400xi32, #tpu.memory_space<hbm>>
          %dma_start3A_149 = arith.constant 0 : i32
          %dma_start3A_150 = arith.constant 0 : i32
          %dma_start3A_151 = tpu.memref_slice %arg4[%arg1, %add3A_133, %dma_start3A_149, %dma_start3A_150] : memref<16x50x3x400xi32, #tpu.memory_space<hbm>> -> memref<1x1x3x400xi32, #tpu.memory_space<hbm>>
          %dma_start3A_152 = tpu.memref_squeeze %dma_start3A_151 : memref<1x1x3x400xi32, #tpu.memory_space<hbm>> -> memref<3x400xi32, #tpu.memory_space<hbm>>
          tpu.enqueue_dma source(%dma_start3A_152 : memref<3x400xi32, #tpu.memory_space<hbm>>) target(%arg9 : memref<3x400xi32, #tpu.memory_space<vmem>>) target_semaphore(%run_scoped3A_144 : memref<!tpu.dma_semaphore, #tpu.memory_space<semaphore_mem>>)
          %dma_wait3A_153 = arith.constant 0 : i32
          %dma_wait3A_154 = arith.constant 0 : i32
          %dma_wait3A_155 = tpu.memref_slice %arg4[%arg1, %add3A_133, %dma_wait3A_153, %dma_wait3A_154] : memref<16x50x3x400xi32, #tpu.memory_space<hbm>> -> memref<1x1x3x400xi32, #tpu.memory_space<hbm>>
          %dma_wait3A_156 = tpu.memref_squeeze %dma_wait3A_155 : memref<1x1x3x400xi32, #tpu.memory_space<hbm>> -> memref<3x400xi32, #tpu.memory_space<hbm>>
          %dma_wait3A_157 = arith.constant 0 : i32
          %dma_wait3A_158 = arith.constant 0 : i32
          %dma_wait3A_159 = tpu.memref_slice %arg4[%arg1, %add3A_133, %dma_wait3A_157, %dma_wait3A_158] : memref<16x50x3x400xi32, #tpu.memory_space<hbm>> -> memref<1x1x3x400xi32, #tpu.memory_space<hbm>>
          %dma_wait3A_160 = tpu.memref_squeeze %dma_wait3A_159 : memref<1x1x3x400xi32, #tpu.memory_space<hbm>> -> memref<3x400xi32, #tpu.memory_space<hbm>>
          tpu.wait_dma2 semaphore(%run_scoped3A_144 : memref<!tpu.dma_semaphore, #tpu.memory_space<semaphore_mem>>) src(%dma_wait3A_160 : memref<3x400xi32, #tpu.memory_space<hbm>>) dst(%arg9 : memref<3x400xi32, #tpu.memory_space<vmem>>)
          tpu.yield
        }) : () -> ()
        %eq3A_134 = arith.constant 0 : i32
        %eq3A_135 = arith.cmpi eq, %arg0, %eq3A_134 : i32
        %convert_element_type3A_136 = arith.extui %eq3A_135 : i1 to i32
        %cond3A_137 = arith.constant 0 : i32
        %cond3A_138 = arith.cmpi ne, %convert_element_type3A_136, %cond3A_137 : i32
        scf.if %cond3A_138 {
          %dma_start3A_144 = arith.constant 0 : i32
          %dma_start3A_145 = arith.constant 0 : i32
          %dma_start3A_146 = tpu.memref_slice %arg9[%dma_start3A_144, %dma_start3A_145] : memref<3x400xi32, #tpu.memory_space<vmem>> -> memref<1x400xi32, #tpu.memory_space<vmem>>
          %dma_start3A_147 = tpu.memref_squeeze %dma_start3A_146 : memref<1x400xi32, #tpu.memory_space<vmem>> -> memref<400xi32, #tpu.memory_space<vmem>>
          %dma_start3A_148 = arith.constant 0 : i32
          %dma_start3A_149 = arith.constant 0 : i32
          %dma_start3A_150 = tpu.memref_slice %arg2[%dma_start3A_148, %dma_start3A_149] : memref<10000x64xf32, #tpu.memory_space<hbm>> -> memref<10000x64xf32, #tpu.memory_space<hbm>>
          tpu.enqueue_indirect_dma source(%dma_start3A_150 : memref<10000x64xf32, #tpu.memory_space<hbm>>) target(%arg11 : memref<400x64xf32, #tpu.memory_space<vmem>>) offsets(%dma_start3A_147 : memref<400xi32, #tpu.memory_space<vmem>>) semaphore(%arg16 : memref<!tpu.dma_semaphore, #tpu.memory_space<semaphore_mem>>)
        } else {
        }
        %eq3A_139 = arith.constant 1 : i32
        %eq3A_140 = arith.cmpi eq, %arg0, %eq3A_139 : i32
        %convert_element_type3A_141 = arith.extui %eq3A_140 : i1 to i32
        %cond3A_142 = arith.constant 0 : i32
        %cond3A_143 = arith.cmpi ne, %convert_element_type3A_141, %cond3A_142 : i32
        scf.if %cond3A_143 {
          %dma_start3A_144 = arith.constant 0 : i32
          %dma_start3A_145 = arith.constant 0 : i32
          %dma_start3A_146 = tpu.memref_slice %arg9[%dma_start3A_144, %dma_start3A_145] : memref<3x400xi32, #tpu.memory_space<vmem>> -> memref<1x400xi32, #tpu.memory_space<vmem>>
          %dma_start3A_147 = tpu.memref_squeeze %dma_start3A_146 : memref<1x400xi32, #tpu.memory_space<vmem>> -> memref<400xi32, #tpu.memory_space<vmem>>
          %dma_start3A_148 = arith.constant 0 : i32
          %dma_start3A_149 = arith.constant 0 : i32
          %dma_start3A_150 = tpu.memref_slice %arg3[%dma_start3A_148, %dma_start3A_149] : memref<10000x64xf32, #tpu.memory_space<hbm>> -> memref<10000x64xf32, #tpu.memory_space<hbm>>
          tpu.enqueue_indirect_dma source(%dma_start3A_150 : memref<10000x64xf32, #tpu.memory_space<hbm>>) target(%arg11 : memref<400x64xf32, #tpu.memory_space<vmem>>) offsets(%dma_start3A_147 : memref<400xi32, #tpu.memory_space<vmem>>) semaphore(%arg16 : memref<!tpu.dma_semaphore, #tpu.memory_space<semaphore_mem>>)
        } else {
        }
      } else {
      }
      %parallel_loop3A_117 = arith.constant 0 : i32
      %parallel_loop3A_118 = arith.constant 25 : i32
      %parallel_loop3A_119 = arith.constant 1 : i32
      scf.for %parallel_loop3A_132 = %parallel_loop3A_117 to %parallel_loop3A_118 step %parallel_loop3A_119  : i32 {
        %parallel_loop3A_133 = arith.constant 16 : i32
        %parallel_loop3A_134 = arith.muli %parallel_loop3A_132, %parallel_loop3A_133 : i32
        %parallel_loop3A_135 = arith.constant 2 : i32
        %parallel_loop3A_136 = arith.index_cast %parallel_loop3A_135 : i32 to index
        %parallel_loop3A_137 = arith.index_cast %parallel_loop3A_134 : i32 to index
        %parallel_loop3A_138 = tpu.vector_load %arg10[%parallel_loop3A_136, %parallel_loop3A_137] {strides = array<i32>} : memref<3x400xi32, #tpu.memory_space<vmem>>, vector<1x16xi32>,
        %parallel_loop3A_139 = vector.shape_cast %parallel_loop3A_138 : vector<1x16xi32> to vector<16xi32>
        %parallel_loop3A_140 = vector.extract_strided_slice %parallel_loop3A_139 {offsets = [0], sizes = [1], strides = [1]} : vector<16xi32> to vector<1xi32>
        %parallel_loop3A_141 = vector.extract %parallel_loop3A_140[0] : i32 from vector<1xi32>
        %parallel_loop3A_142 = arith.bitcast %parallel_loop3A_141 : i32 to f32
        %parallel_loop3A_143 = vector.broadcast %parallel_loop3A_142 : f32 to vector<16xf32>
        %parallel_loop3A_144 = arith.constant 16 : i32
        %parallel_loop3A_145 = arith.muli %parallel_loop3A_132, %parallel_loop3A_144 : i32
        %parallel_loop3A_146 = arith.constant 0 : i32
        %parallel_loop3A_147 = arith.addi %parallel_loop3A_145, %parallel_loop3A_146 : i32
        %parallel_loop3A_148 = arith.index_cast %parallel_loop3A_147 : i32 to index
        %parallel_loop3A_149 = arith.constant 0 : index
        %parallel_loop3A_150 = tpu.vector_load %arg12[%parallel_loop3A_148, %parallel_loop3A_149] {strides = array<i32>} : memref<400x64xf32, #tpu.memory_space<vmem>>, vector<1x16xf32>,
        %parallel_loop3A_151 = vector.shape_cast %parallel_loop3A_150 : vector<1x16xf32> to vector<16xf32>
        %parallel_loop3A_152 = arith.mulf %parallel_loop3A_151, %parallel_loop3A_143 : vector<16xf32>
        %parallel_loop3A_153 = arith.index_cast %parallel_loop3A_147 : i32 to index
        %parallel_loop3A_154 = arith.constant 0 : index
        %parallel_loop3A_155 = tpu.vector_load %arg12[%parallel_loop3A_153, %parallel_loop3A_154] {strides = array<i32>} : memref<400x64xf32, #tpu.memory_space<vmem>>, vector<1x16xf32>,
        %parallel_loop3A_156 = vector.shape_cast %parallel_loop3A_155 : vector<1x16xf32> to vector<16xf32>
        %parallel_loop3A_157 = vector.shape_cast %parallel_loop3A_152 : vector<16xf32> to vector<1x16xf32>
        tpu.vector_store %arg12[%parallel_loop3A_153, %parallel_loop3A_154], %parallel_loop3A_157 {strides = array<i32>} : memref<400x64xf32, #tpu.memory_space<vmem>>, vector<1x16xf32>,
        %parallel_loop3A_158 = arith.index_cast %parallel_loop3A_147 : i32 to index
        %parallel_loop3A_159 = arith.constant 16 : index
        %parallel_loop3A_160 = tpu.vector_load %arg12[%parallel_loop3A_158, %parallel_loop3A_159] {strides = array<i32>} : memref<400x64xf32, #tpu.memory_space<vmem>>, vector<1x16xf32>,
        %parallel_loop3A_161 = vector.shape_cast %parallel_loop3A_160 : vector<1x16xf32> to vector<16xf32>
        %parallel_loop3A_162 = arith.mulf %parallel_loop3A_161, %parallel_loop3A_143 : vector<16xf32>
        %parallel_loop3A_163 = arith.index_cast %parallel_loop3A_147 : i32 to index
        %parallel_loop3A_164 = arith.constant 16 : index
        %parallel_loop3A_165 = tpu.vector_load %arg12[%parallel_loop3A_163, %parallel_loop3A_164] {strides = array<i32>} : memref<400x64xf32, #tpu.memory_space<vmem>>, vector<1x16xf32>,
        %parallel_loop3A_166 = vector.shape_cast %parallel_loop3A_165 : vector<1x16xf32> to vector<16xf32>
        %parallel_loop3A_167 = vector.shape_cast %parallel_loop3A_162 : vector<16xf32> to vector<1x16xf32>
        tpu.vector_store %arg12[%parallel_loop3A_163, %parallel_loop3A_164], %parallel_loop3A_167 {strides = array<i32>} : memref<400x64xf32, #tpu.memory_space<vmem>>, vector<1x16xf32>,
        %parallel_loop3A_168 = arith.index_cast %parallel_loop3A_147 : i32 to index
        %parallel_loop3A_169 = arith.constant 32 : index
        %parallel_loop3A_170 = tpu.vector_load %arg12[%parallel_loop3A_168, %parallel_loop3A_169] {strides = array<i32>} : memref<400x64xf32, #tpu.memory_space<vmem>>, vector<1x16xf32>,
        %parallel_loop3A_171 = vector.shape_cast %parallel_loop3A_170 : vector<1x16xf32> to vector<16xf32>
        %parallel_loop3A_172 = arith.mulf %parallel_loop3A_171, %parallel_loop3A_143 : vector<16xf32>
        %parallel_loop3A_173 = arith.index_cast %parallel_loop3A_147 : i32 to index
        %parallel_loop3A_174 = arith.constant 32 : index
        %parallel_loop3A_175 = tpu.vector_load %arg12[%parallel_loop3A_173, %parallel_loop3A_174] {strides = array<i32>} : memref<400x64xf32, #tpu.memory_space<vmem>>, vector<1x16xf32>,
        %parallel_loop3A_176 = vector.shape_cast %parallel_loop3A_175 : vector<1x16xf32> to vector<16xf32>
        %parallel_loop3A_177 = vector.shape_cast %parallel_loop3A_172 : vector<16xf32> to vector<1x16xf32>
        tpu.vector_store %arg12[%parallel_loop3A_173, %parallel_loop3A_174], %parallel_loop3A_177 {strides = array<i32>} : memref<400x64xf32, #tpu.memory_space<vmem>>, vector<1x16xf32>,
        %parallel_loop3A_178 = arith.index_cast %parallel_loop3A_147 : i32 to index
        %parallel_loop3A_179 = arith.constant 48 : index
        %parallel_loop3A_180 = tpu.vector_load %arg12[%parallel_loop3A_178, %parallel_loop3A_179] {strides = array<i32>} : memref<400x64xf32, #tpu.memory_space<vmem>>, vector<1x16xf32>,
        %parallel_loop3A_181 = vector.shape_cast %parallel_loop3A_180 : vector<1x16xf32> to vector<16xf32>
        %parallel_loop3A_182 = arith.mulf %parallel_loop3A_181, %parallel_loop3A_143 : vector<16xf32>
        %parallel_loop3A_183 = arith.index_cast %parallel_loop3A_147 : i32 to index
        %parallel_loop3A_184 = arith.constant 48 : index
        %parallel_loop3A_185 = tpu.vector_load %arg12[%parallel_loop3A_183, %parallel_loop3A_184] {strides = array<i32>} : memref<400x64xf32, #tpu.memory_space<vmem>>, vector<1x16xf32>,
        %parallel_loop3A_186 = vector.shape_cast %parallel_loop3A_185 : vector<1x16xf32> to vector<16xf32>
        %parallel_loop3A_187 = vector.shape_cast %parallel_loop3A_182 : vector<16xf32> to vector<1x16xf32>
        tpu.vector_store %arg12[%parallel_loop3A_183, %parallel_loop3A_184], %parallel_loop3A_187 {strides = array<i32>} : memref<400x64xf32, #tpu.memory_space<vmem>>, vector<1x16xf32>,
        %parallel_loop3A_188 = vector.extract_strided_slice %parallel_loop3A_139 {offsets = [1], sizes = [1], strides = [1]} : vector<16xi32> to vector<1xi32>
        %parallel_loop3A_189 = vector.extract %parallel_loop3A_188[0] : i32 from vector<1xi32>
        %parallel_loop3A_190 = arith.bitcast %parallel_loop3A_189 : i32 to f32
        %parallel_loop3A_191 = vector.broadcast %parallel_loop3A_190 : f32 to vector<16xf32>
        %parallel_loop3A_192 = arith.constant 16 : i32
        %parallel_loop3A_193 = arith.muli %parallel_loop3A_132, %parallel_loop3A_192 : i32
        %parallel_loop3A_194 = arith.constant 1 : i32
        %parallel_loop3A_195 = arith.addi %parallel_loop3A_193, %parallel_loop3A_194 : i32
        %parallel_loop3A_196 = arith.index_cast %parallel_loop3A_195 : i32 to index
        %parallel_loop3A_197 = arith.constant 0 : index
        %parallel_loop3A_198 = tpu.vector_load %arg12[%parallel_loop3A_196, %parallel_loop3A_197] {strides = array<i32>} : memref<400x64xf32, #tpu.memory_space<vmem>>, vector<1x16xf32>,
        %parallel_loop3A_199 = vector.shape_cast %parallel_loop3A_198 : vector<1x16xf32> to vector<16xf32>
        %parallel_loop3A_200 = arith.mulf %parallel_loop3A_199, %parallel_loop3A_191 : vector<16xf32>
        %parallel_loop3A_201 = arith.index_cast %parallel_loop3A_195 : i32 to index
        %parallel_loop3A_202 = arith.constant 0 : index
        %parallel_loop3A_203 = tpu.vector_load %arg12[%parallel_loop3A_201, %parallel_loop3A_202] {strides = array<i32>} : memref<400x64xf32, #tpu.memory_space<vmem>>, vector<1x16xf32>,
        %parallel_loop3A_204 = vector.shape_cast %parallel_loop3A_203 : vector<1x16xf32> to vector<16xf32>
        %parallel_loop3A_205 = vector.shape_cast %parallel_loop3A_200 : vector<16xf32> to vector<1x16xf32>
        tpu.vector_store %arg12[%parallel_loop3A_201, %parallel_loop3A_202], %parallel_loop3A_205 {strides = array<i32>} : memref<400x64xf32, #tpu.memory_space<vmem>>, vector<1x16xf32>,
        %parallel_loop3A_206 = arith.index_cast %parallel_loop3A_195 : i32 to index
        %parallel_loop3A_207 = arith.constant 16 : index
        %parallel_loop3A_208 = tpu.vector_load %arg12[%parallel_loop3A_206, %parallel_loop3A_207] {strides = array<i32>} : memref<400x64xf32, #tpu.memory_space<vmem>>, vector<1x16xf32>,
        %parallel_loop3A_209 = vector.shape_cast %parallel_loop3A_208 : vector<1x16xf32> to vector<16xf32>
        %parallel_loop3A_210 = arith.mulf %parallel_loop3A_209, %parallel_loop3A_191 : vector<16xf32>
        %parallel_loop3A_211 = arith.index_cast %parallel_loop3A_195 : i32 to index
        %parallel_loop3A_212 = arith.constant 16 : index
        %parallel_loop3A_213 = tpu.vector_load %arg12[%parallel_loop3A_211, %parallel_loop3A_212] {strides = array<i32>} : memref<400x64xf32, #tpu.memory_space<vmem>>, vector<1x16xf32>,
        %parallel_loop3A_214 = vector.shape_cast %parallel_loop3A_213 : vector<1x16xf32> to vector<16xf32>
        %parallel_loop3A_215 = vector.shape_cast %parallel_loop3A_210 : vector<16xf32> to vector<1x16xf32>
        tpu.vector_store %arg12[%parallel_loop3A_211, %parallel_loop3A_212], %parallel_loop3A_215 {strides = array<i32>} : memref<400x64xf32, #tpu.memory_space<vmem>>, vector<1x16xf32>,
        %parallel_loop3A_216 = arith.index_cast %parallel_loop3A_195 : i32 to index
        %parallel_loop3A_217 = arith.constant 32 : index
        %parallel_loop3A_218 = tpu.vector_load %arg12[%parallel_loop3A_216, %parallel_loop3A_217] {strides = array<i32>} : memref<400x64xf32, #tpu.memory_space<vmem>>, vector<1x16xf32>,
        %parallel_loop3A_219 = vector.shape_cast %parallel_loop3A_218 : vector<1x16xf32> to vector<16xf32>
        %parallel_loop3A_220 = arith.mulf %parallel_loop3A_219, %parallel_loop3A_191 : vector<16xf32>
        %parallel_loop3A_221 = arith.index_cast %parallel_loop3A_195 : i32 to index
        %parallel_loop3A_222 = arith.constant 32 : index
        %parallel_loop3A_223 = tpu.vector_load %arg12[%parallel_loop3A_221, %parallel_loop3A_222] {strides = array<i32>} : memref<400x64xf32, #tpu.memory_space<vmem>>, vector<1x16xf32>,
        %parallel_loop3A_224 = vector.shape_cast %parallel_loop3A_223 : vector<1x16xf32> to vector<16xf32>
        %parallel_loop3A_225 = vector.shape_cast %parallel_loop3A_220 : vector<16xf32> to vector<1x16xf32>
        tpu.vector_store %arg12[%parallel_loop3A_221, %parallel_loop3A_222], %parallel_loop3A_225 {strides = array<i32>} : memref<400x64xf32, #tpu.memory_space<vmem>>, vector<1x16xf32>,
        %parallel_loop3A_226 = arith.index_cast %parallel_loop3A_195 : i32 to index
        %parallel_loop3A_227 = arith.constant 48 : index
        %parallel_loop3A_228 = tpu.vector_load %arg12[%parallel_loop3A_226, %parallel_loop3A_227] {strides = array<i32>} : memref<400x64xf32, #tpu.memory_space<vmem>>, vector<1x16xf32>,
        %parallel_loop3A_229 = vector.shape_cast %parallel_loop3A_228 : vector<1x16xf32> to vector<16xf32>
        %parallel_loop3A_230 = arith.mulf %parallel_loop3A_229, %parallel_loop3A_191 : vector<16xf32>
        %parallel_loop3A_231 = arith.index_cast %parallel_loop3A_195 : i32 to index
        %parallel_loop3A_232 = arith.constant 48 : index
        %parallel_loop3A_233 = tpu.vector_load %arg12[%parallel_loop3A_231, %parallel_loop3A_232] {strides = array<i32>} : memref<400x64xf32, #tpu.memory_space<vmem>>, vector<1x16xf32>,
        %parallel_loop3A_234 = vector.shape_cast %parallel_loop3A_233 : vector<1x16xf32> to vector<16xf32>
        %parallel_loop3A_235 = vector.shape_cast %parallel_loop3A_230 : vector<16xf32> to vector<1x16xf32>
        tpu.vector_store %arg12[%parallel_loop3A_231, %parallel_loop3A_232], %parallel_loop3A_235 {strides = array<i32>} : memref<400x64xf32, #tpu.memory_space<vmem>>, vector<1x16xf32>,
        %parallel_loop3A_236 = vector.extract_strided_slice %parallel_loop3A_139 {offsets = [2], sizes = [1], strides = [1]} : vector<16xi32> to vector<1xi32>
        %parallel_loop3A_237 = vector.extract %parallel_loop3A_236[0] : i32 from vector<1xi32>
        %parallel_loop3A_238 = arith.bitcast %parallel_loop3A_237 : i32 to f32
        %parallel_loop3A_239 = vector.broadcast %parallel_loop3A_238 : f32 to vector<16xf32>
        %parallel_loop3A_240 = arith.constant 16 : i32
        %parallel_loop3A_241 = arith.muli %parallel_loop3A_132, %parallel_loop3A_240 : i32
        %parallel_loop3A_242 = arith.constant 2 : i32
        %parallel_loop3A_243 = arith.addi %parallel_loop3A_241, %parallel_loop3A_242 : i32
        %parallel_loop3A_244 = arith.index_cast %parallel_loop3A_243 : i32 to index
        %parallel_loop3A_245 = arith.constant 0 : index
        %parallel_loop3A_246 = tpu.vector_load %arg12[%parallel_loop3A_244, %parallel_loop3A_245] {strides = array<i32>} : memref<400x64xf32, #tpu.memory_space<vmem>>, vector<1x16xf32>,
        %parallel_loop3A_247 = vector.shape_cast %parallel_loop3A_246 : vector<1x16xf32> to vector<16xf32>
        %parallel_loop3A_248 = arith.mulf %parallel_loop3A_247, %parallel_loop3A_239 : vector<16xf32>
        %parallel_loop3A_249 = arith.index_cast %parallel_loop3A_243 : i32 to index
        %parallel_loop3A_250 = arith.constant 0 : index
        %parallel_loop3A_251 = tpu.vector_load %arg12[%parallel_loop3A_249, %parallel_loop3A_250] {strides = array<i32>} : memref<400x64xf32, #tpu.memory_space<vmem>>, vector<1x16xf32>,
        %parallel_loop3A_252 = vector.shape_cast %parallel_loop3A_251 : vector<1x16xf32> to vector<16xf32>
        %parallel_loop3A_253 = vector.shape_cast %parallel_loop3A_248 : vector<16xf32> to vector<1x16xf32>
        tpu.vector_store %arg12[%parallel_loop3A_249, %parallel_loop3A_250], %parallel_loop3A_253 {strides = array<i32>} : memref<400x64xf32, #tpu.memory_space<vmem>>, vector<1x16xf32>,
        %parallel_loop3A_254 = arith.index_cast %parallel_loop3A_243 : i32 to index
        %parallel_loop3A_255 = arith.constant 16 : index
        %parallel_loop3A_256 = tpu.vector_load %arg12[%parallel_loop3A_254, %parallel_loop3A_255] {strides = array<i32>} : memref<400x64xf32, #tpu.memory_space<vmem>>, vector<1x16xf32>,
        %parallel_loop3A_257 = vector.shape_cast %parallel_loop3A_256 : vector<1x16xf32> to vector<16xf32>
        %parallel_loop3A_258 = arith.mulf %parallel_loop3A_257, %parallel_loop3A_239 : vector<16xf32>
        %parallel_loop3A_259 = arith.index_cast %parallel_loop3A_243 : i32 to index
        %parallel_loop3A_260 = arith.constant 16 : index
        %parallel_loop3A_261 = tpu.vector_load %arg12[%parallel_loop3A_259, %parallel_loop3A_260] {strides = array<i32>} : memref<400x64xf32, #tpu.memory_space<vmem>>, vector<1x16xf32>,
        %parallel_loop3A_262 = vector.shape_cast %parallel_loop3A_261 : vector<1x16xf32> to vector<16xf32>
        %parallel_loop3A_263 = vector.shape_cast %parallel_loop3A_258 : vector<16xf32> to vector<1x16xf32>
        tpu.vector_store %arg12[%parallel_loop3A_259, %parallel_loop3A_260], %parallel_loop3A_263 {strides = array<i32>} : memref<400x64xf32, #tpu.memory_space<vmem>>, vector<1x16xf32>,
        %parallel_loop3A_264 = arith.index_cast %parallel_loop3A_243 : i32 to index
        %parallel_loop3A_265 = arith.constant 32 : index
        %parallel_loop3A_266 = tpu.vector_load %arg12[%parallel_loop3A_264, %parallel_loop3A_265] {strides = array<i32>} : memref<400x64xf32, #tpu.memory_space<vmem>>, vector<1x16xf32>,
        %parallel_loop3A_267 = vector.shape_cast %parallel_loop3A_266 : vector<1x16xf32> to vector<16xf32>
        %parallel_loop3A_268 = arith.mulf %parallel_loop3A_267, %parallel_loop3A_239 : vector<16xf32>
        %parallel_loop3A_269 = arith.index_cast %parallel_loop3A_243 : i32 to index
        %parallel_loop3A_270 = arith.constant 32 : index
        %parallel_loop3A_271 = tpu.vector_load %arg12[%parallel_loop3A_269, %parallel_loop3A_270] {strides = array<i32>} : memref<400x64xf32, #tpu.memory_space<vmem>>, vector<1x16xf32>,
        %parallel_loop3A_272 = vector.shape_cast %parallel_loop3A_271 : vector<1x16xf32> to vector<16xf32>
        %parallel_loop3A_273 = vector.shape_cast %parallel_loop3A_268 : vector<16xf32> to vector<1x16xf32>
        tpu.vector_store %arg12[%parallel_loop3A_269, %parallel_loop3A_270], %parallel_loop3A_273 {strides = array<i32>} : memref<400x64xf32, #tpu.memory_space<vmem>>, vector<1x16xf32>,
        %parallel_loop3A_274 = arith.index_cast %parallel_loop3A_243 : i32 to index
        %parallel_loop3A_275 = arith.constant 48 : index
        %parallel_loop3A_276 = tpu.vector_load %arg12[%parallel_loop3A_274, %parallel_loop3A_275] {strides = array<i32>} : memref<400x64xf32, #tpu.memory_space<vmem>>, vector<1x16xf32>,
        %parallel_loop3A_277 = vector.shape_cast %parallel_loop3A_276 : vector<1x16xf32> to vector<16xf32>
        %parallel_loop3A_278 = arith.mulf %parallel_loop3A_277, %parallel_loop3A_239 : vector<16xf32>
        %parallel_loop3A_279 = arith.index_cast %parallel_loop3A_243 : i32 to index
        %parallel_loop3A_280 = arith.constant 48 : index
        %parallel_loop3A_281 = tpu.vector_load %arg12[%parallel_loop3A_279, %parallel_loop3A_280] {strides = array<i32>} : memref<400x64xf32, #tpu.memory_space<vmem>>, vector<1x16xf32>,
        %parallel_loop3A_282 = vector.shape_cast %parallel_loop3A_281 : vector<1x16xf32> to vector<16xf32>
        %parallel_loop3A_283 = vector.shape_cast %parallel_loop3A_278 : vector<16xf32> to vector<1x16xf32>
        tpu.vector_store %arg12[%parallel_loop3A_279, %parallel_loop3A_280], %parallel_loop3A_283 {strides = array<i32>} : memref<400x64xf32, #tpu.memory_space<vmem>>, vector<1x16xf32>,
        %parallel_loop3A_284 = vector.extract_strided_slice %parallel_loop3A_139 {offsets = [3], sizes = [1], strides = [1]} : vector<16xi32> to vector<1xi32>
        %parallel_loop3A_285 = vector.extract %parallel_loop3A_284[0] : i32 from vector<1xi32>
        %parallel_loop3A_286 = arith.bitcast %parallel_loop3A_285 : i32 to f32
        %parallel_loop3A_287 = vector.broadcast %parallel_loop3A_286 : f32 to vector<16xf32>
        %parallel_loop3A_288 = arith.constant 16 : i32
        %parallel_loop3A_289 = arith.muli %parallel_loop3A_132, %parallel_loop3A_288 : i32
        %parallel_loop3A_290 = arith.constant 3 : i32
        %parallel_loop3A_291 = arith.addi %parallel_loop3A_289, %parallel_loop3A_290 : i32
        %parallel_loop3A_292 = arith.index_cast %parallel_loop3A_291 : i32 to index
        %parallel_loop3A_293 = arith.constant 0 : index
        %parallel_loop3A_294 = tpu.vector_load %arg12[%parallel_loop3A_292, %parallel_loop3A_293] {strides = array<i32>} : memref<400x64xf32, #tpu.memory_space<vmem>>, vector<1x16xf32>,
        %parallel_loop3A_295 = vector.shape_cast %parallel_loop3A_294 : vector<1x16xf32> to vector<16xf32>
        %parallel_loop3A_296 = arith.mulf %parallel_loop3A_295, %parallel_loop3A_287 : vector<16xf32>
        %parallel_loop3A_297 = arith.index_cast %parallel_loop3A_291 : i32 to index
        %parallel_loop3A_298 = arith.constant 0 : index
        %parallel_loop3A_299 = tpu.vector_load %arg12[%parallel_loop3A_297, %parallel_loop3A_298] {strides = array<i32>} : memref<400x64xf32, #tpu.memory_space<vmem>>, vector<1x16xf32>,
        %parallel_loop3A_300 = vector.shape_cast %parallel_loop3A_299 : vector<1x16xf32> to vector<16xf32>
        %parallel_loop3A_301 = vector.shape_cast %parallel_loop3A_296 : vector<16xf32> to vector<1x16xf32>
        tpu.vector_store %arg12[%parallel_loop3A_297, %parallel_loop3A_298], %parallel_loop3A_301 {strides = array<i32>} : memref<400x64xf32, #tpu.memory_space<vmem>>, vector<1x16xf32>,
        %parallel_loop3A_302 = arith.index_cast %parallel_loop3A_291 : i32 to index
        %parallel_loop3A_303 = arith.constant 16 : index
        %parallel_loop3A_304 = tpu.vector_load %arg12[%parallel_loop3A_302, %parallel_loop3A_303] {strides = array<i32>} : memref<400x64xf32, #tpu.memory_space<vmem>>, vector<1x16xf32>,
        %parallel_loop3A_305 = vector.shape_cast %parallel_loop3A_304 : vector<1x16xf32> to vector<16xf32>
        %parallel_loop3A_306 = arith.mulf %parallel_loop3A_305, %parallel_loop3A_287 : vector<16xf32>
        %parallel_loop3A_307 = arith.index_cast %parallel_loop3A_291 : i32 to index
        %parallel_loop3A_308 = arith.constant 16 : index
        %parallel_loop3A_309 = tpu.vector_load %arg12[%parallel_loop3A_307, %parallel_loop3A_308] {strides = array<i32>} : memref<400x64xf32, #tpu.memory_space<vmem>>, vector<1x16xf32>,
        %parallel_loop3A_310 = vector.shape_cast %parallel_loop3A_309 : vector<1x16xf32> to vector<16xf32>
        %parallel_loop3A_311 = vector.shape_cast %parallel_loop3A_306 : vector<16xf32> to vector<1x16xf32>
        tpu.vector_store %arg12[%parallel_loop3A_307, %parallel_loop3A_308], %parallel_loop3A_311 {strides = array<i32>} : memref<400x64xf32, #tpu.memory_space<vmem>>, vector<1x16xf32>,
        %parallel_loop3A_312 = arith.index_cast %parallel_loop3A_291 : i32 to index
        %parallel_loop3A_313 = arith.constant 32 : index
        %parallel_loop3A_314 = tpu.vector_load %arg12[%parallel_loop3A_312, %parallel_loop3A_313] {strides = array<i32>} : memref<400x64xf32, #tpu.memory_space<vmem>>, vector<1x16xf32>,
        %parallel_loop3A_315 = vector.shape_cast %parallel_loop3A_314 : vector<1x16xf32> to vector<16xf32>
        %parallel_loop3A_316 = arith.mulf %parallel_loop3A_315, %parallel_loop3A_287 : vector<16xf32>
        %parallel_loop3A_317 = arith.index_cast %parallel_loop3A_291 : i32 to index
        %parallel_loop3A_318 = arith.constant 32 : index
        %parallel_loop3A_319 = tpu.vector_load %arg12[%parallel_loop3A_317, %parallel_loop3A_318] {strides = array<i32>} : memref<400x64xf32, #tpu.memory_space<vmem>>, vector<1x16xf32>,
        %parallel_loop3A_320 = vector.shape_cast %parallel_loop3A_319 : vector<1x16xf32> to vector<16xf32>
        %parallel_loop3A_321 = vector.shape_cast %parallel_loop3A_316 : vector<16xf32> to vector<1x16xf32>
        tpu.vector_store %arg12[%parallel_loop3A_317, %parallel_loop3A_318], %parallel_loop3A_321 {strides = array<i32>} : memref<400x64xf32, #tpu.memory_space<vmem>>, vector<1x16xf32>,
        %parallel_loop3A_322 = arith.index_cast %parallel_loop3A_291 : i32 to index
        %parallel_loop3A_323 = arith.constant 48 : index
        %parallel_loop3A_324 = tpu.vector_load %arg12[%parallel_loop3A_322, %parallel_loop3A_323] {strides = array<i32>} : memref<400x64xf32, #tpu.memory_space<vmem>>, vector<1x16xf32>,
        %parallel_loop3A_325 = vector.shape_cast %parallel_loop3A_324 : vector<1x16xf32> to vector<16xf32>
        %parallel_loop3A_326 = arith.mulf %parallel_loop3A_325, %parallel_loop3A_287 : vector<16xf32>
        %parallel_loop3A_327 = arith.index_cast %parallel_loop3A_291 : i32 to index
        %parallel_loop3A_328 = arith.constant 48 : index
        %parallel_loop3A_329 = tpu.vector_load %arg12[%parallel_loop3A_327, %parallel_loop3A_328] {strides = array<i32>} : memref<400x64xf32, #tpu.memory_space<vmem>>, vector<1x16xf32>,
        %parallel_loop3A_330 = vector.shape_cast %parallel_loop3A_329 : vector<1x16xf32> to vector<16xf32>
        %parallel_loop3A_331 = vector.shape_cast %parallel_loop3A_326 : vector<16xf32> to vector<1x16xf32>
        tpu.vector_store %arg12[%parallel_loop3A_327, %parallel_loop3A_328], %parallel_loop3A_331 {strides = array<i32>} : memref<400x64xf32, #tpu.memory_space<vmem>>, vector<1x16xf32>,
        %parallel_loop3A_332 = vector.extract_strided_slice %parallel_loop3A_139 {offsets = [4], sizes = [1], strides = [1]} : vector<16xi32> to vector<1xi32>
        %parallel_loop3A_333 = vector.extract %parallel_loop3A_332[0] : i32 from vector<1xi32>
        %parallel_loop3A_334 = arith.bitcast %parallel_loop3A_333 : i32 to f32
        %parallel_loop3A_335 = vector.broadcast %parallel_loop3A_334 : f32 to vector<16xf32>
        %parallel_loop3A_336 = arith.constant 16 : i32
        %parallel_loop3A_337 = arith.muli %parallel_loop3A_132, %parallel_loop3A_336 : i32
        %parallel_loop3A_338 = arith.constant 4 : i32
        %parallel_loop3A_339 = arith.addi %parallel_loop3A_337, %parallel_loop3A_338 : i32
        %parallel_loop3A_340 = arith.index_cast %parallel_loop3A_339 : i32 to index
        %parallel_loop3A_341 = arith.constant 0 : index
        %parallel_loop3A_342 = tpu.vector_load %arg12[%parallel_loop3A_340, %parallel_loop3A_341] {strides = array<i32>} : memref<400x64xf32, #tpu.memory_space<vmem>>, vector<1x16xf32>,
        %parallel_loop3A_343 = vector.shape_cast %parallel_loop3A_342 : vector<1x16xf32> to vector<16xf32>
        %parallel_loop3A_344 = arith.mulf %parallel_loop3A_343, %parallel_loop3A_335 : vector<16xf32>
        %parallel_loop3A_345 = arith.index_cast %parallel_loop3A_339 : i32 to index
        %parallel_loop3A_346 = arith.constant 0 : index
        %parallel_loop3A_347 = tpu.vector_load %arg12[%parallel_loop3A_345, %parallel_loop3A_346] {strides = array<i32>} : memref<400x64xf32, #tpu.memory_space<vmem>>, vector<1x16xf32>,
        %parallel_loop3A_348 = vector.shape_cast %parallel_loop3A_347 : vector<1x16xf32> to vector<16xf32>
        %parallel_loop3A_349 = vector.shape_cast %parallel_loop3A_344 : vector<16xf32> to vector<1x16xf32>
        tpu.vector_store %arg12[%parallel_loop3A_345, %parallel_loop3A_346], %parallel_loop3A_349 {strides = array<i32>} : memref<400x64xf32, #tpu.memory_space<vmem>>, vector<1x16xf32>,
        %parallel_loop3A_350 = arith.index_cast %parallel_loop3A_339 : i32 to index
        %parallel_loop3A_351 = arith.constant 16 : index
        %parallel_loop3A_352 = tpu.vector_load %arg12[%parallel_loop3A_350, %parallel_loop3A_351] {strides = array<i32>} : memref<400x64xf32, #tpu.memory_space<vmem>>, vector<1x16xf32>,
        %parallel_loop3A_353 = vector.shape_cast %parallel_loop3A_352 : vector<1x16xf32> to vector<16xf32>
        %parallel_loop3A_354 = arith.mulf %parallel_loop3A_353, %parallel_loop3A_335 : vector<16xf32>
        %parallel_loop3A_355 = arith.index_cast %parallel_loop3A_339 : i32 to index
        %parallel_loop3A_356 = arith.constant 16 : index
        %parallel_loop3A_357 = tpu.vector_load %arg12[%parallel_loop3A_355, %parallel_loop3A_356] {strides = array<i32>} : memref<400x64xf32, #tpu.memory_space<vmem>>, vector<1x16xf32>,
        %parallel_loop3A_358 = vector.shape_cast %parallel_loop3A_357 : vector<1x16xf32> to vector<16xf32>
        %parallel_loop3A_359 = vector.shape_cast %parallel_loop3A_354 : vector<16xf32> to vector<1x16xf32>
        tpu.vector_store %arg12[%parallel_loop3A_355, %parallel_loop3A_356], %parallel_loop3A_359 {strides = array<i32>} : memref<400x64xf32, #tpu.memory_space<vmem>>, vector<1x16xf32>,
        %parallel_loop3A_360 = arith.index_cast %parallel_loop3A_339 : i32 to index
        %parallel_loop3A_361 = arith.constant 32 : index
        %parallel_loop3A_362 = tpu.vector_load %arg12[%parallel_loop3A_360, %parallel_loop3A_361] {strides = array<i32>} : memref<400x64xf32, #tpu.memory_space<vmem>>, vector<1x16xf32>,
        %parallel_loop3A_363 = vector.shape_cast %parallel_loop3A_362 : vector<1x16xf32> to vector<16xf32>
        %parallel_loop3A_364 = arith.mulf %parallel_loop3A_363, %parallel_loop3A_335 : vector<16xf32>
        %parallel_loop3A_365 = arith.index_cast %parallel_loop3A_339 : i32 to index
        %parallel_loop3A_366 = arith.constant 32 : index
        %parallel_loop3A_367 = tpu.vector_load %arg12[%parallel_loop3A_365, %parallel_loop3A_366] {strides = array<i32>} : memref<400x64xf32, #tpu.memory_space<vmem>>, vector<1x16xf32>,
        %parallel_loop3A_368 = vector.shape_cast %parallel_loop3A_367 : vector<1x16xf32> to vector<16xf32>
        %parallel_loop3A_369 = vector.shape_cast %parallel_loop3A_364 : vector<16xf32> to vector<1x16xf32>
        tpu.vector_store %arg12[%parallel_loop3A_365, %parallel_loop3A_366], %parallel_loop3A_369 {strides = array<i32>} : memref<400x64xf32, #tpu.memory_space<vmem>>, vector<1x16xf32>,
        %parallel_loop3A_370 = arith.index_cast %parallel_loop3A_339 : i32 to index
        %parallel_loop3A_371 = arith.constant 48 : index
        %parallel_loop3A_372 = tpu.vector_load %arg12[%parallel_loop3A_370, %parallel_loop3A_371] {strides = array<i32>} : memref<400x64xf32, #tpu.memory_space<vmem>>, vector<1x16xf32>,
        %parallel_loop3A_373 = vector.shape_cast %parallel_loop3A_372 : vector<1x16xf32> to vector<16xf32>
        %parallel_loop3A_374 = arith.mulf %parallel_loop3A_373, %parallel_loop3A_335 : vector<16xf32>
        %parallel_loop3A_375 = arith.index_cast %parallel_loop3A_339 : i32 to index
        %parallel_loop3A_376 = arith.constant 48 : index
        %parallel_loop3A_377 = tpu.vector_load %arg12[%parallel_loop3A_375, %parallel_loop3A_376] {strides = array<i32>} : memref<400x64xf32, #tpu.memory_space<vmem>>, vector<1x16xf32>,
        %parallel_loop3A_378 = vector.shape_cast %parallel_loop3A_377 : vector<1x16xf32> to vector<16xf32>
        %parallel_loop3A_379 = vector.shape_cast %parallel_loop3A_374 : vector<16xf32> to vector<1x16xf32>
        tpu.vector_store %arg12[%parallel_loop3A_375, %parallel_loop3A_376], %parallel_loop3A_379 {strides = array<i32>} : memref<400x64xf32, #tpu.memory_space<vmem>>, vector<1x16xf32>,
        %parallel_loop3A_380 = vector.extract_strided_slice %parallel_loop3A_139 {offsets = [5], sizes = [1], strides = [1]} : vector<16xi32> to vector<1xi32>
        %parallel_loop3A_381 = vector.extract %parallel_loop3A_380[0] : i32 from vector<1xi32>
        %parallel_loop3A_382 = arith.bitcast %parallel_loop3A_381 : i32 to f32
        %parallel_loop3A_383 = vector.broadcast %parallel_loop3A_382 : f32 to vector<16xf32>
        %parallel_loop3A_384 = arith.constant 16 : i32
        %parallel_loop3A_385 = arith.muli %parallel_loop3A_132, %parallel_loop3A_384 : i32
        %parallel_loop3A_386 = arith.constant 5 : i32
        %parallel_loop3A_387 = arith.addi %parallel_loop3A_385, %parallel_loop3A_386 : i32
        %parallel_loop3A_388 = arith.index_cast %parallel_loop3A_387 : i32 to index
        %parallel_loop3A_389 = arith.constant 0 : index
        %parallel_loop3A_390 = tpu.vector_load %arg12[%parallel_loop3A_388, %parallel_loop3A_389] {strides = array<i32>} : memref<400x64xf32, #tpu.memory_space<vmem>>, vector<1x16xf32>,
        %parallel_loop3A_391 = vector.shape_cast %parallel_loop3A_390 : vector<1x16xf32> to vector<16xf32>
        %parallel_loop3A_392 = arith.mulf %parallel_loop3A_391, %parallel_loop3A_383 : vector<16xf32>
        %parallel_loop3A_393 = arith.index_cast %parallel_loop3A_387 : i32 to index
        %parallel_loop3A_394 = arith.constant 0 : index
        %parallel_loop3A_395 = tpu.vector_load %arg12[%parallel_loop3A_393, %parallel_loop3A_394] {strides = array<i32>} : memref<400x64xf32, #tpu.memory_space<vmem>>, vector<1x16xf32>,
        %parallel_loop3A_396 = vector.shape_cast %parallel_loop3A_395 : vector<1x16xf32> to vector<16xf32>
        %parallel_loop3A_397 = vector.shape_cast %parallel_loop3A_392 : vector<16xf32> to vector<1x16xf32>
        tpu.vector_store %arg12[%parallel_loop3A_393, %parallel_loop3A_394], %parallel_loop3A_397 {strides = array<i32>} : memref<400x64xf32, #tpu.memory_space<vmem>>, vector<1x16xf32>,
        %parallel_loop3A_398 = arith.index_cast %parallel_loop3A_387 : i32 to index
        %parallel_loop3A_399 = arith.constant 16 : index
        %parallel_loop3A_400 = tpu.vector_load %arg12[%parallel_loop3A_398, %parallel_loop3A_399] {strides = array<i32>} : memref<400x64xf32, #tpu.memory_space<vmem>>, vector<1x16xf32>,
        %parallel_loop3A_401 = vector.shape_cast %parallel_loop3A_400 : vector<1x16xf32> to vector<16xf32>
        %parallel_loop3A_402 = arith.mulf %parallel_loop3A_401, %parallel_loop3A_383 : vector<16xf32>
        %parallel_loop3A_403 = arith.index_cast %parallel_loop3A_387 : i32 to index
        %parallel_loop3A_404 = arith.constant 16 : index
        %parallel_loop3A_405 = tpu.vector_load %arg12[%parallel_loop3A_403, %parallel_loop3A_404] {strides = array<i32>} : memref<400x64xf32, #tpu.memory_space<vmem>>, vector<1x16xf32>,
        %parallel_loop3A_406 = vector.shape_cast %parallel_loop3A_405 : vector<1x16xf32> to vector<16xf32>
        %parallel_loop3A_407 = vector.shape_cast %parallel_loop3A_402 : vector<16xf32> to vector<1x16xf32>
        tpu.vector_store %arg12[%parallel_loop3A_403, %parallel_loop3A_404], %parallel_loop3A_407 {strides = array<i32>} : memref<400x64xf32, #tpu.memory_space<vmem>>, vector<1x16xf32>,
        %parallel_loop3A_408 = arith.index_cast %parallel_loop3A_387 : i32 to index
        %parallel_loop3A_409 = arith.constant 32 : index
        %parallel_loop3A_410 = tpu.vector_load %arg12[%parallel_loop3A_408, %parallel_loop3A_409] {strides = array<i32>} : memref<400x64xf32, #tpu.memory_space<vmem>>, vector<1x16xf32>,
        %parallel_loop3A_411 = vector.shape_cast %parallel_loop3A_410 : vector<1x16xf32> to vector<16xf32>
        %parallel_loop3A_412 = arith.mulf %parallel_loop3A_411, %parallel_loop3A_383 : vector<16xf32>
        %parallel_loop3A_413 = arith.index_cast %parallel_loop3A_387 : i32 to index
        %parallel_loop3A_414 = arith.constant 32 : index
        %parallel_loop3A_415 = tpu.vector_load %arg12[%parallel_loop3A_413, %parallel_loop3A_414] {strides = array<i32>} : memref<400x64xf32, #tpu.memory_space<vmem>>, vector<1x16xf32>,
        %parallel_loop3A_416 = vector.shape_cast %parallel_loop3A_415 : vector<1x16xf32> to vector<16xf32>
        %parallel_loop3A_417 = vector.shape_cast %parallel_loop3A_412 : vector<16xf32> to vector<1x16xf32>
        tpu.vector_store %arg12[%parallel_loop3A_413, %parallel_loop3A_414], %parallel_loop3A_417 {strides = array<i32>} : memref<400x64xf32, #tpu.memory_space<vmem>>, vector<1x16xf32>,
        %parallel_loop3A_418 = arith.index_cast %parallel_loop3A_387 : i32 to index
        %parallel_loop3A_419 = arith.constant 48 : index
        %parallel_loop3A_420 = tpu.vector_load %arg12[%parallel_loop3A_418, %parallel_loop3A_419] {strides = array<i32>} : memref<400x64xf32, #tpu.memory_space<vmem>>, vector<1x16xf32>,
        %parallel_loop3A_421 = vector.shape_cast %parallel_loop3A_420 : vector<1x16xf32> to vector<16xf32>
        %parallel_loop3A_422 = arith.mulf %parallel_loop3A_421, %parallel_loop3A_383 : vector<16xf32>
        %parallel_loop3A_423 = arith.index_cast %parallel_loop3A_387 : i32 to index
        %parallel_loop3A_424 = arith.constant 48 : index
        %parallel_loop3A_425 = tpu.vector_load %arg12[%parallel_loop3A_423, %parallel_loop3A_424] {strides = array<i32>} : memref<400x64xf32, #tpu.memory_space<vmem>>, vector<1x16xf32>,
        %parallel_loop3A_426 = vector.shape_cast %parallel_loop3A_425 : vector<1x16xf32> to vector<16xf32>
        %parallel_loop3A_427 = vector.shape_cast %parallel_loop3A_422 : vector<16xf32> to vector<1x16xf32>
        tpu.vector_store %arg12[%parallel_loop3A_423, %parallel_loop3A_424], %parallel_loop3A_427 {strides = array<i32>} : memref<400x64xf32, #tpu.memory_space<vmem>>, vector<1x16xf32>,
        %parallel_loop3A_428 = vector.extract_strided_slice %parallel_loop3A_139 {offsets = [6], sizes = [1], strides = [1]} : vector<16xi32> to vector<1xi32>
        %parallel_loop3A_429 = vector.extract %parallel_loop3A_428[0] : i32 from vector<1xi32>
        %parallel_loop3A_430 = arith.bitcast %parallel_loop3A_429 : i32 to f32
        %parallel_loop3A_431 = vector.broadcast %parallel_loop3A_430 : f32 to vector<16xf32>
        %parallel_loop3A_432 = arith.constant 16 : i32
        %parallel_loop3A_433 = arith.muli %parallel_loop3A_132, %parallel_loop3A_432 : i32
        %parallel_loop3A_434 = arith.constant 6 : i32
        %parallel_loop3A_435 = arith.addi %parallel_loop3A_433, %parallel_loop3A_434 : i32
        %parallel_loop3A_436 = arith.index_cast %parallel_loop3A_435 : i32 to index
        %parallel_loop3A_437 = arith.constant 0 : index
        %parallel_loop3A_438 = tpu.vector_load %arg12[%parallel_loop3A_436, %parallel_loop3A_437] {strides = array<i32>} : memref<400x64xf32, #tpu.memory_space<vmem>>, vector<1x16xf32>,
        %parallel_loop3A_439 = vector.shape_cast %parallel_loop3A_438 : vector<1x16xf32> to vector<16xf32>
        %parallel_loop3A_440 = arith.mulf %parallel_loop3A_439, %parallel_loop3A_431 : vector<16xf32>
        %parallel_loop3A_441 = arith.index_cast %parallel_loop3A_435 : i32 to index
        %parallel_loop3A_442 = arith.constant 0 : index
        %parallel_loop3A_443 = tpu.vector_load %arg12[%parallel_loop3A_441, %parallel_loop3A_442] {strides = array<i32>} : memref<400x64xf32, #tpu.memory_space<vmem>>, vector<1x16xf32>,
        %parallel_loop3A_444 = vector.shape_cast %parallel_loop3A_443 : vector<1x16xf32> to vector<16xf32>
        %parallel_loop3A_445 = vector.shape_cast %parallel_loop3A_440 : vector<16xf32> to vector<1x16xf32>
        tpu.vector_store %arg12[%parallel_loop3A_441, %parallel_loop3A_442], %parallel_loop3A_445 {strides = array<i32>} : memref<400x64xf32, #tpu.memory_space<vmem>>, vector<1x16xf32>,
        %parallel_loop3A_446 = arith.index_cast %parallel_loop3A_435 : i32 to index
        %parallel_loop3A_447 = arith.constant 16 : index
        %parallel_loop3A_448 = tpu.vector_load %arg12[%parallel_loop3A_446, %parallel_loop3A_447] {strides = array<i32>} : memref<400x64xf32, #tpu.memory_space<vmem>>, vector<1x16xf32>,
        %parallel_loop3A_449 = vector.shape_cast %parallel_loop3A_448 : vector<1x16xf32> to vector<16xf32>
        %parallel_loop3A_450 = arith.mulf %parallel_loop3A_449, %parallel_loop3A_431 : vector<16xf32>
        %parallel_loop3A_451 = arith.index_cast %parallel_loop3A_435 : i32 to index
        %parallel_loop3A_452 = arith.constant 16 : index
        %parallel_loop3A_453 = tpu.vector_load %arg12[%parallel_loop3A_451, %parallel_loop3A_452] {strides = array<i32>} : memref<400x64xf32, #tpu.memory_space<vmem>>, vector<1x16xf32>,
        %parallel_loop3A_454 = vector.shape_cast %parallel_loop3A_453 : vector<1x16xf32> to vector<16xf32>
        %parallel_loop3A_455 = vector.shape_cast %parallel_loop3A_450 : vector<16xf32> to vector<1x16xf32>
        tpu.vector_store %arg12[%parallel_loop3A_451, %parallel_loop3A_452], %parallel_loop3A_455 {strides = array<i32>} : memref<400x64xf32, #tpu.memory_space<vmem>>, vector<1x16xf32>,
        %parallel_loop3A_456 = arith.index_cast %parallel_loop3A_435 : i32 to index
        %parallel_loop3A_457 = arith.constant 32 : index
        %parallel_loop3A_458 = tpu.vector_load %arg12[%parallel_loop3A_456, %parallel_loop3A_457] {strides = array<i32>} : memref<400x64xf32, #tpu.memory_space<vmem>>, vector<1x16xf32>,
        %parallel_loop3A_459 = vector.shape_cast %parallel_loop3A_458 : vector<1x16xf32> to vector<16xf32>
        %parallel_loop3A_460 = arith.mulf %parallel_loop3A_459, %parallel_loop3A_431 : vector<16xf32>
        %parallel_loop3A_461 = arith.index_cast %parallel_loop3A_435 : i32 to index
        %parallel_loop3A_462 = arith.constant 32 : index
        %parallel_loop3A_463 = tpu.vector_load %arg12[%parallel_loop3A_461, %parallel_loop3A_462] {strides = array<i32>} : memref<400x64xf32, #tpu.memory_space<vmem>>, vector<1x16xf32>,
        %parallel_loop3A_464 = vector.shape_cast %parallel_loop3A_463 : vector<1x16xf32> to vector<16xf32>
        %parallel_loop3A_465 = vector.shape_cast %parallel_loop3A_460 : vector<16xf32> to vector<1x16xf32>
        tpu.vector_store %arg12[%parallel_loop3A_461, %parallel_loop3A_462], %parallel_loop3A_465 {strides = array<i32>} : memref<400x64xf32, #tpu.memory_space<vmem>>, vector<1x16xf32>,
        %parallel_loop3A_466 = arith.index_cast %parallel_loop3A_435 : i32 to index
        %parallel_loop3A_467 = arith.constant 48 : index
        %parallel_loop3A_468 = tpu.vector_load %arg12[%parallel_loop3A_466, %parallel_loop3A_467] {strides = array<i32>} : memref<400x64xf32, #tpu.memory_space<vmem>>, vector<1x16xf32>,
        %parallel_loop3A_469 = vector.shape_cast %parallel_loop3A_468 : vector<1x16xf32> to vector<16xf32>
        %parallel_loop3A_470 = arith.mulf %parallel_loop3A_469, %parallel_loop3A_431 : vector<16xf32>
        %parallel_loop3A_471 = arith.index_cast %parallel_loop3A_435 : i32 to index
        %parallel_loop3A_472 = arith.constant 48 : index
        %parallel_loop3A_473 = tpu.vector_load %arg12[%parallel_loop3A_471, %parallel_loop3A_472] {strides = array<i32>} : memref<400x64xf32, #tpu.memory_space<vmem>>, vector<1x16xf32>,
        %parallel_loop3A_474 = vector.shape_cast %parallel_loop3A_473 : vector<1x16xf32> to vector<16xf32>
        %parallel_loop3A_475 = vector.shape_cast %parallel_loop3A_470 : vector<16xf32> to vector<1x16xf32>
        tpu.vector_store %arg12[%parallel_loop3A_471, %parallel_loop3A_472], %parallel_loop3A_475 {strides = array<i32>} : memref<400x64xf32, #tpu.memory_space<vmem>>, vector<1x16xf32>,
        %parallel_loop3A_476 = vector.extract_strided_slice %parallel_loop3A_139 {offsets = [7], sizes = [1], strides = [1]} : vector<16xi32> to vector<1xi32>
        %parallel_loop3A_477 = vector.extract %parallel_loop3A_476[0] : i32 from vector<1xi32>
        %parallel_loop3A_478 = arith.bitcast %parallel_loop3A_477 : i32 to f32
        %parallel_loop3A_479 = vector.broadcast %parallel_loop3A_478 : f32 to vector<16xf32>
        %parallel_loop3A_480 = arith.constant 16 : i32
        %parallel_loop3A_481 = arith.muli %parallel_loop3A_132, %parallel_loop3A_480 : i32
        %parallel_loop3A_482 = arith.constant 7 : i32
        %parallel_loop3A_483 = arith.addi %parallel_loop3A_481, %parallel_loop3A_482 : i32
        %parallel_loop3A_484 = arith.index_cast %parallel_loop3A_483 : i32 to index
        %parallel_loop3A_485 = arith.constant 0 : index
        %parallel_loop3A_486 = tpu.vector_load %arg12[%parallel_loop3A_484, %parallel_loop3A_485] {strides = array<i32>} : memref<400x64xf32, #tpu.memory_space<vmem>>, vector<1x16xf32>,
        %parallel_loop3A_487 = vector.shape_cast %parallel_loop3A_486 : vector<1x16xf32> to vector<16xf32>
        %parallel_loop3A_488 = arith.mulf %parallel_loop3A_487, %parallel_loop3A_479 : vector<16xf32>
        %parallel_loop3A_489 = arith.index_cast %parallel_loop3A_483 : i32 to index
        %parallel_loop3A_490 = arith.constant 0 : index
        %parallel_loop3A_491 = tpu.vector_load %arg12[%parallel_loop3A_489, %parallel_loop3A_490] {strides = array<i32>} : memref<400x64xf32, #tpu.memory_space<vmem>>, vector<1x16xf32>,
        %parallel_loop3A_492 = vector.shape_cast %parallel_loop3A_491 : vector<1x16xf32> to vector<16xf32>
        %parallel_loop3A_493 = vector.shape_cast %parallel_loop3A_488 : vector<16xf32> to vector<1x16xf32>
        tpu.vector_store %arg12[%parallel_loop3A_489, %parallel_loop3A_490], %parallel_loop3A_493 {strides = array<i32>} : memref<400x64xf32, #tpu.memory_space<vmem>>, vector<1x16xf32>,
        %parallel_loop3A_494 = arith.index_cast %parallel_loop3A_483 : i32 to index
        %parallel_loop3A_495 = arith.constant 16 : index
        %parallel_loop3A_496 = tpu.vector_load %arg12[%parallel_loop3A_494, %parallel_loop3A_495] {strides = array<i32>} : memref<400x64xf32, #tpu.memory_space<vmem>>, vector<1x16xf32>,
        %parallel_loop3A_497 = vector.shape_cast %parallel_loop3A_496 : vector<1x16xf32> to vector<16xf32>
        %parallel_loop3A_498 = arith.mulf %parallel_loop3A_497, %parallel_loop3A_479 : vector<16xf32>
        %parallel_loop3A_499 = arith.index_cast %parallel_loop3A_483 : i32 to index
        %parallel_loop3A_500 = arith.constant 16 : index
        %parallel_loop3A_501 = tpu.vector_load %arg12[%parallel_loop3A_499, %parallel_loop3A_500] {strides = array<i32>} : memref<400x64xf32, #tpu.memory_space<vmem>>, vector<1x16xf32>,
        %parallel_loop3A_502 = vector.shape_cast %parallel_loop3A_501 : vector<1x16xf32> to vector<16xf32>
        %parallel_loop3A_503 = vector.shape_cast %parallel_loop3A_498 : vector<16xf32> to vector<1x16xf32>
        tpu.vector_store %arg12[%parallel_loop3A_499, %parallel_loop3A_500], %parallel_loop3A_503 {strides = array<i32>} : memref<400x64xf32, #tpu.memory_space<vmem>>, vector<1x16xf32>,
        %parallel_loop3A_504 = arith.index_cast %parallel_loop3A_483 : i32 to index
        %parallel_loop3A_505 = arith.constant 32 : index
        %parallel_loop3A_506 = tpu.vector_load %arg12[%parallel_loop3A_504, %parallel_loop3A_505] {strides = array<i32>} : memref<400x64xf32, #tpu.memory_space<vmem>>, vector<1x16xf32>,
        %parallel_loop3A_507 = vector.shape_cast %parallel_loop3A_506 : vector<1x16xf32> to vector<16xf32>
        %parallel_loop3A_508 = arith.mulf %parallel_loop3A_507, %parallel_loop3A_479 : vector<16xf32>
        %parallel_loop3A_509 = arith.index_cast %parallel_loop3A_483 : i32 to index
        %parallel_loop3A_510 = arith.constant 32 : index
        %parallel_loop3A_511 = tpu.vector_load %arg12[%parallel_loop3A_509, %parallel_loop3A_510] {strides = array<i32>} : memref<400x64xf32, #tpu.memory_space<vmem>>, vector<1x16xf32>,
        %parallel_loop3A_512 = vector.shape_cast %parallel_loop3A_511 : vector<1x16xf32> to vector<16xf32>
        %parallel_loop3A_513 = vector.shape_cast %parallel_loop3A_508 : vector<16xf32> to vector<1x16xf32>
        tpu.vector_store %arg12[%parallel_loop3A_509, %parallel_loop3A_510], %parallel_loop3A_513 {strides = array<i32>} : memref<400x64xf32, #tpu.memory_space<vmem>>, vector<1x16xf32>,
        %parallel_loop3A_514 = arith.index_cast %parallel_loop3A_483 : i32 to index
        %parallel_loop3A_515 = arith.constant 48 : index
        %parallel_loop3A_516 = tpu.vector_load %arg12[%parallel_loop3A_514, %parallel_loop3A_515] {strides = array<i32>} : memref<400x64xf32, #tpu.memory_space<vmem>>, vector<1x16xf32>,
        %parallel_loop3A_517 = vector.shape_cast %parallel_loop3A_516 : vector<1x16xf32> to vector<16xf32>
        %parallel_loop3A_518 = arith.mulf %parallel_loop3A_517, %parallel_loop3A_479 : vector<16xf32>
        %parallel_loop3A_519 = arith.index_cast %parallel_loop3A_483 : i32 to index
        %parallel_loop3A_520 = arith.constant 48 : index
        %parallel_loop3A_521 = tpu.vector_load %arg12[%parallel_loop3A_519, %parallel_loop3A_520] {strides = array<i32>} : memref<400x64xf32, #tpu.memory_space<vmem>>, vector<1x16xf32>,
        %parallel_loop3A_522 = vector.shape_cast %parallel_loop3A_521 : vector<1x16xf32> to vector<16xf32>
        %parallel_loop3A_523 = vector.shape_cast %parallel_loop3A_518 : vector<16xf32> to vector<1x16xf32>
        tpu.vector_store %arg12[%parallel_loop3A_519, %parallel_loop3A_520], %parallel_loop3A_523 {strides = array<i32>} : memref<400x64xf32, #tpu.memory_space<vmem>>, vector<1x16xf32>,
        %parallel_loop3A_524 = vector.extract_strided_slice %parallel_loop3A_139 {offsets = [8], sizes = [1], strides = [1]} : vector<16xi32> to vector<1xi32>
        %parallel_loop3A_525 = vector.extract %parallel_loop3A_524[0] : i32 from vector<1xi32>
        %parallel_loop3A_526 = arith.bitcast %parallel_loop3A_525 : i32 to f32
        %parallel_loop3A_527 = vector.broadcast %parallel_loop3A_526 : f32 to vector<16xf32>
        %parallel_loop3A_528 = arith.constant 16 : i32
        %parallel_loop3A_529 = arith.muli %parallel_loop3A_132, %parallel_loop3A_528 : i32
        %parallel_loop3A_530 = arith.constant 8 : i32
        %parallel_loop3A_531 = arith.addi %parallel_loop3A_529, %parallel_loop3A_530 : i32
        %parallel_loop3A_532 = arith.index_cast %parallel_loop3A_531 : i32 to index
        %parallel_loop3A_533 = arith.constant 0 : index
        %parallel_loop3A_534 = tpu.vector_load %arg12[%parallel_loop3A_532, %parallel_loop3A_533] {strides = array<i32>} : memref<400x64xf32, #tpu.memory_space<vmem>>, vector<1x16xf32>,
        %parallel_loop3A_535 = vector.shape_cast %parallel_loop3A_534 : vector<1x16xf32> to vector<16xf32>
        %parallel_loop3A_536 = arith.mulf %parallel_loop3A_535, %parallel_loop3A_527 : vector<16xf32>
        %parallel_loop3A_537 = arith.index_cast %parallel_loop3A_531 : i32 to index
        %parallel_loop3A_538 = arith.constant 0 : index
        %parallel_loop3A_539 = tpu.vector_load %arg12[%parallel_loop3A_537, %parallel_loop3A_538] {strides = array<i32>} : memref<400x64xf32, #tpu.memory_space<vmem>>, vector<1x16xf32>,
        %parallel_loop3A_540 = vector.shape_cast %parallel_loop3A_539 : vector<1x16xf32> to vector<16xf32>
        %parallel_loop3A_541 = vector.shape_cast %parallel_loop3A_536 : vector<16xf32> to vector<1x16xf32>
        tpu.vector_store %arg12[%parallel_loop3A_537, %parallel_loop3A_538], %parallel_loop3A_541 {strides = array<i32>} : memref<400x64xf32, #tpu.memory_space<vmem>>, vector<1x16xf32>,
        %parallel_loop3A_542 = arith.index_cast %parallel_loop3A_531 : i32 to index
        %parallel_loop3A_543 = arith.constant 16 : index
        %parallel_loop3A_544 = tpu.vector_load %arg12[%parallel_loop3A_542, %parallel_loop3A_543] {strides = array<i32>} : memref<400x64xf32, #tpu.memory_space<vmem>>, vector<1x16xf32>,
        %parallel_loop3A_545 = vector.shape_cast %parallel_loop3A_544 : vector<1x16xf32> to vector<16xf32>
        %parallel_loop3A_546 = arith.mulf %parallel_loop3A_545, %parallel_loop3A_527 : vector<16xf32>
        %parallel_loop3A_547 = arith.index_cast %parallel_loop3A_531 : i32 to index
        %parallel_loop3A_548 = arith.constant 16 : index
        %parallel_loop3A_549 = tpu.vector_load %arg12[%parallel_loop3A_547, %parallel_loop3A_548] {strides = array<i32>} : memref<400x64xf32, #tpu.memory_space<vmem>>, vector<1x16xf32>,
        %parallel_loop3A_550 = vector.shape_cast %parallel_loop3A_549 : vector<1x16xf32> to vector<16xf32>
        %parallel_loop3A_551 = vector.shape_cast %parallel_loop3A_546 : vector<16xf32> to vector<1x16xf32>
        tpu.vector_store %arg12[%parallel_loop3A_547, %parallel_loop3A_548], %parallel_loop3A_551 {strides = array<i32>} : memref<400x64xf32, #tpu.memory_space<vmem>>, vector<1x16xf32>,
        %parallel_loop3A_552 = arith.index_cast %parallel_loop3A_531 : i32 to index
        %parallel_loop3A_553 = arith.constant 32 : index
        %parallel_loop3A_554 = tpu.vector_load %arg12[%parallel_loop3A_552, %parallel_loop3A_553] {strides = array<i32>} : memref<400x64xf32, #tpu.memory_space<vmem>>, vector<1x16xf32>,
        %parallel_loop3A_555 = vector.shape_cast %parallel_loop3A_554 : vector<1x16xf32> to vector<16xf32>
        %parallel_loop3A_556 = arith.mulf %parallel_loop3A_555, %parallel_loop3A_527 : vector<16xf32>
        %parallel_loop3A_557 = arith.index_cast %parallel_loop3A_531 : i32 to index
        %parallel_loop3A_558 = arith.constant 32 : index
        %parallel_loop3A_559 = tpu.vector_load %arg12[%parallel_loop3A_557, %parallel_loop3A_558] {strides = array<i32>} : memref<400x64xf32, #tpu.memory_space<vmem>>, vector<1x16xf32>,
        %parallel_loop3A_560 = vector.shape_cast %parallel_loop3A_559 : vector<1x16xf32> to vector<16xf32>
        %parallel_loop3A_561 = vector.shape_cast %parallel_loop3A_556 : vector<16xf32> to vector<1x16xf32>
        tpu.vector_store %arg12[%parallel_loop3A_557, %parallel_loop3A_558], %parallel_loop3A_561 {strides = array<i32>} : memref<400x64xf32, #tpu.memory_space<vmem>>, vector<1x16xf32>,
        %parallel_loop3A_562 = arith.index_cast %parallel_loop3A_531 : i32 to index
        %parallel_loop3A_563 = arith.constant 48 : index
        %parallel_loop3A_564 = tpu.vector_load %arg12[%parallel_loop3A_562, %parallel_loop3A_563] {strides = array<i32>} : memref<400x64xf32, #tpu.memory_space<vmem>>, vector<1x16xf32>,
        %parallel_loop3A_565 = vector.shape_cast %parallel_loop3A_564 : vector<1x16xf32> to vector<16xf32>
        %parallel_loop3A_566 = arith.mulf %parallel_loop3A_565, %parallel_loop3A_527 : vector<16xf32>
        %parallel_loop3A_567 = arith.index_cast %parallel_loop3A_531 : i32 to index
        %parallel_loop3A_568 = arith.constant 48 : index
        %parallel_loop3A_569 = tpu.vector_load %arg12[%parallel_loop3A_567, %parallel_loop3A_568] {strides = array<i32>} : memref<400x64xf32, #tpu.memory_space<vmem>>, vector<1x16xf32>,
        %parallel_loop3A_570 = vector.shape_cast %parallel_loop3A_569 : vector<1x16xf32> to vector<16xf32>
        %parallel_loop3A_571 = vector.shape_cast %parallel_loop3A_566 : vector<16xf32> to vector<1x16xf32>
        tpu.vector_store %arg12[%parallel_loop3A_567, %parallel_loop3A_568], %parallel_loop3A_571 {strides = array<i32>} : memref<400x64xf32, #tpu.memory_space<vmem>>, vector<1x16xf32>,
        %parallel_loop3A_572 = vector.extract_strided_slice %parallel_loop3A_139 {offsets = [9], sizes = [1], strides = [1]} : vector<16xi32> to vector<1xi32>
        %parallel_loop3A_573 = vector.extract %parallel_loop3A_572[0] : i32 from vector<1xi32>
        %parallel_loop3A_574 = arith.bitcast %parallel_loop3A_573 : i32 to f32
        %parallel_loop3A_575 = vector.broadcast %parallel_loop3A_574 : f32 to vector<16xf32>
        %parallel_loop3A_576 = arith.constant 16 : i32
        %parallel_loop3A_577 = arith.muli %parallel_loop3A_132, %parallel_loop3A_576 : i32
        %parallel_loop3A_578 = arith.constant 9 : i32
        %parallel_loop3A_579 = arith.addi %parallel_loop3A_577, %parallel_loop3A_578 : i32
        %parallel_loop3A_580 = arith.index_cast %parallel_loop3A_579 : i32 to index
        %parallel_loop3A_581 = arith.constant 0 : index
        %parallel_loop3A_582 = tpu.vector_load %arg12[%parallel_loop3A_580, %parallel_loop3A_581] {strides = array<i32>} : memref<400x64xf32, #tpu.memory_space<vmem>>, vector<1x16xf32>,
        %parallel_loop3A_583 = vector.shape_cast %parallel_loop3A_582 : vector<1x16xf32> to vector<16xf32>
        %parallel_loop3A_584 = arith.mulf %parallel_loop3A_583, %parallel_loop3A_575 : vector<16xf32>
        %parallel_loop3A_585 = arith.index_cast %parallel_loop3A_579 : i32 to index
        %parallel_loop3A_586 = arith.constant 0 : index
        %parallel_loop3A_587 = tpu.vector_load %arg12[%parallel_loop3A_585, %parallel_loop3A_586] {strides = array<i32>} : memref<400x64xf32, #tpu.memory_space<vmem>>, vector<1x16xf32>,
        %parallel_loop3A_588 = vector.shape_cast %parallel_loop3A_587 : vector<1x16xf32> to vector<16xf32>
        %parallel_loop3A_589 = vector.shape_cast %parallel_loop3A_584 : vector<16xf32> to vector<1x16xf32>
        tpu.vector_store %arg12[%parallel_loop3A_585, %parallel_loop3A_586], %parallel_loop3A_589 {strides = array<i32>} : memref<400x64xf32, #tpu.memory_space<vmem>>, vector<1x16xf32>,
        %parallel_loop3A_590 = arith.index_cast %parallel_loop3A_579 : i32 to index
        %parallel_loop3A_591 = arith.constant 16 : index
        %parallel_loop3A_592 = tpu.vector_load %arg12[%parallel_loop3A_590, %parallel_loop3A_591] {strides = array<i32>} : memref<400x64xf32, #tpu.memory_space<vmem>>, vector<1x16xf32>,
        %parallel_loop3A_593 = vector.shape_cast %parallel_loop3A_592 : vector<1x16xf32> to vector<16xf32>
        %parallel_loop3A_594 = arith.mulf %parallel_loop3A_593, %parallel_loop3A_575 : vector<16xf32>
        %parallel_loop3A_595 = arith.index_cast %parallel_loop3A_579 : i32 to index
        %parallel_loop3A_596 = arith.constant 16 : index
        %parallel_loop3A_597 = tpu.vector_load %arg12[%parallel_loop3A_595, %parallel_loop3A_596] {strides = array<i32>} : memref<400x64xf32, #tpu.memory_space<vmem>>, vector<1x16xf32>,
        %parallel_loop3A_598 = vector.shape_cast %parallel_loop3A_597 : vector<1x16xf32> to vector<16xf32>
        %parallel_loop3A_599 = vector.shape_cast %parallel_loop3A_594 : vector<16xf32> to vector<1x16xf32>
        tpu.vector_store %arg12[%parallel_loop3A_595, %parallel_loop3A_596], %parallel_loop3A_599 {strides = array<i32>} : memref<400x64xf32, #tpu.memory_space<vmem>>, vector<1x16xf32>,
        %parallel_loop3A_600 = arith.index_cast %parallel_loop3A_579 : i32 to index
        %parallel_loop3A_601 = arith.constant 32 : index
        %parallel_loop3A_602 = tpu.vector_load %arg12[%parallel_loop3A_600, %parallel_loop3A_601] {strides = array<i32>} : memref<400x64xf32, #tpu.memory_space<vmem>>, vector<1x16xf32>,
        %parallel_loop3A_603 = vector.shape_cast %parallel_loop3A_602 : vector<1x16xf32> to vector<16xf32>
        %parallel_loop3A_604 = arith.mulf %parallel_loop3A_603, %parallel_loop3A_575 : vector<16xf32>
        %parallel_loop3A_605 = arith.index_cast %parallel_loop3A_579 : i32 to index
        %parallel_loop3A_606 = arith.constant 32 : index
        %parallel_loop3A_607 = tpu.vector_load %arg12[%parallel_loop3A_605, %parallel_loop3A_606] {strides = array<i32>} : memref<400x64xf32, #tpu.memory_space<vmem>>, vector<1x16xf32>,
        %parallel_loop3A_608 = vector.shape_cast %parallel_loop3A_607 : vector<1x16xf32> to vector<16xf32>
        %parallel_loop3A_609 = vector.shape_cast %parallel_loop3A_604 : vector<16xf32> to vector<1x16xf32>
        tpu.vector_store %arg12[%parallel_loop3A_605, %parallel_loop3A_606], %parallel_loop3A_609 {strides = array<i32>} : memref<400x64xf32, #tpu.memory_space<vmem>>, vector<1x16xf32>,
        %parallel_loop3A_610 = arith.index_cast %parallel_loop3A_579 : i32 to index
        %parallel_loop3A_611 = arith.constant 48 : index
        %parallel_loop3A_612 = tpu.vector_load %arg12[%parallel_loop3A_610, %parallel_loop3A_611] {strides = array<i32>} : memref<400x64xf32, #tpu.memory_space<vmem>>, vector<1x16xf32>,
        %parallel_loop3A_613 = vector.shape_cast %parallel_loop3A_612 : vector<1x16xf32> to vector<16xf32>
        %parallel_loop3A_614 = arith.mulf %parallel_loop3A_613, %parallel_loop3A_575 : vector<16xf32>
        %parallel_loop3A_615 = arith.index_cast %parallel_loop3A_579 : i32 to index
        %parallel_loop3A_616 = arith.constant 48 : index
        %parallel_loop3A_617 = tpu.vector_load %arg12[%parallel_loop3A_615, %parallel_loop3A_616] {strides = array<i32>} : memref<400x64xf32, #tpu.memory_space<vmem>>, vector<1x16xf32>,
        %parallel_loop3A_618 = vector.shape_cast %parallel_loop3A_617 : vector<1x16xf32> to vector<16xf32>
        %parallel_loop3A_619 = vector.shape_cast %parallel_loop3A_614 : vector<16xf32> to vector<1x16xf32>
        tpu.vector_store %arg12[%parallel_loop3A_615, %parallel_loop3A_616], %parallel_loop3A_619 {strides = array<i32>} : memref<400x64xf32, #tpu.memory_space<vmem>>, vector<1x16xf32>,
        %parallel_loop3A_620 = vector.extract_strided_slice %parallel_loop3A_139 {offsets = [10], sizes = [1], strides = [1]} : vector<16xi32> to vector<1xi32>
        %parallel_loop3A_621 = vector.extract %parallel_loop3A_620[0] : i32 from vector<1xi32>
        %parallel_loop3A_622 = arith.bitcast %parallel_loop3A_621 : i32 to f32
        %parallel_loop3A_623 = vector.broadcast %parallel_loop3A_622 : f32 to vector<16xf32>
        %parallel_loop3A_624 = arith.constant 16 : i32
        %parallel_loop3A_625 = arith.muli %parallel_loop3A_132, %parallel_loop3A_624 : i32
        %parallel_loop3A_626 = arith.constant 10 : i32
        %parallel_loop3A_627 = arith.addi %parallel_loop3A_625, %parallel_loop3A_626 : i32
        %parallel_loop3A_628 = arith.index_cast %parallel_loop3A_627 : i32 to index
        %parallel_loop3A_629 = arith.constant 0 : index
        %parallel_loop3A_630 = tpu.vector_load %arg12[%parallel_loop3A_628, %parallel_loop3A_629] {strides = array<i32>} : memref<400x64xf32, #tpu.memory_space<vmem>>, vector<1x16xf32>,
        %parallel_loop3A_631 = vector.shape_cast %parallel_loop3A_630 : vector<1x16xf32> to vector<16xf32>
        %parallel_loop3A_632 = arith.mulf %parallel_loop3A_631, %parallel_loop3A_623 : vector<16xf32>
        %parallel_loop3A_633 = arith.index_cast %parallel_loop3A_627 : i32 to index
        %parallel_loop3A_634 = arith.constant 0 : index
        %parallel_loop3A_635 = tpu.vector_load %arg12[%parallel_loop3A_633, %parallel_loop3A_634] {strides = array<i32>} : memref<400x64xf32, #tpu.memory_space<vmem>>, vector<1x16xf32>,
        %parallel_loop3A_636 = vector.shape_cast %parallel_loop3A_635 : vector<1x16xf32> to vector<16xf32>
        %parallel_loop3A_637 = vector.shape_cast %parallel_loop3A_632 : vector<16xf32> to vector<1x16xf32>
        tpu.vector_store %arg12[%parallel_loop3A_633, %parallel_loop3A_634], %parallel_loop3A_637 {strides = array<i32>} : memref<400x64xf32, #tpu.memory_space<vmem>>, vector<1x16xf32>,
        %parallel_loop3A_638 = arith.index_cast %parallel_loop3A_627 : i32 to index
        %parallel_loop3A_639 = arith.constant 16 : index
        %parallel_loop3A_640 = tpu.vector_load %arg12[%parallel_loop3A_638, %parallel_loop3A_639] {strides = array<i32>} : memref<400x64xf32, #tpu.memory_space<vmem>>, vector<1x16xf32>,
        %parallel_loop3A_641 = vector.shape_cast %parallel_loop3A_640 : vector<1x16xf32> to vector<16xf32>
        %parallel_loop3A_642 = arith.mulf %parallel_loop3A_641, %parallel_loop3A_623 : vector<16xf32>
        %parallel_loop3A_643 = arith.index_cast %parallel_loop3A_627 : i32 to index
        %parallel_loop3A_644 = arith.constant 16 : index
        %parallel_loop3A_645 = tpu.vector_load %arg12[%parallel_loop3A_643, %parallel_loop3A_644] {strides = array<i32>} : memref<400x64xf32, #tpu.memory_space<vmem>>, vector<1x16xf32>,
        %parallel_loop3A_646 = vector.shape_cast %parallel_loop3A_645 : vector<1x16xf32> to vector<16xf32>
        %parallel_loop3A_647 = vector.shape_cast %parallel_loop3A_642 : vector<16xf32> to vector<1x16xf32>
        tpu.vector_store %arg12[%parallel_loop3A_643, %parallel_loop3A_644], %parallel_loop3A_647 {strides = array<i32>} : memref<400x64xf32, #tpu.memory_space<vmem>>, vector<1x16xf32>,
        %parallel_loop3A_648 = arith.index_cast %parallel_loop3A_627 : i32 to index
        %parallel_loop3A_649 = arith.constant 32 : index
        %parallel_loop3A_650 = tpu.vector_load %arg12[%parallel_loop3A_648, %parallel_loop3A_649] {strides = array<i32>} : memref<400x64xf32, #tpu.memory_space<vmem>>, vector<1x16xf32>,
        %parallel_loop3A_651 = vector.shape_cast %parallel_loop3A_650 : vector<1x16xf32> to vector<16xf32>
        %parallel_loop3A_652 = arith.mulf %parallel_loop3A_651, %parallel_loop3A_623 : vector<16xf32>
        %parallel_loop3A_653 = arith.index_cast %parallel_loop3A_627 : i32 to index
        %parallel_loop3A_654 = arith.constant 32 : index
        %parallel_loop3A_655 = tpu.vector_load %arg12[%parallel_loop3A_653, %parallel_loop3A_654] {strides = array<i32>} : memref<400x64xf32, #tpu.memory_space<vmem>>, vector<1x16xf32>,
        %parallel_loop3A_656 = vector.shape_cast %parallel_loop3A_655 : vector<1x16xf32> to vector<16xf32>
        %parallel_loop3A_657 = vector.shape_cast %parallel_loop3A_652 : vector<16xf32> to vector<1x16xf32>
        tpu.vector_store %arg12[%parallel_loop3A_653, %parallel_loop3A_654], %parallel_loop3A_657 {strides = array<i32>} : memref<400x64xf32, #tpu.memory_space<vmem>>, vector<1x16xf32>,
        %parallel_loop3A_658 = arith.index_cast %parallel_loop3A_627 : i32 to index
        %parallel_loop3A_659 = arith.constant 48 : index
        %parallel_loop3A_660 = tpu.vector_load %arg12[%parallel_loop3A_658, %parallel_loop3A_659] {strides = array<i32>} : memref<400x64xf32, #tpu.memory_space<vmem>>, vector<1x16xf32>,
        %parallel_loop3A_661 = vector.shape_cast %parallel_loop3A_660 : vector<1x16xf32> to vector<16xf32>
        %parallel_loop3A_662 = arith.mulf %parallel_loop3A_661, %parallel_loop3A_623 : vector<16xf32>
        %parallel_loop3A_663 = arith.index_cast %parallel_loop3A_627 : i32 to index
        %parallel_loop3A_664 = arith.constant 48 : index
        %parallel_loop3A_665 = tpu.vector_load %arg12[%parallel_loop3A_663, %parallel_loop3A_664] {strides = array<i32>} : memref<400x64xf32, #tpu.memory_space<vmem>>, vector<1x16xf32>,
        %parallel_loop3A_666 = vector.shape_cast %parallel_loop3A_665 : vector<1x16xf32> to vector<16xf32>
        %parallel_loop3A_667 = vector.shape_cast %parallel_loop3A_662 : vector<16xf32> to vector<1x16xf32>
        tpu.vector_store %arg12[%parallel_loop3A_663, %parallel_loop3A_664], %parallel_loop3A_667 {strides = array<i32>} : memref<400x64xf32, #tpu.memory_space<vmem>>, vector<1x16xf32>,
        %parallel_loop3A_668 = vector.extract_strided_slice %parallel_loop3A_139 {offsets = [11], sizes = [1], strides = [1]} : vector<16xi32> to vector<1xi32>
        %parallel_loop3A_669 = vector.extract %parallel_loop3A_668[0] : i32 from vector<1xi32>
        %parallel_loop3A_670 = arith.bitcast %parallel_loop3A_669 : i32 to f32
        %parallel_loop3A_671 = vector.broadcast %parallel_loop3A_670 : f32 to vector<16xf32>
        %parallel_loop3A_672 = arith.constant 16 : i32
        %parallel_loop3A_673 = arith.muli %parallel_loop3A_132, %parallel_loop3A_672 : i32
        %parallel_loop3A_674 = arith.constant 11 : i32
        %parallel_loop3A_675 = arith.addi %parallel_loop3A_673, %parallel_loop3A_674 : i32
        %parallel_loop3A_676 = arith.index_cast %parallel_loop3A_675 : i32 to index
        %parallel_loop3A_677 = arith.constant 0 : index
        %parallel_loop3A_678 = tpu.vector_load %arg12[%parallel_loop3A_676, %parallel_loop3A_677] {strides = array<i32>} : memref<400x64xf32, #tpu.memory_space<vmem>>, vector<1x16xf32>,
        %parallel_loop3A_679 = vector.shape_cast %parallel_loop3A_678 : vector<1x16xf32> to vector<16xf32>
        %parallel_loop3A_680 = arith.mulf %parallel_loop3A_679, %parallel_loop3A_671 : vector<16xf32>
        %parallel_loop3A_681 = arith.index_cast %parallel_loop3A_675 : i32 to index
        %parallel_loop3A_682 = arith.constant 0 : index
        %parallel_loop3A_683 = tpu.vector_load %arg12[%parallel_loop3A_681, %parallel_loop3A_682] {strides = array<i32>} : memref<400x64xf32, #tpu.memory_space<vmem>>, vector<1x16xf32>,
        %parallel_loop3A_684 = vector.shape_cast %parallel_loop3A_683 : vector<1x16xf32> to vector<16xf32>
        %parallel_loop3A_685 = vector.shape_cast %parallel_loop3A_680 : vector<16xf32> to vector<1x16xf32>
        tpu.vector_store %arg12[%parallel_loop3A_681, %parallel_loop3A_682], %parallel_loop3A_685 {strides = array<i32>} : memref<400x64xf32, #tpu.memory_space<vmem>>, vector<1x16xf32>,
        %parallel_loop3A_686 = arith.index_cast %parallel_loop3A_675 : i32 to index
        %parallel_loop3A_687 = arith.constant 16 : index
        %parallel_loop3A_688 = tpu.vector_load %arg12[%parallel_loop3A_686, %parallel_loop3A_687] {strides = array<i32>} : memref<400x64xf32, #tpu.memory_space<vmem>>, vector<1x16xf32>,
        %parallel_loop3A_689 = vector.shape_cast %parallel_loop3A_688 : vector<1x16xf32> to vector<16xf32>
        %parallel_loop3A_690 = arith.mulf %parallel_loop3A_689, %parallel_loop3A_671 : vector<16xf32>
        %parallel_loop3A_691 = arith.index_cast %parallel_loop3A_675 : i32 to index
        %parallel_loop3A_692 = arith.constant 16 : index
        %parallel_loop3A_693 = tpu.vector_load %arg12[%parallel_loop3A_691, %parallel_loop3A_692] {strides = array<i32>} : memref<400x64xf32, #tpu.memory_space<vmem>>, vector<1x16xf32>,
        %parallel_loop3A_694 = vector.shape_cast %parallel_loop3A_693 : vector<1x16xf32> to vector<16xf32>
        %parallel_loop3A_695 = vector.shape_cast %parallel_loop3A_690 : vector<16xf32> to vector<1x16xf32>
        tpu.vector_store %arg12[%parallel_loop3A_691, %parallel_loop3A_692], %parallel_loop3A_695 {strides = array<i32>} : memref<400x64xf32, #tpu.memory_space<vmem>>, vector<1x16xf32>,
        %parallel_loop3A_696 = arith.index_cast %parallel_loop3A_675 : i32 to index
        %parallel_loop3A_697 = arith.constant 32 : index
        %parallel_loop3A_698 = tpu.vector_load %arg12[%parallel_loop3A_696, %parallel_loop3A_697] {strides = array<i32>} : memref<400x64xf32, #tpu.memory_space<vmem>>, vector<1x16xf32>,
        %parallel_loop3A_699 = vector.shape_cast %parallel_loop3A_698 : vector<1x16xf32> to vector<16xf32>
        %parallel_loop3A_700 = arith.mulf %parallel_loop3A_699, %parallel_loop3A_671 : vector<16xf32>
        %parallel_loop3A_701 = arith.index_cast %parallel_loop3A_675 : i32 to index
        %parallel_loop3A_702 = arith.constant 32 : index
        %parallel_loop3A_703 = tpu.vector_load %arg12[%parallel_loop3A_701, %parallel_loop3A_702] {strides = array<i32>} : memref<400x64xf32, #tpu.memory_space<vmem>>, vector<1x16xf32>,
        %parallel_loop3A_704 = vector.shape_cast %parallel_loop3A_703 : vector<1x16xf32> to vector<16xf32>
        %parallel_loop3A_705 = vector.shape_cast %parallel_loop3A_700 : vector<16xf32> to vector<1x16xf32>
        tpu.vector_store %arg12[%parallel_loop3A_701, %parallel_loop3A_702], %parallel_loop3A_705 {strides = array<i32>} : memref<400x64xf32, #tpu.memory_space<vmem>>, vector<1x16xf32>,
        %parallel_loop3A_706 = arith.index_cast %parallel_loop3A_675 : i32 to index
        %parallel_loop3A_707 = arith.constant 48 : index
        %parallel_loop3A_708 = tpu.vector_load %arg12[%parallel_loop3A_706, %parallel_loop3A_707] {strides = array<i32>} : memref<400x64xf32, #tpu.memory_space<vmem>>, vector<1x16xf32>,
        %parallel_loop3A_709 = vector.shape_cast %parallel_loop3A_708 : vector<1x16xf32> to vector<16xf32>
        %parallel_loop3A_710 = arith.mulf %parallel_loop3A_709, %parallel_loop3A_671 : vector<16xf32>
        %parallel_loop3A_711 = arith.index_cast %parallel_loop3A_675 : i32 to index
        %parallel_loop3A_712 = arith.constant 48 : index
        %parallel_loop3A_713 = tpu.vector_load %arg12[%parallel_loop3A_711, %parallel_loop3A_712] {strides = array<i32>} : memref<400x64xf32, #tpu.memory_space<vmem>>, vector<1x16xf32>,
        %parallel_loop3A_714 = vector.shape_cast %parallel_loop3A_713 : vector<1x16xf32> to vector<16xf32>
        %parallel_loop3A_715 = vector.shape_cast %parallel_loop3A_710 : vector<16xf32> to vector<1x16xf32>
        tpu.vector_store %arg12[%parallel_loop3A_711, %parallel_loop3A_712], %parallel_loop3A_715 {strides = array<i32>} : memref<400x64xf32, #tpu.memory_space<vmem>>, vector<1x16xf32>,
        %parallel_loop3A_716 = vector.extract_strided_slice %parallel_loop3A_139 {offsets = [12], sizes = [1], strides = [1]} : vector<16xi32> to vector<1xi32>
        %parallel_loop3A_717 = vector.extract %parallel_loop3A_716[0] : i32 from vector<1xi32>
        %parallel_loop3A_718 = arith.bitcast %parallel_loop3A_717 : i32 to f32
        %parallel_loop3A_719 = vector.broadcast %parallel_loop3A_718 : f32 to vector<16xf32>
        %parallel_loop3A_720 = arith.constant 16 : i32
        %parallel_loop3A_721 = arith.muli %parallel_loop3A_132, %parallel_loop3A_720 : i32
        %parallel_loop3A_722 = arith.constant 12 : i32
        %parallel_loop3A_723 = arith.addi %parallel_loop3A_721, %parallel_loop3A_722 : i32
        %parallel_loop3A_724 = arith.index_cast %parallel_loop3A_723 : i32 to index
        %parallel_loop3A_725 = arith.constant 0 : index
        %parallel_loop3A_726 = tpu.vector_load %arg12[%parallel_loop3A_724, %parallel_loop3A_725] {strides = array<i32>} : memref<400x64xf32, #tpu.memory_space<vmem>>, vector<1x16xf32>,
        %parallel_loop3A_727 = vector.shape_cast %parallel_loop3A_726 : vector<1x16xf32> to vector<16xf32>
        %parallel_loop3A_728 = arith.mulf %parallel_loop3A_727, %parallel_loop3A_719 : vector<16xf32>
        %parallel_loop3A_729 = arith.index_cast %parallel_loop3A_723 : i32 to index
        %parallel_loop3A_730 = arith.constant 0 : index
        %parallel_loop3A_731 = tpu.vector_load %arg12[%parallel_loop3A_729, %parallel_loop3A_730] {strides = array<i32>} : memref<400x64xf32, #tpu.memory_space<vmem>>, vector<1x16xf32>,
        %parallel_loop3A_732 = vector.shape_cast %parallel_loop3A_731 : vector<1x16xf32> to vector<16xf32>
        %parallel_loop3A_733 = vector.shape_cast %parallel_loop3A_728 : vector<16xf32> to vector<1x16xf32>
        tpu.vector_store %arg12[%parallel_loop3A_729, %parallel_loop3A_730], %parallel_loop3A_733 {strides = array<i32>} : memref<400x64xf32, #tpu.memory_space<vmem>>, vector<1x16xf32>,
        %parallel_loop3A_734 = arith.index_cast %parallel_loop3A_723 : i32 to index
        %parallel_loop3A_735 = arith.constant 16 : index
        %parallel_loop3A_736 = tpu.vector_load %arg12[%parallel_loop3A_734, %parallel_loop3A_735] {strides = array<i32>} : memref<400x64xf32, #tpu.memory_space<vmem>>, vector<1x16xf32>,
        %parallel_loop3A_737 = vector.shape_cast %parallel_loop3A_736 : vector<1x16xf32> to vector<16xf32>
        %parallel_loop3A_738 = arith.mulf %parallel_loop3A_737, %parallel_loop3A_719 : vector<16xf32>
        %parallel_loop3A_739 = arith.index_cast %parallel_loop3A_723 : i32 to index
        %parallel_loop3A_740 = arith.constant 16 : index
        %parallel_loop3A_741 = tpu.vector_load %arg12[%parallel_loop3A_739, %parallel_loop3A_740] {strides = array<i32>} : memref<400x64xf32, #tpu.memory_space<vmem>>, vector<1x16xf32>,
        %parallel_loop3A_742 = vector.shape_cast %parallel_loop3A_741 : vector<1x16xf32> to vector<16xf32>
        %parallel_loop3A_743 = vector.shape_cast %parallel_loop3A_738 : vector<16xf32> to vector<1x16xf32>
        tpu.vector_store %arg12[%parallel_loop3A_739, %parallel_loop3A_740], %parallel_loop3A_743 {strides = array<i32>} : memref<400x64xf32, #tpu.memory_space<vmem>>, vector<1x16xf32>,
        %parallel_loop3A_744 = arith.index_cast %parallel_loop3A_723 : i32 to index
        %parallel_loop3A_745 = arith.constant 32 : index
        %parallel_loop3A_746 = tpu.vector_load %arg12[%parallel_loop3A_744, %parallel_loop3A_745] {strides = array<i32>} : memref<400x64xf32, #tpu.memory_space<vmem>>, vector<1x16xf32>,
        %parallel_loop3A_747 = vector.shape_cast %parallel_loop3A_746 : vector<1x16xf32> to vector<16xf32>
        %parallel_loop3A_748 = arith.mulf %parallel_loop3A_747, %parallel_loop3A_719 : vector<16xf32>
        %parallel_loop3A_749 = arith.index_cast %parallel_loop3A_723 : i32 to index
        %parallel_loop3A_750 = arith.constant 32 : index
        %parallel_loop3A_751 = tpu.vector_load %arg12[%parallel_loop3A_749, %parallel_loop3A_750] {strides = array<i32>} : memref<400x64xf32, #tpu.memory_space<vmem>>, vector<1x16xf32>,
        %parallel_loop3A_752 = vector.shape_cast %parallel_loop3A_751 : vector<1x16xf32> to vector<16xf32>
        %parallel_loop3A_753 = vector.shape_cast %parallel_loop3A_748 : vector<16xf32> to vector<1x16xf32>
        tpu.vector_store %arg12[%parallel_loop3A_749, %parallel_loop3A_750], %parallel_loop3A_753 {strides = array<i32>} : memref<400x64xf32, #tpu.memory_space<vmem>>, vector<1x16xf32>,
        %parallel_loop3A_754 = arith.index_cast %parallel_loop3A_723 : i32 to index
        %parallel_loop3A_755 = arith.constant 48 : index
        %parallel_loop3A_756 = tpu.vector_load %arg12[%parallel_loop3A_754, %parallel_loop3A_755] {strides = array<i32>} : memref<400x64xf32, #tpu.memory_space<vmem>>, vector<1x16xf32>,
        %parallel_loop3A_757 = vector.shape_cast %parallel_loop3A_756 : vector<1x16xf32> to vector<16xf32>
        %parallel_loop3A_758 = arith.mulf %parallel_loop3A_757, %parallel_loop3A_719 : vector<16xf32>
        %parallel_loop3A_759 = arith.index_cast %parallel_loop3A_723 : i32 to index
        %parallel_loop3A_760 = arith.constant 48 : index
        %parallel_loop3A_761 = tpu.vector_load %arg12[%parallel_loop3A_759, %parallel_loop3A_760] {strides = array<i32>} : memref<400x64xf32, #tpu.memory_space<vmem>>, vector<1x16xf32>,
        %parallel_loop3A_762 = vector.shape_cast %parallel_loop3A_761 : vector<1x16xf32> to vector<16xf32>
        %parallel_loop3A_763 = vector.shape_cast %parallel_loop3A_758 : vector<16xf32> to vector<1x16xf32>
        tpu.vector_store %arg12[%parallel_loop3A_759, %parallel_loop3A_760], %parallel_loop3A_763 {strides = array<i32>} : memref<400x64xf32, #tpu.memory_space<vmem>>, vector<1x16xf32>,
        %parallel_loop3A_764 = vector.extract_strided_slice %parallel_loop3A_139 {offsets = [13], sizes = [1], strides = [1]} : vector<16xi32> to vector<1xi32>
        %parallel_loop3A_765 = vector.extract %parallel_loop3A_764[0] : i32 from vector<1xi32>
        %parallel_loop3A_766 = arith.bitcast %parallel_loop3A_765 : i32 to f32
        %parallel_loop3A_767 = vector.broadcast %parallel_loop3A_766 : f32 to vector<16xf32>
        %parallel_loop3A_768 = arith.constant 16 : i32
        %parallel_loop3A_769 = arith.muli %parallel_loop3A_132, %parallel_loop3A_768 : i32
        %parallel_loop3A_770 = arith.constant 13 : i32
        %parallel_loop3A_771 = arith.addi %parallel_loop3A_769, %parallel_loop3A_770 : i32
        %parallel_loop3A_772 = arith.index_cast %parallel_loop3A_771 : i32 to index
        %parallel_loop3A_773 = arith.constant 0 : index
        %parallel_loop3A_774 = tpu.vector_load %arg12[%parallel_loop3A_772, %parallel_loop3A_773] {strides = array<i32>} : memref<400x64xf32, #tpu.memory_space<vmem>>, vector<1x16xf32>,
        %parallel_loop3A_775 = vector.shape_cast %parallel_loop3A_774 : vector<1x16xf32> to vector<16xf32>
        %parallel_loop3A_776 = arith.mulf %parallel_loop3A_775, %parallel_loop3A_767 : vector<16xf32>
        %parallel_loop3A_777 = arith.index_cast %parallel_loop3A_771 : i32 to index
        %parallel_loop3A_778 = arith.constant 0 : index
        %parallel_loop3A_779 = tpu.vector_load %arg12[%parallel_loop3A_777, %parallel_loop3A_778] {strides = array<i32>} : memref<400x64xf32, #tpu.memory_space<vmem>>, vector<1x16xf32>,
        %parallel_loop3A_780 = vector.shape_cast %parallel_loop3A_779 : vector<1x16xf32> to vector<16xf32>
        %parallel_loop3A_781 = vector.shape_cast %parallel_loop3A_776 : vector<16xf32> to vector<1x16xf32>
        tpu.vector_store %arg12[%parallel_loop3A_777, %parallel_loop3A_778], %parallel_loop3A_781 {strides = array<i32>} : memref<400x64xf32, #tpu.memory_space<vmem>>, vector<1x16xf32>,
        %parallel_loop3A_782 = arith.index_cast %parallel_loop3A_771 : i32 to index
        %parallel_loop3A_783 = arith.constant 16 : index
        %parallel_loop3A_784 = tpu.vector_load %arg12[%parallel_loop3A_782, %parallel_loop3A_783] {strides = array<i32>} : memref<400x64xf32, #tpu.memory_space<vmem>>, vector<1x16xf32>,
        %parallel_loop3A_785 = vector.shape_cast %parallel_loop3A_784 : vector<1x16xf32> to vector<16xf32>
        %parallel_loop3A_786 = arith.mulf %parallel_loop3A_785, %parallel_loop3A_767 : vector<16xf32>
        %parallel_loop3A_787 = arith.index_cast %parallel_loop3A_771 : i32 to index
        %parallel_loop3A_788 = arith.constant 16 : index
        %parallel_loop3A_789 = tpu.vector_load %arg12[%parallel_loop3A_787, %parallel_loop3A_788] {strides = array<i32>} : memref<400x64xf32, #tpu.memory_space<vmem>>, vector<1x16xf32>,
        %parallel_loop3A_790 = vector.shape_cast %parallel_loop3A_789 : vector<1x16xf32> to vector<16xf32>
        %parallel_loop3A_791 = vector.shape_cast %parallel_loop3A_786 : vector<16xf32> to vector<1x16xf32>
        tpu.vector_store %arg12[%parallel_loop3A_787, %parallel_loop3A_788], %parallel_loop3A_791 {strides = array<i32>} : memref<400x64xf32, #tpu.memory_space<vmem>>, vector<1x16xf32>,
        %parallel_loop3A_792 = arith.index_cast %parallel_loop3A_771 : i32 to index
        %parallel_loop3A_793 = arith.constant 32 : index
        %parallel_loop3A_794 = tpu.vector_load %arg12[%parallel_loop3A_792, %parallel_loop3A_793] {strides = array<i32>} : memref<400x64xf32, #tpu.memory_space<vmem>>, vector<1x16xf32>,
        %parallel_loop3A_795 = vector.shape_cast %parallel_loop3A_794 : vector<1x16xf32> to vector<16xf32>
        %parallel_loop3A_796 = arith.mulf %parallel_loop3A_795, %parallel_loop3A_767 : vector<16xf32>
        %parallel_loop3A_797 = arith.index_cast %parallel_loop3A_771 : i32 to index
        %parallel_loop3A_798 = arith.constant 32 : index
        %parallel_loop3A_799 = tpu.vector_load %arg12[%parallel_loop3A_797, %parallel_loop3A_798] {strides = array<i32>} : memref<400x64xf32, #tpu.memory_space<vmem>>, vector<1x16xf32>,
        %parallel_loop3A_800 = vector.shape_cast %parallel_loop3A_799 : vector<1x16xf32> to vector<16xf32>
        %parallel_loop3A_801 = vector.shape_cast %parallel_loop3A_796 : vector<16xf32> to vector<1x16xf32>
        tpu.vector_store %arg12[%parallel_loop3A_797, %parallel_loop3A_798], %parallel_loop3A_801 {strides = array<i32>} : memref<400x64xf32, #tpu.memory_space<vmem>>, vector<1x16xf32>,
        %parallel_loop3A_802 = arith.index_cast %parallel_loop3A_771 : i32 to index
        %parallel_loop3A_803 = arith.constant 48 : index
        %parallel_loop3A_804 = tpu.vector_load %arg12[%parallel_loop3A_802, %parallel_loop3A_803] {strides = array<i32>} : memref<400x64xf32, #tpu.memory_space<vmem>>, vector<1x16xf32>,
        %parallel_loop3A_805 = vector.shape_cast %parallel_loop3A_804 : vector<1x16xf32> to vector<16xf32>
        %parallel_loop3A_806 = arith.mulf %parallel_loop3A_805, %parallel_loop3A_767 : vector<16xf32>
        %parallel_loop3A_807 = arith.index_cast %parallel_loop3A_771 : i32 to index
        %parallel_loop3A_808 = arith.constant 48 : index
        %parallel_loop3A_809 = tpu.vector_load %arg12[%parallel_loop3A_807, %parallel_loop3A_808] {strides = array<i32>} : memref<400x64xf32, #tpu.memory_space<vmem>>, vector<1x16xf32>,
        %parallel_loop3A_810 = vector.shape_cast %parallel_loop3A_809 : vector<1x16xf32> to vector<16xf32>
        %parallel_loop3A_811 = vector.shape_cast %parallel_loop3A_806 : vector<16xf32> to vector<1x16xf32>
        tpu.vector_store %arg12[%parallel_loop3A_807, %parallel_loop3A_808], %parallel_loop3A_811 {strides = array<i32>} : memref<400x64xf32, #tpu.memory_space<vmem>>, vector<1x16xf32>,
        %parallel_loop3A_812 = vector.extract_strided_slice %parallel_loop3A_139 {offsets = [14], sizes = [1], strides = [1]} : vector<16xi32> to vector<1xi32>
        %parallel_loop3A_813 = vector.extract %parallel_loop3A_812[0] : i32 from vector<1xi32>
        %parallel_loop3A_814 = arith.bitcast %parallel_loop3A_813 : i32 to f32
        %parallel_loop3A_815 = vector.broadcast %parallel_loop3A_814 : f32 to vector<16xf32>
        %parallel_loop3A_816 = arith.constant 16 : i32
        %parallel_loop3A_817 = arith.muli %parallel_loop3A_132, %parallel_loop3A_816 : i32
        %parallel_loop3A_818 = arith.constant 14 : i32
        %parallel_loop3A_819 = arith.addi %parallel_loop3A_817, %parallel_loop3A_818 : i32
        %parallel_loop3A_820 = arith.index_cast %parallel_loop3A_819 : i32 to index
        %parallel_loop3A_821 = arith.constant 0 : index
        %parallel_loop3A_822 = tpu.vector_load %arg12[%parallel_loop3A_820, %parallel_loop3A_821] {strides = array<i32>} : memref<400x64xf32, #tpu.memory_space<vmem>>, vector<1x16xf32>,
        %parallel_loop3A_823 = vector.shape_cast %parallel_loop3A_822 : vector<1x16xf32> to vector<16xf32>
        %parallel_loop3A_824 = arith.mulf %parallel_loop3A_823, %parallel_loop3A_815 : vector<16xf32>
        %parallel_loop3A_825 = arith.index_cast %parallel_loop3A_819 : i32 to index
        %parallel_loop3A_826 = arith.constant 0 : index
        %parallel_loop3A_827 = tpu.vector_load %arg12[%parallel_loop3A_825, %parallel_loop3A_826] {strides = array<i32>} : memref<400x64xf32, #tpu.memory_space<vmem>>, vector<1x16xf32>,
        %parallel_loop3A_828 = vector.shape_cast %parallel_loop3A_827 : vector<1x16xf32> to vector<16xf32>
        %parallel_loop3A_829 = vector.shape_cast %parallel_loop3A_824 : vector<16xf32> to vector<1x16xf32>
        tpu.vector_store %arg12[%parallel_loop3A_825, %parallel_loop3A_826], %parallel_loop3A_829 {strides = array<i32>} : memref<400x64xf32, #tpu.memory_space<vmem>>, vector<1x16xf32>,
        %parallel_loop3A_830 = arith.index_cast %parallel_loop3A_819 : i32 to index
        %parallel_loop3A_831 = arith.constant 16 : index
        %parallel_loop3A_832 = tpu.vector_load %arg12[%parallel_loop3A_830, %parallel_loop3A_831] {strides = array<i32>} : memref<400x64xf32, #tpu.memory_space<vmem>>, vector<1x16xf32>,
        %parallel_loop3A_833 = vector.shape_cast %parallel_loop3A_832 : vector<1x16xf32> to vector<16xf32>
        %parallel_loop3A_834 = arith.mulf %parallel_loop3A_833, %parallel_loop3A_815 : vector<16xf32>
        %parallel_loop3A_835 = arith.index_cast %parallel_loop3A_819 : i32 to index
        %parallel_loop3A_836 = arith.constant 16 : index
        %parallel_loop3A_837 = tpu.vector_load %arg12[%parallel_loop3A_835, %parallel_loop3A_836] {strides = array<i32>} : memref<400x64xf32, #tpu.memory_space<vmem>>, vector<1x16xf32>,
        %parallel_loop3A_838 = vector.shape_cast %parallel_loop3A_837 : vector<1x16xf32> to vector<16xf32>
        %parallel_loop3A_839 = vector.shape_cast %parallel_loop3A_834 : vector<16xf32> to vector<1x16xf32>
        tpu.vector_store %arg12[%parallel_loop3A_835, %parallel_loop3A_836], %parallel_loop3A_839 {strides = array<i32>} : memref<400x64xf32, #tpu.memory_space<vmem>>, vector<1x16xf32>,
        %parallel_loop3A_840 = arith.index_cast %parallel_loop3A_819 : i32 to index
        %parallel_loop3A_841 = arith.constant 32 : index
        %parallel_loop3A_842 = tpu.vector_load %arg12[%parallel_loop3A_840, %parallel_loop3A_841] {strides = array<i32>} : memref<400x64xf32, #tpu.memory_space<vmem>>, vector<1x16xf32>,
        %parallel_loop3A_843 = vector.shape_cast %parallel_loop3A_842 : vector<1x16xf32> to vector<16xf32>
        %parallel_loop3A_844 = arith.mulf %parallel_loop3A_843, %parallel_loop3A_815 : vector<16xf32>
        %parallel_loop3A_845 = arith.index_cast %parallel_loop3A_819 : i32 to index
        %parallel_loop3A_846 = arith.constant 32 : index
        %parallel_loop3A_847 = tpu.vector_load %arg12[%parallel_loop3A_845, %parallel_loop3A_846] {strides = array<i32>} : memref<400x64xf32, #tpu.memory_space<vmem>>, vector<1x16xf32>,
        %parallel_loop3A_848 = vector.shape_cast %parallel_loop3A_847 : vector<1x16xf32> to vector<16xf32>
        %parallel_loop3A_849 = vector.shape_cast %parallel_loop3A_844 : vector<16xf32> to vector<1x16xf32>
        tpu.vector_store %arg12[%parallel_loop3A_845, %parallel_loop3A_846], %parallel_loop3A_849 {strides = array<i32>} : memref<400x64xf32, #tpu.memory_space<vmem>>, vector<1x16xf32>,
        %parallel_loop3A_850 = arith.index_cast %parallel_loop3A_819 : i32 to index
        %parallel_loop3A_851 = arith.constant 48 : index
        %parallel_loop3A_852 = tpu.vector_load %arg12[%parallel_loop3A_850, %parallel_loop3A_851] {strides = array<i32>} : memref<400x64xf32, #tpu.memory_space<vmem>>, vector<1x16xf32>,
        %parallel_loop3A_853 = vector.shape_cast %parallel_loop3A_852 : vector<1x16xf32> to vector<16xf32>
        %parallel_loop3A_854 = arith.mulf %parallel_loop3A_853, %parallel_loop3A_815 : vector<16xf32>
        %parallel_loop3A_855 = arith.index_cast %parallel_loop3A_819 : i32 to index
        %parallel_loop3A_856 = arith.constant 48 : index
        %parallel_loop3A_857 = tpu.vector_load %arg12[%parallel_loop3A_855, %parallel_loop3A_856] {strides = array<i32>} : memref<400x64xf32, #tpu.memory_space<vmem>>, vector<1x16xf32>,
        %parallel_loop3A_858 = vector.shape_cast %parallel_loop3A_857 : vector<1x16xf32> to vector<16xf32>
        %parallel_loop3A_859 = vector.shape_cast %parallel_loop3A_854 : vector<16xf32> to vector<1x16xf32>
        tpu.vector_store %arg12[%parallel_loop3A_855, %parallel_loop3A_856], %parallel_loop3A_859 {strides = array<i32>} : memref<400x64xf32, #tpu.memory_space<vmem>>, vector<1x16xf32>,
        %parallel_loop3A_860 = vector.extract_strided_slice %parallel_loop3A_139 {offsets = [15], sizes = [1], strides = [1]} : vector<16xi32> to vector<1xi32>
        %parallel_loop3A_861 = vector.extract %parallel_loop3A_860[0] : i32 from vector<1xi32>
        %parallel_loop3A_862 = arith.bitcast %parallel_loop3A_861 : i32 to f32
        %parallel_loop3A_863 = vector.broadcast %parallel_loop3A_862 : f32 to vector<16xf32>
        %parallel_loop3A_864 = arith.constant 16 : i32
        %parallel_loop3A_865 = arith.muli %parallel_loop3A_132, %parallel_loop3A_864 : i32
        %parallel_loop3A_866 = arith.constant 15 : i32
        %parallel_loop3A_867 = arith.addi %parallel_loop3A_865, %parallel_loop3A_866 : i32
        %parallel_loop3A_868 = arith.index_cast %parallel_loop3A_867 : i32 to index
        %parallel_loop3A_869 = arith.constant 0 : index
        %parallel_loop3A_870 = tpu.vector_load %arg12[%parallel_loop3A_868, %parallel_loop3A_869] {strides = array<i32>} : memref<400x64xf32, #tpu.memory_space<vmem>>, vector<1x16xf32>,
        %parallel_loop3A_871 = vector.shape_cast %parallel_loop3A_870 : vector<1x16xf32> to vector<16xf32>
        %parallel_loop3A_872 = arith.mulf %parallel_loop3A_871, %parallel_loop3A_863 : vector<16xf32>
        %parallel_loop3A_873 = arith.index_cast %parallel_loop3A_867 : i32 to index
        %parallel_loop3A_874 = arith.constant 0 : index
        %parallel_loop3A_875 = tpu.vector_load %arg12[%parallel_loop3A_873, %parallel_loop3A_874] {strides = array<i32>} : memref<400x64xf32, #tpu.memory_space<vmem>>, vector<1x16xf32>,
        %parallel_loop3A_876 = vector.shape_cast %parallel_loop3A_875 : vector<1x16xf32> to vector<16xf32>
        %parallel_loop3A_877 = vector.shape_cast %parallel_loop3A_872 : vector<16xf32> to vector<1x16xf32>
        tpu.vector_store %arg12[%parallel_loop3A_873, %parallel_loop3A_874], %parallel_loop3A_877 {strides = array<i32>} : memref<400x64xf32, #tpu.memory_space<vmem>>, vector<1x16xf32>,
        %parallel_loop3A_878 = arith.index_cast %parallel_loop3A_867 : i32 to index
        %parallel_loop3A_879 = arith.constant 16 : index
        %parallel_loop3A_880 = tpu.vector_load %arg12[%parallel_loop3A_878, %parallel_loop3A_879] {strides = array<i32>} : memref<400x64xf32, #tpu.memory_space<vmem>>, vector<1x16xf32>,
        %parallel_loop3A_881 = vector.shape_cast %parallel_loop3A_880 : vector<1x16xf32> to vector<16xf32>
        %parallel_loop3A_882 = arith.mulf %parallel_loop3A_881, %parallel_loop3A_863 : vector<16xf32>
        %parallel_loop3A_883 = arith.index_cast %parallel_loop3A_867 : i32 to index
        %parallel_loop3A_884 = arith.constant 16 : index
        %parallel_loop3A_885 = tpu.vector_load %arg12[%parallel_loop3A_883, %parallel_loop3A_884] {strides = array<i32>} : memref<400x64xf32, #tpu.memory_space<vmem>>, vector<1x16xf32>,
        %parallel_loop3A_886 = vector.shape_cast %parallel_loop3A_885 : vector<1x16xf32> to vector<16xf32>
        %parallel_loop3A_887 = vector.shape_cast %parallel_loop3A_882 : vector<16xf32> to vector<1x16xf32>
        tpu.vector_store %arg12[%parallel_loop3A_883, %parallel_loop3A_884], %parallel_loop3A_887 {strides = array<i32>} : memref<400x64xf32, #tpu.memory_space<vmem>>, vector<1x16xf32>,
        %parallel_loop3A_888 = arith.index_cast %parallel_loop3A_867 : i32 to index
        %parallel_loop3A_889 = arith.constant 32 : index
        %parallel_loop3A_890 = tpu.vector_load %arg12[%parallel_loop3A_888, %parallel_loop3A_889] {strides = array<i32>} : memref<400x64xf32, #tpu.memory_space<vmem>>, vector<1x16xf32>,
        %parallel_loop3A_891 = vector.shape_cast %parallel_loop3A_890 : vector<1x16xf32> to vector<16xf32>
        %parallel_loop3A_892 = arith.mulf %parallel_loop3A_891, %parallel_loop3A_863 : vector<16xf32>
        %parallel_loop3A_893 = arith.index_cast %parallel_loop3A_867 : i32 to index
        %parallel_loop3A_894 = arith.constant 32 : index
        %parallel_loop3A_895 = tpu.vector_load %arg12[%parallel_loop3A_893, %parallel_loop3A_894] {strides = array<i32>} : memref<400x64xf32, #tpu.memory_space<vmem>>, vector<1x16xf32>,
        %parallel_loop3A_896 = vector.shape_cast %parallel_loop3A_895 : vector<1x16xf32> to vector<16xf32>
        %parallel_loop3A_897 = vector.shape_cast %parallel_loop3A_892 : vector<16xf32> to vector<1x16xf32>
        tpu.vector_store %arg12[%parallel_loop3A_893, %parallel_loop3A_894], %parallel_loop3A_897 {strides = array<i32>} : memref<400x64xf32, #tpu.memory_space<vmem>>, vector<1x16xf32>,
        %parallel_loop3A_898 = arith.index_cast %parallel_loop3A_867 : i32 to index
        %parallel_loop3A_899 = arith.constant 48 : index
        %parallel_loop3A_900 = tpu.vector_load %arg12[%parallel_loop3A_898, %parallel_loop3A_899] {strides = array<i32>} : memref<400x64xf32, #tpu.memory_space<vmem>>, vector<1x16xf32>,
        %parallel_loop3A_901 = vector.shape_cast %parallel_loop3A_900 : vector<1x16xf32> to vector<16xf32>
        %parallel_loop3A_902 = arith.mulf %parallel_loop3A_901, %parallel_loop3A_863 : vector<16xf32>
        %parallel_loop3A_903 = arith.index_cast %parallel_loop3A_867 : i32 to index
        %parallel_loop3A_904 = arith.constant 48 : index
        %parallel_loop3A_905 = tpu.vector_load %arg12[%parallel_loop3A_903, %parallel_loop3A_904] {strides = array<i32>} : memref<400x64xf32, #tpu.memory_space<vmem>>, vector<1x16xf32>,
        %parallel_loop3A_906 = vector.shape_cast %parallel_loop3A_905 : vector<1x16xf32> to vector<16xf32>
        %parallel_loop3A_907 = vector.shape_cast %parallel_loop3A_902 : vector<16xf32> to vector<1x16xf32>
        tpu.vector_store %arg12[%parallel_loop3A_903, %parallel_loop3A_904], %parallel_loop3A_907 {strides = array<i32>} : memref<400x64xf32, #tpu.memory_space<vmem>>, vector<1x16xf32>,
      } {sc.loop_unroll_factor = 2 : i64, sc.parallel_access}
      %dma_start3A_120 = arith.constant 1 : i32
      %dma_start3A_121 = arith.constant 0 : i32
      %dma_start3A_122 = tpu.memref_slice %arg10[%dma_start3A_120, %dma_start3A_121] : memref<3x400xi32, #tpu.memory_space<vmem>> -> memref<1x400xi32, #tpu.memory_space<vmem>>
      %dma_start3A_123 = tpu.memref_squeeze %dma_start3A_122 : memref<1x400xi32, #tpu.memory_space<vmem>> -> memref<400xi32, #tpu.memory_space<vmem>>
      %dma_start3A_124 = arith.constant 0 : i32
      %dma_start3A_125 = arith.constant 0 : i32
      %dma_start3A_126 = tpu.memref_slice %arg14[%dma_start3A_124, %dma_start3A_125] : memref<10000x64xf32, #tpu.memory_space<vmem_shared>> -> memref<10000x64xf32, #tpu.memory_space<vmem_shared>>
      tpu.enqueue_indirect_dma source(%arg12 : memref<400x64xf32, #tpu.memory_space<vmem>>) target(%dma_start3A_126 : memref<10000x64xf32, #tpu.memory_space<vmem_shared>>) offsets(%dma_start3A_123 : memref<400xi32, #tpu.memory_space<vmem>>) semaphore(%arg19 : memref<!tpu.dma_semaphore, #tpu.memory_space<semaphore_mem>>) {add = true}
      %eq3A_127 = arith.constant 0 : i32
      %eq3A_128 = arith.cmpi eq, %arg0, %eq3A_127 : i32
      %convert_element_type3A_129 = arith.extui %eq3A_128 : i1 to i32
      %cond3A_130 = arith.constant 0 : i32
      %cond3A_131 = arith.cmpi ne, %convert_element_type3A_129, %cond3A_130 : i32
      scf.if %cond3A_131 {
        %dma_start3A_132 = arith.constant 1 : i32
        %dma_start3A_133 = arith.constant 0 : i32
        %dma_start3A_134 = tpu.memref_slice %arg10[%dma_start3A_132, %dma_start3A_133] : memref<3x400xi32, #tpu.memory_space<vmem>> -> memref<1x400xi32, #tpu.memory_space<vmem>>
        %dma_start3A_135 = tpu.memref_squeeze %dma_start3A_134 : memref<1x400xi32, #tpu.memory_space<vmem>> -> memref<400xi32, #tpu.memory_space<vmem>>
        %dma_start3A_136 = arith.constant 0 : i32
        %dma_start3A_137 = arith.constant 0 : i32
        %dma_start3A_138 = tpu.memref_slice %arg15[%dma_start3A_136, %dma_start3A_137] : memref<10000x16xf32, #tpu.memory_space<vmem_shared>> -> memref<10000x16xf32, #tpu.memory_space<vmem_shared>>
        tpu.enqueue_indirect_dma source(%arg13 : memref<400x16xf32, #tpu.memory_space<vmem>>) target(%dma_start3A_138 : memref<10000x16xf32, #tpu.memory_space<vmem_shared>>) offsets(%dma_start3A_135 : memref<400xi32, #tpu.memory_space<vmem>>) semaphore(%arg21 : memref<!tpu.dma_semaphore, #tpu.memory_space<semaphore_mem>>) {add = true}
      } else {
      }
    }
    %scan3A_33 = arith.constant 25 : i32
    %dma_wait3A = arith.constant 1 : i32
    %dma_wait3A_34 = arith.constant 0 : i32
    %dma_wait3A_35 = tpu.memref_slice %arg10[%dma_wait3A, %dma_wait3A_34] : memref<3x400xi32, #tpu.memory_space<vmem>> -> memref<1x400xi32, #tpu.memory_space<vmem>>
    %dma_wait3A_36 = tpu.memref_squeeze %dma_wait3A_35 : memref<1x400xi32, #tpu.memory_space<vmem>> -> memref<400xi32, #tpu.memory_space<vmem>>
    %dma_wait3A_37 = arith.constant 0 : i32
    %dma_wait3A_38 = arith.constant 0 : i32
    %dma_wait3A_39 = tpu.memref_slice %arg14[%dma_wait3A_37, %dma_wait3A_38] : memref<10000x64xf32, #tpu.memory_space<vmem_shared>> -> memref<10000x64xf32, #tpu.memory_space<vmem_shared>>
    tpu.wait_indirect_dma semaphore(%arg19 : memref<!tpu.dma_semaphore, #tpu.memory_space<semaphore_mem>>) src(%arg12 : memref<400x64xf32, #tpu.memory_space<vmem>>) dst(%dma_wait3A_39 : memref<10000x64xf32, #tpu.memory_space<vmem_shared>>)
    %eq3A_40 = arith.constant 0 : i32
    %eq3A_41 = arith.cmpi eq, %arg0, %eq3A_40 : i32
    %convert_element_type3A_42 = arith.extui %eq3A_41 : i1 to i32
    %cond3A_43 = arith.constant 0 : i32
    %cond3A_44 = arith.cmpi ne, %convert_element_type3A_42, %cond3A_43 : i32
    scf.if %cond3A_44 {
      %dma_wait3A_56 = arith.constant 1 : i32
      %dma_wait3A_57 = arith.constant 0 : i32
      %dma_wait3A_58 = tpu.memref_slice %arg10[%dma_wait3A_56, %dma_wait3A_57] : memref<3x400xi32, #tpu.memory_space<vmem>> -> memref<1x400xi32, #tpu.memory_space<vmem>>
      %dma_wait3A_59 = tpu.memref_squeeze %dma_wait3A_58 : memref<1x400xi32, #tpu.memory_space<vmem>> -> memref<400xi32, #tpu.memory_space<vmem>>
      %dma_wait3A_60 = arith.constant 0 : i32
      %dma_wait3A_61 = arith.constant 0 : i32
      %dma_wait3A_62 = tpu.memref_slice %arg15[%dma_wait3A_60, %dma_wait3A_61] : memref<10000x16xf32, #tpu.memory_space<vmem_shared>> -> memref<10000x16xf32, #tpu.memory_space<vmem_shared>>
      tpu.wait_indirect_dma semaphore(%arg21 : memref<!tpu.dma_semaphore, #tpu.memory_space<semaphore_mem>>) src(%arg13 : memref<400x16xf32, #tpu.memory_space<vmem>>) dst(%dma_wait3A_62 : memref<10000x16xf32, #tpu.memory_space<vmem_shared>>)
    } else {
    }
    %barrier3A_45 = arith.constant 0 : index
    tpu.barrier barrier_id(%barrier3A_45)
    "tpu.region"() ({
      %run_scoped3A_56 = tpu.sem_alloc : memref<!tpu.dma_semaphore, #tpu.memory_space<semaphore_mem>>
      %dma_start3A = arith.constant 0 : i32
      %dma_start3A_57 = tpu.memref_slice %arg7[%arg0, %mul3A_0, %dma_start3A] : memref<2x10000x64xf32, #tpu.memory_space<hbm>> -> memref<1x624x64xf32, #tpu.memory_space<hbm>>
      %dma_start3A_58 = tpu.memref_squeeze %dma_start3A_57 : memref<1x624x64xf32, #tpu.memory_space<hbm>> -> memref<624x64xf32, #tpu.memory_space<hbm>>
      %dma_start3A_59 = arith.constant 0 : i32
      %dma_start3A_60 = tpu.memref_slice %arg14[%mul3A_0, %dma_start3A_59] : memref<10000x64xf32, #tpu.memory_space<vmem_shared>> -> memref<624x64xf32, #tpu.memory_space<vmem_shared>>
      tpu.enqueue_dma source(%dma_start3A_60 : memref<624x64xf32, #tpu.memory_space<vmem_shared>>) target(%dma_start3A_58 : memref<624x64xf32, #tpu.memory_space<hbm>>) target_semaphore(%run_scoped3A_56 : memref<!tpu.dma_semaphore, #tpu.memory_space<semaphore_mem>>)
      %dma_wait3A_61 = arith.constant 0 : i32
      %dma_wait3A_62 = tpu.memref_slice %arg7[%arg0, %mul3A_0, %dma_wait3A_61] : memref<2x10000x64xf32, #tpu.memory_space<hbm>> -> memref<1x624x64xf32, #tpu.memory_space<hbm>>
      %dma_wait3A_63 = tpu.memref_squeeze %dma_wait3A_62 : memref<1x624x64xf32, #tpu.memory_space<hbm>> -> memref<624x64xf32, #tpu.memory_space<hbm>>
      %dma_wait3A_64 = arith.constant 0 : i32
      %dma_wait3A_65 = tpu.memref_slice %arg14[%mul3A_0, %dma_wait3A_64] : memref<10000x64xf32, #tpu.memory_space<vmem_shared>> -> memref<624x64xf32, #tpu.memory_space<vmem_shared>>
      tpu.wait_dma2 semaphore(%run_scoped3A_56 : memref<!tpu.dma_semaphore, #tpu.memory_space<semaphore_mem>>) src(%dma_wait3A_65 : memref<624x64xf32, #tpu.memory_space<vmem_shared>>) dst(%dma_wait3A_63 : memref<624x64xf32, #tpu.memory_space<hbm>>)
      tpu.yield
    }) : () -> ()
    %eq3A_46 = arith.constant 0 : i32
    %eq3A_47 = arith.cmpi eq, %arg0, %eq3A_46 : i32
    %convert_element_type3A_48 = arith.extui %eq3A_47 : i1 to i32
    %cond3A_49 = arith.constant 0 : i32
    %cond3A_50 = arith.cmpi ne, %convert_element_type3A_48, %cond3A_49 : i32
    scf.if %cond3A_50 {
      "tpu.region"() ({
        %run_scoped3A_56 = tpu.sem_alloc : memref<!tpu.dma_semaphore, #tpu.memory_space<semaphore_mem>>
        %dma_start3A = arith.constant 0 : i32
        %dma_start3A_57 = tpu.memref_slice %arg8[%mul3A_0, %dma_start3A] : memref<10000x16xf32, #tpu.memory_space<hbm>> -> memref<624x16xf32, #tpu.memory_space<hbm>>
        %dma_start3A_58 = arith.constant 0 : i32
        %dma_start3A_59 = tpu.memref_slice %arg15[%mul3A_0, %dma_start3A_58] : memref<10000x16xf32, #tpu.memory_space<vmem_shared>> -> memref<624x16xf32, #tpu.memory_space<vmem_shared>>
        tpu.enqueue_dma source(%dma_start3A_59 : memref<624x16xf32, #tpu.memory_space<vmem_shared>>) target(%dma_start3A_57 : memref<624x16xf32, #tpu.memory_space<hbm>>) target_semaphore(%run_scoped3A_56 : memref<!tpu.dma_semaphore, #tpu.memory_space<semaphore_mem>>)
        %dma_wait3A_60 = arith.constant 0 : i32
        %dma_wait3A_61 = tpu.memref_slice %arg8[%mul3A_0, %dma_wait3A_60] : memref<10000x16xf32, #tpu.memory_space<hbm>> -> memref<624x16xf32, #tpu.memory_space<hbm>>
        %dma_wait3A_62 = arith.constant 0 : i32
        %dma_wait3A_63 = tpu.memref_slice %arg15[%mul3A_0, %dma_wait3A_62] : memref<10000x16xf32, #tpu.memory_space<vmem_shared>> -> memref<624x16xf32, #tpu.memory_space<vmem_shared>>
        tpu.wait_dma2 semaphore(%run_scoped3A_56 : memref<!tpu.dma_semaphore, #tpu.memory_space<semaphore_mem>>) src(%dma_wait3A_63 : memref<624x16xf32, #tpu.memory_space<vmem_shared>>) dst(%dma_wait3A_61 : memref<624x16xf32, #tpu.memory_space<hbm>>)
        tpu.yield
      }) : () -> ()
    } else {
    }
    %eq3A_51 = arith.constant 15 : i32
    %eq3A_52 = arith.cmpi eq, %arg1, %eq3A_51 : i32
    %convert_element_type3A_53 = arith.extui %eq3A_52 : i1 to i32
    %cond3A_54 = arith.constant 0 : i32
    %cond3A_55 = arith.cmpi ne, %convert_element_type3A_53, %cond3A_54 : i32
    scf.if %cond3A_55 {
      "tpu.region"() ({
        %run_scoped3A_61 = tpu.sem_alloc : memref<!tpu.dma_semaphore, #tpu.memory_space<semaphore_mem>>
        %dma_start3A = arith.constant 9984 : i32
        %dma_start3A_62 = arith.constant 0 : i32
        %dma_start3A_63 = tpu.memref_slice %arg7[%arg0, %dma_start3A, %dma_start3A_62] : memref<2x10000x64xf32, #tpu.memory_space<hbm>> -> memref<1x16x64xf32, #tpu.memory_space<hbm>>
        %dma_start3A_64 = tpu.memref_squeeze %dma_start3A_63 : memref<1x16x64xf32, #tpu.memory_space<hbm>> -> memref<16x64xf32, #tpu.memory_space<hbm>>
        %dma_start3A_65 = arith.constant 9984 : i32
        %dma_start3A_66 = arith.constant 0 : i32
        %dma_start3A_67 = tpu.memref_slice %arg14[%dma_start3A_65, %dma_start3A_66] : memref<10000x64xf32, #tpu.memory_space<vmem_shared>> -> memref<16x64xf32, #tpu.memory_space<vmem_shared>>
        tpu.enqueue_dma source(%dma_start3A_67 : memref<16x64xf32, #tpu.memory_space<vmem_shared>>) target(%dma_start3A_64 : memref<16x64xf32, #tpu.memory_space<hbm>>) target_semaphore(%run_scoped3A_61 : memref<!tpu.dma_semaphore, #tpu.memory_space<semaphore_mem>>)
        %dma_wait3A_68 = arith.constant 9984 : i32
        %dma_wait3A_69 = arith.constant 0 : i32
        %dma_wait3A_70 = tpu.memref_slice %arg7[%arg0, %dma_wait3A_68, %dma_wait3A_69] : memref<2x10000x64xf32, #tpu.memory_space<hbm>> -> memref<1x16x64xf32, #tpu.memory_space<hbm>>
        %dma_wait3A_71 = tpu.memref_squeeze %dma_wait3A_70 : memref<1x16x64xf32, #tpu.memory_space<hbm>> -> memref<16x64xf32, #tpu.memory_space<hbm>>
        %dma_wait3A_72 = arith.constant 9984 : i32
        %dma_wait3A_73 = arith.constant 0 : i32
        %dma_wait3A_74 = tpu.memref_slice %arg14[%dma_wait3A_72, %dma_wait3A_73] : memref<10000x64xf32, #tpu.memory_space<vmem_shared>> -> memref<16x64xf32, #tpu.memory_space<vmem_shared>>
        tpu.wait_dma2 semaphore(%run_scoped3A_61 : memref<!tpu.dma_semaphore, #tpu.memory_space<semaphore_mem>>) src(%dma_wait3A_74 : memref<16x64xf32, #tpu.memory_space<vmem_shared>>) dst(%dma_wait3A_71 : memref<16x64xf32, #tpu.memory_space<hbm>>)
        tpu.yield
      }) : () -> ()
      %eq3A_56 = arith.constant 0 : i32
      %eq3A_57 = arith.cmpi eq, %arg0, %eq3A_56 : i32
      %convert_element_type3A_58 = arith.extui %eq3A_57 : i1 to i32
      %cond3A_59 = arith.constant 0 : i32
      %cond3A_60 = arith.cmpi ne, %convert_element_type3A_58, %cond3A_59 : i32
      scf.if %cond3A_60 {
        "tpu.region"() ({
          %run_scoped3A_61 = tpu.sem_alloc : memref<!tpu.dma_semaphore, #tpu.memory_space<semaphore_mem>>
          %dma_start3A = arith.constant 9984 : i32
          %dma_start3A_62 = arith.constant 0 : i32
          %dma_start3A_63 = tpu.memref_slice %arg8[%dma_start3A, %dma_start3A_62] : memref<10000x16xf32, #tpu.memory_space<hbm>> -> memref<16x16xf32, #tpu.memory_space<hbm>>
          %dma_start3A_64 = arith.constant 9984 : i32
          %dma_start3A_65 = arith.constant 0 : i32
          %dma_start3A_66 = tpu.memref_slice %arg15[%dma_start3A_64, %dma_start3A_65] : memref<10000x16xf32, #tpu.memory_space<vmem_shared>> -> memref<16x16xf32, #tpu.memory_space<vmem_shared>>
          tpu.enqueue_dma source(%dma_start3A_66 : memref<16x16xf32, #tpu.memory_space<vmem_shared>>) target(%dma_start3A_63 : memref<16x16xf32, #tpu.memory_space<hbm>>) target_semaphore(%run_scoped3A_61 : memref<!tpu.dma_semaphore, #tpu.memory_space<semaphore_mem>>)
          %dma_wait3A_67 = arith.constant 9984 : i32
          %dma_wait3A_68 = arith.constant 0 : i32
          %dma_wait3A_69 = tpu.memref_slice %arg8[%dma_wait3A_67, %dma_wait3A_68] : memref<10000x16xf32, #tpu.memory_space<hbm>> -> memref<16x16xf32, #tpu.memory_space<hbm>>
          %dma_wait3A_70 = arith.constant 9984 : i32
          %dma_wait3A_71 = arith.constant 0 : i32
          %dma_wait3A_72 = tpu.memref_slice %arg15[%dma_wait3A_70, %dma_wait3A_71] : memref<10000x16xf32, #tpu.memory_space<vmem_shared>> -> memref<16x16xf32, #tpu.memory_space<vmem_shared>>
          tpu.wait_dma2 semaphore(%run_scoped3A_61 : memref<!tpu.dma_semaphore, #tpu.memory_space<semaphore_mem>>) src(%dma_wait3A_72 : memref<16x16xf32, #tpu.memory_space<vmem_shared>>) dst(%dma_wait3A_69 : memref<16x16xf32, #tpu.memory_space<hbm>>)
          tpu.yield
        }) : () -> ()
      } else {
      }
    } else {
    }
    return
  }
}

module attributes {stable_mosaic.version = 14 : i64} {
  func.func @_dense_body(%arg0: i32, %arg1: memref<2x2000x64xf32, #tpu.memory_space<vmem>>, %arg2: memref<2000x16xf32, #tpu.memory_space<vmem>>, %arg3: memref<2000x128xf32, #tpu.memory_space<vmem>>, %arg4: memref<128x128xf32, #tpu.memory_space<vmem>>, %arg5: memref<128x128xf32, #tpu.memory_space<vmem>>, %arg6: memref<128x128xf32, #tpu.memory_space<vmem>>, %arg7: memref<2000x1xf32, #tpu.memory_space<vmem>>, %arg8: memref<2000x128xf32, #tpu.memory_space<vmem>>) attributes {dimension_semantics = [#tpu.dimension_semantics<arbitrary>], iteration_bounds = array<i64: 5>, scalar_prefetch = 0 : i64, scratch_operands = 0 : i64, tpu.core_type = #tpu.core_type<tc>, window_params = [{transform_indices = @transform_0, window_bounds = array<i64: 2, 2000, 64>}, {transform_indices = @transform_1, window_bounds = array<i64: 2000, 16>}, {transform_indices = @transform_2, window_bounds = array<i64: 2000, 128>}, {pipeline_mode = #tpu.pipeline_mode<synchronous>, transform_indices = @transform_3, window_bounds = array<i64: 128, 128>}, {pipeline_mode = #tpu.pipeline_mode<synchronous>, transform_indices = @transform_4, window_bounds = array<i64: 128, 128>}, {pipeline_mode = #tpu.pipeline_mode<synchronous>, transform_indices = @transform_5, window_bounds = array<i64: 128, 128>}, {transform_indices = @transform_6, window_bounds = array<i64: 2000, 1>}, {transform_indices = @transform_7, window_bounds = array<i64: 2000, 128>}]} {
    %get3A = arith.constant 0 : index
    %get3A_0 = arith.constant 0 : index
    %get3A_1 = arith.constant 0 : index
    %get3A_2 = vector.load %arg1[%get3A, %get3A_0, %get3A_1] : memref<2x2000x64xf32, #tpu.memory_space<vmem>>, vector<1x2000x64xf32>
    %get3A_3 = vector.shape_cast %get3A_2 : vector<1x2000x64xf32> to vector<2000x64xf32>
    %get3A_4 = arith.constant 1 : index
    %get3A_5 = arith.constant 0 : index
    %get3A_6 = arith.constant 0 : index
    %get3A_7 = vector.load %arg1[%get3A_4, %get3A_5, %get3A_6] : memref<2x2000x64xf32, #tpu.memory_space<vmem>>, vector<1x2000x64xf32>
    %get3A_8 = vector.shape_cast %get3A_7 : vector<1x2000x64xf32> to vector<2000x64xf32>
    %concatenate3A = tpu.concatenate %get3A_3, %get3A_8 in 1 : vector<2000x64xf32>, vector<2000x64xf32> -> vector<2000x128xf32>
    %get3A_9 = arith.constant 0 : index
    %get3A_10 = arith.constant 0 : index
    %get3A_11 = vector.load %arg4[%get3A_9, %get3A_10] : memref<128x128xf32, #tpu.memory_space<vmem>>, vector<128x128xf32>
    %dot_general3A = arith.constant dense<0.000000e+00> : vector<2000x128xf32>
    %dot_general3A_12 = tpu.matmul %concatenate3A, %get3A_11, %dot_general3A {dimension_numbers = #tpu.dot_dimension_numbers<[1], [0], [0], [1], [0, 0, 1, 1], [], []>, transpose_lhs_hint = false} : vector<2000x128xf32>, vector<128x128xf32>, vector<2000x128xf32> -> vector<2000x128xf32>
    %get3A_13 = arith.constant 0 : index
    %get3A_14 = arith.constant 0 : index
    %get3A_15 = vector.load %arg7[%get3A_13, %get3A_14] : memref<2000x1xf32, #tpu.memory_space<vmem>>, vector<2000x1xf32>
    %mul3A = vector.broadcast %get3A_15 : vector<2000x1xf32> to vector<2000x128xf32>
    %mul3A_16 = arith.mulf %dot_general3A_12, %mul3A : vector<2000x128xf32>
    %get3A_17 = arith.constant 0 : index
    %get3A_18 = arith.constant 0 : index
    %get3A_19 = vector.load %arg2[%get3A_17, %get3A_18] : memref<2000x16xf32, #tpu.memory_space<vmem>>, vector<2000x16xf32>
    %slice3A = vector.extract_strided_slice %get3A_19 {offsets = [0, 0], sizes = [2000, 1], strides = [1, 1]} : vector<2000x16xf32> to vector<2000x1xf32>
    %gt3A = arith.constant 0.000000e+00 : f32
    %gt3A_20 = vector.broadcast %gt3A : f32 to vector<2000x1xf32>
    %gt3A_21 = arith.cmpf ogt, %slice3A, %gt3A_20 : vector<2000x1xf32>
    %get3A_22 = arith.constant 0 : index
    %get3A_23 = arith.constant 0 : index
    %get3A_24 = vector.load %arg3[%get3A_22, %get3A_23] : memref<2000x128xf32, #tpu.memory_space<vmem>>, vector<2000x128xf32>
    %get3A_25 = arith.constant 0 : index
    %get3A_26 = arith.constant 0 : index
    %get3A_27 = vector.load %arg5[%get3A_25, %get3A_26] : memref<128x128xf32, #tpu.memory_space<vmem>>, vector<128x128xf32>
    %dot_general3A_28 = arith.constant dense<0.000000e+00> : vector<2000x128xf32>
    %dot_general3A_29 = tpu.matmul %get3A_24, %get3A_27, %dot_general3A_28 {dimension_numbers = #tpu.dot_dimension_numbers<[1], [0], [0], [1], [0, 0, 1, 1], [], []>, transpose_lhs_hint = false} : vector<2000x128xf32>, vector<128x128xf32>, vector<2000x128xf32> -> vector<2000x128xf32>
    %get3A_30 = arith.constant 0 : index
    %get3A_31 = arith.constant 0 : index
    %get3A_32 = vector.load %arg3[%get3A_30, %get3A_31] : memref<2000x128xf32, #tpu.memory_space<vmem>>, vector<2000x128xf32>
    %get3A_33 = arith.constant 0 : index
    %get3A_34 = arith.constant 0 : index
    %get3A_35 = vector.load %arg6[%get3A_33, %get3A_34] : memref<128x128xf32, #tpu.memory_space<vmem>>, vector<128x128xf32>
    %dot_general3A_36 = arith.constant dense<0.000000e+00> : vector<2000x128xf32>
    %dot_general3A_37 = tpu.matmul %get3A_32, %get3A_35, %dot_general3A_36 {dimension_numbers = #tpu.dot_dimension_numbers<[1], [0], [0], [1], [0, 0, 1, 1], [], []>, transpose_lhs_hint = false} : vector<2000x128xf32>, vector<128x128xf32>, vector<2000x128xf32> -> vector<2000x128xf32>
    %broadcast_in_dim3A = vector.shape_cast %gt3A_21 : vector<2000x1xi1> to vector<2000x1xi1>
    %broadcast_in_dim3A_38 = vector.broadcast %broadcast_in_dim3A : vector<2000x1xi1> to vector<2000x128xi1>
    %select_n3A = arith.select %broadcast_in_dim3A_38, %dot_general3A_29, %dot_general3A_37 : vector<2000x128xi1>, vector<2000x128xf32>
    %add3A = arith.addf %mul3A_16, %select_n3A : vector<2000x128xf32>
    %ge3A = arith.constant 0.000000e+00 : f32
    %ge3A_39 = vector.broadcast %ge3A : f32 to vector<2000x128xf32>
    %ge3A_40 = arith.cmpf oge, %add3A, %ge3A_39 : vector<2000x128xf32>
    %mul3A_41 = arith.constant 0.00999999977 : f32
    %mul3A_42 = vector.broadcast %mul3A_41 : f32 to vector<2000x128xf32>
    %mul3A_43 = arith.mulf %add3A, %mul3A_42 : vector<2000x128xf32>
    %select_n3A_44 = arith.select %ge3A_40, %add3A, %mul3A_43 : vector<2000x128xi1>, vector<2000x128xf32>
    %swap3A = arith.constant 0 : index
    %swap3A_45 = arith.constant 0 : index
    %swap3A_46 = vector.load %arg8[%swap3A, %swap3A_45] : memref<2000x128xf32, #tpu.memory_space<vmem>>, vector<2000x128xf32>
    tpu.vector_store %arg8[%swap3A, %swap3A_45], %select_n3A_44 {strides = array<i32>} : memref<2000x128xf32, #tpu.memory_space<vmem>>, vector<2000x128xf32>,
    return
  }
  func.func @transform_0(%arg0: i32) -> (i32, i32, i32) {
    %c0_i32 = arith.constant 0 : i32
    %c0_i32_0 = arith.constant 0 : i32
    %c0_i32_1 = arith.constant 0 : i32
    return %c0_i32, %arg0, %c0_i32_0 : i32, i32, i32
  }
  func.func @transform_1(%arg0: i32) -> (i32, i32) {
    %c0_i32 = arith.constant 0 : i32
    %c0_i32_0 = arith.constant 0 : i32
    return %arg0, %c0_i32 : i32, i32
  }
  func.func @transform_2(%arg0: i32) -> (i32, i32) {
    %c0_i32 = arith.constant 0 : i32
    %c0_i32_0 = arith.constant 0 : i32
    return %arg0, %c0_i32 : i32, i32
  }
  func.func @transform_3(%arg0: i32) -> (i32, i32) {
    %c0_i32 = arith.constant 0 : i32
    %c0_i32_0 = arith.constant 0 : i32
    %c0_i32_1 = arith.constant 0 : i32
    return %c0_i32, %c0_i32_0 : i32, i32
  }
  func.func @transform_4(%arg0: i32) -> (i32, i32) {
    %c0_i32 = arith.constant 0 : i32
    %c0_i32_0 = arith.constant 0 : i32
    %c0_i32_1 = arith.constant 0 : i32
    return %c0_i32, %c0_i32_0 : i32, i32
  }
  func.func @transform_5(%arg0: i32) -> (i32, i32) {
    %c0_i32 = arith.constant 0 : i32
    %c0_i32_0 = arith.constant 0 : i32
    %c0_i32_1 = arith.constant 0 : i32
    return %c0_i32, %c0_i32_0 : i32, i32
  }
  func.func @transform_6(%arg0: i32) -> (i32, i32) {
    %c0_i32 = arith.constant 0 : i32
    %c0_i32_0 = arith.constant 0 : i32
    return %arg0, %c0_i32 : i32, i32
  }
  func.func @transform_7(%arg0: i32) -> (i32, i32) {
    %c0_i32 = arith.constant 0 : i32
    %c0_i32_0 = arith.constant 0 : i32
    return %arg0, %c0_i32 : i32, i32
  }
}

</mosaic_0001>

<sc_bundles>
// kernel: kernel.4.cloned.1.call-start
scs
__scs_entry_jumppad:
0x0: {  	(pc) =	sbr.rel $0x88, $3  }
0x1: {  	(tag) =	ssettag $0x0;
	lr =	simm.s32 $0x1  }
0x2: {  	[smem:$0x3F9A] =	sst lr;
	_ =	strace $0xD0000000  }
0x3: {  	_ = 	snop  }
0x4: {  	_ = 	snop  }
0x5: {  	_ = 	snop  }
0x6: {  	_ = 	snop  }
0x7: {  	_ = 	snop  }
__scs_overlays_trampoline_lowered:
0x8: {  	[smem:$0x3FA9] =	sst s0  }
0x9: {  	[smem:$0x3FAA] =	sst s1  }
0xa: {  	[smem:$0x3FAB] =	sst s2  }
0xb: {  	[smem:$0x3FAC] =	sst s3  }
0xc: {  	[smem:$0x3FAD] =	sst s4  }
0xd: {  	[smem:$0x3FAE] =	sst s5  }
0xe: {  	[smem:$0x3FAF] =	sst s6  }
0xf: {  	[smem:$0x3FB0] =	sst s7  }
0x10: {  	[smem:$0x3FB1] =	sst s8  }
0x11: {  	[smem:$0x3FB2] =	sst s9;
	s0 =	simm.s32 @!p0 $0x0  }
0x12: {  	s1 =	sld [smem:$0x3F98];
	s0 =	simm.s32 @p0 $0x1  }
0x13: {  	[smem:$0x3FB3] =	sst s0;
	s0 =	simm.s32 @!p1 $0x0  }
0x14: {  	s2 =	sld [smem:$0x3F97];
	s0 =	simm.s32 @p1 $0x1  }
0x15: {  	[smem:$0x3FB4] =	sst s0;
	s0 =	simm.s32 @!p2 $0x0  }
0x16: {  	s3 =	sld [smem:$0x3FDB];
	s0 =	simm.s32 @p2 $0x1  }
0x17: {  	s4 =	simm.s32 $0x1BF5;
	[smem:$0x3FB6] =	sst s0  }
0x18: {  	s0 =	sld [smem:$0x3F99];
	_ =	swait.ge [sflag:s4], $0x0  }
0x19: {  	s7 =	sld [smem:$0x3F9A]  }
0x1a: {  	s8 =	sadd.s32 $0xFFFFE003, lr  }
0x1b: {  	s9 =	sadd.s32 $0xFFFFFEF7, lr;
	s5 =	simm.s32 $0xFFFFFFFF;
	p2 =	slt.u32 s8, $0xFFFFF086  }
0x1c: {  	p1 =	slt.u32 s9, $0xF7A;
	s5 =	simm.s32 @!p2 $0x0  }
0x1d: {  	s5 =	simm.s32 @p1 $0x1;
	p0 =	seq.s32 s7, s2  }
0x1e: {  	s7 =	smul.u32 @!p0 $0xF7A, s2;
	p2 =	seq.s32 @!p0 s5, $0x0  }
0x1f: {  	s9 =	smul.u32 $0xF7A, s1;
	s8 =	simm.s32 @!p0 $0x1BF5;
	p2 =	por !p2, p0  }
0x20: {  	[sflag:s8] =	ssyncset.s32 @!p0 $0xFFFFF086;
	s6 =	sadd.s32 @!p0 s3, s7;
	s7 =	simm.s32 @!p0 $0x108  }
0x21: {  	s3 =	sadd.s32 s3, s9;
	s6 =	sadd.s32 @!p0 $0x88, s6;
	s7 =	simm.s32 @p2 $0x1082  }
0x22: {  	[simem:s7], [sflag:s8] =	dma.local @!p0 [hbm:s6], $0xF7A  }
0x23: {  	s9 =	sor.u32 $0xD0000000, s2;
	s6 =	simm.s32 $0x108;
	_ =	swait.ge @!p0 [sflag:s8], $0x0  }
0x24: {  	s3 =	sadd.s32 $0x88, s3;
	s6 =	simm.s32 @!p1 $0x1082;
	[sflag:s4] =	ssyncset.s32 $0xFFFFF086  }
0x25: {  	[simem:s6], [sflag:s4] =	dma.local [hbm:s3], $0xF7A  }
0x26: {  	[smem:$0x3F9A] =	sst s1;
	(tag) =	ssettag s2;
	_ =	strace s9  }
0x27: {  	s1 =	sld [smem:$0x3FAA]  }
0x28: {  	s2 =	sld [smem:$0x3FAB]  }
0x29: {  	s4 =	sld [smem:$0x3FAD]  }
0x2a: {  	p0 =	seq.s32 s5, $0x0;
	s5 =	sld [smem:$0x3FAE]  }
0x2b: {  	s6 =	sld [smem:$0x3FAF]  }
0x2c: {  	s7 =	sld [smem:$0x3FB0]  }
0x2d: {  	s3 =	simm.s32 $0x108;
	s8 =	sld [smem:$0x3FB1]  }
0x2e: {  	s3 =	simm.s32 @!p0 $0x1082;
	s9 =	sld [smem:$0x3FB2]  }
0x2f: {  	lr =	sadd.s32 s0, s3;
	s0 =	sld [smem:$0x3FA9]  }
0x30: {  	s3 =	sld [smem:$0x3FAC]  }
0x31: {  	[smem:$0x3FB5] =	sst s10  }
0x32: {  	s10 =	sld [smem:$0x3FB3];
	_ =	sdelay $0x3  }
0x33: {  	p0 =	seq.s32 s10, $0x1;
	s10 =	sld [smem:$0x3FB5];
	_ =	sdelay $0x3  }
0x34: {  	[smem:$0x3FB5] =	sst s10  }
0x35: {  	s10 =	sld [smem:$0x3FB4];
	_ =	sdelay $0x3  }
0x36: {  	p1 =	seq.s32 s10, $0x1;
	s10 =	sld [smem:$0x3FB5];
	_ =	sdelay $0x3  }
0x37: {  	[smem:$0x3FB5] =	sst s10  }
0x38: {  	s10 =	sld [smem:$0x3FB6]  }
0x39: {  	_ = 	snop;
	(pc) =	sbr.ind lr, $3  }
0x3a: {  	_ = 	snop  }
0x3b: {  	_ = 	snop  }
0x3c: {  	p2 =	seq.s32 s10, $0x1;
	s10 =	sld [smem:$0x3FB5]  }
0x3d: {  	_ =	shalt  }
0x3e: {  	_ =	shalt  }
0x3f: {  	_ =	shalt  }
0x40: {  	_ =	shalt  }
0x41: {  	_ =	shalt  }
0x42: {  	_ =	shalt  }
0x43: {  	_ =	shalt  }
0x44: {  	_ =	shalt  }
0x45: {  	_ =	shalt  }
0x46: {  	_ =	shalt  }
0x47: {  	_ =	shalt  }
0x48: {  	_ =	shalt  }
0x49: {  	_ =	shalt  }
0x4a: {  	_ =	shalt  }
0x4b: {  	_ =	shalt  }
0x4c: {  	_ =	shalt  }
0x4d: {  	_ =	shalt  }
0x4e: {  	_ =	shalt  }
0x4f: {  	_ =	shalt  }
0x50: {  	_ =	shalt  }
0x51: {  	_ =	shalt  }
0x52: {  	_ =	shalt  }
0x53: {  	_ =	shalt  }
0x54: {  	_ =	shalt  }
0x55: {  	_ =	shalt  }
0x56: {  	_ =	shalt  }
0x57: {  	_ =	shalt  }
0x58: {  	_ =	shalt  }
0x59: {  	_ =	shalt  }
0x5a: {  	_ =	shalt  }
0x5b: {  	_ =	shalt  }
0x5c: {  	_ =	shalt  }
0x5d: {  	_ =	shalt  }
0x5e: {  	_ =	shalt  }
0x5f: {  	_ =	shalt  }
0x60: {  	_ =	shalt  }
0x61: {  	_ =	shalt  }
0x62: {  	_ =	shalt  }
0x63: {  	_ =	shalt  }
0x64: {  	_ =	shalt  }
0x65: {  	_ =	shalt  }
0x66: {  	_ =	shalt  }
0x67: {  	_ =	shalt  }
0x68: {  	_ =	shalt  }
0x69: {  	_ =	shalt  }
0x6a: {  	_ =	shalt  }
0x6b: {  	_ =	shalt  }
0x6c: {  	_ =	shalt  }
0x6d: {  	_ =	shalt  }
0x6e: {  	_ =	shalt  }
0x6f: {  	_ =	shalt  }
0x70: {  	_ =	shalt  }
0x71: {  	_ =	shalt  }
0x72: {  	_ =	shalt  }
0x73: {  	_ =	shalt  }
0x74: {  	_ =	shalt  }
0x75: {  	_ =	shalt  }
0x76: {  	_ =	shalt  }
0x77: {  	_ =	shalt  }
0x78: {  	_ =	shalt  }
0x79: {  	_ =	shalt  }
0x7a: {  	_ =	shalt  }
0x7b: {  	_ =	shalt  }
0x7c: {  	_ =	shalt  }
0x7d: {  	_ =	shalt  }
0x7e: {  	_ =	shalt  }
0x7f: {  	_ =	shalt  }
0x80: {  	_ =	shalt  }
0x81: {  	_ =	shalt  }
0x82: {  	_ =	shalt  }
0x83: {  	_ =	shalt  }
0x84: {  	_ =	shalt  }
0x85: {  	_ =	shalt  }
0x86: {  	_ =	shalt  }
0x87: {  	_ =	shalt  }
.Lfunc_end0:
.L_simem_size_0:
called_computation_lowered:
.L_overlay_start_0:
0x88: {  	s2 =	sld [smem:$0x3FD9]  }
0x89: {  	s3 =	sld [smem:$0x3FFE];
	_ =	sdelay $0x1  }
0x8a: {  	s1 =	srdreg.scid  }
0x8b: {  	s0 =	sand.u32 $0x1, s1  }
0x8c: {  	s17 =	sshll.u32 s0, $0xA;
	s2 =	sadd.s32 s3, s2  }
0x8d: {  	s2 =	sadd.s32 s2, s17  }
0x8e: {  	[smem:$0x3FC1] =	sst s2  }
0x8f: {  	_ = 	snop  }
0x90: {  	s2 =	sld [smem:$0x3FD0];
	(tm) =	ssettm $0x1  }
0x91: {  	s18 =	sld [smem:$0x3FFB];
	_ =	sdelay $0x3  }
0x92: {  	_ =	strace s18  }
0x93: {  	s3 =	sld [smem:$0x3FFC];
	_ =	sdelay $0x3  }
0x94: {  	_ =	strace s3  }
0x95: {  	s3 =	sld [smem:$0x3FFD];
	_ =	sdelay $0x3  }
0x96: {  	_ =	strace s3  }
0x97: {  	_ =	strace $0x8FFFFFFF  }
0x98: {  	s19 =	sld [smem:$0x3FDB];
	_ =	sdelay $0x1  }
0x99: {  	s4 =	simm.s32 $_scs_section_size  }
0x9a: {  	s5 =	simm.s32 $_size__tile_overlayer_lowered;
	s6 =	simm.s32 $_tile_overlayer_lowered  }
0x9b: {  	s22 =	simm.s32 $0x1BFF;
	s21 =	sshll.u32 s6, $0x1;
	s3 =	sadd.s32 s4, s19  }
0x9c: {  	s7 =	simm.s32 $0x0;
	s20 =	sshll.u32 s5, $0x1;
	s5 =	sadd.s32 s21, s3  }
0x9d: {  	[timem:s7], [sflag:s22] =	dma.local [hbm:s5], s20  }
0x9e: {  	_ =	swait.ge [sflag:s22], s20  }
0x9f: {  	s4 =	ssub.s32 $0x0, s20;
	[sflag:s22] =	ssyncset.done $0x0  }
0xa0: {  	[sflag:s22] =	ssyncadd.s32 s4;
	_ =	sdelay $0x1  }
0xa1: {  	s23 =	simm.s32 $0x1B8B  }
0xa2: {  	_ =	swait.ge [sflag:s23], $0x1  }
0xa3: {  	[sflag:s23] =	ssyncset.done $0x0  }
0xa4: {  	s25 =	simm.s32 $0x1B8E;
	s24 =	sld [smem:$0x3FFE];
	[sflag:s23] =	ssyncadd.s32 $0xFFFFFFFF  }
0xa5: {  	s26 =	simm.s32 $execute0_lowered;
	[smem:$0x3FD2] =	sst s25  }
0xa6: {  	s5 =	sshll.u32 s26, $0x1;
	_ =	strace $0x80000046;
	[dreg:$0x1] =	wrdreg $0xFFFFFFFF  }
0xa7: {  	s28 =	simm.s32 $_size_execute0_lowered;
	s3 =	sadd.s32 s3, s5;
	[dreg:$0x0] =	wrdreg $0x0  }
0xa8: {  	s5 =	sshll.u32 s28, $0x1;
	[dreg:$0x2] =	wrdreg s3  }
0xa9: {  	[dreg:$0x3] =	wrdreg s5  }
0xaa: {  	[dreg:$0x4] =	wrdreg $0xC0  }
0xab: {  	_ =	task [dreg:s7], $0x5FFFF  }
0xac: {  	[dreg:$0x1] =	wrdreg $0xFFFFFFFF  }
0xad: {  	[dreg:$0x0] =	wrdreg $0x60  }
0xae: {  	[dreg:$0x2] =	wrdreg s24  }
0xaf: {  	[dreg:$0x3] =	wrdreg s2  }
0xb0: {  	[dreg:$0x4] =	wrdreg $0xEA600  }
0xb1: {  	[dreg:$0x5] =	wrdreg $0x186A00  }
0xb2: {  	[dreg:$0x6] =	wrdreg $0x9  }
0xb3: {  	_ =	task.clear_ibuf [dreg:s7], $0x7FFFF;
	_ =	strace $0x90000046  }
0xb4: {  	s29 =	simm.s32 $0x9;
	_ =	strace $0x80000048  }
0xb5: {  	_ =	swait.ge [sflag:s29], $0x1  }
0xb6: {  	[sflag:s29] =	ssyncadd.s32 $0xFFFFFFFF  }
0xb7: {  	_ =	strace $0x90000048  }
0xb8: {  	_ =	sfence  }
0xb9: {  	s30 =	sld [smem:$0x0];
	_ =	sdelay $0x2  }
0xba: {  	s31 =	sshll.u32 s1, $0xD;
	s1 =	sshrl.u32 s1, $0x2  }
0xbb: {  	s3 =	sand.u32 $0x4000, s31;
	s1 =	sadd.s32 s1, s30  }
0xbc: {  	s0 =	sor.u32 s3, s0;
	s1 =	sshll.u32 s1, $0x11  }
0xbd: {  	s0 =	sor.u32 s1, s0  }
0xbe: {  	s0 =	sadd.s32 $0x8F2B, s0  }
0xbf: {  	[sflag:s0] =	ssyncadd.remote.s32 $0x1  }
0xc0: {  	_ =	sfence.sel $0xFFFF  }
0xc1: {  	[dreg:$0x0] =	wrdreg $0xFFFFFFFF;
	(pc) =	sbr.abs _section_cstart, $3  }
0xc2: {  	[dreg:$0x1] =	wrdreg $0xFFFFFFFF  }
0xc3: {  	_ =	task.clear_ibuf [dreg:s7], $0x2FFFF;
	_ =	strace $0x9FFFFFFF  }
0xc4: {  	(tm) =	ssettm $0x7FFFFFFF  }
0xc5: {  	_ =	shalt  }
tec
execute0_lowered:
.L_overlay_start_1:
0x0: {  	(tag) =	ssettag $0x1  }
0x1: {  	s0 =	rddreg [dreg:$0x0]  }
0x2: {  	s1 =	rddreg [dreg:$0x1]  }
0x3: {  	s2 =	rddreg [dreg:$0x2]  }
0x4: {  	s3 =	rddreg [dreg:$0x3];
	s4 =	simm.s32 $0x0  }
0x5: {  	s15 =	stileid.u32;
	s6 =	srdreg.scid;
	s28 =	simm.s32 $0x960  }
0x6: {  	s29 =	simm.s32 $0x1;
	s30 =	simm.s32 $0x4B0;
	s8 =	smul.u32 $0x9C00, s15  }
0x7: {  	s31 =	simm.s32 $0x6D60;
	[smem:$0x7FF] =	sst s4;
	s10 =	smul.u32 $0x2700, s15  }
0x8: {  	s5 =	sadd.s32 $0x1E00, s0;
	s6 =	sand.u32 $0x1, s6;
	s17 =	sshll.u32 s15, $0x6  }
0x9: {  	s19 =	smul.u32 $0xEA60, s15;
	s20 =	sadd.s32 $0x9C000, s2;
	s21 =	sadd.s32 $0x5F000, s0  }
0xa: {  	s14 =	sadd.s32 $0x27000, s3;
	_ =	strace $0x80000047;
	[dreg:$0x8] =	wrdreg s20  }
0xb: {  	s23 =	sadd.s32 $0x4B600, s0;
	s11 =	ssub.s32 $0x2, s6;
	[dreg:$0x9] =	wrdreg s21  }
0xc: {  	p0 =	seq.s32 s6, $0x0;
	s22 =	smul.u32 $0x9C400, s6;
	[dreg:$0xa] =	wrdreg s14  }
0xd: {  	[dreg:$0xb] =	wrdreg s23;
	p1 =	sne.s32 s6, $0x0;
	s7 =	sshrl.u32 s8, $0x3  }
0xe: {  	s9 =	sshrl.u32 s10, $0x3;
	s16 =	sshrl.u32 s11, $0x1;
	s10 =	sadd.s32 s10, s3  }
0xf: {  	s24 =	sshrl.u32 s19, $0x3;
	s12 =	sadd.s32 s7, s0;
	s13 =	sadd.s32 s9, s0  }
0x10: {  	s11 =	ssub.s32 s11, s16;
	s7 =	sadd.s32 s8, s2;
	s9 =	sor.u32 $0x1C07, s17  }
0x11: {  	[dreg:$0x6] =	wrdreg s10;
	s14 =	sadd.s32 s5, s24;
	s17 =	sadd.s32 $0x4B0, s19  }
0x12: {  	s8 =	sadd.s32 s8, s22;
	s12 =	sadd.s32 $0x4B800, s12;
	[dreg:$0xc] =	wrdreg s14  }
0x13: {  	s25 =	sshrl.u32 s22, $0x3;
	s18 =	sadd.s32 $0x46800, s13;
	[dreg:$0x5] =	wrdreg s12  }
0x14: {  	s8 =	sshrl.u32 s8, $0x3;
	s26 =	sadd.s32 $0x5F200, s13;
	[dreg:$0x7] =	wrdreg s18  }
0x15: {  	s18 =	sadd.s32 $0x960, s19;
	s19 =	sadd.s32 s1, s8;
	s1 =	sadd.s32 s1, s25  }
0x16: {  	s22 =	sadd.s32 $0x64000, s0;
	[dreg:$0xd] =	wrdreg s26;
	s1 =	sadd.s32 $0x13800, s1  }
0x17: {  	s23 =	smax.u32 s11, $0x1;
	[dreg:$0xe] =	wrdreg s1;
	s1 =	simm.s32 $0x32E00  }
0x18: {  	s25 =	simm.s32 $0x7;
	s1 =	simm.s32 @!p0 $0x1F400;
	p0 =	sne.s32 s15, $0xF  }
0x19: {  	v0 =	vimm.f32 $0.0e+00;
	vm0 =	vcmask $0x300;
	s26 =	simm.s32 $0x190;
	s24 =	sadd.s32 s1, s0;
	p2 =	sne.s32 @!p0 s6, $0x0  }
0x1a: {  	v0 =	vsel vm0, $0x3F800000, v0;
	s0 =	simm.s32 $0x640;
	s1 =	simm.s32 $0x4;
	p2 =	por p2, p0  }
.LBB2_1:
0x1b: {  	s8 =	sshrl.u32 s7, $0x3;
	s10 =	rddreg [dreg:$0x5]  }
0x1c: {  	[spmem:s8], [sflag:s9] =	dma.local [hbm:s10], $0x1380  }
0x1d: {  	_ =	swait.ge [sflag:s25], $0x1380  }
0x1e: {  	[sflag:s25] =	ssyncset.done $0x0;
	s8 =	rddreg [dreg:$0x6]  }
0x1f: {  	s10 =	rddreg [dreg:$0x7];
	[sflag:s25] =	ssyncadd.s32 $0xFFFFEC80;
	s8 =	sshrl.u32 @!p1 s8, $0x3  }
0x20: {  	[spmem:s8], [sflag:s9] =	dma.local @!p1 [hbm:s10], $0x4E0  }
0x21: {  	s10 =	simm.s32 @!p1 $0x7  }
0x22: {  	_ =	swait.ge @!p1 [sflag:s10], $0x4E0  }
0x23: {  	[sflag:s10] =	ssyncset.done @!p1 $0x0  }
0x24: {  	[sflag:s10] =	ssyncadd.s32 @!p1 $0xFFFFFB20;
	s10 =	rddreg [dreg:$0x8]  }
0x25: {  	s11 =	rddreg [dreg:$0x9];
	s10 =	sshrl.u32 @!p0 s10, $0x3  }
0x26: {  	[spmem:s10], [sflag:s9] =	dma.local @!p0 [hbm:s11], $0x80  }
0x27: {  	s11 =	simm.s32 @!p0 $0x7  }
0x28: {  	_ =	swait.ge @!p0 [sflag:s11], $0x80  }
0x29: {  	[sflag:s11] =	ssyncset.done @!p0 $0x0  }
0x2a: {  	[sflag:s11] =	ssyncadd.s32 @!p0 $0xFFFFFF80;
	s11 =	rddreg [dreg:$0xa]  }
0x2b: {  	s12 =	rddreg [dreg:$0xb];
	s11 =	sshrl.u32 @!p2 s11, $0x3  }
0x2c: {  	[spmem:s11], [sflag:s9] =	dma.local @!p2 [hbm:s12], $0x20  }
0x2d: {  	s12 =	simm.s32 @!p2 $0x7  }
0x2e: {  	_ =	swait.ge @!p2 [sflag:s12], $0x20  }
0x2f: {  	[sflag:s12] =	ssyncset.done @!p2 $0x0  }
0x30: {  	s13 =	simm.s32 $0x0;
	[sflag:s12] =	ssyncadd.s32 @!p2 $0xFFFFFFE0;
	s12 =	simm.s32 $0x40  }
.LBB2_2:
0x31: {  	p3 =	sne.s32 s12, $0x63C0;
	[tilespmem:s13+$0xD160] =	vst v0;
	s13 =	smov.u32 s12;
	s12 =	sadd.s32 $0x40, s12  }
.Ltmp0:
0x32: {  	(pc) =	sbr.rel @p3 .LBB2_2-.Ltmp0, $2  }
0x33: {  	_ =	sdelay $0x2  }
0x34: {  	s13 =	sshra.s32 s13, $0x2  }
0x35: {  	[tilespmem:s13+$0xD160] =	vst v0  }
0x36: {  	[bflag:$0x0] =	sbarrier.arrive $0xFFFF  }
0x37: {  	s12 =	simm.s32 $0x0;
	s21 =	rddreg [dreg:$0xc]  }
0x38: {  	[tilespmem:s12], [sflag:$0x7] =	stream.linear.gather [hbm4b:s21+s12], $0x4B0, $0x38;
	[tilespmem:$0x1ADB0] =	vst v63  }
0x39: {  	_ =	swait.ge [sflag:s25], $0x4B0  }
0x3a: {  	[sflag:s25] =	ssyncset.done $0x0  }
0x3b: {  	s13 =	simm.s32 $0x0;
	[sflag:s25] =	ssyncadd.s32 $0xFFFFFB50  }
0x3c: {  	[tilespmem:s28], [sflag:$0x1] =	stream.indirect.gather [hbm4b:s24+s26], $0x40, s12, s26, $0xb8;
	[tilespmem:$0x1ADB0] =	vst v63  }
.LBB2_4:
0x3d: {  	_ =	swait.ge [sflag:s29], $0x6400  }
0x3e: {  	p3 =	seq.s32 s13, $0x0;
	[sflag:s29] =	ssyncset.done $0x0  }
0x3f: {  	s15 =	simm.s32 @!p3 $0x4;
	[sflag:s29] =	ssyncadd.s32 $0xFFFF9C00  }
0x40: {  	p4 =	sne.s32 @!p3 s6, $0x0;
	_ =	swait.ge @!p3 [sflag:s15], $0x6400  }
0x41: {  	s14 =	smul.u32 $0x960, s13;
	p4 =	por p4, p3;
	[sflag:s15] =	ssyncset.done @!p3 $0x0  }
0x42: {  	[sflag:s15] =	ssyncadd.s32 @!p3 $0xFFFF9C00;
	s15 =	simm.s32 @!p4 $0x6  }
0x43: {  	s16 =	sadd.s32 s14, s17;
	_ =	swait.ge @!p4 [sflag:s15], $0x1900  }
0x44: {  	s16 =	sshrl.u32 s16, $0x3;
	[sflag:s15] =	ssyncset.done @!p4 $0x0  }
0x45: {  	s21 =	sadd.s32 s5, s16;
	[sflag:s15] =	ssyncadd.s32 @!p4 $0xFFFFE700  }
0x46: {  	[tilespmem:s30], [sflag:$0x7] =	stream.linear.gather [hbm4b:s21+s12], $0x4B0, $0x38;
	[tilespmem:$0x1ADB0] =	vst v63  }
0x47: {  	_ =	swait.ge [sflag:s25], $0x4B0  }
0x48: {  	s16 =	simm.s32 $0x0;
	[sflag:s25] =	ssyncset.done $0x0  }
0x49: {  	s20 =	sand.u32 $0x3FFFFFF0, s16;
	s21 =	simm.s32 $0x0;
	[sflag:s25] =	ssyncadd.s32 $0xFFFFFB50  }
0x4a: {  	[tilespmem:s31], [sflag:$0x2] =	stream.indirect.gather [hbm4b:s24+s26], $0x40, s30, s26, $0xb8;
	[tilespmem:$0x1ADB0] =	vst v63  }
0x4b: {  	s15 =	sand.u32 $0x3FFFFC00, s21;
	v2 =	vld [tilespmem:s20+$0x320]  }
0x4c: {  	v1 =	vld [tilespmem:s15+$0x960]  }
0x4d: {  	v3 =	vld [tilespmem:s15+$0x970]  }
0x4e: {  	v4 =	vld [tilespmem:s15+$0x980]  }
0x4f: {  	v5 =	vld [tilespmem:s15+$0x990]  }
0x50: {  	v6 =	vld [tilespmem:s15+$0x9A0]  }
0x51: {  	v7 =	vld [tilespmem:s15+$0x9B0]  }
0x52: {  	v8 =	vld [tilespmem:s15+$0x9C0]  }
0x53: {  	v9 =	vld [tilespmem:s15+$0x9D0]  }
0x54: {  	v10 =	vld [tilespmem:s15+$0x9E0]  }
0x55: {  	v11 =	vld [tilespmem:s15+$0x9F0]  }
0x56: {  	v12 =	vld [tilespmem:s15+$0xA00]  }
0x57: {  	v13 =	vld [tilespmem:s15+$0xA10]  }
0x58: {  	v14 =	vld [tilespmem:s15+$0xA20]  }
0x59: {  	v15 =	vld [tilespmem:s15+$0xA30]  }
0x5a: {  	v16 =	vld [tilespmem:s15+$0xA40]  }
0x5b: {  	v17 =	vld [tilespmem:s15+$0xA50]  }
0x5c: {  	v19 =	vld [tilespmem:s15+$0xA60]  }
0x5d: {  	v20 =	vld [tilespmem:s15+$0xA70];
	v18 =	vbroadcast v2, $0x0  }
0x5e: {  	v24 =	vld [tilespmem:s15+$0xAD0]  }
0x5f: {  	v21 =	vld [tilespmem:s15+$0xA80];
	v1 =	vmul.f32 v18, v1  }
0x60: {  	v22 =	vld [tilespmem:s15+$0xA90];
	v27 =	vbroadcast v2, $0x5;
	v3 =	vmul.f32 v3, v18  }
0x61: {  	v4 =	vmul.f32 v4, v18;
	v5 =	vmul.f32 v5, v18;
	v18 =	vld [tilespmem:s15+$0xAC0];
	[tilespmem:s15+$0x960] =	vst v1  }
0x62: {  	v23 =	vld [tilespmem:s15+$0xAB0];
	[tilespmem:s15+$0x970] =	vst v3;
	v3 =	vbroadcast v2, $0x1  }
0x63: {  	v25 =	vld [tilespmem:s15+$0xAE0];
	v24 =	vmul.f32 v24, v27;
	[tilespmem:s15+$0x980] =	vst v4  }
0x64: {  	v26 =	vld [tilespmem:s15+$0xAF0];
	[tilespmem:s15+$0x990] =	vst v5;
	v4 =	vmul.f32 v6, v3  }
0x65: {  	v28 =	vld [tilespmem:s15+$0xD90];
	[tilespmem:s15+$0xAD0] =	vst v24;
	v5 =	vmul.f32 v7, v3  }
0x66: {  	v7 =	vld [tilespmem:s15+$0xBC0];
	v18 =	vmul.f32 v18, v27;
	[tilespmem:s15+$0x9A0] =	vst v4  }
0x67: {  	v29 =	vld [tilespmem:s15+$0xDA0];
	v4 =	vmul.f32 v8, v3;
	[tilespmem:s15+$0x9B0] =	vst v5;
	v5 =	vbroadcast v2, $0x2  }
0x68: {  	v30 =	vld [tilespmem:s15+$0xDB0];
	v3 =	vmul.f32 v9, v3;
	[tilespmem:s15+$0xAC0] =	vst v18  }
0x69: {  	v53 =	vbroadcast v2, $0x9;
	v9 =	vld [tilespmem:s15+$0xB00];
	[tilespmem:s15+$0x9C0] =	vst v4;
	v4 =	vmul.f32 v10, v5  }
0x6a: {  	v8 =	vld [tilespmem:s15+$0xBB0];
	[tilespmem:s15+$0x9D0] =	vst v3;
	v3 =	vmul.f32 v11, v5  }
0x6b: {  	v31 =	vld [tilespmem:s15+$0xDC0];
	v7 =	vmul.f32 v7, v53;
	[tilespmem:s15+$0x9E0] =	vst v4  }
0x6c: {  	v32 =	vld [tilespmem:s15+$0xDD0];
	v45 =	vbroadcast v2, $0x6;
	v4 =	vmul.f32 v12, v5;
	[tilespmem:s15+$0x9F0] =	vst v3  }
0x6d: {  	v10 =	vld [tilespmem:s15+$0xB10];
	v5 =	vmul.f32 v13, v5;
	[tilespmem:s15+$0xBC0] =	vst v7  }
0x6e: {  	v11 =	vld [tilespmem:s15+$0xB20];
	v3 =	vbroadcast v2, $0x3;
	v9 =	vmul.f32 v9, v45;
	[tilespmem:s15+$0xA00] =	vst v4  }
0x6f: {  	v33 =	vld [tilespmem:s15+$0xDE0];
	v8 =	vmul.f32 v8, v53;
	[tilespmem:s15+$0xA10] =	vst v5  }
0x70: {  	v34 =	vld [tilespmem:s15+$0xDF0];
	v4 =	vmul.f32 v14, v3;
	[tilespmem:s15+$0xB00] =	vst v9  }
0x71: {  	v62 =	vbroadcast v2, $0x7;
	v12 =	vld [tilespmem:s15+$0xB30];
	v5 =	vmul.f32 v15, v3;
	[tilespmem:s15+$0xBB0] =	vst v8  }
0x72: {  	v13 =	vld [tilespmem:s15+$0xB40];
	v10 =	vmul.f32 v10, v45;
	[tilespmem:s15+$0xA20] =	vst v4  }
0x73: {  	v35 =	vld [tilespmem:s15+$0xE00];
	v11 =	vmul.f32 v11, v62;
	[tilespmem:s15+$0xA30] =	vst v5  }
0x74: {  	v36 =	vld [tilespmem:s15+$0xE10];
	v4 =	vmul.f32 v16, v3;
	[tilespmem:s15+$0xB10] =	vst v10  }
0x75: {  	v14 =	vld [tilespmem:s15+$0xB50];
	v3 =	vmul.f32 v17, v3;
	[tilespmem:s15+$0xB20] =	vst v11  }
0x76: {  	v15 =	vld [tilespmem:s15+$0xB60];
	v5 =	vbroadcast v2, $0x4;
	v12 =	vmul.f32 v12, v62;
	[tilespmem:s15+$0xA40] =	vst v4  }
0x77: {  	v37 =	vld [tilespmem:s15+$0xE20];
	v13 =	vmul.f32 v13, v62;
	[tilespmem:s15+$0xA50] =	vst v3  }
0x78: {  	v38 =	vld [tilespmem:s15+$0xE30];
	v4 =	vmul.f32 v19, v5;
	[tilespmem:s15+$0xB30] =	vst v12  }
0x79: {  	v48 =	vbroadcast v2, $0x8;
	v1 =	vld [tilespmem:s15+$0xAA0];
	v6 =	vmul.f32 v20, v5;
	[tilespmem:s15+$0xB40] =	vst v13  }
0x7a: {  	v16 =	vld [tilespmem:s15+$0xB70];
	v14 =	vmul.f32 v14, v62;
	[tilespmem:s15+$0xA60] =	vst v4  }
0x7b: {  	v17 =	vld [tilespmem:s15+$0xB80];
	v15 =	vmul.f32 v15, v48;
	[tilespmem:s15+$0xA70] =	vst v6  }
0x7c: {  	v19 =	vld [tilespmem:s15+$0xB90];
	v4 =	vmul.f32 v21, v5;
	[tilespmem:s15+$0xB50] =	vst v14  }
0x7d: {  	v3 =	vld [tilespmem:s20+$0x330];
	v5 =	vmul.f32 v22, v5;
	[tilespmem:s15+$0xB60] =	vst v15  }
0x7e: {  	v20 =	vld [tilespmem:s15+$0xBA0];
	v22 =	vmul.f32 v23, v27;
	[tilespmem:s15+$0xA80] =	vst v4  }
0x7f: {  	v21 =	vld [tilespmem:s15+$0x1150];
	v16 =	vmul.f32 v16, v48;
	[tilespmem:s15+$0xA90] =	vst v5  }
0x80: {  	v23 =	vld [tilespmem:s15+$0xD80];
	v17 =	vmul.f32 v17, v48;
	[tilespmem:s15+$0xAB0] =	vst v22  }
0x81: {  	v39 =	vld [tilespmem:s15+$0xE40];
	v4 =	vmul.f32 v1, v27;
	[tilespmem:s15+$0xB70] =	vst v16  }
0x82: {  	v40 =	vld [tilespmem:s15+$0xE50];
	v1 =	vbroadcast v3, $0xF;
	v19 =	vmul.f32 v19, v48;
	[tilespmem:s15+$0xB80] =	vst v17  }
0x83: {  	v42 =	vld [tilespmem:s15+$0xE60];
	v41 =	vbroadcast v3, $0x0;
	v20 =	vmul.f32 v20, v53;
	[tilespmem:s15+$0xAA0] =	vst v4  }
0x84: {  	v43 =	vld [tilespmem:s15+$0xE70];
	v4 =	vmul.f32 v21, v1;
	[tilespmem:s15+$0xB90] =	vst v19  }
0x85: {  	v44 =	vld [tilespmem:s15+$0xE80];
	v61 =	vbroadcast v3, $0x1;
	v23 =	vmul.f32 v23, v41;
	[tilespmem:s15+$0xBA0] =	vst v20  }
0x86: {  	v46 =	vld [tilespmem:s15+$0xC20];
	v28 =	vmul.f32 v28, v41;
	[tilespmem:s15+$0x1150] =	vst v4  }
0x87: {  	v24 =	vld [tilespmem:s15+$0xEA0];
	v29 =	vmul.f32 v29, v61;
	[tilespmem:s15+$0xD80] =	vst v23  }
0x88: {  	v18 =	vld [tilespmem:s15+$0xE90];
	v63 =	vbroadcast v3, $0x2;
	v30 =	vmul.f32 v30, v61;
	[tilespmem:s15+$0xD90] =	vst v28  }
0x89: {  	v7 =	vld [tilespmem:s15+$0xF90];
	v31 =	vmul.f32 v31, v61;
	[tilespmem:s15+$0xDA0] =	vst v29  }
0x8a: {  	v9 =	vld [tilespmem:s15+$0xED0];
	v47 =	vmul.f32 v33, v63;
	[tilespmem:s15+$0xDB0] =	vst v30  }
0x8b: {  	v8 =	vld [tilespmem:s15+$0xF80];
	v51 =	vbroadcast v3, $0x3;
	v49 =	vmul.f32 v34, v63;
	[tilespmem:s15+$0xDC0] =	vst v31  }
0x8c: {  	v10 =	vld [tilespmem:s15+$0xEE0];
	v50 =	vmul.f32 v35, v63;
	[tilespmem:s15+$0xDE0] =	vst v47  }
0x8d: {  	v6 =	vld [tilespmem:s15+$0xBD0];
	v52 =	vmul.f32 v37, v51;
	[tilespmem:s15+$0xDF0] =	vst v49  }
0x8e: {  	v11 =	vld [tilespmem:s15+$0xEF0];
	v54 =	vmul.f32 v38, v51;
	[tilespmem:s15+$0xE00] =	vst v50  }
0x8f: {  	v12 =	vld [tilespmem:s15+$0xF00];
	v56 =	vbroadcast v3, $0x4;
	v55 =	vmul.f32 v39, v51;
	[tilespmem:s15+$0xE20] =	vst v52  }
0x90: {  	v13 =	vld [tilespmem:s15+$0xF10];
	v33 =	vmul.f32 v40, v51;
	[tilespmem:s15+$0xE30] =	vst v54  }
0x91: {  	v22 =	vld [tilespmem:s15+$0xD70];
	v57 =	vmul.f32 v42, v56;
	[tilespmem:s15+$0xE40] =	vst v55  }
0x92: {  	v62 =	vld [tilespmem:s15+$0xD20];
	v6 =	vmul.f32 v6, v53;
	[tilespmem:s15+$0xE50] =	vst v33  }
0x93: {  	v5 =	vld [tilespmem:s15+$0xBE0];
	v59 =	vmul.f32 v43, v56;
	[tilespmem:s15+$0xE60] =	vst v57  }
0x94: {  	v27 =	vld [tilespmem:s15+$0xC00];
	v60 =	vmul.f32 v44, v56;
	[tilespmem:s15+$0xBD0] =	vst v6  }
0x95: {  	v14 =	vld [tilespmem:s15+$0xF20];
	v18 =	vmul.f32 v18, v56;
	[tilespmem:s15+$0xE70] =	vst v59  }
0x96: {  	v58 =	vbroadcast v2, $0xA;
	v15 =	vld [tilespmem:s15+$0xF30];
	v22 =	vmul.f32 v22, v41;
	[tilespmem:s15+$0xE80] =	vst v60  }
0x97: {  	v16 =	vld [tilespmem:s15+$0xF40];
	v30 =	vmul.f32 v36, v63;
	[tilespmem:s15+$0xE90] =	vst v18  }
0x98: {  	v17 =	vld [tilespmem:s15+$0xF50];
	v5 =	vmul.f32 v5, v58;
	[tilespmem:s15+$0xD70] =	vst v22  }
0x99: {  	v48 =	vld [tilespmem:s15+$0xD40];
	v27 =	vmul.f32 v27, v58;
	[tilespmem:s15+$0xE10] =	vst v30  }
0x9a: {  	v21 =	vld [tilespmem:s15+$0xD60];
	v18 =	vbroadcast v2, $0xB;
	v22 =	vmul.f32 v26, v45;
	[tilespmem:s15+$0xBE0] =	vst v5  }
0x9b: {  	v35 =	vld [tilespmem:s15+$0xCA0];
	v52 =	vbroadcast v3, $0x6;
	v26 =	vmul.f32 v32, v61;
	[tilespmem:s15+$0xC00] =	vst v27  }
0x9c: {  	v34 =	vld [tilespmem:s15+$0xCB0];
	v49 =	vmul.f32 v46, v18;
	[tilespmem:s15+$0xAF0] =	vst v22  }
0x9d: {  	v19 =	vld [tilespmem:s15+$0xF60];
	v10 =	vmul.f32 v10, v52;
	[tilespmem:s15+$0xDD0] =	vst v26  }
0x9e: {  	v4 =	vld [tilespmem:s15+$0xBF0];
	v11 =	vmul.f32 v11, v52;
	[tilespmem:s15+$0xC20] =	vst v49  }
0x9f: {  	v23 =	vld [tilespmem:s15+$0xC30];
	v12 =	vmul.f32 v12, v52;
	[tilespmem:s15+$0xEE0] =	vst v10  }
0xa0: {  	v31 =	vld [tilespmem:s15+$0xC70];
	v61 =	vbroadcast v3, $0x5;
	v13 =	vmul.f32 v13, v52;
	[tilespmem:s15+$0xEF0] =	vst v11  }
0xa1: {  	v28 =	vld [tilespmem:s15+$0xC80];
	v21 =	vmul.f32 v41, v21;
	[tilespmem:s15+$0xF00] =	vst v12  }
0xa2: {  	v41 =	vld [tilespmem:s15+$0xC40];
	v9 =	vmul.f32 v9, v61;
	[tilespmem:s15+$0xF10] =	vst v13  }
0xa3: {  	v22 =	vld [tilespmem:s15+$0xEC0];
	[tilespmem:s15+$0xD60] =	vst v21;
	v21 =	vmul.f32 v25, v45  }
0xa4: {  	v24 =	vmul.f32 v24, v61;
	v25 =	vld [tilespmem:s15+$0xC10];
	[tilespmem:s15+$0xED0] =	vst v9;
	v9 =	vbroadcast v2, $0xC  }
0xa5: {  	v4 =	vmul.f32 v4, v58;
	[tilespmem:s15+$0xAE0] =	vst v21;
	v21 =	vld [tilespmem:s15+$0xEB0]  }
0xa6: {  	v45 =	vld [tilespmem:s15+$0xC60];
	[tilespmem:s15+$0xEA0] =	vst v24;
	v11 =	vmul.f32 v31, v9  }
0xa7: {  	v29 =	vld [tilespmem:s15+$0xC50];
	[tilespmem:s15+$0xBF0] =	vst v4;
	v12 =	vmul.f32 v28, v9  }
0xa8: {  	v32 =	vld [tilespmem:s15+$0xC90];
	v22 =	vmul.f32 v22, v61;
	[tilespmem:s15+$0xC70] =	vst v11  }
0xa9: {  	v20 =	vld [tilespmem:s15+$0xF70];
	v25 =	vmul.f32 v25, v58;
	[tilespmem:s15+$0xC80] =	vst v12  }
0xaa: {  	v39 =	vld [tilespmem:s15+$0xCE0];
	[tilespmem:s15+$0xEC0] =	vst v22;
	v21 =	vmul.f32 v21, v61  }
0xab: {  	v38 =	vld [tilespmem:s15+$0xCF0];
	v10 =	vmul.f32 v45, v9;
	v22 =	vmul.f32 v41, v18;
	[tilespmem:s15+$0xC10] =	vst v25  }
0xac: {  	v40 =	vld [tilespmem:s15+$0xD10];
	[tilespmem:s15+$0xEB0] =	vst v21;
	v21 =	vmul.f32 v23, v18;
	v18 =	vmul.f32 v29, v18  }
0xad: {  	v51 =	vld [tilespmem:s15+$0xD50];
	v9 =	vmul.f32 v32, v9;
	[tilespmem:s15+$0xC60] =	vst v10  }
0xae: {  	v53 =	vld [tilespmem:s15+$0x1020];
	[tilespmem:s15+$0xC50] =	vst v18;
	v18 =	vbroadcast v3, $0x7  }
0xaf: {  	v26 =	vld [tilespmem:s15+$0xCC0];
	[tilespmem:s15+$0xC90] =	vst v9  }
0xb0: {  	v56 =	vld [tilespmem:s15+$0x1090];
	[tilespmem:s15+$0xC40] =	vst v22;
	v14 =	vmul.f32 v14, v18  }
0xb1: {  	v36 =	vld [tilespmem:s15+$0xCD0];
	[tilespmem:s15+$0xC30] =	vst v21;
	v15 =	vmul.f32 v15, v18  }
0xb2: {  	v6 =	vld [tilespmem:s15+$0xFA0];
	v13 =	vbroadcast v2, $0xD;
	v9 =	vmul.f32 v16, v18;
	[tilespmem:s15+$0xF20] =	vst v14  }
0xb3: {  	v63 =	vld [tilespmem:s15+$0xD30];
	v17 =	vmul.f32 v17, v18;
	[tilespmem:s15+$0xF30] =	vst v15  }
0xb4: {  	v47 =	vld [tilespmem:s15+$0xFD0];
	v18 =	vmul.f32 v26, v13;
	[tilespmem:s15+$0xF40] =	vst v9  }
0xb5: {  	v50 =	vld [tilespmem:s15+$0xFE0];
	v59 =	vbroadcast v3, $0xD;
	v14 =	vmul.f32 v35, v13;
	[tilespmem:s15+$0xF50] =	vst v17  }
0xb6: {  	v54 =	vld [tilespmem:s15+$0x1060];
	v16 =	vbroadcast v3, $0x8;
	v15 =	vmul.f32 v34, v13;
	[tilespmem:s15+$0xCC0] =	vst v18  }
0xb7: {  	v55 =	vld [tilespmem:s15+$0x1080];
	v58 =	vbroadcast v3, $0xC;
	v13 =	vmul.f32 v36, v13;
	[tilespmem:s15+$0xCA0] =	vst v14  }
0xb8: {  	v5 =	vld [tilespmem:s15+$0xFB0];
	v9 =	vbroadcast v2, $0xE;
	v18 =	vmul.f32 v20, v16;
	[tilespmem:s15+$0xCB0] =	vst v15  }
0xb9: {  	v4 =	vld [tilespmem:s15+$0xFC0];
	v17 =	vbroadcast v3, $0x9;
	v8 =	vmul.f32 v8, v16;
	[tilespmem:s15+$0xCD0] =	vst v13  }
0xba: {  	v57 =	vld [tilespmem:s15+$0x10A0];
	v15 =	vbroadcast v2, $0xF;
	v2 =	vmul.f32 v19, v16;
	[tilespmem:s15+$0xF70] =	vst v18  }
0xbb: {  	v21 =	vld [tilespmem:s15+$0x1000];
	v20 =	vbroadcast v3, $0xB;
	v13 =	vmul.f32 v38, v9;
	[tilespmem:s15+$0xF80] =	vst v8  }
0xbc: {  	v11 =	vld [tilespmem:s15+$0x1040];
	v19 =	vbroadcast v3, $0xA;
	v6 =	vmul.f32 v6, v17;
	[tilespmem:s15+$0xF60] =	vst v2  }
0xbd: {  	v60 =	vld [tilespmem:s15+$0x10B0];
	v8 =	vmul.f32 v40, v9;
	v5 =	vmul.f32 v5, v17;
	[tilespmem:s15+$0xCF0] =	vst v13  }
0xbe: {  	v61 =	vld [tilespmem:s15+$0x10C0];
	v4 =	vmul.f32 v4, v17;
	v2 =	vmul.f32 v39, v9;
	[tilespmem:s15+$0xFA0] =	vst v6  }
0xbf: {  	v30 =	vld [tilespmem:s15+$0xD00];
	v33 =	vmul.f32 v48, v15;
	[tilespmem:s15+$0xD10] =	vst v8;
	v6 =	vmul.f32 v47, v17  }
0xc0: {  	v23 =	vld [tilespmem:s15+$0xFF0];
	v25 =	vmul.f32 v50, v19;
	[tilespmem:s15+$0xFB0] =	vst v5;
	v17 =	vmul.f32 v21, v19  }
0xc1: {  	v12 =	vld [tilespmem:s15+$0x1050];
	v8 =	vmul.f32 v53, v20;
	[tilespmem:s15+$0xFC0] =	vst v4;
	v13 =	vmul.f32 v11, v20  }
0xc2: {  	v22 =	vld [tilespmem:s15+$0x1010];
	v11 =	vmul.f32 v56, v58;
	v4 =	vmul.f32 v60, v59;
	[tilespmem:s15+$0xCE0] =	vst v2  }
0xc3: {  	v10 =	vld [tilespmem:s15+$0x1030];
	v5 =	vmul.f32 v61, v59;
	v2 =	vbroadcast v3, $0xE;
	[tilespmem:s15+$0xFD0] =	vst v6  }
0xc4: {  	v14 =	vld [tilespmem:s15+$0x1070];
	v3 =	vmul.f32 v7, v16;
	v7 =	vmul.f32 v30, v9;
	[tilespmem:s15+$0xD40] =	vst v33  }
0xc5: {  	v9 =	vmul.f32 v62, v15;
	v62 =	vld [tilespmem:s15+$0x10D0];
	v16 =	vmul.f32 v23, v19;
	[tilespmem:s15+$0xFE0] =	vst v25  }
0xc6: {  	v18 =	vld [tilespmem:s15+$0x10E0];
	v6 =	vmul.f32 v57, v59;
	[tilespmem:s15+$0xF90] =	vst v3;
	v3 =	vmul.f32 v63, v15  }
0xc7: {  	[tilespmem:s15+$0xD00] =	vst v7;
	v63 =	vmul.f32 v51, v15;
	v7 =	vmul.f32 v22, v19;
	v19 =	vld [tilespmem:s15+$0x10F0]  }
0xc8: {  	[tilespmem:s15+$0xD20] =	vst v9;
	v9 =	vmul.f32 v10, v20;
	v15 =	vmul.f32 v12, v20;
	v20 =	vld [tilespmem:s15+$0x1100]  }
0xc9: {  	v21 =	vld [tilespmem:s15+$0x1110];
	v12 =	vmul.f32 v54, v58;
	v10 =	vmul.f32 v14, v58;
	[tilespmem:s15+$0xD30] =	vst v3  }
0xca: {  	s16 =	simm.s32 $0x2;
	v14 =	vmul.f32 v55, v58;
	v22 =	vld [tilespmem:s15+$0x1120];
	[tilespmem:s15+$0xD50] =	vst v63;
	v3 =	vmul.f32 v62, v59  }
.LBB2_5:
0xcb: {  	s20 =	sshll.u32 s16, $0x4;
	p3 =	slt.u32 s16, $0x16;
	[tilespmem:s15+$0xFF0] =	vst v16;
	v26 =	vmul.f32 v18, v2;
	v16 =	vld [tilespmem:s15+$0x1130]  }
0xcc: {  	s20 =	sand.u32 $0x3FFFFFF0, s20;
	[tilespmem:s15+$0x1000] =	vst v17;
	v27 =	vmul.f32 v19, v2;
	v17 =	vld [tilespmem:s15+$0x1140]  }
0xcd: {  	s21 =	sshll.u32 s16, $0xA;
	v28 =	vld [tilespmem:s20+$0x330];
	[tilespmem:s15+$0x1010] =	vst v7;
	v7 =	vmul.f32 v20, v2  }
0xce: {  	v29 =	vld [tilespmem:s20+$0x320];
	s20 =	sand.u32 $0x3FFFFC00, s21;
	[tilespmem:s15+$0x1020] =	vst v8;
	v2 =	vmul.f32 v21, v2  }
0xcf: {  	v8 =	vld [tilespmem:s20+$0x1150];
	[tilespmem:s15+$0x1030] =	vst v9;
	v30 =	vmul.f32 v22, v1  }
0xd0: {  	v31 =	vld [tilespmem:s20+$0x960];
	[tilespmem:s15+$0x1040] =	vst v13;
	v32 =	vmul.f32 v16, v1  }
0xd1: {  	v33 =	vld [tilespmem:s20+$0x970];
	[tilespmem:s15+$0x1050] =	vst v15;
	v34 =	vmul.f32 v17, v1  }
0xd2: {  	v35 =	vld [tilespmem:s20+$0x980];
	v13 =	vbroadcast v28, $0x0;
	v1 =	vbroadcast v28, $0xF;
	[tilespmem:s15+$0x1060] =	vst v12  }
0xd3: {  	v36 =	vbroadcast v29, $0x0;
	v37 =	vld [tilespmem:s20+$0x990];
	v38 =	vbroadcast v29, $0x1;
	[tilespmem:s15+$0x1070] =	vst v10  }
0xd4: {  	v40 =	vbroadcast v29, $0x2;
	v39 =	vld [tilespmem:s20+$0x9A0];
	v8 =	vmul.f32 v8, v1;
	[tilespmem:s15+$0x1080] =	vst v14  }
0xd5: {  	v42 =	vbroadcast v29, $0x3;
	v43 =	vbroadcast v29, $0x4;
	v41 =	vld [tilespmem:s20+$0x9B0];
	[tilespmem:s15+$0x1090] =	vst v11  }
0xd6: {  	v45 =	vbroadcast v29, $0x5;
	v46 =	vbroadcast v29, $0x6;
	v44 =	vld [tilespmem:s20+$0x9C0];
	[tilespmem:s20+$0x1150] =	vst v8  }
0xd7: {  	v25 =	vbroadcast v29, $0x7;
	v24 =	vbroadcast v29, $0x8;
	v47 =	vld [tilespmem:s20+$0x9D0];
	[tilespmem:s15+$0x10A0] =	vst v6  }
0xd8: {  	v23 =	vbroadcast v29, $0x9;
	v22 =	vbroadcast v29, $0xA;
	v48 =	vld [tilespmem:s20+$0x9E0];
	[tilespmem:s15+$0x10B0] =	vst v4  }
0xd9: {  	v21 =	vbroadcast v29, $0xB;
	v20 =	vbroadcast v29, $0xC;
	v49 =	vld [tilespmem:s20+$0x9F0];
	[tilespmem:s15+$0x10C0] =	vst v5  }
0xda: {  	v19 =	vbroadcast v29, $0xD;
	v18 =	vbroadcast v29, $0xE;
	v50 =	vld [tilespmem:s20+$0xA00];
	[tilespmem:s15+$0x10D0] =	vst v3  }
0xdb: {  	v16 =	vbroadcast v28, $0x1;
	v17 =	vbroadcast v29, $0xF;
	v51 =	vld [tilespmem:s20+$0xA10];
	[tilespmem:s15+$0x10E0] =	vst v26  }
0xdc: {  	v15 =	vbroadcast v28, $0x2;
	v14 =	vbroadcast v28, $0x3;
	v26 =	vld [tilespmem:s20+$0xA20];
	[tilespmem:s15+$0x10F0] =	vst v27  }
0xdd: {  	v12 =	vbroadcast v28, $0x4;
	v11 =	vbroadcast v28, $0x5;
	v27 =	vld [tilespmem:s20+$0xA30];
	[tilespmem:s15+$0x1100] =	vst v7  }
0xde: {  	v9 =	vbroadcast v28, $0x7;
	v10 =	vbroadcast v28, $0x6;
	v29 =	vld [tilespmem:s20+$0xA40];
	[tilespmem:s15+$0x1110] =	vst v2  }
0xdf: {  	v8 =	vbroadcast v28, $0x8;
	v7 =	vbroadcast v28, $0x9;
	v52 =	vld [tilespmem:s20+$0xA50];
	[tilespmem:s15+$0x1120] =	vst v30  }
0xe0: {  	v6 =	vbroadcast v28, $0xA;
	v5 =	vbroadcast v28, $0xB;
	v30 =	vld [tilespmem:s20+$0xA60];
	[tilespmem:s15+$0x1130] =	vst v32  }
0xe1: {  	v4 =	vbroadcast v28, $0xC;
	v3 =	vbroadcast v28, $0xD;
	v32 =	vld [tilespmem:s20+$0xA70];
	[tilespmem:s15+$0x1140] =	vst v34;
	s15 =	smov.u32 s20  }
0xe2: {  	v31 =	vmul.f32 v36, v31;
	v2 =	vbroadcast v28, $0xE;
	v34 =	vld [tilespmem:s15+$0xA80]  }
0xe3: {  	v28 =	vmul.f32 v33, v36;
	v33 =	vmul.f32 v35, v36;
	v35 =	vld [tilespmem:s15+$0xA90]  }
0xe4: {  	[tilespmem:s15+$0x960] =	vst v31;
	v31 =	vmul.f32 v37, v36;
	v36 =	vmul.f32 v39, v38;
	v37 =	vld [tilespmem:s15+$0xAA0]  }
0xe5: {  	v39 =	vmul.f32 v44, v38;
	[tilespmem:s15+$0x970] =	vst v28;
	v28 =	vmul.f32 v41, v38;
	v41 =	vld [tilespmem:s15+$0xAB0]  }
0xe6: {  	[tilespmem:s15+$0x980] =	vst v33;
	v33 =	vmul.f32 v47, v38;
	v38 =	vmul.f32 v48, v40;
	v44 =	vld [tilespmem:s15+$0xAC0]  }
0xe7: {  	v47 =	vmul.f32 v50, v40;
	[tilespmem:s15+$0x990] =	vst v31;
	v31 =	vmul.f32 v49, v40;
	v48 =	vld [tilespmem:s15+$0xAD0]  }
0xe8: {  	v26 =	vmul.f32 v26, v42;
	[tilespmem:s15+$0x9A0] =	vst v36;
	v36 =	vmul.f32 v51, v40;
	v40 =	vld [tilespmem:s15+$0xAE0]  }
0xe9: {  	v27 =	vmul.f32 v27, v42;
	[tilespmem:s15+$0x9B0] =	vst v28;
	v28 =	vmul.f32 v29, v42;
	v29 =	vld [tilespmem:s15+$0xAF0]  }
0xea: {  	v30 =	vmul.f32 v30, v43;
	[tilespmem:s15+$0x9C0] =	vst v39;
	v39 =	vmul.f32 v52, v42;
	v42 =	vld [tilespmem:s15+$0xB00]  }
0xeb: {  	v32 =	vmul.f32 v32, v43;
	[tilespmem:s15+$0x9D0] =	vst v33;
	v33 =	vmul.f32 v34, v43;
	v34 =	vld [tilespmem:s15+$0xB10]  }
0xec: {  	v35 =	vmul.f32 v35, v43;
	v37 =	vmul.f32 v37, v45;
	[tilespmem:s15+$0x9E0] =	vst v38;
	v38 =	vld [tilespmem:s15+$0xB20]  }
0xed: {  	[tilespmem:s15+$0x9F0] =	vst v31;
	v31 =	vmul.f32 v41, v45;
	v41 =	vmul.f32 v44, v45;
	v43 =	vld [tilespmem:s15+$0xB30]  }
0xee: {  	v44 =	vmul.f32 v48, v45;
	v40 =	vmul.f32 v40, v46;
	[tilespmem:s15+$0xA00] =	vst v47;
	v45 =	vld [tilespmem:s15+$0xB40]  }
0xef: {  	v29 =	vmul.f32 v29, v46;
	[tilespmem:s15+$0xA10] =	vst v36;
	v36 =	vmul.f32 v42, v46;
	v42 =	vld [tilespmem:s15+$0xB50]  }
0xf0: {  	[tilespmem:s15+$0xA20] =	vst v26;
	v26 =	vmul.f32 v34, v46;
	v34 =	vld [tilespmem:s15+$0xB60]  }
0xf1: {  	[tilespmem:s15+$0xA30] =	vst v27;
	v27 =	vmul.f32 v38, v25;
	v38 =	vld [tilespmem:s15+$0xB70]  }
0xf2: {  	[tilespmem:s15+$0xA40] =	vst v28;
	v28 =	vmul.f32 v43, v25;
	v43 =	vld [tilespmem:s15+$0xB80]  }
0xf3: {  	[tilespmem:s15+$0xA50] =	vst v39;
	v39 =	vmul.f32 v45, v25;
	v45 =	vld [tilespmem:s15+$0xB90]  }
0xf4: {  	[tilespmem:s15+$0xA60] =	vst v30;
	v25 =	vmul.f32 v42, v25;
	v30 =	vld [tilespmem:s15+$0xBA0]  }
0xf5: {  	[tilespmem:s15+$0xA70] =	vst v32;
	v32 =	vmul.f32 v34, v24;
	v34 =	vld [tilespmem:s15+$0xBB0]  }
0xf6: {  	[tilespmem:s15+$0xA80] =	vst v33;
	v33 =	vmul.f32 v38, v24;
	v38 =	vld [tilespmem:s15+$0xBC0]  }
0xf7: {  	[tilespmem:s15+$0xA90] =	vst v35;
	v35 =	vmul.f32 v43, v24;
	v42 =	vld [tilespmem:s15+$0xBD0]  }
0xf8: {  	[tilespmem:s15+$0xAA0] =	vst v37;
	v24 =	vmul.f32 v45, v24;
	v37 =	vld [tilespmem:s15+$0xBE0]  }
0xf9: {  	[tilespmem:s15+$0xAB0] =	vst v31;
	v30 =	vmul.f32 v30, v23;
	v31 =	vld [tilespmem:s15+$0xBF0]  }
0xfa: {  	[tilespmem:s15+$0xAC0] =	vst v41;
	v34 =	vmul.f32 v34, v23;
	v41 =	vld [tilespmem:s15+$0xC00]  }
0xfb: {  	[tilespmem:s15+$0xAD0] =	vst v44;
	v38 =	vmul.f32 v38, v23;
	v43 =	vld [tilespmem:s15+$0xC10]  }
0xfc: {  	[tilespmem:s15+$0xAE0] =	vst v40;
	v23 =	vmul.f32 v42, v23;
	v40 =	vld [tilespmem:s15+$0xC20]  }
0xfd: {  	[tilespmem:s15+$0xAF0] =	vst v29;
	v29 =	vmul.f32 v37, v22;
	v37 =	vld [tilespmem:s15+$0xC30]  }
0xfe: {  	[tilespmem:s15+$0xB00] =	vst v36;
	v31 =	vmul.f32 v31, v22;
	v36 =	vld [tilespmem:s15+$0xC40]  }
0xff: {  	[tilespmem:s15+$0xB10] =	vst v26;
	v26 =	vmul.f32 v41, v22;
	v41 =	vld [tilespmem:s15+$0xC50]  }
0x100: {  	[tilespmem:s15+$0xB20] =	vst v27;
	v22 =	vmul.f32 v43, v22;
	v27 =	vld [tilespmem:s15+$0xC60]  }
0x101: {  	[tilespmem:s15+$0xB30] =	vst v28;
	v28 =	vmul.f32 v40, v21;
	v40 =	vld [tilespmem:s15+$0xC70]  }
0x102: {  	[tilespmem:s15+$0xB40] =	vst v39;
	v37 =	vmul.f32 v37, v21;
	v39 =	vld [tilespmem:s15+$0xC80]  }
0x103: {  	[tilespmem:s15+$0xB50] =	vst v25;
	v25 =	vmul.f32 v36, v21;
	v36 =	vld [tilespmem:s15+$0xC90]  }
0x104: {  	[tilespmem:s15+$0xB60] =	vst v32;
	v21 =	vmul.f32 v41, v21;
	v32 =	vld [tilespmem:s15+$0xCA0]  }
0x105: {  	[tilespmem:s15+$0xB70] =	vst v33;
	v27 =	vmul.f32 v27, v20;
	v33 =	vld [tilespmem:s15+$0xCB0]  }
0x106: {  	[tilespmem:s15+$0xB80] =	vst v35;
	v35 =	vmul.f32 v40, v20;
	v40 =	vld [tilespmem:s15+$0xCC0]  }
0x107: {  	[tilespmem:s15+$0xB90] =	vst v24;
	v24 =	vmul.f32 v39, v20;
	v39 =	vld [tilespmem:s15+$0xCD0]  }
0x108: {  	[tilespmem:s15+$0xBA0] =	vst v30;
	v20 =	vmul.f32 v36, v20;
	v30 =	vld [tilespmem:s15+$0xCE0]  }
0x109: {  	[tilespmem:s15+$0xBB0] =	vst v34;
	v32 =	vmul.f32 v32, v19;
	v34 =	vld [tilespmem:s15+$0xCF0]  }
0x10a: {  	[tilespmem:s15+$0xBC0] =	vst v38;
	v33 =	vmul.f32 v33, v19;
	v36 =	vld [tilespmem:s15+$0xD00]  }
0x10b: {  	[tilespmem:s15+$0xBD0] =	vst v23;
	v23 =	vmul.f32 v40, v19;
	v38 =	vld [tilespmem:s15+$0xD10]  }
0x10c: {  	[tilespmem:s15+$0xBE0] =	vst v29;
	v19 =	vmul.f32 v39, v19;
	v29 =	vld [tilespmem:s15+$0xD20]  }
0x10d: {  	[tilespmem:s15+$0xBF0] =	vst v31;
	v30 =	vmul.f32 v30, v18;
	v31 =	vld [tilespmem:s15+$0xD30]  }
0x10e: {  	[tilespmem:s15+$0xC00] =	vst v26;
	v26 =	vmul.f32 v34, v18;
	v34 =	vld [tilespmem:s15+$0xD40]  }
0x10f: {  	[tilespmem:s15+$0xC10] =	vst v22;
	v22 =	vmul.f32 v36, v18;
	v36 =	vld [tilespmem:s15+$0xD50]  }
0x110: {  	[tilespmem:s15+$0xC20] =	vst v28;
	v18 =	vmul.f32 v38, v18;
	v28 =	vld [tilespmem:s15+$0xD60]  }
0x111: {  	[tilespmem:s15+$0xC30] =	vst v37;
	v29 =	vmul.f32 v29, v17;
	v37 =	vld [tilespmem:s15+$0xD70]  }
0x112: {  	[tilespmem:s15+$0xC40] =	vst v25;
	v25 =	vmul.f32 v31, v17;
	v31 =	vld [tilespmem:s15+$0xD80]  }
0x113: {  	[tilespmem:s15+$0xC50] =	vst v21;
	v21 =	vmul.f32 v34, v17;
	v34 =	vld [tilespmem:s15+$0xD90]  }
0x114: {  	[tilespmem:s15+$0xC60] =	vst v27;
	v17 =	vmul.f32 v36, v17;
	v27 =	vld [tilespmem:s15+$0xDA0]  }
0x115: {  	[tilespmem:s15+$0xC70] =	vst v35;
	v28 =	vmul.f32 v13, v28;
	v35 =	vld [tilespmem:s15+$0xDB0]  }
0x116: {  	[tilespmem:s15+$0xC80] =	vst v24;
	v24 =	vmul.f32 v37, v13;
	v36 =	vld [tilespmem:s15+$0xDC0]  }
0x117: {  	[tilespmem:s15+$0xC90] =	vst v20;
	v20 =	vmul.f32 v31, v13;
	v31 =	vld [tilespmem:s15+$0xDD0]  }
0x118: {  	[tilespmem:s15+$0xCA0] =	vst v32;
	v13 =	vmul.f32 v34, v13;
	v32 =	vld [tilespmem:s15+$0xDE0]  }
0x119: {  	[tilespmem:s15+$0xCB0] =	vst v33;
	v27 =	vmul.f32 v27, v16;
	v33 =	vld [tilespmem:s15+$0xDF0]  }
0x11a: {  	[tilespmem:s15+$0xCC0] =	vst v23;
	v23 =	vmul.f32 v35, v16;
	v34 =	vld [tilespmem:s15+$0xE00]  }
0x11b: {  	[tilespmem:s15+$0xCD0] =	vst v19;
	v19 =	vmul.f32 v36, v16;
	v35 =	vld [tilespmem:s15+$0xE10]  }
0x11c: {  	[tilespmem:s15+$0xCE0] =	vst v30;
	v16 =	vmul.f32 v31, v16;
	v30 =	vld [tilespmem:s15+$0xE20]  }
0x11d: {  	[tilespmem:s15+$0xCF0] =	vst v26;
	v26 =	vmul.f32 v32, v15;
	v31 =	vld [tilespmem:s15+$0xE30]  }
0x11e: {  	[tilespmem:s15+$0xD00] =	vst v22;
	v22 =	vmul.f32 v33, v15;
	v32 =	vld [tilespmem:s15+$0xE40]  }
0x11f: {  	[tilespmem:s15+$0xD10] =	vst v18;
	v18 =	vmul.f32 v34, v15;
	v33 =	vld [tilespmem:s15+$0xE50]  }
0x120: {  	[tilespmem:s15+$0xD20] =	vst v29;
	v15 =	vmul.f32 v35, v15;
	v29 =	vld [tilespmem:s15+$0xE60]  }
0x121: {  	[tilespmem:s15+$0xD30] =	vst v25;
	v25 =	vmul.f32 v30, v14;
	v30 =	vld [tilespmem:s15+$0xE70]  }
0x122: {  	[tilespmem:s15+$0xD40] =	vst v21;
	v21 =	vmul.f32 v31, v14;
	v31 =	vld [tilespmem:s15+$0xE80]  }
0x123: {  	[tilespmem:s15+$0xD50] =	vst v17;
	v17 =	vmul.f32 v32, v14;
	v32 =	vld [tilespmem:s15+$0xE90]  }
0x124: {  	[tilespmem:s15+$0xD60] =	vst v28;
	v14 =	vmul.f32 v33, v14;
	v28 =	vld [tilespmem:s15+$0xEA0]  }
0x125: {  	[tilespmem:s15+$0xD70] =	vst v24;
	v24 =	vmul.f32 v29, v12;
	v29 =	vld [tilespmem:s15+$0xEB0]  }
0x126: {  	[tilespmem:s15+$0xD80] =	vst v20;
	v20 =	vmul.f32 v30, v12;
	v30 =	vld [tilespmem:s15+$0xEC0]  }
0x127: {  	[tilespmem:s15+$0xD90] =	vst v13;
	v13 =	vmul.f32 v31, v12;
	v31 =	vld [tilespmem:s15+$0xED0]  }
0x128: {  	[tilespmem:s15+$0xDA0] =	vst v27;
	v12 =	vmul.f32 v32, v12;
	v27 =	vld [tilespmem:s15+$0xEE0]  }
0x129: {  	[tilespmem:s15+$0xDB0] =	vst v23;
	v23 =	vmul.f32 v28, v11;
	v28 =	vld [tilespmem:s15+$0xEF0]  }
0x12a: {  	[tilespmem:s15+$0xDC0] =	vst v19;
	v19 =	vmul.f32 v29, v11;
	v29 =	vld [tilespmem:s15+$0xF00]  }
0x12b: {  	[tilespmem:s15+$0xDD0] =	vst v16;
	v16 =	vmul.f32 v30, v11;
	v30 =	vld [tilespmem:s15+$0xF10]  }
0x12c: {  	[tilespmem:s15+$0xDE0] =	vst v26;
	v11 =	vmul.f32 v31, v11;
	v26 =	vld [tilespmem:s15+$0xF20]  }
0x12d: {  	[tilespmem:s15+$0xDF0] =	vst v22;
	v22 =	vmul.f32 v27, v10;
	v27 =	vld [tilespmem:s15+$0xF30]  }
0x12e: {  	[tilespmem:s15+$0xE00] =	vst v18;
	v18 =	vmul.f32 v28, v10;
	v28 =	vld [tilespmem:s15+$0xF40]  }
0x12f: {  	[tilespmem:s15+$0xE10] =	vst v15;
	v15 =	vmul.f32 v29, v10;
	v29 =	vld [tilespmem:s15+$0xF50]  }
0x130: {  	[tilespmem:s15+$0xE20] =	vst v25;
	v10 =	vmul.f32 v30, v10;
	v25 =	vld [tilespmem:s15+$0xF60]  }
0x131: {  	[tilespmem:s15+$0xE30] =	vst v21;
	v21 =	vmul.f32 v26, v9;
	v26 =	vld [tilespmem:s15+$0xF70]  }
0x132: {  	[tilespmem:s15+$0xE40] =	vst v17;
	v27 =	vmul.f32 v27, v9;
	v17 =	vld [tilespmem:s15+$0xF80]  }
0x133: {  	[tilespmem:s15+$0xE50] =	vst v14;
	v14 =	vmul.f32 v28, v9;
	v28 =	vld [tilespmem:s15+$0xF90]  }
0x134: {  	[tilespmem:s15+$0xE60] =	vst v24;
	v24 =	vmul.f32 v29, v9;
	v9 =	vld [tilespmem:s15+$0xFA0]  }
0x135: {  	[tilespmem:s15+$0xE70] =	vst v20;
	v20 =	vmul.f32 v25, v8;
	v25 =	vld [tilespmem:s15+$0xFB0]  }
0x136: {  	[tilespmem:s15+$0xE80] =	vst v13;
	v26 =	vmul.f32 v26, v8;
	v13 =	vld [tilespmem:s15+$0xFC0]  }
0x137: {  	[tilespmem:s15+$0xE90] =	vst v12;
	v29 =	vmul.f32 v17, v8;
	v12 =	vld [tilespmem:s15+$0xFD0]  }
0x138: {  	[tilespmem:s15+$0xEA0] =	vst v23;
	v23 =	vmul.f32 v28, v8;
	v8 =	vld [tilespmem:s15+$0xFE0]  }
0x139: {  	[tilespmem:s15+$0xEB0] =	vst v19;
	v19 =	vmul.f32 v9, v7;
	v9 =	vld [tilespmem:s15+$0xFF0]  }
0x13a: {  	[tilespmem:s15+$0xEC0] =	vst v16;
	v25 =	vmul.f32 v25, v7;
	v17 =	vld [tilespmem:s15+$0x1000]  }
0x13b: {  	[tilespmem:s15+$0xED0] =	vst v11;
	v28 =	vmul.f32 v13, v7;
	v11 =	vld [tilespmem:s15+$0x1010]  }
0x13c: {  	[tilespmem:s15+$0xEE0] =	vst v22;
	v22 =	vmul.f32 v12, v7;
	v12 =	vld [tilespmem:s15+$0x1020]  }
0x13d: {  	[tilespmem:s15+$0xEF0] =	vst v18;
	v30 =	vmul.f32 v8, v6;
	v13 =	vld [tilespmem:s15+$0x1030]  }
0x13e: {  	[tilespmem:s15+$0xF00] =	vst v15;
	v16 =	vmul.f32 v9, v6;
	v15 =	vld [tilespmem:s15+$0x1040]  }
0x13f: {  	[tilespmem:s15+$0xF10] =	vst v10;
	v17 =	vmul.f32 v17, v6;
	v10 =	vld [tilespmem:s15+$0x1050]  }
0x140: {  	[tilespmem:s15+$0xF20] =	vst v21;
	v7 =	vmul.f32 v11, v6;
	v6 =	vld [tilespmem:s15+$0x1060]  }
0x141: {  	[tilespmem:s15+$0xF30] =	vst v27;
	v8 =	vmul.f32 v12, v5;
	v11 =	vld [tilespmem:s15+$0x1070]  }
0x142: {  	[tilespmem:s15+$0xF40] =	vst v14;
	v9 =	vmul.f32 v13, v5;
	v14 =	vld [tilespmem:s15+$0x1080]  }
0x143: {  	[tilespmem:s15+$0xF50] =	vst v24;
	v13 =	vmul.f32 v15, v5;
	v18 =	vld [tilespmem:s15+$0x1090]  }
0x144: {  	[tilespmem:s15+$0xF60] =	vst v20;
	v15 =	vmul.f32 v10, v5;
	v5 =	vld [tilespmem:s15+$0x10A0]  }
0x145: {  	[tilespmem:s15+$0xF70] =	vst v26;
	v12 =	vmul.f32 v6, v4;
	v20 =	vld [tilespmem:s15+$0x10B0]  }
0x146: {  	[tilespmem:s15+$0xF80] =	vst v29;
	v10 =	vmul.f32 v11, v4;
	v21 =	vld [tilespmem:s15+$0x10C0]  }
0x147: {  	[tilespmem:s15+$0xF90] =	vst v23;
	v14 =	vmul.f32 v14, v4;
	v23 =	vld [tilespmem:s15+$0x10D0]  }
.Ltmp1:
0x148: {  	[tilespmem:s15+$0xFA0] =	vst v19;
	v11 =	vmul.f32 v18, v4;
	v18 =	vld [tilespmem:s15+$0x10E0];
	(pc) =	sbr.rel @p3 .LBB2_5-.Ltmp1, $4  }
0x149: {  	[tilespmem:s15+$0xFB0] =	vst v25;
	v6 =	vmul.f32 v5, v3;
	v19 =	vld [tilespmem:s15+$0x10F0]  }
0x14a: {  	[tilespmem:s15+$0xFC0] =	vst v28;
	v4 =	vmul.f32 v20, v3;
	v20 =	vld [tilespmem:s15+$0x1100]  }
0x14b: {  	[tilespmem:s15+$0xFD0] =	vst v22;
	v5 =	vmul.f32 v21, v3;
	v21 =	vld [tilespmem:s15+$0x1110]  }
0x14c: {  	s16 =	sadd.s32 $0x2, s16;
	[tilespmem:s15+$0xFE0] =	vst v30;
	v3 =	vmul.f32 v23, v3;
	v22 =	vld [tilespmem:s15+$0x1120]  }
0x14d: {  	[tilespmem:s15+$0xFF0] =	vst v16  }
0x14e: {  	[tilespmem:s15+$0x1000] =	vst v17  }
0x14f: {  	[tilespmem:s15+$0x1010] =	vst v7  }
0x150: {  	[tilespmem:s15+$0x1020] =	vst v8  }
0x151: {  	[tilespmem:s15+$0x1030] =	vst v9  }
0x152: {  	[tilespmem:s15+$0x1040] =	vst v13  }
0x153: {  	[tilespmem:s15+$0x1050] =	vst v15  }
0x154: {  	[tilespmem:s15+$0x1060] =	vst v12  }
0x155: {  	[tilespmem:s15+$0x1070] =	vst v10  }
0x156: {  	[tilespmem:s15+$0x1080] =	vst v14  }
0x157: {  	[tilespmem:s15+$0x1090] =	vst v11  }
0x158: {  	[tilespmem:s15+$0x10A0] =	vst v6  }
0x159: {  	[tilespmem:s15+$0x10B0] =	vst v4  }
0x15a: {  	v16 =	vld [tilespmem:s15+$0x1130];
	v4 =	vmul.f32 v18, v2;
	[tilespmem:s15+$0x10C0] =	vst v5  }
0x15b: {  	v17 =	vld [tilespmem:s15+$0x1140];
	v5 =	vmul.f32 v19, v2;
	[tilespmem:s15+$0x10D0] =	vst v3  }
0x15c: {  	v3 =	vmul.f32 v20, v2;
	[tilespmem:s15+$0x10E0] =	vst v4  }
0x15d: {  	v2 =	vmul.f32 v21, v2;
	[tilespmem:s15+$0x10F0] =	vst v5  }
0x15e: {  	v4 =	vmul.f32 v22, v1;
	[tilespmem:s15+$0x1100] =	vst v3  }
0x15f: {  	v3 =	vmul.f32 v16, v1;
	[tilespmem:s15+$0x1110] =	vst v2  }
0x160: {  	v1 =	vmul.f32 v17, v1;
	[tilespmem:s15+$0x1120] =	vst v4  }
0x161: {  	[tilespmem:s15+$0x1130] =	vst v3  }
0x162: {  	[tilespmem:s15+$0x1140] =	vst v1  }
0x163: {  	v1 =	vld [tilespmem:$0x4A0];
	_ =	sdelay $0x1  }
0x164: {  	v2 =	vld [tilespmem:$0x6960]  }
0x165: {  	v3 =	vld [tilespmem:$0x6970]  }
0x166: {  	v4 =	vld [tilespmem:$0x6980]  }
0x167: {  	v6 =	vld [tilespmem:$0x6990];
	v5 =	vbroadcast v1, $0x0  }
0x168: {  	v7 =	vld [tilespmem:$0x69A0]  }
0x169: {  	v8 =	vld [tilespmem:$0x69B0];
	v2 =	vmul.f32 v5, v2  }
0x16a: {  	v9 =	vld [tilespmem:$0x69C0];
	v3 =	vmul.f32 v3, v5  }
0x16b: {  	v10 =	vld [tilespmem:$0x69D0];
	[tilespmem:$0x6960] =	vst v2;
	v2 =	vmul.f32 v4, v5;
	v4 =	vbroadcast v1, $0x1  }
0x16c: {  	[tilespmem:$0x6970] =	vst v3;
	v3 =	vmul.f32 v6, v5;
	v5 =	vld [tilespmem:$0x69E0]  }
0x16d: {  	v6 =	vld [tilespmem:$0x69F0];
	[tilespmem:$0x6980] =	vst v2;
	v2 =	vmul.f32 v7, v4  }
0x16e: {  	[tilespmem:$0x6990] =	vst v3;
	v3 =	vmul.f32 v8, v4;
	v7 =	vld [tilespmem:$0x6A00]  }
0x16f: {  	v8 =	vbroadcast v1, $0x2;
	[tilespmem:$0x69A0] =	vst v2;
	v2 =	vmul.f32 v9, v4;
	v9 =	vld [tilespmem:$0x6A10]  }
0x170: {  	[tilespmem:$0x69B0] =	vst v3;
	v3 =	vmul.f32 v10, v4;
	v4 =	vld [tilespmem:$0x6A20]  }
0x171: {  	[tilespmem:$0x69C0] =	vst v2;
	v2 =	vmul.f32 v5, v8;
	v5 =	vld [tilespmem:$0x6A30]  }
0x172: {  	[tilespmem:$0x69D0] =	vst v3;
	v3 =	vmul.f32 v6, v8;
	v6 =	vld [tilespmem:$0x6A40]  }
0x173: {  	v10 =	vld [tilespmem:$0x6A50];
	[tilespmem:$0x69E0] =	vst v2;
	v2 =	vmul.f32 v7, v8;
	v7 =	vbroadcast v1, $0x3  }
0x174: {  	[tilespmem:$0x69F0] =	vst v3;
	v3 =	vmul.f32 v9, v8;
	v8 =	vld [tilespmem:$0x6A60]  }
0x175: {  	[tilespmem:$0x6A00] =	vst v2;
	v2 =	vmul.f32 v4, v7;
	v4 =	vld [tilespmem:$0x6A70]  }
0x176: {  	[tilespmem:$0x6A10] =	vst v3;
	v3 =	vmul.f32 v5, v7;
	v5 =	vld [tilespmem:$0x6A80]  }
0x177: {  	v9 =	vld [tilespmem:$0x6A90];
	[tilespmem:$0x6A20] =	vst v2;
	v2 =	vmul.f32 v6, v7;
	v6 =	vbroadcast v1, $0x4  }
0x178: {  	[tilespmem:$0x6A30] =	vst v3;
	v3 =	vmul.f32 v10, v7;
	v7 =	vld [tilespmem:$0x6AA0]  }
0x179: {  	[tilespmem:$0x6A40] =	vst v2;
	v2 =	vmul.f32 v8, v6;
	v8 =	vld [tilespmem:$0x6AB0]  }
0x17a: {  	[tilespmem:$0x6A50] =	vst v3;
	v3 =	vmul.f32 v4, v6;
	v4 =	vld [tilespmem:$0x6AC0]  }
0x17b: {  	v10 =	vld [tilespmem:$0x6AD0];
	[tilespmem:$0x6A60] =	vst v2;
	v2 =	vmul.f32 v5, v6;
	v5 =	vbroadcast v1, $0x5  }
0x17c: {  	[tilespmem:$0x6A70] =	vst v3;
	v3 =	vmul.f32 v9, v6;
	v6 =	vld [tilespmem:$0x6AE0]  }
0x17d: {  	[tilespmem:$0x6A80] =	vst v2;
	v2 =	vmul.f32 v7, v5;
	v7 =	vld [tilespmem:$0x6AF0]  }
0x17e: {  	[tilespmem:$0x6A90] =	vst v3;
	v3 =	vmul.f32 v8, v5;
	v8 =	vld [tilespmem:$0x6B00]  }
0x17f: {  	v9 =	vld [tilespmem:$0x6B10];
	[tilespmem:$0x6AA0] =	vst v2;
	v2 =	vmul.f32 v4, v5;
	v4 =	vbroadcast v1, $0x6  }
0x180: {  	[tilespmem:$0x6AB0] =	vst v3;
	v3 =	vmul.f32 v10, v5;
	v5 =	vld [tilespmem:$0x6B20]  }
0x181: {  	[tilespmem:$0x6AC0] =	vst v2;
	v2 =	vmul.f32 v6, v4;
	v6 =	vld [tilespmem:$0x6B30]  }
0x182: {  	[tilespmem:$0x6AD0] =	vst v3;
	v3 =	vmul.f32 v7, v4;
	v7 =	vld [tilespmem:$0x6B40]  }
0x183: {  	v10 =	vld [tilespmem:$0x6B50];
	[tilespmem:$0x6AE0] =	vst v2;
	v2 =	vmul.f32 v8, v4;
	v8 =	vbroadcast v1, $0x7  }
0x184: {  	[tilespmem:$0x6AF0] =	vst v3;
	v3 =	vmul.f32 v9, v4;
	v4 =	vld [tilespmem:$0x6B60]  }
0x185: {  	[tilespmem:$0x6B00] =	vst v2;
	v2 =	vmul.f32 v5, v8;
	v5 =	vld [tilespmem:$0x6B70]  }
0x186: {  	[tilespmem:$0x6B10] =	vst v3;
	v3 =	vmul.f32 v6, v8;
	v6 =	vld [tilespmem:$0x6B80]  }
0x187: {  	v9 =	vld [tilespmem:$0x6B90];
	[tilespmem:$0x6B20] =	vst v2;
	v2 =	vmul.f32 v7, v8;
	v7 =	vbroadcast v1, $0x8  }
0x188: {  	[tilespmem:$0x6B30] =	vst v3;
	v3 =	vmul.f32 v10, v8;
	v8 =	vld [tilespmem:$0x6BA0]  }
0x189: {  	[tilespmem:$0x6B40] =	vst v2;
	v2 =	vmul.f32 v4, v7;
	v4 =	vld [tilespmem:$0x6BB0]  }
0x18a: {  	[tilespmem:$0x6B50] =	vst v3;
	v3 =	vmul.f32 v5, v7;
	v5 =	vld [tilespmem:$0x6BC0]  }
0x18b: {  	v10 =	vld [tilespmem:$0x6BD0];
	[tilespmem:$0x6B60] =	vst v2;
	v2 =	vmul.f32 v6, v7;
	v6 =	vbroadcast v1, $0x9  }
0x18c: {  	[tilespmem:$0x6B70] =	vst v3;
	v3 =	vmul.f32 v9, v7;
	v7 =	vld [tilespmem:$0x6BE0]  }
0x18d: {  	[tilespmem:$0x6B80] =	vst v2;
	v2 =	vmul.f32 v8, v6;
	v8 =	vld [tilespmem:$0x6BF0]  }
0x18e: {  	[tilespmem:$0x6B90] =	vst v3;
	v3 =	vmul.f32 v4, v6;
	v4 =	vld [tilespmem:$0x6C00]  }
0x18f: {  	v9 =	vld [tilespmem:$0x6C10];
	[tilespmem:$0x6BA0] =	vst v2;
	v2 =	vmul.f32 v5, v6;
	v5 =	vbroadcast v1, $0xA  }
0x190: {  	[tilespmem:$0x6BB0] =	vst v3;
	v3 =	vmul.f32 v10, v6;
	v6 =	vld [tilespmem:$0x6C20]  }
0x191: {  	[tilespmem:$0x6BC0] =	vst v2;
	v2 =	vmul.f32 v7, v5;
	v7 =	vld [tilespmem:$0x6C30]  }
0x192: {  	[tilespmem:$0x6BD0] =	vst v3;
	v3 =	vmul.f32 v8, v5;
	v8 =	vld [tilespmem:$0x6C40]  }
0x193: {  	v10 =	vld [tilespmem:$0x6C50];
	[tilespmem:$0x6BE0] =	vst v2;
	v2 =	vmul.f32 v4, v5;
	v4 =	vbroadcast v1, $0xB  }
0x194: {  	[tilespmem:$0x6BF0] =	vst v3;
	v3 =	vmul.f32 v9, v5;
	v5 =	vld [tilespmem:$0x6C60]  }
0x195: {  	[tilespmem:$0x6C00] =	vst v2;
	v2 =	vmul.f32 v6, v4;
	v6 =	vld [tilespmem:$0x6C70]  }
0x196: {  	[tilespmem:$0x6C10] =	vst v3;
	v3 =	vmul.f32 v7, v4;
	v7 =	vld [tilespmem:$0x6C80]  }
0x197: {  	v9 =	vld [tilespmem:$0x6C90];
	[tilespmem:$0x6C20] =	vst v2;
	v2 =	vmul.f32 v8, v4;
	v8 =	vbroadcast v1, $0xC  }
0x198: {  	[tilespmem:$0x6C30] =	vst v3;
	v3 =	vmul.f32 v10, v4;
	v4 =	vld [tilespmem:$0x6CA0]  }
0x199: {  	[tilespmem:$0x6C40] =	vst v2;
	v2 =	vmul.f32 v5, v8;
	v5 =	vld [tilespmem:$0x6CB0]  }
0x19a: {  	[tilespmem:$0x6C50] =	vst v3;
	v3 =	vmul.f32 v6, v8;
	v6 =	vld [tilespmem:$0x6CC0]  }
0x19b: {  	v10 =	vld [tilespmem:$0x6CD0];
	[tilespmem:$0x6C60] =	vst v2;
	v2 =	vmul.f32 v7, v8;
	v7 =	vbroadcast v1, $0xD  }
0x19c: {  	[tilespmem:$0x6C70] =	vst v3;
	v3 =	vmul.f32 v9, v8;
	v8 =	vld [tilespmem:$0x6CE0]  }
0x19d: {  	[tilespmem:$0x6C80] =	vst v2;
	v2 =	vmul.f32 v4, v7;
	v4 =	vld [tilespmem:$0x6CF0]  }
0x19e: {  	[tilespmem:$0x6C90] =	vst v3;
	v3 =	vmul.f32 v5, v7;
	v5 =	vld [tilespmem:$0x6D00]  }
0x19f: {  	v9 =	vld [tilespmem:$0x6D10];
	[tilespmem:$0x6CA0] =	vst v2;
	v2 =	vmul.f32 v6, v7;
	v6 =	vbroadcast v1, $0xE  }
0x1a0: {  	[tilespmem:$0x6CB0] =	vst v3;
	v3 =	vmul.f32 v10, v7;
	v7 =	vld [tilespmem:$0x6D20]  }
0x1a1: {  	[tilespmem:$0x6CC0] =	vst v2;
	v2 =	vmul.f32 v8, v6;
	v8 =	vld [tilespmem:$0x6D30]  }
0x1a2: {  	[tilespmem:$0x6CD0] =	vst v3;
	v3 =	vmul.f32 v4, v6;
	v4 =	vld [tilespmem:$0x6D40]  }
0x1a3: {  	v1 =	vbroadcast v1, $0xF;
	[tilespmem:$0x6CE0] =	vst v2;
	v2 =	vmul.f32 v5, v6;
	v5 =	vld [tilespmem:$0x6D50]  }
0x1a4: {  	[tilespmem:$0x6CF0] =	vst v3;
	v3 =	vmul.f32 v9, v6  }
0x1a5: {  	[tilespmem:$0x6D00] =	vst v2;
	v2 =	vmul.f32 v7, v1  }
0x1a6: {  	[tilespmem:$0x6D10] =	vst v3;
	v3 =	vmul.f32 v8, v1  }
0x1a7: {  	[tilespmem:$0x6D20] =	vst v2;
	v2 =	vmul.f32 v4, v1  }
0x1a8: {  	[tilespmem:$0x6D30] =	vst v3;
	v1 =	vmul.f32 v5, v1  }
0x1a9: {  	[tilespmem:$0x6D40] =	vst v2  }
0x1aa: {  	s15 =	simm.s32 @p1 $0x2;
	[tilespmem:$0x6D50] =	vst v1  }
0x1ab: {  	[spmem:s2] =	stream.indirect.scatter.add.f32 [tilespmem:s28], [sflag:$0x3], $0x40, s26, s26, $0xb8;
	[tilespmem:$0x1ADB0] =	vst v63  }
0x1ac: {  	_ =	swait.ge @p1 [sflag:s15], $0x6400  }
0x1ad: {  	[sflag:s15] =	ssyncset.done @p1 $0x0  }
0x1ae: {  	[sflag:s15] =	ssyncadd.s32 @p1 $0xFFFF9C00;
	s15 =	simm.s32 @p1 $0x3  }
0x1af: {  	_ =	swait.ge @p1 [sflag:s15], $0x6400  }
0x1b0: {  	[sflag:s15] =	ssyncset.done @p1 $0x0  }
0x1b1: {  	s16 =	simm.s32 @!p1 $0xD160;
	[sflag:s15] =	ssyncadd.s32 @p1 $0xFFFF9C00;
	s15 =	simm.s32 @!p1 $0x190  }
0x1b2: {  	[spmem:s3] =	stream.indirect.scatter.add.f32 @!p1 [tilespmem:s16], [sflag:$0x5], $0x10, s15, s15, $0xb8;
	[tilespmem:$0x1ADB0] =	vst v63  }
0x1b3: {  	s15 =	simm.s32 @!p1 $0x2  }
0x1b4: {  	_ =	swait.ge @!p1 [sflag:s15], $0x6400  }
0x1b5: {  	[sflag:s15] =	ssyncset.done @!p1 $0x0  }
0x1b6: {  	[sflag:s15] =	ssyncadd.s32 @!p1 $0xFFFF9C00;
	s15 =	simm.s32 @!p1 $0x3  }
0x1b7: {  	_ =	swait.ge @!p1 [sflag:s15], $0x6400  }
0x1b8: {  	[sflag:s15] =	ssyncset.done @!p1 $0x0  }
0x1b9: {  	p3 =	seq.s32 s13, $0x18;
	[sflag:s15] =	ssyncadd.s32 @!p1 $0xFFFF9C00;
	s15 =	simm.s32 @!p1 $0x5  }
0x1ba: {  	s14 =	sadd.s32 @!p3 s14, s18;
	_ =	swait.ge @!p1 [sflag:s15], $0x1900  }
0x1bb: {  	s14 =	sshrl.u32 @!p3 s14, $0x3;
	[sflag:s15] =	ssyncset.done @!p1 $0x0  }
0x1bc: {  	s14 =	sadd.s32 @!p3 s5, s14;
	[sflag:s15] =	ssyncadd.s32 @!p1 $0xFFFFE700;
	s15 =	simm.s32 @!p3 $0x0  }
0x1bd: {  	[tilespmem:s15], [sflag:$0x7] =	stream.linear.gather @!p3 [hbm4b:s14+s15], $0x4B0, $0x38;
	[tilespmem:$0x1ADB0] =	vst v63  }
0x1be: {  	s14 =	simm.s32 @!p3 $0x7  }
0x1bf: {  	_ =	swait.ge @!p3 [sflag:s14], $0x4B0  }
0x1c0: {  	s21 =	simm.s32 $0x0;
	[sflag:s14] =	ssyncset.done @!p3 $0x0  }
0x1c1: {  	s16 =	simm.s32 @!p3 $0x960;
	[sflag:s14] =	ssyncadd.s32 @!p3 $0xFFFFFB50;
	s14 =	simm.s32 @!p3 $0x190  }
0x1c2: {  	[tilespmem:s16], [sflag:$0x1] =	stream.indirect.gather @!p3 [hbm4b:s24+s14], $0x40, s15, s14, $0xb8;
	[tilespmem:$0x1ADB0] =	vst v63  }
0x1c3: {  	s14 =	sand.u32 $0x3FFFFC00, s21  }
0x1c4: {  	v1 =	vld [tilespmem:s14+$0x6D60]  }
0x1c5: {  	v3 =	vld [tilespmem:s14+$0x6D70]  }
0x1c6: {  	v4 =	vld [tilespmem:s14+$0x6D80]  }
0x1c7: {  	v5 =	vld [tilespmem:s14+$0x6D90]  }
0x1c8: {  	v6 =	vld [tilespmem:s14+$0x6DA0]  }
0x1c9: {  	v7 =	vld [tilespmem:s14+$0x6DB0]  }
0x1ca: {  	v8 =	vld [tilespmem:s14+$0x6DC0]  }
0x1cb: {  	v9 =	vld [tilespmem:s14+$0x6DD0]  }
0x1cc: {  	v10 =	vld [tilespmem:s14+$0x6DE0]  }
0x1cd: {  	v11 =	vld [tilespmem:s14+$0x6DF0]  }
0x1ce: {  	v12 =	vld [tilespmem:s14+$0x6E00]  }
0x1cf: {  	s16 =	simm.s32 $0x0;
	v13 =	vld [tilespmem:s14+$0x6E10]  }
0x1d0: {  	s20 =	sand.u32 $0x3FFFFFF0, s16;
	v14 =	vld [tilespmem:s14+$0x6E20]  }
0x1d1: {  	v2 =	vld [tilespmem:s20+$0x7D0]  }
0x1d2: {  	v15 =	vld [tilespmem:s14+$0x6E30]  }
0x1d3: {  	v16 =	vld [tilespmem:s14+$0x6E40]  }
0x1d4: {  	v17 =	vld [tilespmem:s14+$0x6E50]  }
0x1d5: {  	v19 =	vld [tilespmem:s14+$0x6E60]  }
0x1d6: {  	v20 =	vld [tilespmem:s14+$0x6E70];
	v18 =	vbroadcast v2, $0x0  }
0x1d7: {  	v24 =	vld [tilespmem:s14+$0x6ED0]  }
0x1d8: {  	v21 =	vld [tilespmem:s14+$0x6E80];
	v1 =	vmul.f32 v18, v1  }
0x1d9: {  	v22 =	vld [tilespmem:s14+$0x6E90];
	v27 =	vbroadcast v2, $0x5;
	v3 =	vmul.f32 v3, v18  }
0x1da: {  	v4 =	vmul.f32 v4, v18;
	v5 =	vmul.f32 v5, v18;
	v18 =	vld [tilespmem:s14+$0x6EC0];
	[tilespmem:s14+$0x6D60] =	vst v1  }
0x1db: {  	v23 =	vld [tilespmem:s14+$0x6EB0];
	[tilespmem:s14+$0x6D70] =	vst v3;
	v3 =	vbroadcast v2, $0x1  }
0x1dc: {  	v25 =	vld [tilespmem:s14+$0x6EE0];
	v24 =	vmul.f32 v24, v27;
	[tilespmem:s14+$0x6D80] =	vst v4  }
0x1dd: {  	v26 =	vld [tilespmem:s14+$0x6EF0];
	[tilespmem:s14+$0x6D90] =	vst v5;
	v4 =	vmul.f32 v6, v3  }
0x1de: {  	v28 =	vld [tilespmem:s14+$0x7190];
	[tilespmem:s14+$0x6ED0] =	vst v24;
	v5 =	vmul.f32 v7, v3  }
0x1df: {  	v7 =	vld [tilespmem:s14+$0x6FC0];
	v18 =	vmul.f32 v18, v27;
	[tilespmem:s14+$0x6DA0] =	vst v4  }
0x1e0: {  	v29 =	vld [tilespmem:s14+$0x71A0];
	v4 =	vmul.f32 v8, v3;
	[tilespmem:s14+$0x6DB0] =	vst v5;
	v5 =	vbroadcast v2, $0x2  }
0x1e1: {  	v30 =	vld [tilespmem:s14+$0x71B0];
	v3 =	vmul.f32 v9, v3;
	[tilespmem:s14+$0x6EC0] =	vst v18  }
0x1e2: {  	v53 =	vbroadcast v2, $0x9;
	v9 =	vld [tilespmem:s14+$0x6F00];
	[tilespmem:s14+$0x6DC0] =	vst v4;
	v4 =	vmul.f32 v10, v5  }
0x1e3: {  	v8 =	vld [tilespmem:s14+$0x6FB0];
	[tilespmem:s14+$0x6DD0] =	vst v3;
	v3 =	vmul.f32 v11, v5  }
0x1e4: {  	v31 =	vld [tilespmem:s14+$0x71C0];
	v7 =	vmul.f32 v7, v53;
	[tilespmem:s14+$0x6DE0] =	vst v4  }
0x1e5: {  	v32 =	vld [tilespmem:s14+$0x71D0];
	v45 =	vbroadcast v2, $0x6;
	v4 =	vmul.f32 v12, v5;
	[tilespmem:s14+$0x6DF0] =	vst v3  }
0x1e6: {  	v10 =	vld [tilespmem:s14+$0x6F10];
	v5 =	vmul.f32 v13, v5;
	[tilespmem:s14+$0x6FC0] =	vst v7  }
0x1e7: {  	v11 =	vld [tilespmem:s14+$0x6F20];
	v3 =	vbroadcast v2, $0x3;
	v9 =	vmul.f32 v9, v45;
	[tilespmem:s14+$0x6E00] =	vst v4  }
0x1e8: {  	v33 =	vld [tilespmem:s14+$0x71E0];
	v8 =	vmul.f32 v8, v53;
	[tilespmem:s14+$0x6E10] =	vst v5  }
0x1e9: {  	v34 =	vld [tilespmem:s14+$0x71F0];
	v4 =	vmul.f32 v14, v3;
	[tilespmem:s14+$0x6F00] =	vst v9  }
0x1ea: {  	v62 =	vbroadcast v2, $0x7;
	v12 =	vld [tilespmem:s14+$0x6F30];
	v5 =	vmul.f32 v15, v3;
	[tilespmem:s14+$0x6FB0] =	vst v8  }
0x1eb: {  	v13 =	vld [tilespmem:s14+$0x6F40];
	v10 =	vmul.f32 v10, v45;
	[tilespmem:s14+$0x6E20] =	vst v4  }
0x1ec: {  	v35 =	vld [tilespmem:s14+$0x7200];
	v11 =	vmul.f32 v11, v62;
	[tilespmem:s14+$0x6E30] =	vst v5  }
0x1ed: {  	v36 =	vld [tilespmem:s14+$0x7210];
	v4 =	vmul.f32 v16, v3;
	[tilespmem:s14+$0x6F10] =	vst v10  }
0x1ee: {  	v14 =	vld [tilespmem:s14+$0x6F50];
	v3 =	vmul.f32 v17, v3;
	[tilespmem:s14+$0x6F20] =	vst v11  }
0x1ef: {  	v15 =	vld [tilespmem:s14+$0x6F60];
	v5 =	vbroadcast v2, $0x4;
	v12 =	vmul.f32 v12, v62;
	[tilespmem:s14+$0x6E40] =	vst v4  }
0x1f0: {  	v37 =	vld [tilespmem:s14+$0x7220];
	v13 =	vmul.f32 v13, v62;
	[tilespmem:s14+$0x6E50] =	vst v3  }
0x1f1: {  	v38 =	vld [tilespmem:s14+$0x7230];
	v4 =	vmul.f32 v19, v5;
	[tilespmem:s14+$0x6F30] =	vst v12  }
0x1f2: {  	v48 =	vbroadcast v2, $0x8;
	v1 =	vld [tilespmem:s14+$0x6EA0];
	v6 =	vmul.f32 v20, v5;
	[tilespmem:s14+$0x6F40] =	vst v13  }
0x1f3: {  	v16 =	vld [tilespmem:s14+$0x6F70];
	v14 =	vmul.f32 v14, v62;
	[tilespmem:s14+$0x6E60] =	vst v4  }
0x1f4: {  	v17 =	vld [tilespmem:s14+$0x6F80];
	v15 =	vmul.f32 v15, v48;
	[tilespmem:s14+$0x6E70] =	vst v6  }
0x1f5: {  	v19 =	vld [tilespmem:s14+$0x6F90];
	v4 =	vmul.f32 v21, v5;
	[tilespmem:s14+$0x6F50] =	vst v14  }
0x1f6: {  	v3 =	vld [tilespmem:s20+$0x7E0];
	v5 =	vmul.f32 v22, v5;
	[tilespmem:s14+$0x6F60] =	vst v15  }
0x1f7: {  	v20 =	vld [tilespmem:s14+$0x6FA0];
	v22 =	vmul.f32 v23, v27;
	[tilespmem:s14+$0x6E80] =	vst v4  }
0x1f8: {  	v21 =	vld [tilespmem:s14+$0x7550];
	v16 =	vmul.f32 v16, v48;
	[tilespmem:s14+$0x6E90] =	vst v5  }
0x1f9: {  	v23 =	vld [tilespmem:s14+$0x7180];
	v17 =	vmul.f32 v17, v48;
	[tilespmem:s14+$0x6EB0] =	vst v22  }
0x1fa: {  	v39 =	vld [tilespmem:s14+$0x7240];
	v4 =	vmul.f32 v1, v27;
	[tilespmem:s14+$0x6F70] =	vst v16  }
0x1fb: {  	v40 =	vld [tilespmem:s14+$0x7250];
	v1 =	vbroadcast v3, $0xF;
	v19 =	vmul.f32 v19, v48;
	[tilespmem:s14+$0x6F80] =	vst v17  }
0x1fc: {  	v42 =	vld [tilespmem:s14+$0x7260];
	v41 =	vbroadcast v3, $0x0;
	v20 =	vmul.f32 v20, v53;
	[tilespmem:s14+$0x6EA0] =	vst v4  }
0x1fd: {  	v43 =	vld [tilespmem:s14+$0x7270];
	v4 =	vmul.f32 v21, v1;
	[tilespmem:s14+$0x6F90] =	vst v19  }
0x1fe: {  	v44 =	vld [tilespmem:s14+$0x7280];
	v61 =	vbroadcast v3, $0x1;
	v23 =	vmul.f32 v23, v41;
	[tilespmem:s14+$0x6FA0] =	vst v20  }
0x1ff: {  	v46 =	vld [tilespmem:s14+$0x7020];
	v28 =	vmul.f32 v28, v41;
	[tilespmem:s14+$0x7550] =	vst v4  }
0x200: {  	v24 =	vld [tilespmem:s14+$0x72A0];
	v29 =	vmul.f32 v29, v61;
	[tilespmem:s14+$0x7180] =	vst v23  }
0x201: {  	v18 =	vld [tilespmem:s14+$0x7290];
	v63 =	vbroadcast v3, $0x2;
	v30 =	vmul.f32 v30, v61;
	[tilespmem:s14+$0x7190] =	vst v28  }
0x202: {  	v7 =	vld [tilespmem:s14+$0x7390];
	v31 =	vmul.f32 v31, v61;
	[tilespmem:s14+$0x71A0] =	vst v29  }
0x203: {  	v9 =	vld [tilespmem:s14+$0x72D0];
	v47 =	vmul.f32 v33, v63;
	[tilespmem:s14+$0x71B0] =	vst v30  }
0x204: {  	v8 =	vld [tilespmem:s14+$0x7380];
	v51 =	vbroadcast v3, $0x3;
	v49 =	vmul.f32 v34, v63;
	[tilespmem:s14+$0x71C0] =	vst v31  }
0x205: {  	v10 =	vld [tilespmem:s14+$0x72E0];
	v50 =	vmul.f32 v35, v63;
	[tilespmem:s14+$0x71E0] =	vst v47  }
0x206: {  	v6 =	vld [tilespmem:s14+$0x6FD0];
	v52 =	vmul.f32 v37, v51;
	[tilespmem:s14+$0x71F0] =	vst v49  }
0x207: {  	v11 =	vld [tilespmem:s14+$0x72F0];
	v54 =	vmul.f32 v38, v51;
	[tilespmem:s14+$0x7200] =	vst v50  }
0x208: {  	v12 =	vld [tilespmem:s14+$0x7300];
	v56 =	vbroadcast v3, $0x4;
	v55 =	vmul.f32 v39, v51;
	[tilespmem:s14+$0x7220] =	vst v52  }
0x209: {  	v13 =	vld [tilespmem:s14+$0x7310];
	v33 =	vmul.f32 v40, v51;
	[tilespmem:s14+$0x7230] =	vst v54  }
0x20a: {  	v22 =	vld [tilespmem:s14+$0x7170];
	v57 =	vmul.f32 v42, v56;
	[tilespmem:s14+$0x7240] =	vst v55  }
0x20b: {  	v62 =	vld [tilespmem:s14+$0x7120];
	v6 =	vmul.f32 v6, v53;
	[tilespmem:s14+$0x7250] =	vst v33  }
0x20c: {  	v5 =	vld [tilespmem:s14+$0x6FE0];
	v59 =	vmul.f32 v43, v56;
	[tilespmem:s14+$0x7260] =	vst v57  }
0x20d: {  	v27 =	vld [tilespmem:s14+$0x7000];
	v60 =	vmul.f32 v44, v56;
	[tilespmem:s14+$0x6FD0] =	vst v6  }
0x20e: {  	v14 =	vld [tilespmem:s14+$0x7320];
	v18 =	vmul.f32 v18, v56;
	[tilespmem:s14+$0x7270] =	vst v59  }
0x20f: {  	v58 =	vbroadcast v2, $0xA;
	v15 =	vld [tilespmem:s14+$0x7330];
	v22 =	vmul.f32 v22, v41;
	[tilespmem:s14+$0x7280] =	vst v60  }
0x210: {  	v16 =	vld [tilespmem:s14+$0x7340];
	v30 =	vmul.f32 v36, v63;
	[tilespmem:s14+$0x7290] =	vst v18  }
0x211: {  	v17 =	vld [tilespmem:s14+$0x7350];
	v5 =	vmul.f32 v5, v58;
	[tilespmem:s14+$0x7170] =	vst v22  }
0x212: {  	v48 =	vld [tilespmem:s14+$0x7140];
	v27 =	vmul.f32 v27, v58;
	[tilespmem:s14+$0x7210] =	vst v30  }
0x213: {  	v21 =	vld [tilespmem:s14+$0x7160];
	v18 =	vbroadcast v2, $0xB;
	v22 =	vmul.f32 v26, v45;
	[tilespmem:s14+$0x6FE0] =	vst v5  }
0x214: {  	v35 =	vld [tilespmem:s14+$0x70A0];
	v52 =	vbroadcast v3, $0x6;
	v26 =	vmul.f32 v32, v61;
	[tilespmem:s14+$0x7000] =	vst v27  }
0x215: {  	v34 =	vld [tilespmem:s14+$0x70B0];
	v49 =	vmul.f32 v46, v18;
	[tilespmem:s14+$0x6EF0] =	vst v22  }
0x216: {  	v19 =	vld [tilespmem:s14+$0x7360];
	v10 =	vmul.f32 v10, v52;
	[tilespmem:s14+$0x71D0] =	vst v26  }
0x217: {  	v4 =	vld [tilespmem:s14+$0x6FF0];
	v11 =	vmul.f32 v11, v52;
	[tilespmem:s14+$0x7020] =	vst v49  }
0x218: {  	v23 =	vld [tilespmem:s14+$0x7030];
	v12 =	vmul.f32 v12, v52;
	[tilespmem:s14+$0x72E0] =	vst v10  }
0x219: {  	v31 =	vld [tilespmem:s14+$0x7070];
	v61 =	vbroadcast v3, $0x5;
	v13 =	vmul.f32 v13, v52;
	[tilespmem:s14+$0x72F0] =	vst v11  }
0x21a: {  	v28 =	vld [tilespmem:s14+$0x7080];
	v21 =	vmul.f32 v41, v21;
	[tilespmem:s14+$0x7300] =	vst v12  }
0x21b: {  	v41 =	vld [tilespmem:s14+$0x7040];
	v9 =	vmul.f32 v9, v61;
	[tilespmem:s14+$0x7310] =	vst v13  }
0x21c: {  	v22 =	vld [tilespmem:s14+$0x72C0];
	[tilespmem:s14+$0x7160] =	vst v21;
	v21 =	vmul.f32 v25, v45  }
0x21d: {  	v24 =	vmul.f32 v24, v61;
	v25 =	vld [tilespmem:s14+$0x7010];
	[tilespmem:s14+$0x72D0] =	vst v9;
	v9 =	vbroadcast v2, $0xC  }
0x21e: {  	v4 =	vmul.f32 v4, v58;
	[tilespmem:s14+$0x6EE0] =	vst v21;
	v21 =	vld [tilespmem:s14+$0x72B0]  }
0x21f: {  	v45 =	vld [tilespmem:s14+$0x7060];
	[tilespmem:s14+$0x72A0] =	vst v24;
	v11 =	vmul.f32 v31, v9  }
0x220: {  	v29 =	vld [tilespmem:s14+$0x7050];
	[tilespmem:s14+$0x6FF0] =	vst v4;
	v12 =	vmul.f32 v28, v9  }
0x221: {  	v32 =	vld [tilespmem:s14+$0x7090];
	v22 =	vmul.f32 v22, v61;
	[tilespmem:s14+$0x7070] =	vst v11  }
0x222: {  	v20 =	vld [tilespmem:s14+$0x7370];
	v25 =	vmul.f32 v25, v58;
	[tilespmem:s14+$0x7080] =	vst v12  }
0x223: {  	v39 =	vld [tilespmem:s14+$0x70E0];
	[tilespmem:s14+$0x72C0] =	vst v22;
	v21 =	vmul.f32 v21, v61  }
0x224: {  	v38 =	vld [tilespmem:s14+$0x70F0];
	v10 =	vmul.f32 v45, v9;
	v22 =	vmul.f32 v41, v18;
	[tilespmem:s14+$0x7010] =	vst v25  }
0x225: {  	v40 =	vld [tilespmem:s14+$0x7110];
	[tilespmem:s14+$0x72B0] =	vst v21;
	v21 =	vmul.f32 v23, v18;
	v18 =	vmul.f32 v29, v18  }
0x226: {  	v51 =	vld [tilespmem:s14+$0x7150];
	v9 =	vmul.f32 v32, v9;
	[tilespmem:s14+$0x7060] =	vst v10  }
0x227: {  	v53 =	vld [tilespmem:s14+$0x7420];
	[tilespmem:s14+$0x7050] =	vst v18;
	v18 =	vbroadcast v3, $0x7  }
0x228: {  	v26 =	vld [tilespmem:s14+$0x70C0];
	[tilespmem:s14+$0x7090] =	vst v9  }
0x229: {  	v56 =	vld [tilespmem:s14+$0x7490];
	[tilespmem:s14+$0x7040] =	vst v22;
	v14 =	vmul.f32 v14, v18  }
0x22a: {  	v36 =	vld [tilespmem:s14+$0x70D0];
	[tilespmem:s14+$0x7030] =	vst v21;
	v15 =	vmul.f32 v15, v18  }
0x22b: {  	v6 =	vld [tilespmem:s14+$0x73A0];
	v13 =	vbroadcast v2, $0xD;
	v9 =	vmul.f32 v16, v18;
	[tilespmem:s14+$0x7320] =	vst v14  }
0x22c: {  	v63 =	vld [tilespmem:s14+$0x7130];
	v17 =	vmul.f32 v17, v18;
	[tilespmem:s14+$0x7330] =	vst v15  }
0x22d: {  	v47 =	vld [tilespmem:s14+$0x73D0];
	v18 =	vmul.f32 v26, v13;
	[tilespmem:s14+$0x7340] =	vst v9  }
0x22e: {  	v50 =	vld [tilespmem:s14+$0x73E0];
	v59 =	vbroadcast v3, $0xD;
	v14 =	vmul.f32 v35, v13;
	[tilespmem:s14+$0x7350] =	vst v17  }
0x22f: {  	v54 =	vld [tilespmem:s14+$0x7460];
	v16 =	vbroadcast v3, $0x8;
	v15 =	vmul.f32 v34, v13;
	[tilespmem:s14+$0x70C0] =	vst v18  }
0x230: {  	v55 =	vld [tilespmem:s14+$0x7480];
	v58 =	vbroadcast v3, $0xC;
	v13 =	vmul.f32 v36, v13;
	[tilespmem:s14+$0x70A0] =	vst v14  }
0x231: {  	v5 =	vld [tilespmem:s14+$0x73B0];
	v9 =	vbroadcast v2, $0xE;
	v18 =	vmul.f32 v20, v16;
	[tilespmem:s14+$0x70B0] =	vst v15  }
0x232: {  	v4 =	vld [tilespmem:s14+$0x73C0];
	v17 =	vbroadcast v3, $0x9;
	v8 =	vmul.f32 v8, v16;
	[tilespmem:s14+$0x70D0] =	vst v13  }
0x233: {  	v57 =	vld [tilespmem:s14+$0x74A0];
	v15 =	vbroadcast v2, $0xF;
	v2 =	vmul.f32 v19, v16;
	[tilespmem:s14+$0x7370] =	vst v18  }
0x234: {  	v21 =	vld [tilespmem:s14+$0x7400];
	v20 =	vbroadcast v3, $0xB;
	v13 =	vmul.f32 v38, v9;
	[tilespmem:s14+$0x7380] =	vst v8  }
0x235: {  	v11 =	vld [tilespmem:s14+$0x7440];
	v19 =	vbroadcast v3, $0xA;
	v6 =	vmul.f32 v6, v17;
	[tilespmem:s14+$0x7360] =	vst v2  }
0x236: {  	v60 =	vld [tilespmem:s14+$0x74B0];
	v8 =	vmul.f32 v40, v9;
	v5 =	vmul.f32 v5, v17;
	[tilespmem:s14+$0x70F0] =	vst v13  }
0x237: {  	v61 =	vld [tilespmem:s14+$0x74C0];
	v4 =	vmul.f32 v4, v17;
	v2 =	vmul.f32 v39, v9;
	[tilespmem:s14+$0x73A0] =	vst v6  }
0x238: {  	v30 =	vld [tilespmem:s14+$0x7100];
	v33 =	vmul.f32 v48, v15;
	[tilespmem:s14+$0x7110] =	vst v8;
	v6 =	vmul.f32 v47, v17  }
0x239: {  	v23 =	vld [tilespmem:s14+$0x73F0];
	v25 =	vmul.f32 v50, v19;
	[tilespmem:s14+$0x73B0] =	vst v5;
	v17 =	vmul.f32 v21, v19  }
0x23a: {  	v12 =	vld [tilespmem:s14+$0x7450];
	v8 =	vmul.f32 v53, v20;
	[tilespmem:s14+$0x73C0] =	vst v4;
	v13 =	vmul.f32 v11, v20  }
0x23b: {  	v22 =	vld [tilespmem:s14+$0x7410];
	v11 =	vmul.f32 v56, v58;
	v4 =	vmul.f32 v60, v59;
	[tilespmem:s14+$0x70E0] =	vst v2  }
0x23c: {  	v10 =	vld [tilespmem:s14+$0x7430];
	v5 =	vmul.f32 v61, v59;
	v2 =	vbroadcast v3, $0xE;
	[tilespmem:s14+$0x73D0] =	vst v6  }
0x23d: {  	v14 =	vld [tilespmem:s14+$0x7470];
	v3 =	vmul.f32 v7, v16;
	v7 =	vmul.f32 v30, v9;
	[tilespmem:s14+$0x7140] =	vst v33  }
0x23e: {  	v9 =	vmul.f32 v62, v15;
	v62 =	vld [tilespmem:s14+$0x74D0];
	v16 =	vmul.f32 v23, v19;
	[tilespmem:s14+$0x73E0] =	vst v25  }
0x23f: {  	v18 =	vld [tilespmem:s14+$0x74E0];
	v6 =	vmul.f32 v57, v59;
	[tilespmem:s14+$0x7390] =	vst v3;
	v3 =	vmul.f32 v63, v15  }
0x240: {  	[tilespmem:s14+$0x7100] =	vst v7;
	v63 =	vmul.f32 v51, v15;
	v7 =	vmul.f32 v22, v19;
	v19 =	vld [tilespmem:s14+$0x74F0]  }
0x241: {  	[tilespmem:s14+$0x7120] =	vst v9;
	v9 =	vmul.f32 v10, v20;
	v15 =	vmul.f32 v12, v20;
	v20 =	vld [tilespmem:s14+$0x7500]  }
0x242: {  	v21 =	vld [tilespmem:s14+$0x7510];
	v12 =	vmul.f32 v54, v58;
	v10 =	vmul.f32 v14, v58;
	[tilespmem:s14+$0x7130] =	vst v3  }
0x243: {  	s15 =	simm.s32 $0x2;
	v14 =	vmul.f32 v55, v58;
	v22 =	vld [tilespmem:s14+$0x7520];
	[tilespmem:s14+$0x7150] =	vst v63;
	v3 =	vmul.f32 v62, v59  }
.LBB2_7:
0x244: {  	s16 =	sshll.u32 s15, $0x4;
	p3 =	slt.u32 s15, $0x16;
	[tilespmem:s14+$0x73F0] =	vst v16;
	v26 =	vmul.f32 v18, v2;
	v16 =	vld [tilespmem:s14+$0x7530]  }
0x245: {  	s16 =	sand.u32 $0x3FFFFFF0, s16;
	[tilespmem:s14+$0x7400] =	vst v17;
	v27 =	vmul.f32 v19, v2;
	v17 =	vld [tilespmem:s14+$0x7540]  }
0x246: {  	s20 =	sshll.u32 s15, $0xA;
	v28 =	vld [tilespmem:s16+$0x7E0];
	[tilespmem:s14+$0x7410] =	vst v7;
	v7 =	vmul.f32 v20, v2  }
0x247: {  	v29 =	vld [tilespmem:s16+$0x7D0];
	s16 =	sand.u32 $0x3FFFFC00, s20;
	[tilespmem:s14+$0x7420] =	vst v8;
	v2 =	vmul.f32 v21, v2  }
0x248: {  	v8 =	vld [tilespmem:s16+$0x7550];
	[tilespmem:s14+$0x7430] =	vst v9;
	v30 =	vmul.f32 v22, v1  }
0x249: {  	v31 =	vld [tilespmem:s16+$0x6D60];
	[tilespmem:s14+$0x7440] =	vst v13;
	v32 =	vmul.f32 v16, v1  }
0x24a: {  	v33 =	vld [tilespmem:s16+$0x6D70];
	[tilespmem:s14+$0x7450] =	vst v15;
	v34 =	vmul.f32 v17, v1  }
0x24b: {  	v35 =	vld [tilespmem:s16+$0x6D80];
	v13 =	vbroadcast v28, $0x0;
	v1 =	vbroadcast v28, $0xF;
	[tilespmem:s14+$0x7460] =	vst v12  }
0x24c: {  	v36 =	vbroadcast v29, $0x0;
	v37 =	vld [tilespmem:s16+$0x6D90];
	v38 =	vbroadcast v29, $0x1;
	[tilespmem:s14+$0x7470] =	vst v10  }
0x24d: {  	v40 =	vbroadcast v29, $0x2;
	v39 =	vld [tilespmem:s16+$0x6DA0];
	v8 =	vmul.f32 v8, v1;
	[tilespmem:s14+$0x7480] =	vst v14  }
0x24e: {  	v42 =	vbroadcast v29, $0x3;
	v43 =	vbroadcast v29, $0x4;
	v41 =	vld [tilespmem:s16+$0x6DB0];
	[tilespmem:s14+$0x7490] =	vst v11  }
0x24f: {  	v45 =	vbroadcast v29, $0x5;
	v46 =	vbroadcast v29, $0x6;
	v44 =	vld [tilespmem:s16+$0x6DC0];
	[tilespmem:s16+$0x7550] =	vst v8  }
0x250: {  	v25 =	vbroadcast v29, $0x7;
	v24 =	vbroadcast v29, $0x8;
	v47 =	vld [tilespmem:s16+$0x6DD0];
	[tilespmem:s14+$0x74A0] =	vst v6  }
0x251: {  	v23 =	vbroadcast v29, $0x9;
	v22 =	vbroadcast v29, $0xA;
	v48 =	vld [tilespmem:s16+$0x6DE0];
	[tilespmem:s14+$0x74B0] =	vst v4  }
0x252: {  	v21 =	vbroadcast v29, $0xB;
	v20 =	vbroadcast v29, $0xC;
	v49 =	vld [tilespmem:s16+$0x6DF0];
	[tilespmem:s14+$0x74C0] =	vst v5  }
0x253: {  	v19 =	vbroadcast v29, $0xD;
	v18 =	vbroadcast v29, $0xE;
	v50 =	vld [tilespmem:s16+$0x6E00];
	[tilespmem:s14+$0x74D0] =	vst v3  }
0x254: {  	v16 =	vbroadcast v28, $0x1;
	v17 =	vbroadcast v29, $0xF;
	v51 =	vld [tilespmem:s16+$0x6E10];
	[tilespmem:s14+$0x74E0] =	vst v26  }
0x255: {  	v15 =	vbroadcast v28, $0x2;
	v14 =	vbroadcast v28, $0x3;
	v26 =	vld [tilespmem:s16+$0x6E20];
	[tilespmem:s14+$0x74F0] =	vst v27  }
0x256: {  	v12 =	vbroadcast v28, $0x4;
	v11 =	vbroadcast v28, $0x5;
	v27 =	vld [tilespmem:s16+$0x6E30];
	[tilespmem:s14+$0x7500] =	vst v7  }
0x257: {  	v9 =	vbroadcast v28, $0x7;
	v10 =	vbroadcast v28, $0x6;
	v29 =	vld [tilespmem:s16+$0x6E40];
	[tilespmem:s14+$0x7510] =	vst v2  }
0x258: {  	v8 =	vbroadcast v28, $0x8;
	v7 =	vbroadcast v28, $0x9;
	v52 =	vld [tilespmem:s16+$0x6E50];
	[tilespmem:s14+$0x7520] =	vst v30  }
0x259: {  	v6 =	vbroadcast v28, $0xA;
	v5 =	vbroadcast v28, $0xB;
	v30 =	vld [tilespmem:s16+$0x6E60];
	[tilespmem:s14+$0x7530] =	vst v32  }
0x25a: {  	v4 =	vbroadcast v28, $0xC;
	v3 =	vbroadcast v28, $0xD;
	v32 =	vld [tilespmem:s16+$0x6E70];
	[tilespmem:s14+$0x7540] =	vst v34;
	s14 =	smov.u32 s16  }
0x25b: {  	v31 =	vmul.f32 v36, v31;
	v2 =	vbroadcast v28, $0xE;
	v34 =	vld [tilespmem:s14+$0x6E80]  }
0x25c: {  	v28 =	vmul.f32 v33, v36;
	v33 =	vmul.f32 v35, v36;
	v35 =	vld [tilespmem:s14+$0x6E90]  }
0x25d: {  	[tilespmem:s14+$0x6D60] =	vst v31;
	v31 =	vmul.f32 v37, v36;
	v36 =	vmul.f32 v39, v38;
	v37 =	vld [tilespmem:s14+$0x6EA0]  }
0x25e: {  	v39 =	vmul.f32 v44, v38;
	[tilespmem:s14+$0x6D70] =	vst v28;
	v28 =	vmul.f32 v41, v38;
	v41 =	vld [tilespmem:s14+$0x6EB0]  }
0x25f: {  	[tilespmem:s14+$0x6D80] =	vst v33;
	v33 =	vmul.f32 v47, v38;
	v38 =	vmul.f32 v48, v40;
	v44 =	vld [tilespmem:s14+$0x6EC0]  }
0x260: {  	v47 =	vmul.f32 v50, v40;
	[tilespmem:s14+$0x6D90] =	vst v31;
	v31 =	vmul.f32 v49, v40;
	v48 =	vld [tilespmem:s14+$0x6ED0]  }
0x261: {  	v26 =	vmul.f32 v26, v42;
	[tilespmem:s14+$0x6DA0] =	vst v36;
	v36 =	vmul.f32 v51, v40;
	v40 =	vld [tilespmem:s14+$0x6EE0]  }
0x262: {  	v27 =	vmul.f32 v27, v42;
	[tilespmem:s14+$0x6DB0] =	vst v28;
	v28 =	vmul.f32 v29, v42;
	v29 =	vld [tilespmem:s14+$0x6EF0]  }
0x263: {  	v30 =	vmul.f32 v30, v43;
	[tilespmem:s14+$0x6DC0] =	vst v39;
	v39 =	vmul.f32 v52, v42;
	v42 =	vld [tilespmem:s14+$0x6F00]  }
0x264: {  	v32 =	vmul.f32 v32, v43;
	[tilespmem:s14+$0x6DD0] =	vst v33;
	v33 =	vmul.f32 v34, v43;
	v34 =	vld [tilespmem:s14+$0x6F10]  }
0x265: {  	v35 =	vmul.f32 v35, v43;
	v37 =	vmul.f32 v37, v45;
	[tilespmem:s14+$0x6DE0] =	vst v38;
	v38 =	vld [tilespmem:s14+$0x6F20]  }
0x266: {  	[tilespmem:s14+$0x6DF0] =	vst v31;
	v31 =	vmul.f32 v41, v45;
	v41 =	vmul.f32 v44, v45;
	v43 =	vld [tilespmem:s14+$0x6F30]  }
0x267: {  	v44 =	vmul.f32 v48, v45;
	v40 =	vmul.f32 v40, v46;
	[tilespmem:s14+$0x6E00] =	vst v47;
	v45 =	vld [tilespmem:s14+$0x6F40]  }
0x268: {  	v29 =	vmul.f32 v29, v46;
	[tilespmem:s14+$0x6E10] =	vst v36;
	v36 =	vmul.f32 v42, v46;
	v42 =	vld [tilespmem:s14+$0x6F50]  }
0x269: {  	[tilespmem:s14+$0x6E20] =	vst v26;
	v26 =	vmul.f32 v34, v46;
	v34 =	vld [tilespmem:s14+$0x6F60]  }
0x26a: {  	[tilespmem:s14+$0x6E30] =	vst v27;
	v27 =	vmul.f32 v38, v25;
	v38 =	vld [tilespmem:s14+$0x6F70]  }
0x26b: {  	[tilespmem:s14+$0x6E40] =	vst v28;
	v28 =	vmul.f32 v43, v25;
	v43 =	vld [tilespmem:s14+$0x6F80]  }
0x26c: {  	[tilespmem:s14+$0x6E50] =	vst v39;
	v39 =	vmul.f32 v45, v25;
	v45 =	vld [tilespmem:s14+$0x6F90]  }
0x26d: {  	[tilespmem:s14+$0x6E60] =	vst v30;
	v25 =	vmul.f32 v42, v25;
	v30 =	vld [tilespmem:s14+$0x6FA0]  }
0x26e: {  	[tilespmem:s14+$0x6E70] =	vst v32;
	v32 =	vmul.f32 v34, v24;
	v34 =	vld [tilespmem:s14+$0x6FB0]  }
0x26f: {  	[tilespmem:s14+$0x6E80] =	vst v33;
	v33 =	vmul.f32 v38, v24;
	v38 =	vld [tilespmem:s14+$0x6FC0]  }
0x270: {  	[tilespmem:s14+$0x6E90] =	vst v35;
	v35 =	vmul.f32 v43, v24;
	v42 =	vld [tilespmem:s14+$0x6FD0]  }
0x271: {  	[tilespmem:s14+$0x6EA0] =	vst v37;
	v24 =	vmul.f32 v45, v24;
	v37 =	vld [tilespmem:s14+$0x6FE0]  }
0x272: {  	[tilespmem:s14+$0x6EB0] =	vst v31;
	v30 =	vmul.f32 v30, v23;
	v31 =	vld [tilespmem:s14+$0x6FF0]  }
0x273: {  	[tilespmem:s14+$0x6EC0] =	vst v41;
	v34 =	vmul.f32 v34, v23;
	v41 =	vld [tilespmem:s14+$0x7000]  }
0x274: {  	[tilespmem:s14+$0x6ED0] =	vst v44;
	v38 =	vmul.f32 v38, v23;
	v43 =	vld [tilespmem:s14+$0x7010]  }
0x275: {  	[tilespmem:s14+$0x6EE0] =	vst v40;
	v23 =	vmul.f32 v42, v23;
	v40 =	vld [tilespmem:s14+$0x7020]  }
0x276: {  	[tilespmem:s14+$0x6EF0] =	vst v29;
	v29 =	vmul.f32 v37, v22;
	v37 =	vld [tilespmem:s14+$0x7030]  }
0x277: {  	[tilespmem:s14+$0x6F00] =	vst v36;
	v31 =	vmul.f32 v31, v22;
	v36 =	vld [tilespmem:s14+$0x7040]  }
0x278: {  	[tilespmem:s14+$0x6F10] =	vst v26;
	v26 =	vmul.f32 v41, v22;
	v41 =	vld [tilespmem:s14+$0x7050]  }
0x279: {  	[tilespmem:s14+$0x6F20] =	vst v27;
	v22 =	vmul.f32 v43, v22;
	v27 =	vld [tilespmem:s14+$0x7060]  }
0x27a: {  	[tilespmem:s14+$0x6F30] =	vst v28;
	v28 =	vmul.f32 v40, v21;
	v40 =	vld [tilespmem:s14+$0x7070]  }
0x27b: {  	[tilespmem:s14+$0x6F40] =	vst v39;
	v37 =	vmul.f32 v37, v21;
	v39 =	vld [tilespmem:s14+$0x7080]  }
0x27c: {  	[tilespmem:s14+$0x6F50] =	vst v25;
	v25 =	vmul.f32 v36, v21;
	v36 =	vld [tilespmem:s14+$0x7090]  }
0x27d: {  	[tilespmem:s14+$0x6F60] =	vst v32;
	v21 =	vmul.f32 v41, v21;
	v32 =	vld [tilespmem:s14+$0x70A0]  }
0x27e: {  	[tilespmem:s14+$0x6F70] =	vst v33;
	v27 =	vmul.f32 v27, v20;
	v33 =	vld [tilespmem:s14+$0x70B0]  }
0x27f: {  	[tilespmem:s14+$0x6F80] =	vst v35;
	v35 =	vmul.f32 v40, v20;
	v40 =	vld [tilespmem:s14+$0x70C0]  }
0x280: {  	[tilespmem:s14+$0x6F90] =	vst v24;
	v24 =	vmul.f32 v39, v20;
	v39 =	vld [tilespmem:s14+$0x70D0]  }
0x281: {  	[tilespmem:s14+$0x6FA0] =	vst v30;
	v20 =	vmul.f32 v36, v20;
	v30 =	vld [tilespmem:s14+$0x70E0]  }
0x282: {  	[tilespmem:s14+$0x6FB0] =	vst v34;
	v32 =	vmul.f32 v32, v19;
	v34 =	vld [tilespmem:s14+$0x70F0]  }
0x283: {  	[tilespmem:s14+$0x6FC0] =	vst v38;
	v33 =	vmul.f32 v33, v19;
	v36 =	vld [tilespmem:s14+$0x7100]  }
0x284: {  	[tilespmem:s14+$0x6FD0] =	vst v23;
	v23 =	vmul.f32 v40, v19;
	v38 =	vld [tilespmem:s14+$0x7110]  }
0x285: {  	[tilespmem:s14+$0x6FE0] =	vst v29;
	v19 =	vmul.f32 v39, v19;
	v29 =	vld [tilespmem:s14+$0x7120]  }
0x286: {  	[tilespmem:s14+$0x6FF0] =	vst v31;
	v30 =	vmul.f32 v30, v18;
	v31 =	vld [tilespmem:s14+$0x7130]  }
0x287: {  	[tilespmem:s14+$0x7000] =	vst v26;
	v26 =	vmul.f32 v34, v18;
	v34 =	vld [tilespmem:s14+$0x7140]  }
0x288: {  	[tilespmem:s14+$0x7010] =	vst v22;
	v22 =	vmul.f32 v36, v18;
	v36 =	vld [tilespmem:s14+$0x7150]  }
0x289: {  	[tilespmem:s14+$0x7020] =	vst v28;
	v18 =	vmul.f32 v38, v18;
	v28 =	vld [tilespmem:s14+$0x7160]  }
0x28a: {  	[tilespmem:s14+$0x7030] =	vst v37;
	v29 =	vmul.f32 v29, v17;
	v37 =	vld [tilespmem:s14+$0x7170]  }
0x28b: {  	[tilespmem:s14+$0x7040] =	vst v25;
	v25 =	vmul.f32 v31, v17;
	v31 =	vld [tilespmem:s14+$0x7180]  }
0x28c: {  	[tilespmem:s14+$0x7050] =	vst v21;
	v21 =	vmul.f32 v34, v17;
	v34 =	vld [tilespmem:s14+$0x7190]  }
0x28d: {  	[tilespmem:s14+$0x7060] =	vst v27;
	v17 =	vmul.f32 v36, v17;
	v27 =	vld [tilespmem:s14+$0x71A0]  }
0x28e: {  	[tilespmem:s14+$0x7070] =	vst v35;
	v28 =	vmul.f32 v13, v28;
	v35 =	vld [tilespmem:s14+$0x71B0]  }
0x28f: {  	[tilespmem:s14+$0x7080] =	vst v24;
	v24 =	vmul.f32 v37, v13;
	v36 =	vld [tilespmem:s14+$0x71C0]  }
0x290: {  	[tilespmem:s14+$0x7090] =	vst v20;
	v20 =	vmul.f32 v31, v13;
	v31 =	vld [tilespmem:s14+$0x71D0]  }
0x291: {  	[tilespmem:s14+$0x70A0] =	vst v32;
	v13 =	vmul.f32 v34, v13;
	v32 =	vld [tilespmem:s14+$0x71E0]  }
0x292: {  	[tilespmem:s14+$0x70B0] =	vst v33;
	v27 =	vmul.f32 v27, v16;
	v33 =	vld [tilespmem:s14+$0x71F0]  }
0x293: {  	[tilespmem:s14+$0x70C0] =	vst v23;
	v23 =	vmul.f32 v35, v16;
	v34 =	vld [tilespmem:s14+$0x7200]  }
0x294: {  	[tilespmem:s14+$0x70D0] =	vst v19;
	v19 =	vmul.f32 v36, v16;
	v35 =	vld [tilespmem:s14+$0x7210]  }
0x295: {  	[tilespmem:s14+$0x70E0] =	vst v30;
	v16 =	vmul.f32 v31, v16;
	v30 =	vld [tilespmem:s14+$0x7220]  }
0x296: {  	[tilespmem:s14+$0x70F0] =	vst v26;
	v26 =	vmul.f32 v32, v15;
	v31 =	vld [tilespmem:s14+$0x7230]  }
0x297: {  	[tilespmem:s14+$0x7100] =	vst v22;
	v22 =	vmul.f32 v33, v15;
	v32 =	vld [tilespmem:s14+$0x7240]  }
0x298: {  	[tilespmem:s14+$0x7110] =	vst v18;
	v18 =	vmul.f32 v34, v15;
	v33 =	vld [tilespmem:s14+$0x7250]  }
0x299: {  	[tilespmem:s14+$0x7120] =	vst v29;
	v15 =	vmul.f32 v35, v15;
	v29 =	vld [tilespmem:s14+$0x7260]  }
0x29a: {  	[tilespmem:s14+$0x7130] =	vst v25;
	v25 =	vmul.f32 v30, v14;
	v30 =	vld [tilespmem:s14+$0x7270]  }
0x29b: {  	[tilespmem:s14+$0x7140] =	vst v21;
	v21 =	vmul.f32 v31, v14;
	v31 =	vld [tilespmem:s14+$0x7280]  }
0x29c: {  	[tilespmem:s14+$0x7150] =	vst v17;
	v17 =	vmul.f32 v32, v14;
	v32 =	vld [tilespmem:s14+$0x7290]  }
0x29d: {  	[tilespmem:s14+$0x7160] =	vst v28;
	v14 =	vmul.f32 v33, v14;
	v28 =	vld [tilespmem:s14+$0x72A0]  }
0x29e: {  	[tilespmem:s14+$0x7170] =	vst v24;
	v24 =	vmul.f32 v29, v12;
	v29 =	vld [tilespmem:s14+$0x72B0]  }
0x29f: {  	[tilespmem:s14+$0x7180] =	vst v20;
	v20 =	vmul.f32 v30, v12;
	v30 =	vld [tilespmem:s14+$0x72C0]  }
0x2a0: {  	[tilespmem:s14+$0x7190] =	vst v13;
	v13 =	vmul.f32 v31, v12;
	v31 =	vld [tilespmem:s14+$0x72D0]  }
0x2a1: {  	[tilespmem:s14+$0x71A0] =	vst v27;
	v12 =	vmul.f32 v32, v12;
	v27 =	vld [tilespmem:s14+$0x72E0]  }
0x2a2: {  	[tilespmem:s14+$0x71B0] =	vst v23;
	v23 =	vmul.f32 v28, v11;
	v28 =	vld [tilespmem:s14+$0x72F0]  }
0x2a3: {  	[tilespmem:s14+$0x71C0] =	vst v19;
	v19 =	vmul.f32 v29, v11;
	v29 =	vld [tilespmem:s14+$0x7300]  }
0x2a4: {  	[tilespmem:s14+$0x71D0] =	vst v16;
	v16 =	vmul.f32 v30, v11;
	v30 =	vld [tilespmem:s14+$0x7310]  }
0x2a5: {  	[tilespmem:s14+$0x71E0] =	vst v26;
	v11 =	vmul.f32 v31, v11;
	v26 =	vld [tilespmem:s14+$0x7320]  }
0x2a6: {  	[tilespmem:s14+$0x71F0] =	vst v22;
	v22 =	vmul.f32 v27, v10;
	v27 =	vld [tilespmem:s14+$0x7330]  }
0x2a7: {  	[tilespmem:s14+$0x7200] =	vst v18;
	v18 =	vmul.f32 v28, v10;
	v28 =	vld [tilespmem:s14+$0x7340]  }
0x2a8: {  	[tilespmem:s14+$0x7210] =	vst v15;
	v15 =	vmul.f32 v29, v10;
	v29 =	vld [tilespmem:s14+$0x7350]  }
0x2a9: {  	[tilespmem:s14+$0x7220] =	vst v25;
	v10 =	vmul.f32 v30, v10;
	v25 =	vld [tilespmem:s14+$0x7360]  }
0x2aa: {  	[tilespmem:s14+$0x7230] =	vst v21;
	v21 =	vmul.f32 v26, v9;
	v26 =	vld [tilespmem:s14+$0x7370]  }
0x2ab: {  	[tilespmem:s14+$0x7240] =	vst v17;
	v27 =	vmul.f32 v27, v9;
	v17 =	vld [tilespmem:s14+$0x7380]  }
0x2ac: {  	[tilespmem:s14+$0x7250] =	vst v14;
	v14 =	vmul.f32 v28, v9;
	v28 =	vld [tilespmem:s14+$0x7390]  }
0x2ad: {  	[tilespmem:s14+$0x7260] =	vst v24;
	v24 =	vmul.f32 v29, v9;
	v9 =	vld [tilespmem:s14+$0x73A0]  }
0x2ae: {  	[tilespmem:s14+$0x7270] =	vst v20;
	v20 =	vmul.f32 v25, v8;
	v25 =	vld [tilespmem:s14+$0x73B0]  }
0x2af: {  	[tilespmem:s14+$0x7280] =	vst v13;
	v26 =	vmul.f32 v26, v8;
	v13 =	vld [tilespmem:s14+$0x73C0]  }
0x2b0: {  	[tilespmem:s14+$0x7290] =	vst v12;
	v29 =	vmul.f32 v17, v8;
	v12 =	vld [tilespmem:s14+$0x73D0]  }
0x2b1: {  	[tilespmem:s14+$0x72A0] =	vst v23;
	v23 =	vmul.f32 v28, v8;
	v8 =	vld [tilespmem:s14+$0x73E0]  }
0x2b2: {  	[tilespmem:s14+$0x72B0] =	vst v19;
	v19 =	vmul.f32 v9, v7;
	v9 =	vld [tilespmem:s14+$0x73F0]  }
0x2b3: {  	[tilespmem:s14+$0x72C0] =	vst v16;
	v25 =	vmul.f32 v25, v7;
	v17 =	vld [tilespmem:s14+$0x7400]  }
0x2b4: {  	[tilespmem:s14+$0x72D0] =	vst v11;
	v28 =	vmul.f32 v13, v7;
	v11 =	vld [tilespmem:s14+$0x7410]  }
0x2b5: {  	[tilespmem:s14+$0x72E0] =	vst v22;
	v22 =	vmul.f32 v12, v7;
	v12 =	vld [tilespmem:s14+$0x7420]  }
0x2b6: {  	[tilespmem:s14+$0x72F0] =	vst v18;
	v30 =	vmul.f32 v8, v6;
	v13 =	vld [tilespmem:s14+$0x7430]  }
0x2b7: {  	[tilespmem:s14+$0x7300] =	vst v15;
	v16 =	vmul.f32 v9, v6;
	v15 =	vld [tilespmem:s14+$0x7440]  }
0x2b8: {  	[tilespmem:s14+$0x7310] =	vst v10;
	v17 =	vmul.f32 v17, v6;
	v10 =	vld [tilespmem:s14+$0x7450]  }
0x2b9: {  	[tilespmem:s14+$0x7320] =	vst v21;
	v7 =	vmul.f32 v11, v6;
	v6 =	vld [tilespmem:s14+$0x7460]  }
0x2ba: {  	[tilespmem:s14+$0x7330] =	vst v27;
	v8 =	vmul.f32 v12, v5;
	v11 =	vld [tilespmem:s14+$0x7470]  }
0x2bb: {  	[tilespmem:s14+$0x7340] =	vst v14;
	v9 =	vmul.f32 v13, v5;
	v14 =	vld [tilespmem:s14+$0x7480]  }
0x2bc: {  	[tilespmem:s14+$0x7350] =	vst v24;
	v13 =	vmul.f32 v15, v5;
	v18 =	vld [tilespmem:s14+$0x7490]  }
0x2bd: {  	[tilespmem:s14+$0x7360] =	vst v20;
	v15 =	vmul.f32 v10, v5;
	v5 =	vld [tilespmem:s14+$0x74A0]  }
0x2be: {  	[tilespmem:s14+$0x7370] =	vst v26;
	v12 =	vmul.f32 v6, v4;
	v20 =	vld [tilespmem:s14+$0x74B0]  }
0x2bf: {  	[tilespmem:s14+$0x7380] =	vst v29;
	v10 =	vmul.f32 v11, v4;
	v21 =	vld [tilespmem:s14+$0x74C0]  }
0x2c0: {  	[tilespmem:s14+$0x7390] =	vst v23;
	v14 =	vmul.f32 v14, v4;
	v23 =	vld [tilespmem:s14+$0x74D0]  }
.Ltmp2:
0x2c1: {  	[tilespmem:s14+$0x73A0] =	vst v19;
	v11 =	vmul.f32 v18, v4;
	v18 =	vld [tilespmem:s14+$0x74E0];
	(pc) =	sbr.rel @p3 .LBB2_7-.Ltmp2, $4  }
0x2c2: {  	[tilespmem:s14+$0x73B0] =	vst v25;
	v6 =	vmul.f32 v5, v3;
	v19 =	vld [tilespmem:s14+$0x74F0]  }
0x2c3: {  	[tilespmem:s14+$0x73C0] =	vst v28;
	v4 =	vmul.f32 v20, v3;
	v20 =	vld [tilespmem:s14+$0x7500]  }
0x2c4: {  	[tilespmem:s14+$0x73D0] =	vst v22;
	v5 =	vmul.f32 v21, v3;
	v21 =	vld [tilespmem:s14+$0x7510]  }
0x2c5: {  	s15 =	sadd.s32 $0x2, s15;
	[tilespmem:s14+$0x73E0] =	vst v30;
	v3 =	vmul.f32 v23, v3;
	v22 =	vld [tilespmem:s14+$0x7520]  }
0x2c6: {  	[tilespmem:s14+$0x73F0] =	vst v16  }
0x2c7: {  	[tilespmem:s14+$0x7400] =	vst v17  }
0x2c8: {  	[tilespmem:s14+$0x7410] =	vst v7  }
0x2c9: {  	[tilespmem:s14+$0x7420] =	vst v8  }
0x2ca: {  	[tilespmem:s14+$0x7430] =	vst v9  }
0x2cb: {  	[tilespmem:s14+$0x7440] =	vst v13  }
0x2cc: {  	[tilespmem:s14+$0x7450] =	vst v15  }
0x2cd: {  	[tilespmem:s14+$0x7460] =	vst v12  }
0x2ce: {  	[tilespmem:s14+$0x7470] =	vst v10  }
0x2cf: {  	[tilespmem:s14+$0x7480] =	vst v14  }
0x2d0: {  	[tilespmem:s14+$0x7490] =	vst v11  }
0x2d1: {  	[tilespmem:s14+$0x74A0] =	vst v6  }
0x2d2: {  	[tilespmem:s14+$0x74B0] =	vst v4  }
0x2d3: {  	v40 =	vld [tilespmem:s14+$0x7530];
	v42 =	vmul.f32 v18, v2;
	[tilespmem:s14+$0x74C0] =	vst v5  }
0x2d4: {  	v41 =	vld [tilespmem:s14+$0x7540];
	v43 =	vmul.f32 v19, v2;
	[tilespmem:s14+$0x74D0] =	vst v3  }
0x2d5: {  	v3 =	vmul.f32 v20, v2;
	[tilespmem:s14+$0x74E0] =	vst v42  }
0x2d6: {  	v2 =	vmul.f32 v21, v2;
	[tilespmem:s14+$0x74F0] =	vst v43  }
0x2d7: {  	v44 =	vmul.f32 v22, v1;
	[tilespmem:s14+$0x7500] =	vst v3  }
0x2d8: {  	v3 =	vmul.f32 v40, v1;
	[tilespmem:s14+$0x7510] =	vst v2  }
0x2d9: {  	v1 =	vmul.f32 v41, v1;
	[tilespmem:s14+$0x7520] =	vst v44  }
0x2da: {  	[tilespmem:s14+$0x7530] =	vst v3  }
0x2db: {  	[tilespmem:s14+$0x7540] =	vst v1  }
0x2dc: {  	v1 =	vld [tilespmem:$0x950];
	_ =	sdelay $0x1  }
0x2dd: {  	v2 =	vld [tilespmem:$0xCD60]  }
0x2de: {  	v3 =	vld [tilespmem:$0xCD70]  }
0x2df: {  	v4 =	vld [tilespmem:$0xCD80]  }
0x2e0: {  	v6 =	vld [tilespmem:$0xCD90];
	v45 =	vbroadcast v1, $0x0  }
0x2e1: {  	v7 =	vld [tilespmem:$0xCDA0]  }
0x2e2: {  	v8 =	vld [tilespmem:$0xCDB0];
	v2 =	vmul.f32 v45, v2  }
0x2e3: {  	v9 =	vld [tilespmem:$0xCDC0];
	v3 =	vmul.f32 v3, v45  }
0x2e4: {  	v10 =	vld [tilespmem:$0xCDD0];
	v46 =	vbroadcast v1, $0x1;
	[tilespmem:$0xCD60] =	vst v2;
	v2 =	vmul.f32 v4, v45  }
0x2e5: {  	v47 =	vld [tilespmem:$0xCDE0];
	[tilespmem:$0xCD70] =	vst v3;
	v3 =	vmul.f32 v6, v45  }
0x2e6: {  	v48 =	vld [tilespmem:$0xCDF0];
	[tilespmem:$0xCD80] =	vst v2;
	v2 =	vmul.f32 v7, v46  }
0x2e7: {  	v49 =	vld [tilespmem:$0xCE00];
	[tilespmem:$0xCD90] =	vst v3;
	v3 =	vmul.f32 v8, v46  }
0x2e8: {  	v51 =	vld [tilespmem:$0xCE10];
	v50 =	vbroadcast v1, $0x2;
	[tilespmem:$0xCDA0] =	vst v2;
	v2 =	vmul.f32 v9, v46  }
0x2e9: {  	v52 =	vld [tilespmem:$0xCE20];
	[tilespmem:$0xCDB0] =	vst v3;
	v3 =	vmul.f32 v10, v46  }
0x2ea: {  	v53 =	vld [tilespmem:$0xCE30];
	[tilespmem:$0xCDC0] =	vst v2;
	v2 =	vmul.f32 v47, v50  }
0x2eb: {  	v54 =	vld [tilespmem:$0xCE40];
	[tilespmem:$0xCDD0] =	vst v3;
	v3 =	vmul.f32 v48, v50  }
0x2ec: {  	v56 =	vld [tilespmem:$0xCE50];
	v55 =	vbroadcast v1, $0x3;
	[tilespmem:$0xCDE0] =	vst v2;
	v2 =	vmul.f32 v49, v50  }
0x2ed: {  	v57 =	vld [tilespmem:$0xCE60];
	[tilespmem:$0xCDF0] =	vst v3;
	v3 =	vmul.f32 v51, v50  }
0x2ee: {  	v58 =	vld [tilespmem:$0xCE70];
	[tilespmem:$0xCE00] =	vst v2;
	v2 =	vmul.f32 v52, v55  }
0x2ef: {  	v59 =	vld [tilespmem:$0xCE80];
	[tilespmem:$0xCE10] =	vst v3;
	v3 =	vmul.f32 v53, v55  }
0x2f0: {  	v61 =	vld [tilespmem:$0xCE90];
	v60 =	vbroadcast v1, $0x4;
	[tilespmem:$0xCE20] =	vst v2;
	v2 =	vmul.f32 v54, v55  }
0x2f1: {  	v62 =	vld [tilespmem:$0xCEA0];
	[tilespmem:$0xCE30] =	vst v3;
	v3 =	vmul.f32 v56, v55  }
0x2f2: {  	v63 =	vld [tilespmem:$0xCEB0];
	[tilespmem:$0xCE40] =	vst v2;
	v2 =	vmul.f32 v57, v60  }
0x2f3: {  	v12 =	vld [tilespmem:$0xCEC0];
	[tilespmem:$0xCE50] =	vst v3;
	v3 =	vmul.f32 v58, v60  }
0x2f4: {  	v14 =	vld [tilespmem:$0xCED0];
	v13 =	vbroadcast v1, $0x5;
	[tilespmem:$0xCE60] =	vst v2;
	v2 =	vmul.f32 v59, v60  }
0x2f5: {  	v15 =	vld [tilespmem:$0xCEE0];
	[tilespmem:$0xCE70] =	vst v3;
	v3 =	vmul.f32 v61, v60  }
0x2f6: {  	v16 =	vld [tilespmem:$0xCEF0];
	[tilespmem:$0xCE80] =	vst v2;
	v2 =	vmul.f32 v62, v13  }
0x2f7: {  	v17 =	vld [tilespmem:$0xCF00];
	[tilespmem:$0xCE90] =	vst v3;
	v3 =	vmul.f32 v63, v13  }
0x2f8: {  	v19 =	vld [tilespmem:$0xCF10];
	v18 =	vbroadcast v1, $0x6;
	[tilespmem:$0xCEA0] =	vst v2;
	v2 =	vmul.f32 v12, v13  }
0x2f9: {  	v20 =	vld [tilespmem:$0xCF20];
	[tilespmem:$0xCEB0] =	vst v3;
	v3 =	vmul.f32 v14, v13  }
0x2fa: {  	v21 =	vld [tilespmem:$0xCF30];
	[tilespmem:$0xCEC0] =	vst v2;
	v2 =	vmul.f32 v15, v18  }
0x2fb: {  	v22 =	vld [tilespmem:$0xCF40];
	[tilespmem:$0xCED0] =	vst v3;
	v3 =	vmul.f32 v16, v18  }
0x2fc: {  	v24 =	vld [tilespmem:$0xCF50];
	v23 =	vbroadcast v1, $0x7;
	[tilespmem:$0xCEE0] =	vst v2;
	v2 =	vmul.f32 v17, v18  }
0x2fd: {  	v25 =	vld [tilespmem:$0xCF60];
	[tilespmem:$0xCEF0] =	vst v3;
	v3 =	vmul.f32 v19, v18  }
0x2fe: {  	v26 =	vld [tilespmem:$0xCF70];
	[tilespmem:$0xCF00] =	vst v2;
	v2 =	vmul.f32 v20, v23  }
0x2ff: {  	v27 =	vld [tilespmem:$0xCF80];
	[tilespmem:$0xCF10] =	vst v3;
	v3 =	vmul.f32 v21, v23  }
0x300: {  	v29 =	vld [tilespmem:$0xCF90];
	v28 =	vbroadcast v1, $0x8;
	[tilespmem:$0xCF20] =	vst v2;
	v2 =	vmul.f32 v22, v23  }
0x301: {  	v30 =	vld [tilespmem:$0xCFA0];
	[tilespmem:$0xCF30] =	vst v3;
	v3 =	vmul.f32 v24, v23  }
0x302: {  	v31 =	vld [tilespmem:$0xCFB0];
	[tilespmem:$0xCF40] =	vst v2;
	v2 =	vmul.f32 v25, v28  }
0x303: {  	v32 =	vld [tilespmem:$0xCFC0];
	[tilespmem:$0xCF50] =	vst v3;
	v3 =	vmul.f32 v26, v28  }
0x304: {  	v34 =	vld [tilespmem:$0xCFD0];
	v33 =	vbroadcast v1, $0x9;
	[tilespmem:$0xCF60] =	vst v2;
	v2 =	vmul.f32 v27, v28  }
0x305: {  	v35 =	vld [tilespmem:$0xCFE0];
	[tilespmem:$0xCF70] =	vst v3;
	v3 =	vmul.f32 v29, v28  }
0x306: {  	v36 =	vld [tilespmem:$0xCFF0];
	[tilespmem:$0xCF80] =	vst v2;
	v2 =	vmul.f32 v30, v33  }
0x307: {  	v37 =	vld [tilespmem:$0xD000];
	[tilespmem:$0xCF90] =	vst v3;
	v3 =	vmul.f32 v31, v33  }
0x308: {  	v39 =	vld [tilespmem:$0xD010];
	v38 =	vbroadcast v1, $0xA;
	[tilespmem:$0xCFA0] =	vst v2;
	v2 =	vmul.f32 v32, v33  }
0x309: {  	v40 =	vld [tilespmem:$0xD020];
	[tilespmem:$0xCFB0] =	vst v3;
	v3 =	vmul.f32 v34, v33  }
0x30a: {  	v41 =	vld [tilespmem:$0xD030];
	[tilespmem:$0xCFC0] =	vst v2;
	v2 =	vmul.f32 v35, v38  }
0x30b: {  	v42 =	vld [tilespmem:$0xD040];
	[tilespmem:$0xCFD0] =	vst v3;
	v3 =	vmul.f32 v36, v38  }
0x30c: {  	v44 =	vld [tilespmem:$0xD050];
	v43 =	vbroadcast v1, $0xB;
	[tilespmem:$0xCFE0] =	vst v2;
	v2 =	vmul.f32 v37, v38  }
0x30d: {  	v45 =	vld [tilespmem:$0xD060];
	[tilespmem:$0xCFF0] =	vst v3;
	v3 =	vmul.f32 v39, v38  }
0x30e: {  	v46 =	vld [tilespmem:$0xD070];
	[tilespmem:$0xD000] =	vst v2;
	v2 =	vmul.f32 v40, v43  }
0x30f: {  	v47 =	vld [tilespmem:$0xD080];
	[tilespmem:$0xD010] =	vst v3;
	v3 =	vmul.f32 v41, v43  }
0x310: {  	v48 =	vbroadcast v1, $0xC;
	v49 =	vld [tilespmem:$0xD090];
	[tilespmem:$0xD020] =	vst v2;
	v2 =	vmul.f32 v42, v43  }
0x311: {  	v50 =	vld [tilespmem:$0xD0A0];
	[tilespmem:$0xD030] =	vst v3;
	v3 =	vmul.f32 v44, v43  }
0x312: {  	v51 =	vld [tilespmem:$0xD0B0];
	[tilespmem:$0xD040] =	vst v2;
	v2 =	vmul.f32 v45, v48  }
0x313: {  	v52 =	vld [tilespmem:$0xD0C0];
	[tilespmem:$0xD050] =	vst v3;
	v3 =	vmul.f32 v46, v48  }
0x314: {  	v53 =	vbroadcast v1, $0xD;
	v54 =	vld [tilespmem:$0xD0D0];
	[tilespmem:$0xD060] =	vst v2;
	v2 =	vmul.f32 v47, v48  }
0x315: {  	v55 =	vld [tilespmem:$0xD0E0];
	[tilespmem:$0xD070] =	vst v3;
	v3 =	vmul.f32 v49, v48  }
0x316: {  	v56 =	vld [tilespmem:$0xD0F0];
	[tilespmem:$0xD080] =	vst v2;
	v2 =	vmul.f32 v50, v53  }
0x317: {  	v57 =	vld [tilespmem:$0xD100];
	[tilespmem:$0xD090] =	vst v3;
	v3 =	vmul.f32 v51, v53  }
0x318: {  	v58 =	vbroadcast v1, $0xE;
	v59 =	vld [tilespmem:$0xD110];
	[tilespmem:$0xD0A0] =	vst v2;
	v2 =	vmul.f32 v52, v53  }
0x319: {  	v60 =	vld [tilespmem:$0xD120];
	[tilespmem:$0xD0B0] =	vst v3;
	v3 =	vmul.f32 v54, v53  }
0x31a: {  	v61 =	vld [tilespmem:$0xD130];
	[tilespmem:$0xD0C0] =	vst v2;
	v2 =	vmul.f32 v55, v58  }
0x31b: {  	v62 =	vld [tilespmem:$0xD140];
	[tilespmem:$0xD0D0] =	vst v3;
	v3 =	vmul.f32 v56, v58  }
0x31c: {  	v1 =	vbroadcast v1, $0xF;
	v63 =	vld [tilespmem:$0xD150];
	[tilespmem:$0xD0E0] =	vst v2;
	v2 =	vmul.f32 v57, v58  }
0x31d: {  	[tilespmem:$0xD0F0] =	vst v3;
	v3 =	vmul.f32 v59, v58  }
0x31e: {  	[tilespmem:$0xD100] =	vst v2;
	v2 =	vmul.f32 v60, v1  }
0x31f: {  	[tilespmem:$0xD110] =	vst v3;
	v3 =	vmul.f32 v61, v1  }
0x320: {  	s13 =	sadd.s32 $0x1, s13;
	[tilespmem:$0xD120] =	vst v2;
	v2 =	vmul.f32 v62, v1  }
0x321: {  	p3 =	sne.s32 s13, $0x19;
	[tilespmem:$0xD130] =	vst v3;
	v1 =	vmul.f32 v63, v1  }
.Ltmp3:
0x322: {  	[tilespmem:$0xD140] =	vst v2;
	(pc) =	sbr.rel @p3 .LBB2_4-.Ltmp3, $4  }
0x323: {  	[tilespmem:$0xD150] =	vst v1  }
0x324: {  	[spmem:s2] =	stream.indirect.scatter.add.f32 [tilespmem:s31], [sflag:$0x4], $0x40, s0, s26, $0xb8;
	[tilespmem:$0x1ADB0] =	vst v63  }
0x325: {  	s15 =	simm.s32 @!p1 $0x640;
	s16 =	simm.s32 @!p1 $0xD160;
	s14 =	simm.s32 @!p1 $0x190  }
0x326: {  	[spmem:s3] =	stream.indirect.scatter.add.f32 @!p1 [tilespmem:s16], [sflag:$0x6], $0x10, s15, s14, $0xb8;
	[tilespmem:$0x1ADB0] =	vst v63  }
0x327: {  	_ =	swait.ge [sflag:s1], $0x6400  }
0x328: {  	[sflag:s1] =	ssyncset.done $0x0  }
0x329: {  	[sflag:s1] =	ssyncadd.s32 $0xFFFF9C00  }
0x32a: {  	s12 =	sshrl.u32 @p1 s7, $0x3;
	[bflag:$0x0] =	sbarrier.arrive @p1 $0xFFFF  }
0x32b: {  	[hbm:s19], [sflag:s9] =	dma.local @p1 [spmem:s12], $0x1380  }
0x32c: {  	s12 =	simm.s32 @p1 $0x7  }
0x32d: {  	_ =	swait.ge @p1 [sflag:s12], $0x1380  }
0x32e: {  	[sflag:s12] =	ssyncset.done @p1 $0x0  }
0x32f: {  	[sflag:s12] =	ssyncadd.s32 @p1 $0xFFFFEC80;
	s12 =	simm.s32 @!p1 $0x6  }
0x330: {  	_ =	swait.ge @!p1 [sflag:s12], $0x1900  }
0x331: {  	[sflag:s12] =	ssyncset.done @!p1 $0x0  }
0x332: {  	[sflag:s12] =	ssyncadd.s32 @!p1 $0xFFFFE700  }
0x333: {  	s12 =	sshrl.u32 @!p1 s7, $0x3;
	[bflag:$0x0] =	sbarrier.arrive @!p1 $0xFFFF  }
0x334: {  	[hbm:s19], [sflag:s9] =	dma.local @!p1 [spmem:s12], $0x1380  }
0x335: {  	s12 =	simm.s32 @!p1 $0x7  }
0x336: {  	_ =	swait.ge @!p1 [sflag:s12], $0x1380  }
0x337: {  	[sflag:s12] =	ssyncset.done @!p1 $0x0  }
0x338: {  	s13 =	rddreg [dreg:$0xd];
	[sflag:s12] =	ssyncadd.s32 @!p1 $0xFFFFEC80  }
0x339: {  	[hbm:s13], [sflag:s9] =	dma.local @!p1 [spmem:s8], $0x4E0  }
0x33a: {  	_ =	swait.ge @!p1 [sflag:s12], $0x4E0  }
0x33b: {  	[sflag:s12] =	ssyncset.done @!p1 $0x0  }
0x33c: {  	s8 =	rddreg [dreg:$0xe];
	[sflag:s12] =	ssyncadd.s32 @!p1 $0xFFFFFB20  }
0x33d: {  	[hbm:s8], [sflag:s9] =	dma.local @!p0 [spmem:s10], $0x80  }
0x33e: {  	s8 =	simm.s32 @!p0 $0x7  }
0x33f: {  	s4 =	sadd.s32 $0x1, s4;
	_ =	swait.ge @!p0 [sflag:s8], $0x80  }
0x340: {  	p3 =	sne.s32 s4, s23;
	[sflag:s8] =	ssyncset.done @!p0 $0x0  }
.Ltmp4:
0x341: {  	[sflag:s8] =	ssyncadd.s32 @!p0 $0xFFFFFF80;
	s8 =	simm.s32 @!p2 $0x7;
	(pc) =	sbr.rel @p3 .LBB2_1-.Ltmp4, $4  }
0x342: {  	[hbm:s22], [sflag:s9] =	dma.local @!p2 [spmem:s11], $0x20  }
0x343: {  	_ =	swait.ge @!p2 [sflag:s8], $0x20  }
0x344: {  	[sflag:s8] =	ssyncset.done @!p2 $0x0  }
0x345: {  	[sflag:s8] =	ssyncadd.s32 @!p2 $0xFFFFFFE0  }
0x346: {  	_ =	sfence.sel $0x180000  }
0x347: {  	[bflag:$0x0] =	sbarrier.arrive $0xFFFF  }
0x348: {  	_ =	strace $0x90000047  }
0x349: {  	s0 =	stileid.u32;
	[bflag:$0x2] =	sbarrier.arrive $0xFFFF  }
0x34a: {  	p0 =	sne.s32 s0, $0x0;
	s0 =	rddreg [dreg:$0x4]  }
0x34b: {  	s0 =	sadd.s32 @!p0 $0x100000, s0  }
0x34c: {  	[sflag:s0] =	ssyncadd.tile.s32 @!p0 $0x1;
	_ =	shalt  }
.Lfunc_end2:
_tile_overlayer_lowered:
.L_overlay_start_2:
0x34d: {  	(tag) =	ssettag $0x2  }
0x34e: {  	s0 =	rddreg [dreg:$0x0];
	s2 =	stileid.u32  }
0x34f: {  	s1 =	rddreg [dreg:$0x1];
	p0 =	sne.s32 s2, $0x0  }
0x350: {  	s3 =	rddreg [dreg:$0x2];
	[bflag:$0x3] =	sbarrier.arrive $0xFFFF;
	s2 =	simm.s32 @!p0 $0x1C07  }
0x351: {  	[timem:s3], [sflag:s2] =	dma.local @!p0 [hbm:s0], s1  }
0x352: {  	s0 =	simm.s32 @!p0 $0x7  }
0x353: {  	_ =	swait.ge @!p0 [sflag:s0], s1  }
0x354: {  	s1 =	ssub.s32 @!p0 $0x0, s1;
	[sflag:s0] =	ssyncset.done @!p0 $0x0  }
0x355: {  	[sflag:s0] =	ssyncadd.s32 @!p0 s1  }
0x356: {  	[bflag:$0x3] =	sbarrier.arrive $0xFFFF  }
0x357: {  	_ =	shalt  }

</sc_bundles>
